<compile_context>
chip_gen: v7x
topology: tpu7x:2x2x1
jax: 0.10.2.dev20260603
libtpu: 0.0.44.dev20260713+nightly
codegen_flags: <defaults>
</compile_context>

<pallas_src>
import jax
import jax.numpy as jnp
from jax import lax
from jax.experimental import pallas as pl
from jax.experimental.pallas import tpu as pltpu
from jax.experimental.pallas import tpu_sc as plsc

_MOM = 0.9
_B = 16384
_D = 128
_N = 200000
_C = 100
_NC = 2
_NS = 16
_NW = _NC * _NS
_BW = _B // _NW
_SEG = _B // _NS
_HALF_N = _N // _NC
_SHARE = 6248
_UPAD = _B + _NC * 8

_GDN = lax.GatherDimensionNumbers(
    offset_dims=(), collapsed_slice_dims=(0,), start_index_map=(0,))


def _shuf(v, perm):
    return lax.gather(v, perm[:, None], _GDN, (1,),
                      mode=lax.GatherScatterMode.PROMISE_IN_BOUNDS)


_LANE = lambda: lax.broadcasted_iota(jnp.int32, (16,), 0)


def _hsum16(v):
    lane = _LANE()
    for k in (8, 4, 2, 1):
        v = v + _shuf(v, lax.bitwise_xor(lane, k))
    return v


def _rsqrt(s):
    i = lax.bitcast_convert_type(s, jnp.int32)
    i = jnp.int32(0x5F3759DF) - lax.shift_right_arithmetic(i, 1)
    y = lax.bitcast_convert_type(i, jnp.float32)
    for _ in range(3):
        y = y * (1.5 - 0.5 * s * y * y)
    return y


def _k1_body(batch_hbm, idx_hbm, pos_hbm, lat_hbm,
             upd_hbm, winpos_hbm,
             idxv, rowsv, bv, rowsv1, bv1, idxfull, posv, segi, segw,
             winner_sp, sem, sem1):
    c = lax.axis_index("c")
    s = lax.axis_index("s")
    w = c * _NS + s
    base = w * _BW

    @pl.when(s == 0)
    def _():
        pltpu.sync_copy(idx_hbm, idxfull)
        pltpu.sync_copy(pos_hbm, posv)
        pltpu.sync_copy(posv, winner_sp.at[idxfull])

    @pl.when(s == 1)
    def _():
        pltpu.async_copy(lat_hbm.at[pl.ds(c * _HALF_N, 8)],
                         rowsv.at[pl.ds(0, 8)], sem).wait()
        pltpu.sync_copy(rowsv.at[pl.ds(0, 8)],
                        upd_hbm.at[pl.ds(_B + c * 8, 8)])

    pltpu.sync_copy(idx_hbm.at[pl.ds(base, _BW)], idxv)
    _Q = _BW // 4

    def fire(q, rv, bb, sm):
        pltpu.async_copy(lat_hbm.at[idxv.at[pl.ds(q * _Q, _Q)]], rv, sm)
        pltpu.async_copy(batch_hbm.at[pl.ds(base + q * _Q, _Q)], bb, sm)

    fire(0, rowsv, bv, sem)
    for q in range(4):
        rv, bb, sm = (rowsv, bv, sem) if q % 2 == 0 else (rowsv1, bv1, sem1)
        nrv, nbb, nsm = (rowsv1, bv1, sem1) if q % 2 == 0 else (rowsv, bv, sem)
        pltpu.make_async_copy(lat_hbm.at[idxv.at[pl.ds(q * _Q, _Q)]],
                              rv, sm).wait()
        pltpu.make_async_copy(batch_hbm.at[pl.ds(base + q * _Q, _Q)],
                              bb, sm).wait()
        if q + 1 < 4:
            fire(q + 1, nrv, nbb, nsm)

        def row(r, _):
            ss = jnp.zeros((16,), jnp.float32)
            us = []
            for k in range(8):
                m = rv[r, pl.ds(k * 16, 16)]
                b = bb[r, pl.ds(k * 16, 16)]
                u = m * (1.0 - _MOM) + b * _MOM
                us.append(u)
                ss = ss + u * u
            scale = _rsqrt(_hsum16(ss))
            for k in range(8):
                rv[r, pl.ds(k * 16, 16)] = us[k] * scale
            return 0

        lax.fori_loop(0, _Q, row, 0)
        pltpu.sync_copy(rv, upd_hbm.at[pl.ds(base + q * _Q, _Q)])

    plsc.subcore_barrier()
    p0 = w * _BW
    pltpu.sync_copy(idx_hbm.at[pl.ds(p0, _BW)], segi)
    pltpu.async_copy(winner_sp.at[segi], segw, sem).wait()
    pltpu.sync_copy(segw, winpos_hbm.at[pl.ds(p0, _BW)])


def _k2_body(lat_hbm, upd_hbm, idx_hbm, winpos_hbm, fb_hbm,
             out_hbm,
             segi, segw, cidx, cwpos, fbv, rows0, rows1, cbuf0, cbuf1,
             sem0, sem1, wsem0, wsem1):
    c = lax.axis_index("c")
    s = lax.axis_index("s")
    lo = c * _HALF_N

    r0 = lo + s * _SHARE
    _CH = 256
    ncp = _SHARE // _CH
    tail = _SHARE - ncp * _CH

    pltpu.async_copy(lat_hbm.at[pl.ds(r0, _CH)], cbuf0, sem0)
    for j in range(ncp):
        buf, sem, wsem = (cbuf0, sem0, wsem0) if j % 2 == 0 else \
                         (cbuf1, sem1, wsem1)
        nbuf, nsem, nwsem = (cbuf1, sem1, wsem1) if j % 2 == 0 else \
                            (cbuf0, sem0, wsem0)
        pltpu.make_async_copy(lat_hbm.at[pl.ds(r0 + j * _CH, _CH)],
                              buf, sem).wait()
        if j + 1 < ncp:
            if j >= 1:
                pltpu.make_async_copy(
                    nbuf, out_hbm.at[pl.ds(r0 + (j - 1) * _CH, _CH)],
                    nwsem).wait()
            pltpu.async_copy(lat_hbm.at[pl.ds(r0 + (j + 1) * _CH, _CH)],
                             nbuf, nsem)
        pltpu.async_copy(buf, out_hbm.at[pl.ds(r0 + j * _CH, _CH)], wsem)
    for j in (ncp - 2, ncp - 1):
        buf, wsem = (cbuf0, wsem0) if j % 2 == 0 else (cbuf1, wsem1)
        pltpu.make_async_copy(buf, out_hbm.at[pl.ds(r0 + j * _CH, _CH)],
                              wsem).wait()

    t0 = r0 + ncp * _CH
    pltpu.async_copy(lat_hbm.at[pl.ds(t0, tail)],
                     cbuf0.at[pl.ds(0, tail)], sem0).wait()
    pltpu.sync_copy(cbuf0.at[pl.ds(0, tail)], out_hbm.at[pl.ds(t0, tail)])

    @pl.when(s == _NS - 1)
    def _():
        r1 = lo + _NS * _SHARE
        rem = _HALF_N - _NS * _SHARE
        pltpu.async_copy(lat_hbm.at[pl.ds(r1, rem)],
                         cbuf1.at[pl.ds(0, rem)], sem1).wait()
        pltpu.sync_copy(cbuf1.at[pl.ds(0, rem)], out_hbm.at[pl.ds(r1, rem)])

    plsc.subcore_barrier()

    p0 = s * _SEG
    pltpu.sync_copy(idx_hbm.at[pl.ds(p0, _SEG)], segi)
    pltpu.sync_copy(winpos_hbm.at[pl.ds(p0, _SEG)], segw)
    pltpu.sync_copy(fb_hbm.at[c], fbv)
    zeros = jnp.zeros((16,), jnp.int32)
    jf = _shuf(fbv[pl.ds(0, 16)], zeros)
    wf = _shuf(fbv[pl.ds(0, 16)], zeros + 1)

    lane = _LANE()

    def fill(t, _):
        iv = segi[pl.ds(t * 16, 16)]
        wv = segw[pl.ds(t * 16, 16)]
        owned = jnp.logical_and(iv >= lo, iv < lo + _HALF_N)
        mn = jnp.where(owned, lane, 64)
        for k in (8, 4, 2, 1):
            mn = jnp.minimum(mn, _shuf(mn, lax.bitwise_xor(lane, k)))
        has = mn < 16
        perm = jnp.where(has, mn, 0)
        iv2 = jnp.where(has, _shuf(iv, perm), jf)
        wv2 = jnp.where(has, _shuf(wv, perm), wf)
        cidx[t // 8, pl.ds((t % 8) * 16, 16)] = jnp.where(owned, iv, iv2)
        cwpos[t // 8, pl.ds((t % 8) * 16, 16)] = jnp.where(owned, wv, wv2)
        return 0

    lax.fori_loop(0, _SEG // 16, fill, 0)

    nch = _SEG // 128
    pltpu.async_copy(upd_hbm.at[cwpos.at[0]], rows0, sem0)
    for j in range(nch):
        buf, sem = (rows0, sem0) if j % 2 == 0 else (rows1, sem1)
        nbuf, nsem = (rows1, sem1) if j % 2 == 0 else (rows0, sem0)
        pltpu.make_async_copy(upd_hbm.at[cwpos.at[j]], buf, sem).wait()
        if j + 1 < nch:
            pltpu.async_copy(upd_hbm.at[cwpos.at[j + 1]], nbuf, nsem)
        pltpu.sync_copy(buf, out_hbm.at[cidx.at[j]])


def _sc_call(inputs, body, out_type, scratch):
    mesh = plsc.VectorSubcoreMesh(core_axis_name="c", subcore_axis_name="s",
                                  num_cores=_NC, num_subcores=_NS)
    return pl.kernel(body, out_type=out_type, mesh=mesh,
                     scratch_types=scratch)(*inputs)


def _k3_body(t_ref, u_ref, cs_ref, out_ref):
    i = pl.program_id(0)
    t = t_ref[0, 0, :]
    oh = jnp.where(
        lax.broadcasted_iota(jnp.int32, (_C, t.shape[0]), 0) == t[None, :],
        1.0, 0.0)
    acc = jnp.dot(oh, u_ref[...], preferred_element_type=jnp.float32,
                  precision=lax.Precision.HIGHEST)

    @pl.when(i == 0)
    def _():
        out_ref[...] = cs_ref[...] + acc

    @pl.when(i > 0)
    def _():
        out_ref[...] = out_ref[...] + acc


def kernel(batch_samples, targets, idx, lat_memory, class_sums):
    pos = jnp.arange(_B, dtype=jnp.int32)

    fb_rows = []
    for h in range(_NC):
        in_half = jnp.logical_and(idx >= h * _HALF_N, idx < (h + 1) * _HALF_N)
        any_h = jnp.any(in_half)
        p = jnp.argmax(in_half).astype(jnp.int32)
        jf = jnp.where(any_h, idx[p], h * _HALF_N)
        fb_rows.append([jf, jnp.where(any_h, -1, _B + h * 8), p])
    fb = jnp.zeros((_NC, 16), jnp.int32)
    fb = fb.at[0, 0].set(fb_rows[0][0]).at[1, 0].set(fb_rows[1][0])

    upd, winpos = _sc_call(
        (batch_samples, idx, pos, lat_memory),
        _k1_body,
        [jax.ShapeDtypeStruct((_UPAD, _D), jnp.float32),
         jax.ShapeDtypeStruct((_B,), jnp.int32)],
        [
            pltpu.VMEM((_BW,), jnp.int32),
            pltpu.VMEM((_BW // 4, _D), jnp.float32),
            pltpu.VMEM((_BW // 4, _D), jnp.float32),
            pltpu.VMEM((_BW // 4, _D), jnp.float32),
            pltpu.VMEM((_BW // 4, _D), jnp.float32),
            pltpu.VMEM((_B,), jnp.int32),
            pltpu.VMEM((_B,), jnp.int32),
            pltpu.VMEM((_BW,), jnp.int32),
            pltpu.VMEM((_BW,), jnp.int32),
            pltpu.VMEM_SHARED((_N,), jnp.int32),
            pltpu.SemaphoreType.DMA,
            pltpu.SemaphoreType.DMA,
        ])

    wsel = jnp.stack([
        jnp.where(fb_rows[0][1] < 0, winpos[fb_rows[0][2]], fb_rows[0][1]),
        jnp.where(fb_rows[1][1] < 0, winpos[fb_rows[1][2]], fb_rows[1][1]),
    ]).astype(jnp.int32)
    fb = fb.at[0, 1].set(wsel[0]).at[1, 1].set(wsel[1])

    new_lat = _sc_call(
        (lat_memory, upd, idx, winpos, fb),
        _k2_body,
        jax.ShapeDtypeStruct((_N, _D), jnp.float32),
        [
            pltpu.VMEM((_SEG,), jnp.int32),
            pltpu.VMEM((_SEG,), jnp.int32),
            pltpu.VMEM((_SEG // 128, 128), jnp.int32),
            pltpu.VMEM((_SEG // 128, 128), jnp.int32),
            pltpu.VMEM((16,), jnp.int32),
            pltpu.VMEM((128, _D), jnp.float32),
            pltpu.VMEM((128, _D), jnp.float32),
            pltpu.VMEM((256, _D), jnp.float32),
            pltpu.VMEM((256, _D), jnp.float32),
            pltpu.SemaphoreType.DMA,
            pltpu.SemaphoreType.DMA,
            pltpu.SemaphoreType.DMA,
            pltpu.SemaphoreType.DMA,
        ])

    tchunk = 2048
    new_cs = pl.pallas_call(
        _k3_body,
        grid=(_B // tchunk,),
        in_specs=[
            pl.BlockSpec((1, 1, tchunk), lambda i: (i, 0, 0)),
            pl.BlockSpec((tchunk, _D), lambda i: (i, 0)),
            pl.BlockSpec((_C, _D), lambda i: (0, 0)),
        ],
        out_specs=pl.BlockSpec((_C, _D), lambda i: (0, 0)),
        out_shape=jax.ShapeDtypeStruct((_C, _D), jnp.float32),
    )(targets.reshape(_B // tchunk, 1, tchunk), upd, class_sums)

    return new_lat, new_cs

# --- scband reference (transcript-rebuilt; emitter-appended) ---
"""Pipeline reference for scband-latent-memory-54958401519767 (READ-ONLY COPY).

The authoritative reference and input builder live on the scoring server;
editing this copy changes nothing except your own understanding.
"""

import jax, jax.numpy as jnp
import numpy as np
import math

N_DATA = 200000
FEAT_DIM = 128
NUM_CLASS = 100
BATCH = 16384
MOMENTUM = 0.9


def setup_inputs(seed: int = 0) -> dict:
    key = jax.random.key(seed)
    k1, k2, k3, k4 = jax.random.split(key, 4)
    stdv = 1.0 / math.sqrt(FEAT_DIM / 3)
    batch_samples = jax.random.normal(k1, (BATCH, FEAT_DIM), dtype=jnp.float32)
    targets = jax.random.randint(k2, (BATCH,), 0, NUM_CLASS, dtype=jnp.int32)
    idx = jax.random.randint(k3, (BATCH,), 0, N_DATA, dtype=jnp.int32)
    # learned/buffer state sized per init_kwargs
    lat_memory = jax.random.normal(k4, (N_DATA, FEAT_DIM), dtype=jnp.float32) * (2 * stdv) - stdv
    class_sums = jnp.zeros((NUM_CLASS, FEAT_DIM), dtype=jnp.float32)
    return {
        "batch_samples": batch_samples,
        "targets": targets,
        "idx": idx,
        "lat_memory": lat_memory,
        "class_sums": class_sums,
    }


def reference(batch_samples, targets, idx, lat_memory, class_sums):
    # gather memory rows for this batch
    latent_samples = jnp.take(lat_memory, idx, axis=0)
    # EMA update: mem*(1-m) + batch*m
    latent_samples = latent_samples * (1.0 - MOMENTUM) + batch_samples * MOMENTUM
    # L2 normalize
    latent_norm = jnp.power(jnp.sum(jnp.power(latent_samples, 2), axis=1, keepdims=True), 0.5)
    updated_latent = latent_samples / latent_norm
    # scatter-overwrite back into the memory bank (index_copy_)
    new_lat_memory = lat_memory.at[idx].set(updated_latent)
    # per-class scatter-add of normalized latents (loop over unique labels == segment_sum)
    new_class_sums = class_sums + jax.ops.segment_sum(updated_latent, targets, num_segments=NUM_CLASS)
    return new_lat_memory, new_class_sums

if __name__ == "__main__":
    import jax
    _d = setup_inputs()
    print(jax.jit(kernel)(*tuple(_d.values())))

</pallas_src>

<mosaic_0001>
#map = affine_map<(d0, d1) -> (0, 0)>
#map1 = affine_map<(d0, d1) -> (0)>
module attributes {stable_mosaic.version = 14 : i64} {
  func.func @_k1_body(%arg0: i32, %arg1: i32, %arg2: memref<16384x128xf32, #tpu.memory_space<hbm>>, %arg3: memref<16384xi32, #tpu.memory_space<hbm>>, %arg4: memref<16384xi32, #tpu.memory_space<hbm>>, %arg5: memref<200000x128xf32, #tpu.memory_space<hbm>>, %arg6: memref<16400x128xf32, #tpu.memory_space<hbm>>, %arg7: memref<16384xi32, #tpu.memory_space<hbm>>, %arg8: memref<512xi32, #tpu.memory_space<vmem>>, %arg9: memref<128x128xf32, #tpu.memory_space<vmem>>, %arg10: memref<128x128xf32, #tpu.memory_space<vmem>>, %arg11: memref<128x128xf32, #tpu.memory_space<vmem>>, %arg12: memref<128x128xf32, #tpu.memory_space<vmem>>, %arg13: memref<16384xi32, #tpu.memory_space<vmem>>, %arg14: memref<16384xi32, #tpu.memory_space<vmem>>, %arg15: memref<512xi32, #tpu.memory_space<vmem>>, %arg16: memref<512xi32, #tpu.memory_space<vmem>>, %arg17: memref<200000xi32, #tpu.memory_space<vmem_shared>>, %arg18: memref<!tpu.dma_semaphore, #tpu.memory_space<semaphore_mem>>, %arg19: memref<!tpu.dma_semaphore, #tpu.memory_space<semaphore_mem>>) attributes {dimension_semantics = [#tpu.dimension_semantics<core_parallel>, #tpu.dimension_semantics<subcore_parallel>], iteration_bounds = array<i64: 2, 16>, scalar_prefetch = 0 : i64, scratch_operands = 12 : i64, tpu.core_type = #tpu.core_type<sc_vector_subcore>, window_params = [{transform_indices = #map}, {transform_indices = #map1}, {transform_indices = #map1}, {transform_indices = #map}, {transform_indices = #map}, {transform_indices = #map1}]} {
    %mul3A = arith.constant 16 : i32
    %mul3A_0 = arith.muli %arg0, %mul3A : i32
    %add3A = arith.addi %mul3A_0, %arg1 : i32
    %mul3A_1 = arith.constant 512 : i32
    %mul3A_2 = arith.muli %add3A, %mul3A_1 : i32
    %eq3A = arith.constant 0 : i32
    %eq3A_3 = arith.cmpi eq, %arg1, %eq3A : i32
    %convert_element_type3A = arith.extui %eq3A_3 : i1 to i32
    %cond3A = arith.constant 0 : i32
    %cond3A_4 = arith.cmpi ne, %convert_element_type3A, %cond3A : i32
    scf.if %cond3A_4 {
      "tpu.region"() ({
        %run_scoped3A = tpu.sem_alloc : memref<!tpu.dma_semaphore, #tpu.memory_space<semaphore_mem>>
        tpu.enqueue_dma source(%arg3 : memref<16384xi32, #tpu.memory_space<hbm>>) target(%arg13 : memref<16384xi32, #tpu.memory_space<vmem>>) target_semaphore(%run_scoped3A : memref<!tpu.dma_semaphore, #tpu.memory_space<semaphore_mem>>)
        tpu.wait_dma2 semaphore(%run_scoped3A : memref<!tpu.dma_semaphore, #tpu.memory_space<semaphore_mem>>) src(%arg3 : memref<16384xi32, #tpu.memory_space<hbm>>) dst(%arg13 : memref<16384xi32, #tpu.memory_space<vmem>>)
        tpu.yield
      }) : () -> ()
      "tpu.region"() ({
        %run_scoped3A = tpu.sem_alloc : memref<!tpu.dma_semaphore, #tpu.memory_space<semaphore_mem>>
        tpu.enqueue_dma source(%arg4 : memref<16384xi32, #tpu.memory_space<hbm>>) target(%arg14 : memref<16384xi32, #tpu.memory_space<vmem>>) target_semaphore(%run_scoped3A : memref<!tpu.dma_semaphore, #tpu.memory_space<semaphore_mem>>)
        tpu.wait_dma2 semaphore(%run_scoped3A : memref<!tpu.dma_semaphore, #tpu.memory_space<semaphore_mem>>) src(%arg4 : memref<16384xi32, #tpu.memory_space<hbm>>) dst(%arg14 : memref<16384xi32, #tpu.memory_space<vmem>>)
        tpu.yield
      }) : () -> ()
      "tpu.region"() ({
        %run_scoped3A = tpu.sem_alloc : memref<!tpu.dma_semaphore, #tpu.memory_space<semaphore_mem>>
        %dma_start3A_137 = arith.constant 0 : i32
        %dma_start3A_138 = tpu.memref_slice %arg17[%dma_start3A_137] : memref<200000xi32, #tpu.memory_space<vmem_shared>> -> memref<200000xi32, #tpu.memory_space<vmem_shared>>
        tpu.enqueue_indirect_dma source(%arg14 : memref<16384xi32, #tpu.memory_space<vmem>>) target(%dma_start3A_138 : memref<200000xi32, #tpu.memory_space<vmem_shared>>) offsets(%arg13 : memref<16384xi32, #tpu.memory_space<vmem>>) semaphore(%run_scoped3A : memref<!tpu.dma_semaphore, #tpu.memory_space<semaphore_mem>>)
        %dma_wait3A_139 = arith.constant 0 : i32
        %dma_wait3A_140 = tpu.memref_slice %arg17[%dma_wait3A_139] : memref<200000xi32, #tpu.memory_space<vmem_shared>> -> memref<200000xi32, #tpu.memory_space<vmem_shared>>
        tpu.wait_indirect_dma semaphore(%run_scoped3A : memref<!tpu.dma_semaphore, #tpu.memory_space<semaphore_mem>>) src(%arg14 : memref<16384xi32, #tpu.memory_space<vmem>>) dst(%dma_wait3A_140 : memref<200000xi32, #tpu.memory_space<vmem_shared>>)
        tpu.yield
      }) : () -> ()
    } else {
    }
    %eq3A_5 = arith.constant 1 : i32
    %eq3A_6 = arith.cmpi eq, %arg1, %eq3A_5 : i32
    %convert_element_type3A_7 = arith.extui %eq3A_6 : i1 to i32
    %cond3A_8 = arith.constant 0 : i32
    %cond3A_9 = arith.cmpi ne, %convert_element_type3A_7, %cond3A_8 : i32
    scf.if %cond3A_9 {
      %mul3A_137 = arith.constant 100000 : i32
      %mul3A_138 = arith.muli %arg0, %mul3A_137 : i32
      %dma_start3A_139 = arith.constant 0 : i32
      %dma_start3A_140 = arith.constant 0 : i32
      %dma_start3A_141 = tpu.memref_slice %arg9[%dma_start3A_139, %dma_start3A_140] : memref<128x128xf32, #tpu.memory_space<vmem>> -> memref<8x128xf32, #tpu.memory_space<vmem>>
      %dma_start3A_142 = arith.constant 0 : i32
      %dma_start3A_143 = tpu.memref_slice %arg5[%mul3A_138, %dma_start3A_142] : memref<200000x128xf32, #tpu.memory_space<hbm>> -> memref<8x128xf32, #tpu.memory_space<hbm>>
      %dma_start3A_144 = arith.constant 0 : i32
      %dma_start3A_145 = arith.constant 0 : i32
      %dma_start3A_146 = tpu.memref_slice %arg9[%dma_start3A_144, %dma_start3A_145] : memref<128x128xf32, #tpu.memory_space<vmem>> -> memref<8x128xf32, #tpu.memory_space<vmem>>
      %dma_start3A_147 = arith.constant 0 : i32
      %dma_start3A_148 = tpu.memref_slice %arg5[%mul3A_138, %dma_start3A_147] : memref<200000x128xf32, #tpu.memory_space<hbm>> -> memref<8x128xf32, #tpu.memory_space<hbm>>
      tpu.enqueue_dma source(%dma_start3A_148 : memref<8x128xf32, #tpu.memory_space<hbm>>) target(%dma_start3A_146 : memref<8x128xf32, #tpu.memory_space<vmem>>) target_semaphore(%arg18 : memref<!tpu.dma_semaphore, #tpu.memory_space<semaphore_mem>>)
      %dma_wait3A_149 = arith.constant 0 : i32
      %dma_wait3A_150 = arith.constant 0 : i32
      %dma_wait3A_151 = tpu.memref_slice %arg9[%dma_wait3A_149, %dma_wait3A_150] : memref<128x128xf32, #tpu.memory_space<vmem>> -> memref<8x128xf32, #tpu.memory_space<vmem>>
      %dma_wait3A_152 = arith.constant 0 : i32
      %dma_wait3A_153 = tpu.memref_slice %arg5[%mul3A_138, %dma_wait3A_152] : memref<200000x128xf32, #tpu.memory_space<hbm>> -> memref<8x128xf32, #tpu.memory_space<hbm>>
      %dma_wait3A_154 = arith.constant 0 : i32
      %dma_wait3A_155 = arith.constant 0 : i32
      %dma_wait3A_156 = tpu.memref_slice %arg9[%dma_wait3A_154, %dma_wait3A_155] : memref<128x128xf32, #tpu.memory_space<vmem>> -> memref<8x128xf32, #tpu.memory_space<vmem>>
      %dma_wait3A_157 = arith.constant 0 : i32
      %dma_wait3A_158 = tpu.memref_slice %arg5[%mul3A_138, %dma_wait3A_157] : memref<200000x128xf32, #tpu.memory_space<hbm>> -> memref<8x128xf32, #tpu.memory_space<hbm>>
      tpu.wait_dma2 semaphore(%arg18 : memref<!tpu.dma_semaphore, #tpu.memory_space<semaphore_mem>>) src(%dma_wait3A_158 : memref<8x128xf32, #tpu.memory_space<hbm>>) dst(%dma_wait3A_156 : memref<8x128xf32, #tpu.memory_space<vmem>>)
      %mul3A_159 = arith.constant 8 : i32
      %mul3A_160 = arith.muli %arg0, %mul3A_159 : i32
      %add3A_161 = arith.constant 16384 : i32
      %add3A_162 = arith.addi %add3A_161, %mul3A_160 : i32
      "tpu.region"() ({
        %run_scoped3A = tpu.sem_alloc : memref<!tpu.dma_semaphore, #tpu.memory_space<semaphore_mem>>
        %dma_start3A_163 = arith.constant 0 : i32
        %dma_start3A_164 = arith.constant 0 : i32
        %dma_start3A_165 = tpu.memref_slice %arg9[%dma_start3A_163, %dma_start3A_164] : memref<128x128xf32, #tpu.memory_space<vmem>> -> memref<8x128xf32, #tpu.memory_space<vmem>>
        %dma_start3A_166 = arith.constant 0 : i32
        %dma_start3A_167 = tpu.memref_slice %arg6[%add3A_162, %dma_start3A_166] : memref<16400x128xf32, #tpu.memory_space<hbm>> -> memref<8x128xf32, #tpu.memory_space<hbm>>
        %dma_start3A_168 = arith.constant 0 : i32
        %dma_start3A_169 = tpu.memref_slice %arg6[%add3A_162, %dma_start3A_168] : memref<16400x128xf32, #tpu.memory_space<hbm>> -> memref<8x128xf32, #tpu.memory_space<hbm>>
        %dma_start3A_170 = arith.constant 0 : i32
        %dma_start3A_171 = arith.constant 0 : i32
        %dma_start3A_172 = tpu.memref_slice %arg9[%dma_start3A_170, %dma_start3A_171] : memref<128x128xf32, #tpu.memory_space<vmem>> -> memref<8x128xf32, #tpu.memory_space<vmem>>
        tpu.enqueue_dma source(%dma_start3A_172 : memref<8x128xf32, #tpu.memory_space<vmem>>) target(%dma_start3A_169 : memref<8x128xf32, #tpu.memory_space<hbm>>) target_semaphore(%run_scoped3A : memref<!tpu.dma_semaphore, #tpu.memory_space<semaphore_mem>>)
        %dma_wait3A_173 = arith.constant 0 : i32
        %dma_wait3A_174 = arith.constant 0 : i32
        %dma_wait3A_175 = tpu.memref_slice %arg9[%dma_wait3A_173, %dma_wait3A_174] : memref<128x128xf32, #tpu.memory_space<vmem>> -> memref<8x128xf32, #tpu.memory_space<vmem>>
        %dma_wait3A_176 = arith.constant 0 : i32
        %dma_wait3A_177 = tpu.memref_slice %arg6[%add3A_162, %dma_wait3A_176] : memref<16400x128xf32, #tpu.memory_space<hbm>> -> memref<8x128xf32, #tpu.memory_space<hbm>>
        %dma_wait3A_178 = arith.constant 0 : i32
        %dma_wait3A_179 = tpu.memref_slice %arg6[%add3A_162, %dma_wait3A_178] : memref<16400x128xf32, #tpu.memory_space<hbm>> -> memref<8x128xf32, #tpu.memory_space<hbm>>
        %dma_wait3A_180 = arith.constant 0 : i32
        %dma_wait3A_181 = arith.constant 0 : i32
        %dma_wait3A_182 = tpu.memref_slice %arg9[%dma_wait3A_180, %dma_wait3A_181] : memref<128x128xf32, #tpu.memory_space<vmem>> -> memref<8x128xf32, #tpu.memory_space<vmem>>
        tpu.wait_dma2 semaphore(%run_scoped3A : memref<!tpu.dma_semaphore, #tpu.memory_space<semaphore_mem>>) src(%dma_wait3A_182 : memref<8x128xf32, #tpu.memory_space<vmem>>) dst(%dma_wait3A_179 : memref<8x128xf32, #tpu.memory_space<hbm>>)
        tpu.yield
      }) : () -> ()
    } else {
    }
    "tpu.region"() ({
      %run_scoped3A = tpu.sem_alloc : memref<!tpu.dma_semaphore, #tpu.memory_space<semaphore_mem>>
      %dma_start3A_137 = tpu.memref_slice %arg3[%mul3A_2] : memref<16384xi32, #tpu.memory_space<hbm>> -> memref<512xi32, #tpu.memory_space<hbm>>
      %dma_start3A_138 = tpu.memref_slice %arg3[%mul3A_2] : memref<16384xi32, #tpu.memory_space<hbm>> -> memref<512xi32, #tpu.memory_space<hbm>>
      tpu.enqueue_dma source(%dma_start3A_138 : memref<512xi32, #tpu.memory_space<hbm>>) target(%arg8 : memref<512xi32, #tpu.memory_space<vmem>>) target_semaphore(%run_scoped3A : memref<!tpu.dma_semaphore, #tpu.memory_space<semaphore_mem>>)
      %dma_wait3A_139 = tpu.memref_slice %arg3[%mul3A_2] : memref<16384xi32, #tpu.memory_space<hbm>> -> memref<512xi32, #tpu.memory_space<hbm>>
      %dma_wait3A_140 = tpu.memref_slice %arg3[%mul3A_2] : memref<16384xi32, #tpu.memory_space<hbm>> -> memref<512xi32, #tpu.memory_space<hbm>>
      tpu.wait_dma2 semaphore(%run_scoped3A : memref<!tpu.dma_semaphore, #tpu.memory_space<semaphore_mem>>) src(%dma_wait3A_140 : memref<512xi32, #tpu.memory_space<hbm>>) dst(%arg8 : memref<512xi32, #tpu.memory_space<vmem>>)
      tpu.yield
    }) : () -> ()
    %dma_start3A = arith.constant 0 : i32
    %dma_start3A_10 = tpu.memref_slice %arg8[%dma_start3A] : memref<512xi32, #tpu.memory_space<vmem>> -> memref<128xi32, #tpu.memory_space<vmem>>
    %dma_start3A_11 = arith.constant 0 : i32
    %dma_start3A_12 = arith.constant 0 : i32
    %dma_start3A_13 = tpu.memref_slice %arg5[%dma_start3A_11, %dma_start3A_12] : memref<200000x128xf32, #tpu.memory_space<hbm>> -> memref<200000x128xf32, #tpu.memory_space<hbm>>
    tpu.enqueue_indirect_dma source(%dma_start3A_13 : memref<200000x128xf32, #tpu.memory_space<hbm>>) target(%arg9 : memref<128x128xf32, #tpu.memory_space<vmem>>) offsets(%dma_start3A_10 : memref<128xi32, #tpu.memory_space<vmem>>) semaphore(%arg18 : memref<!tpu.dma_semaphore, #tpu.memory_space<semaphore_mem>>)
    %add3A_14 = arith.constant 0 : i32
    %add3A_15 = arith.addi %mul3A_2, %add3A_14 : i32
    %dma_start3A_16 = arith.constant 0 : i32
    %dma_start3A_17 = tpu.memref_slice %arg2[%add3A_15, %dma_start3A_16] : memref<16384x128xf32, #tpu.memory_space<hbm>> -> memref<128x128xf32, #tpu.memory_space<hbm>>
    %dma_start3A_18 = arith.constant 0 : i32
    %dma_start3A_19 = tpu.memref_slice %arg2[%add3A_15, %dma_start3A_18] : memref<16384x128xf32, #tpu.memory_space<hbm>> -> memref<128x128xf32, #tpu.memory_space<hbm>>
    tpu.enqueue_dma source(%dma_start3A_19 : memref<128x128xf32, #tpu.memory_space<hbm>>) target(%arg10 : memref<128x128xf32, #tpu.memory_space<vmem>>) target_semaphore(%arg18 : memref<!tpu.dma_semaphore, #tpu.memory_space<semaphore_mem>>)
    %dma_wait3A = arith.constant 0 : i32
    %dma_wait3A_20 = tpu.memref_slice %arg8[%dma_wait3A] : memref<512xi32, #tpu.memory_space<vmem>> -> memref<128xi32, #tpu.memory_space<vmem>>
    %dma_wait3A_21 = arith.constant 0 : i32
    %dma_wait3A_22 = arith.constant 0 : i32
    %dma_wait3A_23 = tpu.memref_slice %arg5[%dma_wait3A_21, %dma_wait3A_22] : memref<200000x128xf32, #tpu.memory_space<hbm>> -> memref<200000x128xf32, #tpu.memory_space<hbm>>
    tpu.wait_indirect_dma semaphore(%arg18 : memref<!tpu.dma_semaphore, #tpu.memory_space<semaphore_mem>>) src(%dma_wait3A_23 : memref<200000x128xf32, #tpu.memory_space<hbm>>) dst(%arg9 : memref<128x128xf32, #tpu.memory_space<vmem>>)
    %add3A_24 = arith.constant 0 : i32
    %add3A_25 = arith.addi %mul3A_2, %add3A_24 : i32
    %dma_wait3A_26 = arith.constant 0 : i32
    %dma_wait3A_27 = tpu.memref_slice %arg2[%add3A_25, %dma_wait3A_26] : memref<16384x128xf32, #tpu.memory_space<hbm>> -> memref<128x128xf32, #tpu.memory_space<hbm>>
    %dma_wait3A_28 = arith.constant 0 : i32
    %dma_wait3A_29 = tpu.memref_slice %arg2[%add3A_25, %dma_wait3A_28] : memref<16384x128xf32, #tpu.memory_space<hbm>> -> memref<128x128xf32, #tpu.memory_space<hbm>>
    tpu.wait_dma2 semaphore(%arg18 : memref<!tpu.dma_semaphore, #tpu.memory_space<semaphore_mem>>) src(%dma_wait3A_29 : memref<128x128xf32, #tpu.memory_space<hbm>>) dst(%arg10 : memref<128x128xf32, #tpu.memory_space<vmem>>)
    %dma_start3A_30 = arith.constant 128 : i32
    %dma_start3A_31 = tpu.memref_slice %arg8[%dma_start3A_30] : memref<512xi32, #tpu.memory_space<vmem>> -> memref<128xi32, #tpu.memory_space<vmem>>
    %dma_start3A_32 = arith.constant 0 : i32
    %dma_start3A_33 = arith.constant 0 : i32
    %dma_start3A_34 = tpu.memref_slice %arg5[%dma_start3A_32, %dma_start3A_33] : memref<200000x128xf32, #tpu.memory_space<hbm>> -> memref<200000x128xf32, #tpu.memory_space<hbm>>
    tpu.enqueue_indirect_dma source(%dma_start3A_34 : memref<200000x128xf32, #tpu.memory_space<hbm>>) target(%arg11 : memref<128x128xf32, #tpu.memory_space<vmem>>) offsets(%dma_start3A_31 : memref<128xi32, #tpu.memory_space<vmem>>) semaphore(%arg19 : memref<!tpu.dma_semaphore, #tpu.memory_space<semaphore_mem>>)
    %add3A_35 = arith.constant 128 : i32
    %add3A_36 = arith.addi %mul3A_2, %add3A_35 : i32
    %dma_start3A_37 = arith.constant 0 : i32
    %dma_start3A_38 = tpu.memref_slice %arg2[%add3A_36, %dma_start3A_37] : memref<16384x128xf32, #tpu.memory_space<hbm>> -> memref<128x128xf32, #tpu.memory_space<hbm>>
    %dma_start3A_39 = arith.constant 0 : i32
    %dma_start3A_40 = tpu.memref_slice %arg2[%add3A_36, %dma_start3A_39] : memref<16384x128xf32, #tpu.memory_space<hbm>> -> memref<128x128xf32, #tpu.memory_space<hbm>>
    tpu.enqueue_dma source(%dma_start3A_40 : memref<128x128xf32, #tpu.memory_space<hbm>>) target(%arg12 : memref<128x128xf32, #tpu.memory_space<vmem>>) target_semaphore(%arg19 : memref<!tpu.dma_semaphore, #tpu.memory_space<semaphore_mem>>)
    %scan3A = arith.constant 0 : i32
    %scan3A_41 = arith.constant 0 : i32
    %scan3A_42 = arith.constant 128 : i32
    %scan3A_43 = arith.addi %scan3A_41, %scan3A_42 : i32
    %scan3A_44 = arith.constant 1 : i32
    %scan3A_45 = scf.for %scan3A_137 = %scan3A_41 to %scan3A_43 step %scan3A_44 iter_args(%scan3A_138 = %scan3A) -> (i32)  : i32 {
      %broadcast_in_dim3A = arith.constant 0.000000e+00 : f32
      %broadcast_in_dim3A_139 = vector.broadcast %broadcast_in_dim3A : f32 to vector<16xf32>
      %get3A = arith.index_cast %scan3A_137 : i32 to index
      %get3A_140 = arith.constant 0 : index
      %get3A_141 = tpu.vector_load %arg9[%get3A, %get3A_140] {strides = array<i32>} : memref<128x128xf32, #tpu.memory_space<vmem>>, vector<1x16xf32>,
      %get3A_142 = vector.shape_cast %get3A_141 : vector<1x16xf32> to vector<16xf32>
      %get3A_143 = arith.index_cast %scan3A_137 : i32 to index
      %get3A_144 = arith.constant 0 : index
      %get3A_145 = tpu.vector_load %arg10[%get3A_143, %get3A_144] {strides = array<i32>} : memref<128x128xf32, #tpu.memory_space<vmem>>, vector<1x16xf32>,
      %get3A_146 = vector.shape_cast %get3A_145 : vector<1x16xf32> to vector<16xf32>
      %mul3A_147 = arith.constant 1.000000e-01 : f32
      %mul3A_148 = vector.broadcast %mul3A_147 : f32 to vector<16xf32>
      %mul3A_149 = arith.mulf %get3A_142, %mul3A_148 : vector<16xf32>
      %mul3A_150 = arith.constant 0.899999976 : f32
      %mul3A_151 = vector.broadcast %mul3A_150 : f32 to vector<16xf32>
      %mul3A_152 = arith.mulf %get3A_146, %mul3A_151 : vector<16xf32>
      %add3A_153 = arith.addf %mul3A_149, %mul3A_152 : vector<16xf32>
      %mul3A_154 = arith.mulf %add3A_153, %add3A_153 : vector<16xf32>
      %add3A_155 = arith.addf %broadcast_in_dim3A_139, %mul3A_154 : vector<16xf32>
      %get3A_156 = arith.index_cast %scan3A_137 : i32 to index
      %get3A_157 = arith.constant 16 : index
      %get3A_158 = tpu.vector_load %arg9[%get3A_156, %get3A_157] {strides = array<i32>} : memref<128x128xf32, #tpu.memory_space<vmem>>, vector<1x16xf32>,
      %get3A_159 = vector.shape_cast %get3A_158 : vector<1x16xf32> to vector<16xf32>
      %get3A_160 = arith.index_cast %scan3A_137 : i32 to index
      %get3A_161 = arith.constant 16 : index
      %get3A_162 = tpu.vector_load %arg10[%get3A_160, %get3A_161] {strides = array<i32>} : memref<128x128xf32, #tpu.memory_space<vmem>>, vector<1x16xf32>,
      %get3A_163 = vector.shape_cast %get3A_162 : vector<1x16xf32> to vector<16xf32>
      %mul3A_164 = arith.constant 1.000000e-01 : f32
      %mul3A_165 = vector.broadcast %mul3A_164 : f32 to vector<16xf32>
      %mul3A_166 = arith.mulf %get3A_159, %mul3A_165 : vector<16xf32>
      %mul3A_167 = arith.constant 0.899999976 : f32
      %mul3A_168 = vector.broadcast %mul3A_167 : f32 to vector<16xf32>
      %mul3A_169 = arith.mulf %get3A_163, %mul3A_168 : vector<16xf32>
      %add3A_170 = arith.addf %mul3A_166, %mul3A_169 : vector<16xf32>
      %mul3A_171 = arith.mulf %add3A_170, %add3A_170 : vector<16xf32>
      %add3A_172 = arith.addf %add3A_155, %mul3A_171 : vector<16xf32>
      %get3A_173 = arith.index_cast %scan3A_137 : i32 to index
      %get3A_174 = arith.constant 32 : index
      %get3A_175 = tpu.vector_load %arg9[%get3A_173, %get3A_174] {strides = array<i32>} : memref<128x128xf32, #tpu.memory_space<vmem>>, vector<1x16xf32>,
      %get3A_176 = vector.shape_cast %get3A_175 : vector<1x16xf32> to vector<16xf32>
      %get3A_177 = arith.index_cast %scan3A_137 : i32 to index
      %get3A_178 = arith.constant 32 : index
      %get3A_179 = tpu.vector_load %arg10[%get3A_177, %get3A_178] {strides = array<i32>} : memref<128x128xf32, #tpu.memory_space<vmem>>, vector<1x16xf32>,
      %get3A_180 = vector.shape_cast %get3A_179 : vector<1x16xf32> to vector<16xf32>
      %mul3A_181 = arith.constant 1.000000e-01 : f32
      %mul3A_182 = vector.broadcast %mul3A_181 : f32 to vector<16xf32>
      %mul3A_183 = arith.mulf %get3A_176, %mul3A_182 : vector<16xf32>
      %mul3A_184 = arith.constant 0.899999976 : f32
      %mul3A_185 = vector.broadcast %mul3A_184 : f32 to vector<16xf32>
      %mul3A_186 = arith.mulf %get3A_180, %mul3A_185 : vector<16xf32>
      %add3A_187 = arith.addf %mul3A_183, %mul3A_186 : vector<16xf32>
      %mul3A_188 = arith.mulf %add3A_187, %add3A_187 : vector<16xf32>
      %add3A_189 = arith.addf %add3A_172, %mul3A_188 : vector<16xf32>
      %get3A_190 = arith.index_cast %scan3A_137 : i32 to index
      %get3A_191 = arith.constant 48 : index
      %get3A_192 = tpu.vector_load %arg9[%get3A_190, %get3A_191] {strides = array<i32>} : memref<128x128xf32, #tpu.memory_space<vmem>>, vector<1x16xf32>,
      %get3A_193 = vector.shape_cast %get3A_192 : vector<1x16xf32> to vector<16xf32>
      %get3A_194 = arith.index_cast %scan3A_137 : i32 to index
      %get3A_195 = arith.constant 48 : index
      %get3A_196 = tpu.vector_load %arg10[%get3A_194, %get3A_195] {strides = array<i32>} : memref<128x128xf32, #tpu.memory_space<vmem>>, vector<1x16xf32>,
      %get3A_197 = vector.shape_cast %get3A_196 : vector<1x16xf32> to vector<16xf32>
      %mul3A_198 = arith.constant 1.000000e-01 : f32
      %mul3A_199 = vector.broadcast %mul3A_198 : f32 to vector<16xf32>
      %mul3A_200 = arith.mulf %get3A_193, %mul3A_199 : vector<16xf32>
      %mul3A_201 = arith.constant 0.899999976 : f32
      %mul3A_202 = vector.broadcast %mul3A_201 : f32 to vector<16xf32>
      %mul3A_203 = arith.mulf %get3A_197, %mul3A_202 : vector<16xf32>
      %add3A_204 = arith.addf %mul3A_200, %mul3A_203 : vector<16xf32>
      %mul3A_205 = arith.mulf %add3A_204, %add3A_204 : vector<16xf32>
      %add3A_206 = arith.addf %add3A_189, %mul3A_205 : vector<16xf32>
      %get3A_207 = arith.index_cast %scan3A_137 : i32 to index
      %get3A_208 = arith.constant 64 : index
      %get3A_209 = tpu.vector_load %arg9[%get3A_207, %get3A_208] {strides = array<i32>} : memref<128x128xf32, #tpu.memory_space<vmem>>, vector<1x16xf32>,
      %get3A_210 = vector.shape_cast %get3A_209 : vector<1x16xf32> to vector<16xf32>
      %get3A_211 = arith.index_cast %scan3A_137 : i32 to index
      %get3A_212 = arith.constant 64 : index
      %get3A_213 = tpu.vector_load %arg10[%get3A_211, %get3A_212] {strides = array<i32>} : memref<128x128xf32, #tpu.memory_space<vmem>>, vector<1x16xf32>,
      %get3A_214 = vector.shape_cast %get3A_213 : vector<1x16xf32> to vector<16xf32>
      %mul3A_215 = arith.constant 1.000000e-01 : f32
      %mul3A_216 = vector.broadcast %mul3A_215 : f32 to vector<16xf32>
      %mul3A_217 = arith.mulf %get3A_210, %mul3A_216 : vector<16xf32>
      %mul3A_218 = arith.constant 0.899999976 : f32
      %mul3A_219 = vector.broadcast %mul3A_218 : f32 to vector<16xf32>
      %mul3A_220 = arith.mulf %get3A_214, %mul3A_219 : vector<16xf32>
      %add3A_221 = arith.addf %mul3A_217, %mul3A_220 : vector<16xf32>
      %mul3A_222 = arith.mulf %add3A_221, %add3A_221 : vector<16xf32>
      %add3A_223 = arith.addf %add3A_206, %mul3A_222 : vector<16xf32>
      %get3A_224 = arith.index_cast %scan3A_137 : i32 to index
      %get3A_225 = arith.constant 80 : index
      %get3A_226 = tpu.vector_load %arg9[%get3A_224, %get3A_225] {strides = array<i32>} : memref<128x128xf32, #tpu.memory_space<vmem>>, vector<1x16xf32>,
      %get3A_227 = vector.shape_cast %get3A_226 : vector<1x16xf32> to vector<16xf32>
      %get3A_228 = arith.index_cast %scan3A_137 : i32 to index
      %get3A_229 = arith.constant 80 : index
      %get3A_230 = tpu.vector_load %arg10[%get3A_228, %get3A_229] {strides = array<i32>} : memref<128x128xf32, #tpu.memory_space<vmem>>, vector<1x16xf32>,
      %get3A_231 = vector.shape_cast %get3A_230 : vector<1x16xf32> to vector<16xf32>
      %mul3A_232 = arith.constant 1.000000e-01 : f32
      %mul3A_233 = vector.broadcast %mul3A_232 : f32 to vector<16xf32>
      %mul3A_234 = arith.mulf %get3A_227, %mul3A_233 : vector<16xf32>
      %mul3A_235 = arith.constant 0.899999976 : f32
      %mul3A_236 = vector.broadcast %mul3A_235 : f32 to vector<16xf32>
      %mul3A_237 = arith.mulf %get3A_231, %mul3A_236 : vector<16xf32>
      %add3A_238 = arith.addf %mul3A_234, %mul3A_237 : vector<16xf32>
      %mul3A_239 = arith.mulf %add3A_238, %add3A_238 : vector<16xf32>
      %add3A_240 = arith.addf %add3A_223, %mul3A_239 : vector<16xf32>
      %get3A_241 = arith.index_cast %scan3A_137 : i32 to index
      %get3A_242 = arith.constant 96 : index
      %get3A_243 = tpu.vector_load %arg9[%get3A_241, %get3A_242] {strides = array<i32>} : memref<128x128xf32, #tpu.memory_space<vmem>>, vector<1x16xf32>,
      %get3A_244 = vector.shape_cast %get3A_243 : vector<1x16xf32> to vector<16xf32>
      %get3A_245 = arith.index_cast %scan3A_137 : i32 to index
      %get3A_246 = arith.constant 96 : index
      %get3A_247 = tpu.vector_load %arg10[%get3A_245, %get3A_246] {strides = array<i32>} : memref<128x128xf32, #tpu.memory_space<vmem>>, vector<1x16xf32>,
      %get3A_248 = vector.shape_cast %get3A_247 : vector<1x16xf32> to vector<16xf32>
      %mul3A_249 = arith.constant 1.000000e-01 : f32
      %mul3A_250 = vector.broadcast %mul3A_249 : f32 to vector<16xf32>
      %mul3A_251 = arith.mulf %get3A_244, %mul3A_250 : vector<16xf32>
      %mul3A_252 = arith.constant 0.899999976 : f32
      %mul3A_253 = vector.broadcast %mul3A_252 : f32 to vector<16xf32>
      %mul3A_254 = arith.mulf %get3A_248, %mul3A_253 : vector<16xf32>
      %add3A_255 = arith.addf %mul3A_251, %mul3A_254 : vector<16xf32>
      %mul3A_256 = arith.mulf %add3A_255, %add3A_255 : vector<16xf32>
      %add3A_257 = arith.addf %add3A_240, %mul3A_256 : vector<16xf32>
      %get3A_258 = arith.index_cast %scan3A_137 : i32 to index
      %get3A_259 = arith.constant 112 : index
      %get3A_260 = tpu.vector_load %arg9[%get3A_258, %get3A_259] {strides = array<i32>} : memref<128x128xf32, #tpu.memory_space<vmem>>, vector<1x16xf32>,
      %get3A_261 = vector.shape_cast %get3A_260 : vector<1x16xf32> to vector<16xf32>
      %get3A_262 = arith.index_cast %scan3A_137 : i32 to index
      %get3A_263 = arith.constant 112 : index
      %get3A_264 = tpu.vector_load %arg10[%get3A_262, %get3A_263] {strides = array<i32>} : memref<128x128xf32, #tpu.memory_space<vmem>>, vector<1x16xf32>,
      %get3A_265 = vector.shape_cast %get3A_264 : vector<1x16xf32> to vector<16xf32>
      %mul3A_266 = arith.constant 1.000000e-01 : f32
      %mul3A_267 = vector.broadcast %mul3A_266 : f32 to vector<16xf32>
      %mul3A_268 = arith.mulf %get3A_261, %mul3A_267 : vector<16xf32>
      %mul3A_269 = arith.constant 0.899999976 : f32
      %mul3A_270 = vector.broadcast %mul3A_269 : f32 to vector<16xf32>
      %mul3A_271 = arith.mulf %get3A_265, %mul3A_270 : vector<16xf32>
      %add3A_272 = arith.addf %mul3A_268, %mul3A_271 : vector<16xf32>
      %mul3A_273 = arith.mulf %add3A_272, %add3A_272 : vector<16xf32>
      %add3A_274 = arith.addf %add3A_257, %mul3A_273 : vector<16xf32>
      %iota3A = tpu.iota {dimensions = array<i32: 0>} : vector<16xi32>
      %xor3A = arith.constant 8 : i32
      %xor3A_275 = vector.broadcast %xor3A : i32 to vector<16xi32>
      %xor3A_276 = arith.xori %iota3A, %xor3A_275 : vector<16xi32>
      %broadcast_in_dim3A_277 = vector.shape_cast %xor3A_276 : vector<16xi32> to vector<16x1xi32>
      %gather3A = vector.shape_cast %broadcast_in_dim3A_277 : vector<16x1xi32> to vector<16xi32>
      %gather3A_278 = tpu.dynamic_gather %add3A_274[%gather3A] in [0] : vector<16xf32>, vector<16xi32> -> vector<16xf32>
      %add3A_279 = arith.addf %add3A_274, %gather3A_278 : vector<16xf32>
      %xor3A_280 = arith.constant 4 : i32
      %xor3A_281 = vector.broadcast %xor3A_280 : i32 to vector<16xi32>
      %xor3A_282 = arith.xori %iota3A, %xor3A_281 : vector<16xi32>
      %broadcast_in_dim3A_283 = vector.shape_cast %xor3A_282 : vector<16xi32> to vector<16x1xi32>
      %gather3A_284 = vector.shape_cast %broadcast_in_dim3A_283 : vector<16x1xi32> to vector<16xi32>
      %gather3A_285 = tpu.dynamic_gather %add3A_279[%gather3A_284] in [0] : vector<16xf32>, vector<16xi32> -> vector<16xf32>
      %add3A_286 = arith.addf %add3A_279, %gather3A_285 : vector<16xf32>
      %xor3A_287 = arith.constant 2 : i32
      %xor3A_288 = vector.broadcast %xor3A_287 : i32 to vector<16xi32>
      %xor3A_289 = arith.xori %iota3A, %xor3A_288 : vector<16xi32>
      %broadcast_in_dim3A_290 = vector.shape_cast %xor3A_289 : vector<16xi32> to vector<16x1xi32>
      %gather3A_291 = vector.shape_cast %broadcast_in_dim3A_290 : vector<16x1xi32> to vector<16xi32>
      %gather3A_292 = tpu.dynamic_gather %add3A_286[%gather3A_291] in [0] : vector<16xf32>, vector<16xi32> -> vector<16xf32>
      %add3A_293 = arith.addf %add3A_286, %gather3A_292 : vector<16xf32>
      %xor3A_294 = arith.constant 1 : i32
      %xor3A_295 = vector.broadcast %xor3A_294 : i32 to vector<16xi32>
      %xor3A_296 = arith.xori %iota3A, %xor3A_295 : vector<16xi32>
      %broadcast_in_dim3A_297 = vector.shape_cast %xor3A_296 : vector<16xi32> to vector<16x1xi32>
      %gather3A_298 = vector.shape_cast %broadcast_in_dim3A_297 : vector<16x1xi32> to vector<16xi32>
      %gather3A_299 = tpu.dynamic_gather %add3A_293[%gather3A_298] in [0] : vector<16xf32>, vector<16xi32> -> vector<16xf32>
      %add3A_300 = arith.addf %add3A_293, %gather3A_299 : vector<16xf32>
      %bitcast_convert_type3A = tpu.bitcast %add3A_300 : vector<16xf32> -> vector<16xi32>
      %shift_right_arithmetic3A = arith.constant 1 : i32
      %shift_right_arithmetic3A_301 = vector.broadcast %shift_right_arithmetic3A : i32 to vector<16xi32>
      %shift_right_arithmetic3A_302 = arith.shrsi %bitcast_convert_type3A, %shift_right_arithmetic3A_301 : vector<16xi32>
      %sub3A = arith.constant 1597463007 : i32
      %sub3A_303 = vector.broadcast %sub3A : i32 to vector<16xi32>
      %sub3A_304 = arith.subi %sub3A_303, %shift_right_arithmetic3A_302 : vector<16xi32>
      %bitcast_convert_type3A_305 = tpu.bitcast %sub3A_304 : vector<16xi32> -> vector<16xf32>
      %mul3A_306 = arith.constant 5.000000e-01 : f32
      %mul3A_307 = vector.broadcast %mul3A_306 : f32 to vector<16xf32>
      %mul3A_308 = arith.mulf %mul3A_307, %add3A_300 : vector<16xf32>
      %mul3A_309 = arith.mulf %mul3A_308, %bitcast_convert_type3A_305 : vector<16xf32>
      %mul3A_310 = arith.mulf %mul3A_309, %bitcast_convert_type3A_305 : vector<16xf32>
      %sub3A_311 = arith.constant 1.500000e+00 : f32
      %sub3A_312 = vector.broadcast %sub3A_311 : f32 to vector<16xf32>
      %sub3A_313 = arith.subf %sub3A_312, %mul3A_310 : vector<16xf32>
      %mul3A_314 = arith.mulf %bitcast_convert_type3A_305, %sub3A_313 : vector<16xf32>
      %mul3A_315 = arith.constant 5.000000e-01 : f32
      %mul3A_316 = vector.broadcast %mul3A_315 : f32 to vector<16xf32>
      %mul3A_317 = arith.mulf %mul3A_316, %add3A_300 : vector<16xf32>
      %mul3A_318 = arith.mulf %mul3A_317, %mul3A_314 : vector<16xf32>
      %mul3A_319 = arith.mulf %mul3A_318, %mul3A_314 : vector<16xf32>
      %sub3A_320 = arith.constant 1.500000e+00 : f32
      %sub3A_321 = vector.broadcast %sub3A_320 : f32 to vector<16xf32>
      %sub3A_322 = arith.subf %sub3A_321, %mul3A_319 : vector<16xf32>
      %mul3A_323 = arith.mulf %mul3A_314, %sub3A_322 : vector<16xf32>
      %mul3A_324 = arith.constant 5.000000e-01 : f32
      %mul3A_325 = vector.broadcast %mul3A_324 : f32 to vector<16xf32>
      %mul3A_326 = arith.mulf %mul3A_325, %add3A_300 : vector<16xf32>
      %mul3A_327 = arith.mulf %mul3A_326, %mul3A_323 : vector<16xf32>
      %mul3A_328 = arith.mulf %mul3A_327, %mul3A_323 : vector<16xf32>
      %sub3A_329 = arith.constant 1.500000e+00 : f32
      %sub3A_330 = vector.broadcast %sub3A_329 : f32 to vector<16xf32>
      %sub3A_331 = arith.subf %sub3A_330, %mul3A_328 : vector<16xf32>
      %mul3A_332 = arith.mulf %mul3A_323, %sub3A_331 : vector<16xf32>
      %mul3A_333 = arith.mulf %add3A_153, %mul3A_332 : vector<16xf32>
      %swap3A = arith.index_cast %scan3A_137 : i32 to index
      %swap3A_334 = arith.constant 0 : index
      %swap3A_335 = tpu.vector_load %arg9[%swap3A, %swap3A_334] {strides = array<i32>} : memref<128x128xf32, #tpu.memory_space<vmem>>, vector<1x16xf32>,
      %swap3A_336 = vector.shape_cast %swap3A_335 : vector<1x16xf32> to vector<16xf32>
      %swap3A_337 = vector.shape_cast %mul3A_333 : vector<16xf32> to vector<1x16xf32>
      tpu.vector_store %arg9[%swap3A, %swap3A_334], %swap3A_337 {strides = array<i32>} : memref<128x128xf32, #tpu.memory_space<vmem>>, vector<1x16xf32>,
      %mul3A_338 = arith.mulf %add3A_170, %mul3A_332 : vector<16xf32>
      %swap3A_339 = arith.index_cast %scan3A_137 : i32 to index
      %swap3A_340 = arith.constant 16 : index
      %swap3A_341 = tpu.vector_load %arg9[%swap3A_339, %swap3A_340] {strides = array<i32>} : memref<128x128xf32, #tpu.memory_space<vmem>>, vector<1x16xf32>,
      %swap3A_342 = vector.shape_cast %swap3A_341 : vector<1x16xf32> to vector<16xf32>
      %swap3A_343 = vector.shape_cast %mul3A_338 : vector<16xf32> to vector<1x16xf32>
      tpu.vector_store %arg9[%swap3A_339, %swap3A_340], %swap3A_343 {strides = array<i32>} : memref<128x128xf32, #tpu.memory_space<vmem>>, vector<1x16xf32>,
      %mul3A_344 = arith.mulf %add3A_187, %mul3A_332 : vector<16xf32>
      %swap3A_345 = arith.index_cast %scan3A_137 : i32 to index
      %swap3A_346 = arith.constant 32 : index
      %swap3A_347 = tpu.vector_load %arg9[%swap3A_345, %swap3A_346] {strides = array<i32>} : memref<128x128xf32, #tpu.memory_space<vmem>>, vector<1x16xf32>,
      %swap3A_348 = vector.shape_cast %swap3A_347 : vector<1x16xf32> to vector<16xf32>
      %swap3A_349 = vector.shape_cast %mul3A_344 : vector<16xf32> to vector<1x16xf32>
      tpu.vector_store %arg9[%swap3A_345, %swap3A_346], %swap3A_349 {strides = array<i32>} : memref<128x128xf32, #tpu.memory_space<vmem>>, vector<1x16xf32>,
      %mul3A_350 = arith.mulf %add3A_204, %mul3A_332 : vector<16xf32>
      %swap3A_351 = arith.index_cast %scan3A_137 : i32 to index
      %swap3A_352 = arith.constant 48 : index
      %swap3A_353 = tpu.vector_load %arg9[%swap3A_351, %swap3A_352] {strides = array<i32>} : memref<128x128xf32, #tpu.memory_space<vmem>>, vector<1x16xf32>,
      %swap3A_354 = vector.shape_cast %swap3A_353 : vector<1x16xf32> to vector<16xf32>
      %swap3A_355 = vector.shape_cast %mul3A_350 : vector<16xf32> to vector<1x16xf32>
      tpu.vector_store %arg9[%swap3A_351, %swap3A_352], %swap3A_355 {strides = array<i32>} : memref<128x128xf32, #tpu.memory_space<vmem>>, vector<1x16xf32>,
      %mul3A_356 = arith.mulf %add3A_221, %mul3A_332 : vector<16xf32>
      %swap3A_357 = arith.index_cast %scan3A_137 : i32 to index
      %swap3A_358 = arith.constant 64 : index
      %swap3A_359 = tpu.vector_load %arg9[%swap3A_357, %swap3A_358] {strides = array<i32>} : memref<128x128xf32, #tpu.memory_space<vmem>>, vector<1x16xf32>,
      %swap3A_360 = vector.shape_cast %swap3A_359 : vector<1x16xf32> to vector<16xf32>
      %swap3A_361 = vector.shape_cast %mul3A_356 : vector<16xf32> to vector<1x16xf32>
      tpu.vector_store %arg9[%swap3A_357, %swap3A_358], %swap3A_361 {strides = array<i32>} : memref<128x128xf32, #tpu.memory_space<vmem>>, vector<1x16xf32>,
      %mul3A_362 = arith.mulf %add3A_238, %mul3A_332 : vector<16xf32>
      %swap3A_363 = arith.index_cast %scan3A_137 : i32 to index
      %swap3A_364 = arith.constant 80 : index
      %swap3A_365 = tpu.vector_load %arg9[%swap3A_363, %swap3A_364] {strides = array<i32>} : memref<128x128xf32, #tpu.memory_space<vmem>>, vector<1x16xf32>,
      %swap3A_366 = vector.shape_cast %swap3A_365 : vector<1x16xf32> to vector<16xf32>
      %swap3A_367 = vector.shape_cast %mul3A_362 : vector<16xf32> to vector<1x16xf32>
      tpu.vector_store %arg9[%swap3A_363, %swap3A_364], %swap3A_367 {strides = array<i32>} : memref<128x128xf32, #tpu.memory_space<vmem>>, vector<1x16xf32>,
      %mul3A_368 = arith.mulf %add3A_255, %mul3A_332 : vector<16xf32>
      %swap3A_369 = arith.index_cast %scan3A_137 : i32 to index
      %swap3A_370 = arith.constant 96 : index
      %swap3A_371 = tpu.vector_load %arg9[%swap3A_369, %swap3A_370] {strides = array<i32>} : memref<128x128xf32, #tpu.memory_space<vmem>>, vector<1x16xf32>,
      %swap3A_372 = vector.shape_cast %swap3A_371 : vector<1x16xf32> to vector<16xf32>
      %swap3A_373 = vector.shape_cast %mul3A_368 : vector<16xf32> to vector<1x16xf32>
      tpu.vector_store %arg9[%swap3A_369, %swap3A_370], %swap3A_373 {strides = array<i32>} : memref<128x128xf32, #tpu.memory_space<vmem>>, vector<1x16xf32>,
      %mul3A_374 = arith.mulf %add3A_272, %mul3A_332 : vector<16xf32>
      %swap3A_375 = arith.index_cast %scan3A_137 : i32 to index
      %swap3A_376 = arith.constant 112 : index
      %swap3A_377 = tpu.vector_load %arg9[%swap3A_375, %swap3A_376] {strides = array<i32>} : memref<128x128xf32, #tpu.memory_space<vmem>>, vector<1x16xf32>,
      %swap3A_378 = vector.shape_cast %swap3A_377 : vector<1x16xf32> to vector<16xf32>
      %swap3A_379 = vector.shape_cast %mul3A_374 : vector<16xf32> to vector<1x16xf32>
      tpu.vector_store %arg9[%swap3A_375, %swap3A_376], %swap3A_379 {strides = array<i32>} : memref<128x128xf32, #tpu.memory_space<vmem>>, vector<1x16xf32>,
      %scan3A_380 = arith.constant 0 : i32
      scf.yield %scan3A_380 : i32
    }
    %scan3A_46 = arith.constant 128 : i32
    %add3A_47 = arith.constant 0 : i32
    %add3A_48 = arith.addi %mul3A_2, %add3A_47 : i32
    "tpu.region"() ({
      %run_scoped3A = tpu.sem_alloc : memref<!tpu.dma_semaphore, #tpu.memory_space<semaphore_mem>>
      %dma_start3A_137 = arith.constant 0 : i32
      %dma_start3A_138 = tpu.memref_slice %arg6[%add3A_48, %dma_start3A_137] : memref<16400x128xf32, #tpu.memory_space<hbm>> -> memref<128x128xf32, #tpu.memory_space<hbm>>
      %dma_start3A_139 = arith.constant 0 : i32
      %dma_start3A_140 = tpu.memref_slice %arg6[%add3A_48, %dma_start3A_139] : memref<16400x128xf32, #tpu.memory_space<hbm>> -> memref<128x128xf32, #tpu.memory_space<hbm>>
      tpu.enqueue_dma source(%arg9 : memref<128x128xf32, #tpu.memory_space<vmem>>) target(%dma_start3A_140 : memref<128x128xf32, #tpu.memory_space<hbm>>) target_semaphore(%run_scoped3A : memref<!tpu.dma_semaphore, #tpu.memory_space<semaphore_mem>>)
      %dma_wait3A_141 = arith.constant 0 : i32
      %dma_wait3A_142 = tpu.memref_slice %arg6[%add3A_48, %dma_wait3A_141] : memref<16400x128xf32, #tpu.memory_space<hbm>> -> memref<128x128xf32, #tpu.memory_space<hbm>>
      %dma_wait3A_143 = arith.constant 0 : i32
      %dma_wait3A_144 = tpu.memref_slice %arg6[%add3A_48, %dma_wait3A_143] : memref<16400x128xf32, #tpu.memory_space<hbm>> -> memref<128x128xf32, #tpu.memory_space<hbm>>
      tpu.wait_dma2 semaphore(%run_scoped3A : memref<!tpu.dma_semaphore, #tpu.memory_space<semaphore_mem>>) src(%arg9 : memref<128x128xf32, #tpu.memory_space<vmem>>) dst(%dma_wait3A_144 : memref<128x128xf32, #tpu.memory_space<hbm>>)
      tpu.yield
    }) : () -> ()
    %dma_wait3A_49 = arith.constant 128 : i32
    %dma_wait3A_50 = tpu.memref_slice %arg8[%dma_wait3A_49] : memref<512xi32, #tpu.memory_space<vmem>> -> memref<128xi32, #tpu.memory_space<vmem>>
    %dma_wait3A_51 = arith.constant 0 : i32
    %dma_wait3A_52 = arith.constant 0 : i32
    %dma_wait3A_53 = tpu.memref_slice %arg5[%dma_wait3A_51, %dma_wait3A_52] : memref<200000x128xf32, #tpu.memory_space<hbm>> -> memref<200000x128xf32, #tpu.memory_space<hbm>>
    tpu.wait_indirect_dma semaphore(%arg19 : memref<!tpu.dma_semaphore, #tpu.memory_space<semaphore_mem>>) src(%dma_wait3A_53 : memref<200000x128xf32, #tpu.memory_space<hbm>>) dst(%arg11 : memref<128x128xf32, #tpu.memory_space<vmem>>)
    %add3A_54 = arith.constant 128 : i32
    %add3A_55 = arith.addi %mul3A_2, %add3A_54 : i32
    %dma_wait3A_56 = arith.constant 0 : i32
    %dma_wait3A_57 = tpu.memref_slice %arg2[%add3A_55, %dma_wait3A_56] : memref<16384x128xf32, #tpu.memory_space<hbm>> -> memref<128x128xf32, #tpu.memory_space<hbm>>
    %dma_wait3A_58 = arith.constant 0 : i32
    %dma_wait3A_59 = tpu.memref_slice %arg2[%add3A_55, %dma_wait3A_58] : memref<16384x128xf32, #tpu.memory_space<hbm>> -> memref<128x128xf32, #tpu.memory_space<hbm>>
    tpu.wait_dma2 semaphore(%arg19 : memref<!tpu.dma_semaphore, #tpu.memory_space<semaphore_mem>>) src(%dma_wait3A_59 : memref<128x128xf32, #tpu.memory_space<hbm>>) dst(%arg12 : memref<128x128xf32, #tpu.memory_space<vmem>>)
    %dma_start3A_60 = arith.constant 256 : i32
    %dma_start3A_61 = tpu.memref_slice %arg8[%dma_start3A_60] : memref<512xi32, #tpu.memory_space<vmem>> -> memref<128xi32, #tpu.memory_space<vmem>>
    %dma_start3A_62 = arith.constant 0 : i32
    %dma_start3A_63 = arith.constant 0 : i32
    %dma_start3A_64 = tpu.memref_slice %arg5[%dma_start3A_62, %dma_start3A_63] : memref<200000x128xf32, #tpu.memory_space<hbm>> -> memref<200000x128xf32, #tpu.memory_space<hbm>>
    tpu.enqueue_indirect_dma source(%dma_start3A_64 : memref<200000x128xf32, #tpu.memory_space<hbm>>) target(%arg9 : memref<128x128xf32, #tpu.memory_space<vmem>>) offsets(%dma_start3A_61 : memref<128xi32, #tpu.memory_space<vmem>>) semaphore(%arg18 : memref<!tpu.dma_semaphore, #tpu.memory_space<semaphore_mem>>)
    %add3A_65 = arith.constant 256 : i32
    %add3A_66 = arith.addi %mul3A_2, %add3A_65 : i32
    %dma_start3A_67 = arith.constant 0 : i32
    %dma_start3A_68 = tpu.memref_slice %arg2[%add3A_66, %dma_start3A_67] : memref<16384x128xf32, #tpu.memory_space<hbm>> -> memref<128x128xf32, #tpu.memory_space<hbm>>
    %dma_start3A_69 = arith.constant 0 : i32
    %dma_start3A_70 = tpu.memref_slice %arg2[%add3A_66, %dma_start3A_69] : memref<16384x128xf32, #tpu.memory_space<hbm>> -> memref<128x128xf32, #tpu.memory_space<hbm>>
    tpu.enqueue_dma source(%dma_start3A_70 : memref<128x128xf32, #tpu.memory_space<hbm>>) target(%arg10 : memref<128x128xf32, #tpu.memory_space<vmem>>) target_semaphore(%arg18 : memref<!tpu.dma_semaphore, #tpu.memory_space<semaphore_mem>>)
    %scan3A_71 = arith.constant 0 : i32
    %scan3A_72 = arith.constant 0 : i32
    %scan3A_73 = arith.constant 128 : i32
    %scan3A_74 = arith.addi %scan3A_72, %scan3A_73 : i32
    %scan3A_75 = arith.constant 1 : i32
    %scan3A_76 = scf.for %scan3A_137 = %scan3A_72 to %scan3A_74 step %scan3A_75 iter_args(%scan3A_138 = %scan3A_71) -> (i32)  : i32 {
      %broadcast_in_dim3A = arith.constant 0.000000e+00 : f32
      %broadcast_in_dim3A_139 = vector.broadcast %broadcast_in_dim3A : f32 to vector<16xf32>
      %get3A = arith.index_cast %scan3A_137 : i32 to index
      %get3A_140 = arith.constant 0 : index
      %get3A_141 = tpu.vector_load %arg11[%get3A, %get3A_140] {strides = array<i32>} : memref<128x128xf32, #tpu.memory_space<vmem>>, vector<1x16xf32>,
      %get3A_142 = vector.shape_cast %get3A_141 : vector<1x16xf32> to vector<16xf32>
      %get3A_143 = arith.index_cast %scan3A_137 : i32 to index
      %get3A_144 = arith.constant 0 : index
      %get3A_145 = tpu.vector_load %arg12[%get3A_143, %get3A_144] {strides = array<i32>} : memref<128x128xf32, #tpu.memory_space<vmem>>, vector<1x16xf32>,
      %get3A_146 = vector.shape_cast %get3A_145 : vector<1x16xf32> to vector<16xf32>
      %mul3A_147 = arith.constant 1.000000e-01 : f32
      %mul3A_148 = vector.broadcast %mul3A_147 : f32 to vector<16xf32>
      %mul3A_149 = arith.mulf %get3A_142, %mul3A_148 : vector<16xf32>
      %mul3A_150 = arith.constant 0.899999976 : f32
      %mul3A_151 = vector.broadcast %mul3A_150 : f32 to vector<16xf32>
      %mul3A_152 = arith.mulf %get3A_146, %mul3A_151 : vector<16xf32>
      %add3A_153 = arith.addf %mul3A_149, %mul3A_152 : vector<16xf32>
      %mul3A_154 = arith.mulf %add3A_153, %add3A_153 : vector<16xf32>
      %add3A_155 = arith.addf %broadcast_in_dim3A_139, %mul3A_154 : vector<16xf32>
      %get3A_156 = arith.index_cast %scan3A_137 : i32 to index
      %get3A_157 = arith.constant 16 : index
      %get3A_158 = tpu.vector_load %arg11[%get3A_156, %get3A_157] {strides = array<i32>} : memref<128x128xf32, #tpu.memory_space<vmem>>, vector<1x16xf32>,
      %get3A_159 = vector.shape_cast %get3A_158 : vector<1x16xf32> to vector<16xf32>
      %get3A_160 = arith.index_cast %scan3A_137 : i32 to index
      %get3A_161 = arith.constant 16 : index
      %get3A_162 = tpu.vector_load %arg12[%get3A_160, %get3A_161] {strides = array<i32>} : memref<128x128xf32, #tpu.memory_space<vmem>>, vector<1x16xf32>,
      %get3A_163 = vector.shape_cast %get3A_162 : vector<1x16xf32> to vector<16xf32>
      %mul3A_164 = arith.constant 1.000000e-01 : f32
      %mul3A_165 = vector.broadcast %mul3A_164 : f32 to vector<16xf32>
      %mul3A_166 = arith.mulf %get3A_159, %mul3A_165 : vector<16xf32>
      %mul3A_167 = arith.constant 0.899999976 : f32
      %mul3A_168 = vector.broadcast %mul3A_167 : f32 to vector<16xf32>
      %mul3A_169 = arith.mulf %get3A_163, %mul3A_168 : vector<16xf32>
      %add3A_170 = arith.addf %mul3A_166, %mul3A_169 : vector<16xf32>
      %mul3A_171 = arith.mulf %add3A_170, %add3A_170 : vector<16xf32>
      %add3A_172 = arith.addf %add3A_155, %mul3A_171 : vector<16xf32>
      %get3A_173 = arith.index_cast %scan3A_137 : i32 to index
      %get3A_174 = arith.constant 32 : index
      %get3A_175 = tpu.vector_load %arg11[%get3A_173, %get3A_174] {strides = array<i32>} : memref<128x128xf32, #tpu.memory_space<vmem>>, vector<1x16xf32>,
      %get3A_176 = vector.shape_cast %get3A_175 : vector<1x16xf32> to vector<16xf32>
      %get3A_177 = arith.index_cast %scan3A_137 : i32 to index
      %get3A_178 = arith.constant 32 : index
      %get3A_179 = tpu.vector_load %arg12[%get3A_177, %get3A_178] {strides = array<i32>} : memref<128x128xf32, #tpu.memory_space<vmem>>, vector<1x16xf32>,
      %get3A_180 = vector.shape_cast %get3A_179 : vector<1x16xf32> to vector<16xf32>
      %mul3A_181 = arith.constant 1.000000e-01 : f32
      %mul3A_182 = vector.broadcast %mul3A_181 : f32 to vector<16xf32>
      %mul3A_183 = arith.mulf %get3A_176, %mul3A_182 : vector<16xf32>
      %mul3A_184 = arith.constant 0.899999976 : f32
      %mul3A_185 = vector.broadcast %mul3A_184 : f32 to vector<16xf32>
      %mul3A_186 = arith.mulf %get3A_180, %mul3A_185 : vector<16xf32>
      %add3A_187 = arith.addf %mul3A_183, %mul3A_186 : vector<16xf32>
      %mul3A_188 = arith.mulf %add3A_187, %add3A_187 : vector<16xf32>
      %add3A_189 = arith.addf %add3A_172, %mul3A_188 : vector<16xf32>
      %get3A_190 = arith.index_cast %scan3A_137 : i32 to index
      %get3A_191 = arith.constant 48 : index
      %get3A_192 = tpu.vector_load %arg11[%get3A_190, %get3A_191] {strides = array<i32>} : memref<128x128xf32, #tpu.memory_space<vmem>>, vector<1x16xf32>,
      %get3A_193 = vector.shape_cast %get3A_192 : vector<1x16xf32> to vector<16xf32>
      %get3A_194 = arith.index_cast %scan3A_137 : i32 to index
      %get3A_195 = arith.constant 48 : index
      %get3A_196 = tpu.vector_load %arg12[%get3A_194, %get3A_195] {strides = array<i32>} : memref<128x128xf32, #tpu.memory_space<vmem>>, vector<1x16xf32>,
      %get3A_197 = vector.shape_cast %get3A_196 : vector<1x16xf32> to vector<16xf32>
      %mul3A_198 = arith.constant 1.000000e-01 : f32
      %mul3A_199 = vector.broadcast %mul3A_198 : f32 to vector<16xf32>
      %mul3A_200 = arith.mulf %get3A_193, %mul3A_199 : vector<16xf32>
      %mul3A_201 = arith.constant 0.899999976 : f32
      %mul3A_202 = vector.broadcast %mul3A_201 : f32 to vector<16xf32>
      %mul3A_203 = arith.mulf %get3A_197, %mul3A_202 : vector<16xf32>
      %add3A_204 = arith.addf %mul3A_200, %mul3A_203 : vector<16xf32>
      %mul3A_205 = arith.mulf %add3A_204, %add3A_204 : vector<16xf32>
      %add3A_206 = arith.addf %add3A_189, %mul3A_205 : vector<16xf32>
      %get3A_207 = arith.index_cast %scan3A_137 : i32 to index
      %get3A_208 = arith.constant 64 : index
      %get3A_209 = tpu.vector_load %arg11[%get3A_207, %get3A_208] {strides = array<i32>} : memref<128x128xf32, #tpu.memory_space<vmem>>, vector<1x16xf32>,
      %get3A_210 = vector.shape_cast %get3A_209 : vector<1x16xf32> to vector<16xf32>
      %get3A_211 = arith.index_cast %scan3A_137 : i32 to index
      %get3A_212 = arith.constant 64 : index
      %get3A_213 = tpu.vector_load %arg12[%get3A_211, %get3A_212] {strides = array<i32>} : memref<128x128xf32, #tpu.memory_space<vmem>>, vector<1x16xf32>,
      %get3A_214 = vector.shape_cast %get3A_213 : vector<1x16xf32> to vector<16xf32>
      %mul3A_215 = arith.constant 1.000000e-01 : f32
      %mul3A_216 = vector.broadcast %mul3A_215 : f32 to vector<16xf32>
      %mul3A_217 = arith.mulf %get3A_210, %mul3A_216 : vector<16xf32>
      %mul3A_218 = arith.constant 0.899999976 : f32
      %mul3A_219 = vector.broadcast %mul3A_218 : f32 to vector<16xf32>
      %mul3A_220 = arith.mulf %get3A_214, %mul3A_219 : vector<16xf32>
      %add3A_221 = arith.addf %mul3A_217, %mul3A_220 : vector<16xf32>
      %mul3A_222 = arith.mulf %add3A_221, %add3A_221 : vector<16xf32>
      %add3A_223 = arith.addf %add3A_206, %mul3A_222 : vector<16xf32>
      %get3A_224 = arith.index_cast %scan3A_137 : i32 to index
      %get3A_225 = arith.constant 80 : index
      %get3A_226 = tpu.vector_load %arg11[%get3A_224, %get3A_225] {strides = array<i32>} : memref<128x128xf32, #tpu.memory_space<vmem>>, vector<1x16xf32>,
      %get3A_227 = vector.shape_cast %get3A_226 : vector<1x16xf32> to vector<16xf32>
      %get3A_228 = arith.index_cast %scan3A_137 : i32 to index
      %get3A_229 = arith.constant 80 : index
      %get3A_230 = tpu.vector_load %arg12[%get3A_228, %get3A_229] {strides = array<i32>} : memref<128x128xf32, #tpu.memory_space<vmem>>, vector<1x16xf32>,
      %get3A_231 = vector.shape_cast %get3A_230 : vector<1x16xf32> to vector<16xf32>
      %mul3A_232 = arith.constant 1.000000e-01 : f32
      %mul3A_233 = vector.broadcast %mul3A_232 : f32 to vector<16xf32>
      %mul3A_234 = arith.mulf %get3A_227, %mul3A_233 : vector<16xf32>
      %mul3A_235 = arith.constant 0.899999976 : f32
      %mul3A_236 = vector.broadcast %mul3A_235 : f32 to vector<16xf32>
      %mul3A_237 = arith.mulf %get3A_231, %mul3A_236 : vector<16xf32>
      %add3A_238 = arith.addf %mul3A_234, %mul3A_237 : vector<16xf32>
      %mul3A_239 = arith.mulf %add3A_238, %add3A_238 : vector<16xf32>
      %add3A_240 = arith.addf %add3A_223, %mul3A_239 : vector<16xf32>
      %get3A_241 = arith.index_cast %scan3A_137 : i32 to index
      %get3A_242 = arith.constant 96 : index
      %get3A_243 = tpu.vector_load %arg11[%get3A_241, %get3A_242] {strides = array<i32>} : memref<128x128xf32, #tpu.memory_space<vmem>>, vector<1x16xf32>,
      %get3A_244 = vector.shape_cast %get3A_243 : vector<1x16xf32> to vector<16xf32>
      %get3A_245 = arith.index_cast %scan3A_137 : i32 to index
      %get3A_246 = arith.constant 96 : index
      %get3A_247 = tpu.vector_load %arg12[%get3A_245, %get3A_246] {strides = array<i32>} : memref<128x128xf32, #tpu.memory_space<vmem>>, vector<1x16xf32>,
      %get3A_248 = vector.shape_cast %get3A_247 : vector<1x16xf32> to vector<16xf32>
      %mul3A_249 = arith.constant 1.000000e-01 : f32
      %mul3A_250 = vector.broadcast %mul3A_249 : f32 to vector<16xf32>
      %mul3A_251 = arith.mulf %get3A_244, %mul3A_250 : vector<16xf32>
      %mul3A_252 = arith.constant 0.899999976 : f32
      %mul3A_253 = vector.broadcast %mul3A_252 : f32 to vector<16xf32>
      %mul3A_254 = arith.mulf %get3A_248, %mul3A_253 : vector<16xf32>
      %add3A_255 = arith.addf %mul3A_251, %mul3A_254 : vector<16xf32>
      %mul3A_256 = arith.mulf %add3A_255, %add3A_255 : vector<16xf32>
      %add3A_257 = arith.addf %add3A_240, %mul3A_256 : vector<16xf32>
      %get3A_258 = arith.index_cast %scan3A_137 : i32 to index
      %get3A_259 = arith.constant 112 : index
      %get3A_260 = tpu.vector_load %arg11[%get3A_258, %get3A_259] {strides = array<i32>} : memref<128x128xf32, #tpu.memory_space<vmem>>, vector<1x16xf32>,
      %get3A_261 = vector.shape_cast %get3A_260 : vector<1x16xf32> to vector<16xf32>
      %get3A_262 = arith.index_cast %scan3A_137 : i32 to index
      %get3A_263 = arith.constant 112 : index
      %get3A_264 = tpu.vector_load %arg12[%get3A_262, %get3A_263] {strides = array<i32>} : memref<128x128xf32, #tpu.memory_space<vmem>>, vector<1x16xf32>,
      %get3A_265 = vector.shape_cast %get3A_264 : vector<1x16xf32> to vector<16xf32>
      %mul3A_266 = arith.constant 1.000000e-01 : f32
      %mul3A_267 = vector.broadcast %mul3A_266 : f32 to vector<16xf32>
      %mul3A_268 = arith.mulf %get3A_261, %mul3A_267 : vector<16xf32>
      %mul3A_269 = arith.constant 0.899999976 : f32
      %mul3A_270 = vector.broadcast %mul3A_269 : f32 to vector<16xf32>
      %mul3A_271 = arith.mulf %get3A_265, %mul3A_270 : vector<16xf32>
      %add3A_272 = arith.addf %mul3A_268, %mul3A_271 : vector<16xf32>
      %mul3A_273 = arith.mulf %add3A_272, %add3A_272 : vector<16xf32>
      %add3A_274 = arith.addf %add3A_257, %mul3A_273 : vector<16xf32>
      %iota3A = tpu.iota {dimensions = array<i32: 0>} : vector<16xi32>
      %xor3A = arith.constant 8 : i32
      %xor3A_275 = vector.broadcast %xor3A : i32 to vector<16xi32>
      %xor3A_276 = arith.xori %iota3A, %xor3A_275 : vector<16xi32>
      %broadcast_in_dim3A_277 = vector.shape_cast %xor3A_276 : vector<16xi32> to vector<16x1xi32>
      %gather3A = vector.shape_cast %broadcast_in_dim3A_277 : vector<16x1xi32> to vector<16xi32>
      %gather3A_278 = tpu.dynamic_gather %add3A_274[%gather3A] in [0] : vector<16xf32>, vector<16xi32> -> vector<16xf32>
      %add3A_279 = arith.addf %add3A_274, %gather3A_278 : vector<16xf32>
      %xor3A_280 = arith.constant 4 : i32
      %xor3A_281 = vector.broadcast %xor3A_280 : i32 to vector<16xi32>
      %xor3A_282 = arith.xori %iota3A, %xor3A_281 : vector<16xi32>
      %broadcast_in_dim3A_283 = vector.shape_cast %xor3A_282 : vector<16xi32> to vector<16x1xi32>
      %gather3A_284 = vector.shape_cast %broadcast_in_dim3A_283 : vector<16x1xi32> to vector<16xi32>
      %gather3A_285 = tpu.dynamic_gather %add3A_279[%gather3A_284] in [0] : vector<16xf32>, vector<16xi32> -> vector<16xf32>
      %add3A_286 = arith.addf %add3A_279, %gather3A_285 : vector<16xf32>
      %xor3A_287 = arith.constant 2 : i32
      %xor3A_288 = vector.broadcast %xor3A_287 : i32 to vector<16xi32>
      %xor3A_289 = arith.xori %iota3A, %xor3A_288 : vector<16xi32>
      %broadcast_in_dim3A_290 = vector.shape_cast %xor3A_289 : vector<16xi32> to vector<16x1xi32>
      %gather3A_291 = vector.shape_cast %broadcast_in_dim3A_290 : vector<16x1xi32> to vector<16xi32>
      %gather3A_292 = tpu.dynamic_gather %add3A_286[%gather3A_291] in [0] : vector<16xf32>, vector<16xi32> -> vector<16xf32>
      %add3A_293 = arith.addf %add3A_286, %gather3A_292 : vector<16xf32>
      %xor3A_294 = arith.constant 1 : i32
      %xor3A_295 = vector.broadcast %xor3A_294 : i32 to vector<16xi32>
      %xor3A_296 = arith.xori %iota3A, %xor3A_295 : vector<16xi32>
      %broadcast_in_dim3A_297 = vector.shape_cast %xor3A_296 : vector<16xi32> to vector<16x1xi32>
      %gather3A_298 = vector.shape_cast %broadcast_in_dim3A_297 : vector<16x1xi32> to vector<16xi32>
      %gather3A_299 = tpu.dynamic_gather %add3A_293[%gather3A_298] in [0] : vector<16xf32>, vector<16xi32> -> vector<16xf32>
      %add3A_300 = arith.addf %add3A_293, %gather3A_299 : vector<16xf32>
      %bitcast_convert_type3A = tpu.bitcast %add3A_300 : vector<16xf32> -> vector<16xi32>
      %shift_right_arithmetic3A = arith.constant 1 : i32
      %shift_right_arithmetic3A_301 = vector.broadcast %shift_right_arithmetic3A : i32 to vector<16xi32>
      %shift_right_arithmetic3A_302 = arith.shrsi %bitcast_convert_type3A, %shift_right_arithmetic3A_301 : vector<16xi32>
      %sub3A = arith.constant 1597463007 : i32
      %sub3A_303 = vector.broadcast %sub3A : i32 to vector<16xi32>
      %sub3A_304 = arith.subi %sub3A_303, %shift_right_arithmetic3A_302 : vector<16xi32>
      %bitcast_convert_type3A_305 = tpu.bitcast %sub3A_304 : vector<16xi32> -> vector<16xf32>
      %mul3A_306 = arith.constant 5.000000e-01 : f32
      %mul3A_307 = vector.broadcast %mul3A_306 : f32 to vector<16xf32>
      %mul3A_308 = arith.mulf %mul3A_307, %add3A_300 : vector<16xf32>
      %mul3A_309 = arith.mulf %mul3A_308, %bitcast_convert_type3A_305 : vector<16xf32>
      %mul3A_310 = arith.mulf %mul3A_309, %bitcast_convert_type3A_305 : vector<16xf32>
      %sub3A_311 = arith.constant 1.500000e+00 : f32
      %sub3A_312 = vector.broadcast %sub3A_311 : f32 to vector<16xf32>
      %sub3A_313 = arith.subf %sub3A_312, %mul3A_310 : vector<16xf32>
      %mul3A_314 = arith.mulf %bitcast_convert_type3A_305, %sub3A_313 : vector<16xf32>
      %mul3A_315 = arith.constant 5.000000e-01 : f32
      %mul3A_316 = vector.broadcast %mul3A_315 : f32 to vector<16xf32>
      %mul3A_317 = arith.mulf %mul3A_316, %add3A_300 : vector<16xf32>
      %mul3A_318 = arith.mulf %mul3A_317, %mul3A_314 : vector<16xf32>
      %mul3A_319 = arith.mulf %mul3A_318, %mul3A_314 : vector<16xf32>
      %sub3A_320 = arith.constant 1.500000e+00 : f32
      %sub3A_321 = vector.broadcast %sub3A_320 : f32 to vector<16xf32>
      %sub3A_322 = arith.subf %sub3A_321, %mul3A_319 : vector<16xf32>
      %mul3A_323 = arith.mulf %mul3A_314, %sub3A_322 : vector<16xf32>
      %mul3A_324 = arith.constant 5.000000e-01 : f32
      %mul3A_325 = vector.broadcast %mul3A_324 : f32 to vector<16xf32>
      %mul3A_326 = arith.mulf %mul3A_325, %add3A_300 : vector<16xf32>
      %mul3A_327 = arith.mulf %mul3A_326, %mul3A_323 : vector<16xf32>
      %mul3A_328 = arith.mulf %mul3A_327, %mul3A_323 : vector<16xf32>
      %sub3A_329 = arith.constant 1.500000e+00 : f32
      %sub3A_330 = vector.broadcast %sub3A_329 : f32 to vector<16xf32>
      %sub3A_331 = arith.subf %sub3A_330, %mul3A_328 : vector<16xf32>
      %mul3A_332 = arith.mulf %mul3A_323, %sub3A_331 : vector<16xf32>
      %mul3A_333 = arith.mulf %add3A_153, %mul3A_332 : vector<16xf32>
      %swap3A = arith.index_cast %scan3A_137 : i32 to index
      %swap3A_334 = arith.constant 0 : index
      %swap3A_335 = tpu.vector_load %arg11[%swap3A, %swap3A_334] {strides = array<i32>} : memref<128x128xf32, #tpu.memory_space<vmem>>, vector<1x16xf32>,
      %swap3A_336 = vector.shape_cast %swap3A_335 : vector<1x16xf32> to vector<16xf32>
      %swap3A_337 = vector.shape_cast %mul3A_333 : vector<16xf32> to vector<1x16xf32>
      tpu.vector_store %arg11[%swap3A, %swap3A_334], %swap3A_337 {strides = array<i32>} : memref<128x128xf32, #tpu.memory_space<vmem>>, vector<1x16xf32>,
      %mul3A_338 = arith.mulf %add3A_170, %mul3A_332 : vector<16xf32>
      %swap3A_339 = arith.index_cast %scan3A_137 : i32 to index
      %swap3A_340 = arith.constant 16 : index
      %swap3A_341 = tpu.vector_load %arg11[%swap3A_339, %swap3A_340] {strides = array<i32>} : memref<128x128xf32, #tpu.memory_space<vmem>>, vector<1x16xf32>,
      %swap3A_342 = vector.shape_cast %swap3A_341 : vector<1x16xf32> to vector<16xf32>
      %swap3A_343 = vector.shape_cast %mul3A_338 : vector<16xf32> to vector<1x16xf32>
      tpu.vector_store %arg11[%swap3A_339, %swap3A_340], %swap3A_343 {strides = array<i32>} : memref<128x128xf32, #tpu.memory_space<vmem>>, vector<1x16xf32>,
      %mul3A_344 = arith.mulf %add3A_187, %mul3A_332 : vector<16xf32>
      %swap3A_345 = arith.index_cast %scan3A_137 : i32 to index
      %swap3A_346 = arith.constant 32 : index
      %swap3A_347 = tpu.vector_load %arg11[%swap3A_345, %swap3A_346] {strides = array<i32>} : memref<128x128xf32, #tpu.memory_space<vmem>>, vector<1x16xf32>,
      %swap3A_348 = vector.shape_cast %swap3A_347 : vector<1x16xf32> to vector<16xf32>
      %swap3A_349 = vector.shape_cast %mul3A_344 : vector<16xf32> to vector<1x16xf32>
      tpu.vector_store %arg11[%swap3A_345, %swap3A_346], %swap3A_349 {strides = array<i32>} : memref<128x128xf32, #tpu.memory_space<vmem>>, vector<1x16xf32>,
      %mul3A_350 = arith.mulf %add3A_204, %mul3A_332 : vector<16xf32>
      %swap3A_351 = arith.index_cast %scan3A_137 : i32 to index
      %swap3A_352 = arith.constant 48 : index
      %swap3A_353 = tpu.vector_load %arg11[%swap3A_351, %swap3A_352] {strides = array<i32>} : memref<128x128xf32, #tpu.memory_space<vmem>>, vector<1x16xf32>,
      %swap3A_354 = vector.shape_cast %swap3A_353 : vector<1x16xf32> to vector<16xf32>
      %swap3A_355 = vector.shape_cast %mul3A_350 : vector<16xf32> to vector<1x16xf32>
      tpu.vector_store %arg11[%swap3A_351, %swap3A_352], %swap3A_355 {strides = array<i32>} : memref<128x128xf32, #tpu.memory_space<vmem>>, vector<1x16xf32>,
      %mul3A_356 = arith.mulf %add3A_221, %mul3A_332 : vector<16xf32>
      %swap3A_357 = arith.index_cast %scan3A_137 : i32 to index
      %swap3A_358 = arith.constant 64 : index
      %swap3A_359 = tpu.vector_load %arg11[%swap3A_357, %swap3A_358] {strides = array<i32>} : memref<128x128xf32, #tpu.memory_space<vmem>>, vector<1x16xf32>,
      %swap3A_360 = vector.shape_cast %swap3A_359 : vector<1x16xf32> to vector<16xf32>
      %swap3A_361 = vector.shape_cast %mul3A_356 : vector<16xf32> to vector<1x16xf32>
      tpu.vector_store %arg11[%swap3A_357, %swap3A_358], %swap3A_361 {strides = array<i32>} : memref<128x128xf32, #tpu.memory_space<vmem>>, vector<1x16xf32>,
      %mul3A_362 = arith.mulf %add3A_238, %mul3A_332 : vector<16xf32>
      %swap3A_363 = arith.index_cast %scan3A_137 : i32 to index
      %swap3A_364 = arith.constant 80 : index
      %swap3A_365 = tpu.vector_load %arg11[%swap3A_363, %swap3A_364] {strides = array<i32>} : memref<128x128xf32, #tpu.memory_space<vmem>>, vector<1x16xf32>,
      %swap3A_366 = vector.shape_cast %swap3A_365 : vector<1x16xf32> to vector<16xf32>
      %swap3A_367 = vector.shape_cast %mul3A_362 : vector<16xf32> to vector<1x16xf32>
      tpu.vector_store %arg11[%swap3A_363, %swap3A_364], %swap3A_367 {strides = array<i32>} : memref<128x128xf32, #tpu.memory_space<vmem>>, vector<1x16xf32>,
      %mul3A_368 = arith.mulf %add3A_255, %mul3A_332 : vector<16xf32>
      %swap3A_369 = arith.index_cast %scan3A_137 : i32 to index
      %swap3A_370 = arith.constant 96 : index
      %swap3A_371 = tpu.vector_load %arg11[%swap3A_369, %swap3A_370] {strides = array<i32>} : memref<128x128xf32, #tpu.memory_space<vmem>>, vector<1x16xf32>,
      %swap3A_372 = vector.shape_cast %swap3A_371 : vector<1x16xf32> to vector<16xf32>
      %swap3A_373 = vector.shape_cast %mul3A_368 : vector<16xf32> to vector<1x16xf32>
      tpu.vector_store %arg11[%swap3A_369, %swap3A_370], %swap3A_373 {strides = array<i32>} : memref<128x128xf32, #tpu.memory_space<vmem>>, vector<1x16xf32>,
      %mul3A_374 = arith.mulf %add3A_272, %mul3A_332 : vector<16xf32>
      %swap3A_375 = arith.index_cast %scan3A_137 : i32 to index
      %swap3A_376 = arith.constant 112 : index
      %swap3A_377 = tpu.vector_load %arg11[%swap3A_375, %swap3A_376] {strides = array<i32>} : memref<128x128xf32, #tpu.memory_space<vmem>>, vector<1x16xf32>,
      %swap3A_378 = vector.shape_cast %swap3A_377 : vector<1x16xf32> to vector<16xf32>
      %swap3A_379 = vector.shape_cast %mul3A_374 : vector<16xf32> to vector<1x16xf32>
      tpu.vector_store %arg11[%swap3A_375, %swap3A_376], %swap3A_379 {strides = array<i32>} : memref<128x128xf32, #tpu.memory_space<vmem>>, vector<1x16xf32>,
      %scan3A_380 = arith.constant 0 : i32
      scf.yield %scan3A_380 : i32
    }
    %scan3A_77 = arith.constant 128 : i32
    %add3A_78 = arith.constant 128 : i32
    %add3A_79 = arith.addi %mul3A_2, %add3A_78 : i32
    "tpu.region"() ({
      %run_scoped3A = tpu.sem_alloc : memref<!tpu.dma_semaphore, #tpu.memory_space<semaphore_mem>>
      %dma_start3A_137 = arith.constant 0 : i32
      %dma_start3A_138 = tpu.memref_slice %arg6[%add3A_79, %dma_start3A_137] : memref<16400x128xf32, #tpu.memory_space<hbm>> -> memref<128x128xf32, #tpu.memory_space<hbm>>
      %dma_start3A_139 = arith.constant 0 : i32
      %dma_start3A_140 = tpu.memref_slice %arg6[%add3A_79, %dma_start3A_139] : memref<16400x128xf32, #tpu.memory_space<hbm>> -> memref<128x128xf32, #tpu.memory_space<hbm>>
      tpu.enqueue_dma source(%arg11 : memref<128x128xf32, #tpu.memory_space<vmem>>) target(%dma_start3A_140 : memref<128x128xf32, #tpu.memory_space<hbm>>) target_semaphore(%run_scoped3A : memref<!tpu.dma_semaphore, #tpu.memory_space<semaphore_mem>>)
      %dma_wait3A_141 = arith.constant 0 : i32
      %dma_wait3A_142 = tpu.memref_slice %arg6[%add3A_79, %dma_wait3A_141] : memref<16400x128xf32, #tpu.memory_space<hbm>> -> memref<128x128xf32, #tpu.memory_space<hbm>>
      %dma_wait3A_143 = arith.constant 0 : i32
      %dma_wait3A_144 = tpu.memref_slice %arg6[%add3A_79, %dma_wait3A_143] : memref<16400x128xf32, #tpu.memory_space<hbm>> -> memref<128x128xf32, #tpu.memory_space<hbm>>
      tpu.wait_dma2 semaphore(%run_scoped3A : memref<!tpu.dma_semaphore, #tpu.memory_space<semaphore_mem>>) src(%arg11 : memref<128x128xf32, #tpu.memory_space<vmem>>) dst(%dma_wait3A_144 : memref<128x128xf32, #tpu.memory_space<hbm>>)
      tpu.yield
    }) : () -> ()
    %dma_wait3A_80 = arith.constant 256 : i32
    %dma_wait3A_81 = tpu.memref_slice %arg8[%dma_wait3A_80] : memref<512xi32, #tpu.memory_space<vmem>> -> memref<128xi32, #tpu.memory_space<vmem>>
    %dma_wait3A_82 = arith.constant 0 : i32
    %dma_wait3A_83 = arith.constant 0 : i32
    %dma_wait3A_84 = tpu.memref_slice %arg5[%dma_wait3A_82, %dma_wait3A_83] : memref<200000x128xf32, #tpu.memory_space<hbm>> -> memref<200000x128xf32, #tpu.memory_space<hbm>>
    tpu.wait_indirect_dma semaphore(%arg18 : memref<!tpu.dma_semaphore, #tpu.memory_space<semaphore_mem>>) src(%dma_wait3A_84 : memref<200000x128xf32, #tpu.memory_space<hbm>>) dst(%arg9 : memref<128x128xf32, #tpu.memory_space<vmem>>)
    %add3A_85 = arith.constant 256 : i32
    %add3A_86 = arith.addi %mul3A_2, %add3A_85 : i32
    %dma_wait3A_87 = arith.constant 0 : i32
    %dma_wait3A_88 = tpu.memref_slice %arg2[%add3A_86, %dma_wait3A_87] : memref<16384x128xf32, #tpu.memory_space<hbm>> -> memref<128x128xf32, #tpu.memory_space<hbm>>
    %dma_wait3A_89 = arith.constant 0 : i32
    %dma_wait3A_90 = tpu.memref_slice %arg2[%add3A_86, %dma_wait3A_89] : memref<16384x128xf32, #tpu.memory_space<hbm>> -> memref<128x128xf32, #tpu.memory_space<hbm>>
    tpu.wait_dma2 semaphore(%arg18 : memref<!tpu.dma_semaphore, #tpu.memory_space<semaphore_mem>>) src(%dma_wait3A_90 : memref<128x128xf32, #tpu.memory_space<hbm>>) dst(%arg10 : memref<128x128xf32, #tpu.memory_space<vmem>>)
    %dma_start3A_91 = arith.constant 384 : i32
    %dma_start3A_92 = tpu.memref_slice %arg8[%dma_start3A_91] : memref<512xi32, #tpu.memory_space<vmem>> -> memref<128xi32, #tpu.memory_space<vmem>>
    %dma_start3A_93 = arith.constant 0 : i32
    %dma_start3A_94 = arith.constant 0 : i32
    %dma_start3A_95 = tpu.memref_slice %arg5[%dma_start3A_93, %dma_start3A_94] : memref<200000x128xf32, #tpu.memory_space<hbm>> -> memref<200000x128xf32, #tpu.memory_space<hbm>>
    tpu.enqueue_indirect_dma source(%dma_start3A_95 : memref<200000x128xf32, #tpu.memory_space<hbm>>) target(%arg11 : memref<128x128xf32, #tpu.memory_space<vmem>>) offsets(%dma_start3A_92 : memref<128xi32, #tpu.memory_space<vmem>>) semaphore(%arg19 : memref<!tpu.dma_semaphore, #tpu.memory_space<semaphore_mem>>)
    %add3A_96 = arith.constant 384 : i32
    %add3A_97 = arith.addi %mul3A_2, %add3A_96 : i32
    %dma_start3A_98 = arith.constant 0 : i32
    %dma_start3A_99 = tpu.memref_slice %arg2[%add3A_97, %dma_start3A_98] : memref<16384x128xf32, #tpu.memory_space<hbm>> -> memref<128x128xf32, #tpu.memory_space<hbm>>
    %dma_start3A_100 = arith.constant 0 : i32
    %dma_start3A_101 = tpu.memref_slice %arg2[%add3A_97, %dma_start3A_100] : memref<16384x128xf32, #tpu.memory_space<hbm>> -> memref<128x128xf32, #tpu.memory_space<hbm>>
    tpu.enqueue_dma source(%dma_start3A_101 : memref<128x128xf32, #tpu.memory_space<hbm>>) target(%arg12 : memref<128x128xf32, #tpu.memory_space<vmem>>) target_semaphore(%arg19 : memref<!tpu.dma_semaphore, #tpu.memory_space<semaphore_mem>>)
    %scan3A_102 = arith.constant 0 : i32
    %scan3A_103 = arith.constant 0 : i32
    %scan3A_104 = arith.constant 128 : i32
    %scan3A_105 = arith.addi %scan3A_103, %scan3A_104 : i32
    %scan3A_106 = arith.constant 1 : i32
    %scan3A_107 = scf.for %scan3A_137 = %scan3A_103 to %scan3A_105 step %scan3A_106 iter_args(%scan3A_138 = %scan3A_102) -> (i32)  : i32 {
      %broadcast_in_dim3A = arith.constant 0.000000e+00 : f32
      %broadcast_in_dim3A_139 = vector.broadcast %broadcast_in_dim3A : f32 to vector<16xf32>
      %get3A = arith.index_cast %scan3A_137 : i32 to index
      %get3A_140 = arith.constant 0 : index
      %get3A_141 = tpu.vector_load %arg9[%get3A, %get3A_140] {strides = array<i32>} : memref<128x128xf32, #tpu.memory_space<vmem>>, vector<1x16xf32>,
      %get3A_142 = vector.shape_cast %get3A_141 : vector<1x16xf32> to vector<16xf32>
      %get3A_143 = arith.index_cast %scan3A_137 : i32 to index
      %get3A_144 = arith.constant 0 : index
      %get3A_145 = tpu.vector_load %arg10[%get3A_143, %get3A_144] {strides = array<i32>} : memref<128x128xf32, #tpu.memory_space<vmem>>, vector<1x16xf32>,
      %get3A_146 = vector.shape_cast %get3A_145 : vector<1x16xf32> to vector<16xf32>
      %mul3A_147 = arith.constant 1.000000e-01 : f32
      %mul3A_148 = vector.broadcast %mul3A_147 : f32 to vector<16xf32>
      %mul3A_149 = arith.mulf %get3A_142, %mul3A_148 : vector<16xf32>
      %mul3A_150 = arith.constant 0.899999976 : f32
      %mul3A_151 = vector.broadcast %mul3A_150 : f32 to vector<16xf32>
      %mul3A_152 = arith.mulf %get3A_146, %mul3A_151 : vector<16xf32>
      %add3A_153 = arith.addf %mul3A_149, %mul3A_152 : vector<16xf32>
      %mul3A_154 = arith.mulf %add3A_153, %add3A_153 : vector<16xf32>
      %add3A_155 = arith.addf %broadcast_in_dim3A_139, %mul3A_154 : vector<16xf32>
      %get3A_156 = arith.index_cast %scan3A_137 : i32 to index
      %get3A_157 = arith.constant 16 : index
      %get3A_158 = tpu.vector_load %arg9[%get3A_156, %get3A_157] {strides = array<i32>} : memref<128x128xf32, #tpu.memory_space<vmem>>, vector<1x16xf32>,
      %get3A_159 = vector.shape_cast %get3A_158 : vector<1x16xf32> to vector<16xf32>
      %get3A_160 = arith.index_cast %scan3A_137 : i32 to index
      %get3A_161 = arith.constant 16 : index
      %get3A_162 = tpu.vector_load %arg10[%get3A_160, %get3A_161] {strides = array<i32>} : memref<128x128xf32, #tpu.memory_space<vmem>>, vector<1x16xf32>,
      %get3A_163 = vector.shape_cast %get3A_162 : vector<1x16xf32> to vector<16xf32>
      %mul3A_164 = arith.constant 1.000000e-01 : f32
      %mul3A_165 = vector.broadcast %mul3A_164 : f32 to vector<16xf32>
      %mul3A_166 = arith.mulf %get3A_159, %mul3A_165 : vector<16xf32>
      %mul3A_167 = arith.constant 0.899999976 : f32
      %mul3A_168 = vector.broadcast %mul3A_167 : f32 to vector<16xf32>
      %mul3A_169 = arith.mulf %get3A_163, %mul3A_168 : vector<16xf32>
      %add3A_170 = arith.addf %mul3A_166, %mul3A_169 : vector<16xf32>
      %mul3A_171 = arith.mulf %add3A_170, %add3A_170 : vector<16xf32>
      %add3A_172 = arith.addf %add3A_155, %mul3A_171 : vector<16xf32>
      %get3A_173 = arith.index_cast %scan3A_137 : i32 to index
      %get3A_174 = arith.constant 32 : index
      %get3A_175 = tpu.vector_load %arg9[%get3A_173, %get3A_174] {strides = array<i32>} : memref<128x128xf32, #tpu.memory_space<vmem>>, vector<1x16xf32>,
      %get3A_176 = vector.shape_cast %get3A_175 : vector<1x16xf32> to vector<16xf32>
      %get3A_177 = arith.index_cast %scan3A_137 : i32 to index
      %get3A_178 = arith.constant 32 : index
      %get3A_179 = tpu.vector_load %arg10[%get3A_177, %get3A_178] {strides = array<i32>} : memref<128x128xf32, #tpu.memory_space<vmem>>, vector<1x16xf32>,
      %get3A_180 = vector.shape_cast %get3A_179 : vector<1x16xf32> to vector<16xf32>
      %mul3A_181 = arith.constant 1.000000e-01 : f32
      %mul3A_182 = vector.broadcast %mul3A_181 : f32 to vector<16xf32>
      %mul3A_183 = arith.mulf %get3A_176, %mul3A_182 : vector<16xf32>
      %mul3A_184 = arith.constant 0.899999976 : f32
      %mul3A_185 = vector.broadcast %mul3A_184 : f32 to vector<16xf32>
      %mul3A_186 = arith.mulf %get3A_180, %mul3A_185 : vector<16xf32>
      %add3A_187 = arith.addf %mul3A_183, %mul3A_186 : vector<16xf32>
      %mul3A_188 = arith.mulf %add3A_187, %add3A_187 : vector<16xf32>
      %add3A_189 = arith.addf %add3A_172, %mul3A_188 : vector<16xf32>
      %get3A_190 = arith.index_cast %scan3A_137 : i32 to index
      %get3A_191 = arith.constant 48 : index
      %get3A_192 = tpu.vector_load %arg9[%get3A_190, %get3A_191] {strides = array<i32>} : memref<128x128xf32, #tpu.memory_space<vmem>>, vector<1x16xf32>,
      %get3A_193 = vector.shape_cast %get3A_192 : vector<1x16xf32> to vector<16xf32>
      %get3A_194 = arith.index_cast %scan3A_137 : i32 to index
      %get3A_195 = arith.constant 48 : index
      %get3A_196 = tpu.vector_load %arg10[%get3A_194, %get3A_195] {strides = array<i32>} : memref<128x128xf32, #tpu.memory_space<vmem>>, vector<1x16xf32>,
      %get3A_197 = vector.shape_cast %get3A_196 : vector<1x16xf32> to vector<16xf32>
      %mul3A_198 = arith.constant 1.000000e-01 : f32
      %mul3A_199 = vector.broadcast %mul3A_198 : f32 to vector<16xf32>
      %mul3A_200 = arith.mulf %get3A_193, %mul3A_199 : vector<16xf32>
      %mul3A_201 = arith.constant 0.899999976 : f32
      %mul3A_202 = vector.broadcast %mul3A_201 : f32 to vector<16xf32>
      %mul3A_203 = arith.mulf %get3A_197, %mul3A_202 : vector<16xf32>
      %add3A_204 = arith.addf %mul3A_200, %mul3A_203 : vector<16xf32>
      %mul3A_205 = arith.mulf %add3A_204, %add3A_204 : vector<16xf32>
      %add3A_206 = arith.addf %add3A_189, %mul3A_205 : vector<16xf32>
      %get3A_207 = arith.index_cast %scan3A_137 : i32 to index
      %get3A_208 = arith.constant 64 : index
      %get3A_209 = tpu.vector_load %arg9[%get3A_207, %get3A_208] {strides = array<i32>} : memref<128x128xf32, #tpu.memory_space<vmem>>, vector<1x16xf32>,
      %get3A_210 = vector.shape_cast %get3A_209 : vector<1x16xf32> to vector<16xf32>
      %get3A_211 = arith.index_cast %scan3A_137 : i32 to index
      %get3A_212 = arith.constant 64 : index
      %get3A_213 = tpu.vector_load %arg10[%get3A_211, %get3A_212] {strides = array<i32>} : memref<128x128xf32, #tpu.memory_space<vmem>>, vector<1x16xf32>,
      %get3A_214 = vector.shape_cast %get3A_213 : vector<1x16xf32> to vector<16xf32>
      %mul3A_215 = arith.constant 1.000000e-01 : f32
      %mul3A_216 = vector.broadcast %mul3A_215 : f32 to vector<16xf32>
      %mul3A_217 = arith.mulf %get3A_210, %mul3A_216 : vector<16xf32>
      %mul3A_218 = arith.constant 0.899999976 : f32
      %mul3A_219 = vector.broadcast %mul3A_218 : f32 to vector<16xf32>
      %mul3A_220 = arith.mulf %get3A_214, %mul3A_219 : vector<16xf32>
      %add3A_221 = arith.addf %mul3A_217, %mul3A_220 : vector<16xf32>
      %mul3A_222 = arith.mulf %add3A_221, %add3A_221 : vector<16xf32>
      %add3A_223 = arith.addf %add3A_206, %mul3A_222 : vector<16xf32>
      %get3A_224 = arith.index_cast %scan3A_137 : i32 to index
      %get3A_225 = arith.constant 80 : index
      %get3A_226 = tpu.vector_load %arg9[%get3A_224, %get3A_225] {strides = array<i32>} : memref<128x128xf32, #tpu.memory_space<vmem>>, vector<1x16xf32>,
      %get3A_227 = vector.shape_cast %get3A_226 : vector<1x16xf32> to vector<16xf32>
      %get3A_228 = arith.index_cast %scan3A_137 : i32 to index
      %get3A_229 = arith.constant 80 : index
      %get3A_230 = tpu.vector_load %arg10[%get3A_228, %get3A_229] {strides = array<i32>} : memref<128x128xf32, #tpu.memory_space<vmem>>, vector<1x16xf32>,
      %get3A_231 = vector.shape_cast %get3A_230 : vector<1x16xf32> to vector<16xf32>
      %mul3A_232 = arith.constant 1.000000e-01 : f32
      %mul3A_233 = vector.broadcast %mul3A_232 : f32 to vector<16xf32>
      %mul3A_234 = arith.mulf %get3A_227, %mul3A_233 : vector<16xf32>
      %mul3A_235 = arith.constant 0.899999976 : f32
      %mul3A_236 = vector.broadcast %mul3A_235 : f32 to vector<16xf32>
      %mul3A_237 = arith.mulf %get3A_231, %mul3A_236 : vector<16xf32>
      %add3A_238 = arith.addf %mul3A_234, %mul3A_237 : vector<16xf32>
      %mul3A_239 = arith.mulf %add3A_238, %add3A_238 : vector<16xf32>
      %add3A_240 = arith.addf %add3A_223, %mul3A_239 : vector<16xf32>
      %get3A_241 = arith.index_cast %scan3A_137 : i32 to index
      %get3A_242 = arith.constant 96 : index
      %get3A_243 = tpu.vector_load %arg9[%get3A_241, %get3A_242] {strides = array<i32>} : memref<128x128xf32, #tpu.memory_space<vmem>>, vector<1x16xf32>,
      %get3A_244 = vector.shape_cast %get3A_243 : vector<1x16xf32> to vector<16xf32>
      %get3A_245 = arith.index_cast %scan3A_137 : i32 to index
      %get3A_246 = arith.constant 96 : index
      %get3A_247 = tpu.vector_load %arg10[%get3A_245, %get3A_246] {strides = array<i32>} : memref<128x128xf32, #tpu.memory_space<vmem>>, vector<1x16xf32>,
      %get3A_248 = vector.shape_cast %get3A_247 : vector<1x16xf32> to vector<16xf32>
      %mul3A_249 = arith.constant 1.000000e-01 : f32
      %mul3A_250 = vector.broadcast %mul3A_249 : f32 to vector<16xf32>
      %mul3A_251 = arith.mulf %get3A_244, %mul3A_250 : vector<16xf32>
      %mul3A_252 = arith.constant 0.899999976 : f32
      %mul3A_253 = vector.broadcast %mul3A_252 : f32 to vector<16xf32>
      %mul3A_254 = arith.mulf %get3A_248, %mul3A_253 : vector<16xf32>
      %add3A_255 = arith.addf %mul3A_251, %mul3A_254 : vector<16xf32>
      %mul3A_256 = arith.mulf %add3A_255, %add3A_255 : vector<16xf32>
      %add3A_257 = arith.addf %add3A_240, %mul3A_256 : vector<16xf32>
      %get3A_258 = arith.index_cast %scan3A_137 : i32 to index
      %get3A_259 = arith.constant 112 : index
      %get3A_260 = tpu.vector_load %arg9[%get3A_258, %get3A_259] {strides = array<i32>} : memref<128x128xf32, #tpu.memory_space<vmem>>, vector<1x16xf32>,
      %get3A_261 = vector.shape_cast %get3A_260 : vector<1x16xf32> to vector<16xf32>
      %get3A_262 = arith.index_cast %scan3A_137 : i32 to index
      %get3A_263 = arith.constant 112 : index
      %get3A_264 = tpu.vector_load %arg10[%get3A_262, %get3A_263] {strides = array<i32>} : memref<128x128xf32, #tpu.memory_space<vmem>>, vector<1x16xf32>,
      %get3A_265 = vector.shape_cast %get3A_264 : vector<1x16xf32> to vector<16xf32>
      %mul3A_266 = arith.constant 1.000000e-01 : f32
      %mul3A_267 = vector.broadcast %mul3A_266 : f32 to vector<16xf32>
      %mul3A_268 = arith.mulf %get3A_261, %mul3A_267 : vector<16xf32>
      %mul3A_269 = arith.constant 0.899999976 : f32
      %mul3A_270 = vector.broadcast %mul3A_269 : f32 to vector<16xf32>
      %mul3A_271 = arith.mulf %get3A_265, %mul3A_270 : vector<16xf32>
      %add3A_272 = arith.addf %mul3A_268, %mul3A_271 : vector<16xf32>
      %mul3A_273 = arith.mulf %add3A_272, %add3A_272 : vector<16xf32>
      %add3A_274 = arith.addf %add3A_257, %mul3A_273 : vector<16xf32>
      %iota3A = tpu.iota {dimensions = array<i32: 0>} : vector<16xi32>
      %xor3A = arith.constant 8 : i32
      %xor3A_275 = vector.broadcast %xor3A : i32 to vector<16xi32>
      %xor3A_276 = arith.xori %iota3A, %xor3A_275 : vector<16xi32>
      %broadcast_in_dim3A_277 = vector.shape_cast %xor3A_276 : vector<16xi32> to vector<16x1xi32>
      %gather3A = vector.shape_cast %broadcast_in_dim3A_277 : vector<16x1xi32> to vector<16xi32>
      %gather3A_278 = tpu.dynamic_gather %add3A_274[%gather3A] in [0] : vector<16xf32>, vector<16xi32> -> vector<16xf32>
      %add3A_279 = arith.addf %add3A_274, %gather3A_278 : vector<16xf32>
      %xor3A_280 = arith.constant 4 : i32
      %xor3A_281 = vector.broadcast %xor3A_280 : i32 to vector<16xi32>
      %xor3A_282 = arith.xori %iota3A, %xor3A_281 : vector<16xi32>
      %broadcast_in_dim3A_283 = vector.shape_cast %xor3A_282 : vector<16xi32> to vector<16x1xi32>
      %gather3A_284 = vector.shape_cast %broadcast_in_dim3A_283 : vector<16x1xi32> to vector<16xi32>
      %gather3A_285 = tpu.dynamic_gather %add3A_279[%gather3A_284] in [0] : vector<16xf32>, vector<16xi32> -> vector<16xf32>
      %add3A_286 = arith.addf %add3A_279, %gather3A_285 : vector<16xf32>
      %xor3A_287 = arith.constant 2 : i32
      %xor3A_288 = vector.broadcast %xor3A_287 : i32 to vector<16xi32>
      %xor3A_289 = arith.xori %iota3A, %xor3A_288 : vector<16xi32>
      %broadcast_in_dim3A_290 = vector.shape_cast %xor3A_289 : vector<16xi32> to vector<16x1xi32>
      %gather3A_291 = vector.shape_cast %broadcast_in_dim3A_290 : vector<16x1xi32> to vector<16xi32>
      %gather3A_292 = tpu.dynamic_gather %add3A_286[%gather3A_291] in [0] : vector<16xf32>, vector<16xi32> -> vector<16xf32>
      %add3A_293 = arith.addf %add3A_286, %gather3A_292 : vector<16xf32>
      %xor3A_294 = arith.constant 1 : i32
      %xor3A_295 = vector.broadcast %xor3A_294 : i32 to vector<16xi32>
      %xor3A_296 = arith.xori %iota3A, %xor3A_295 : vector<16xi32>
      %broadcast_in_dim3A_297 = vector.shape_cast %xor3A_296 : vector<16xi32> to vector<16x1xi32>
      %gather3A_298 = vector.shape_cast %broadcast_in_dim3A_297 : vector<16x1xi32> to vector<16xi32>
      %gather3A_299 = tpu.dynamic_gather %add3A_293[%gather3A_298] in [0] : vector<16xf32>, vector<16xi32> -> vector<16xf32>
      %add3A_300 = arith.addf %add3A_293, %gather3A_299 : vector<16xf32>
      %bitcast_convert_type3A = tpu.bitcast %add3A_300 : vector<16xf32> -> vector<16xi32>
      %shift_right_arithmetic3A = arith.constant 1 : i32
      %shift_right_arithmetic3A_301 = vector.broadcast %shift_right_arithmetic3A : i32 to vector<16xi32>
      %shift_right_arithmetic3A_302 = arith.shrsi %bitcast_convert_type3A, %shift_right_arithmetic3A_301 : vector<16xi32>
      %sub3A = arith.constant 1597463007 : i32
      %sub3A_303 = vector.broadcast %sub3A : i32 to vector<16xi32>
      %sub3A_304 = arith.subi %sub3A_303, %shift_right_arithmetic3A_302 : vector<16xi32>
      %bitcast_convert_type3A_305 = tpu.bitcast %sub3A_304 : vector<16xi32> -> vector<16xf32>
      %mul3A_306 = arith.constant 5.000000e-01 : f32
      %mul3A_307 = vector.broadcast %mul3A_306 : f32 to vector<16xf32>
      %mul3A_308 = arith.mulf %mul3A_307, %add3A_300 : vector<16xf32>
      %mul3A_309 = arith.mulf %mul3A_308, %bitcast_convert_type3A_305 : vector<16xf32>
      %mul3A_310 = arith.mulf %mul3A_309, %bitcast_convert_type3A_305 : vector<16xf32>
      %sub3A_311 = arith.constant 1.500000e+00 : f32
      %sub3A_312 = vector.broadcast %sub3A_311 : f32 to vector<16xf32>
      %sub3A_313 = arith.subf %sub3A_312, %mul3A_310 : vector<16xf32>
      %mul3A_314 = arith.mulf %bitcast_convert_type3A_305, %sub3A_313 : vector<16xf32>
      %mul3A_315 = arith.constant 5.000000e-01 : f32
      %mul3A_316 = vector.broadcast %mul3A_315 : f32 to vector<16xf32>
      %mul3A_317 = arith.mulf %mul3A_316, %add3A_300 : vector<16xf32>
      %mul3A_318 = arith.mulf %mul3A_317, %mul3A_314 : vector<16xf32>
      %mul3A_319 = arith.mulf %mul3A_318, %mul3A_314 : vector<16xf32>
      %sub3A_320 = arith.constant 1.500000e+00 : f32
      %sub3A_321 = vector.broadcast %sub3A_320 : f32 to vector<16xf32>
      %sub3A_322 = arith.subf %sub3A_321, %mul3A_319 : vector<16xf32>
      %mul3A_323 = arith.mulf %mul3A_314, %sub3A_322 : vector<16xf32>
      %mul3A_324 = arith.constant 5.000000e-01 : f32
      %mul3A_325 = vector.broadcast %mul3A_324 : f32 to vector<16xf32>
      %mul3A_326 = arith.mulf %mul3A_325, %add3A_300 : vector<16xf32>
      %mul3A_327 = arith.mulf %mul3A_326, %mul3A_323 : vector<16xf32>
      %mul3A_328 = arith.mulf %mul3A_327, %mul3A_323 : vector<16xf32>
      %sub3A_329 = arith.constant 1.500000e+00 : f32
      %sub3A_330 = vector.broadcast %sub3A_329 : f32 to vector<16xf32>
      %sub3A_331 = arith.subf %sub3A_330, %mul3A_328 : vector<16xf32>
      %mul3A_332 = arith.mulf %mul3A_323, %sub3A_331 : vector<16xf32>
      %mul3A_333 = arith.mulf %add3A_153, %mul3A_332 : vector<16xf32>
      %swap3A = arith.index_cast %scan3A_137 : i32 to index
      %swap3A_334 = arith.constant 0 : index
      %swap3A_335 = tpu.vector_load %arg9[%swap3A, %swap3A_334] {strides = array<i32>} : memref<128x128xf32, #tpu.memory_space<vmem>>, vector<1x16xf32>,
      %swap3A_336 = vector.shape_cast %swap3A_335 : vector<1x16xf32> to vector<16xf32>
      %swap3A_337 = vector.shape_cast %mul3A_333 : vector<16xf32> to vector<1x16xf32>
      tpu.vector_store %arg9[%swap3A, %swap3A_334], %swap3A_337 {strides = array<i32>} : memref<128x128xf32, #tpu.memory_space<vmem>>, vector<1x16xf32>,
      %mul3A_338 = arith.mulf %add3A_170, %mul3A_332 : vector<16xf32>
      %swap3A_339 = arith.index_cast %scan3A_137 : i32 to index
      %swap3A_340 = arith.constant 16 : index
      %swap3A_341 = tpu.vector_load %arg9[%swap3A_339, %swap3A_340] {strides = array<i32>} : memref<128x128xf32, #tpu.memory_space<vmem>>, vector<1x16xf32>,
      %swap3A_342 = vector.shape_cast %swap3A_341 : vector<1x16xf32> to vector<16xf32>
      %swap3A_343 = vector.shape_cast %mul3A_338 : vector<16xf32> to vector<1x16xf32>
      tpu.vector_store %arg9[%swap3A_339, %swap3A_340], %swap3A_343 {strides = array<i32>} : memref<128x128xf32, #tpu.memory_space<vmem>>, vector<1x16xf32>,
      %mul3A_344 = arith.mulf %add3A_187, %mul3A_332 : vector<16xf32>
      %swap3A_345 = arith.index_cast %scan3A_137 : i32 to index
      %swap3A_346 = arith.constant 32 : index
      %swap3A_347 = tpu.vector_load %arg9[%swap3A_345, %swap3A_346] {strides = array<i32>} : memref<128x128xf32, #tpu.memory_space<vmem>>, vector<1x16xf32>,
      %swap3A_348 = vector.shape_cast %swap3A_347 : vector<1x16xf32> to vector<16xf32>
      %swap3A_349 = vector.shape_cast %mul3A_344 : vector<16xf32> to vector<1x16xf32>
      tpu.vector_store %arg9[%swap3A_345, %swap3A_346], %swap3A_349 {strides = array<i32>} : memref<128x128xf32, #tpu.memory_space<vmem>>, vector<1x16xf32>,
      %mul3A_350 = arith.mulf %add3A_204, %mul3A_332 : vector<16xf32>
      %swap3A_351 = arith.index_cast %scan3A_137 : i32 to index
      %swap3A_352 = arith.constant 48 : index
      %swap3A_353 = tpu.vector_load %arg9[%swap3A_351, %swap3A_352] {strides = array<i32>} : memref<128x128xf32, #tpu.memory_space<vmem>>, vector<1x16xf32>,
      %swap3A_354 = vector.shape_cast %swap3A_353 : vector<1x16xf32> to vector<16xf32>
      %swap3A_355 = vector.shape_cast %mul3A_350 : vector<16xf32> to vector<1x16xf32>
      tpu.vector_store %arg9[%swap3A_351, %swap3A_352], %swap3A_355 {strides = array<i32>} : memref<128x128xf32, #tpu.memory_space<vmem>>, vector<1x16xf32>,
      %mul3A_356 = arith.mulf %add3A_221, %mul3A_332 : vector<16xf32>
      %swap3A_357 = arith.index_cast %scan3A_137 : i32 to index
      %swap3A_358 = arith.constant 64 : index
      %swap3A_359 = tpu.vector_load %arg9[%swap3A_357, %swap3A_358] {strides = array<i32>} : memref<128x128xf32, #tpu.memory_space<vmem>>, vector<1x16xf32>,
      %swap3A_360 = vector.shape_cast %swap3A_359 : vector<1x16xf32> to vector<16xf32>
      %swap3A_361 = vector.shape_cast %mul3A_356 : vector<16xf32> to vector<1x16xf32>
      tpu.vector_store %arg9[%swap3A_357, %swap3A_358], %swap3A_361 {strides = array<i32>} : memref<128x128xf32, #tpu.memory_space<vmem>>, vector<1x16xf32>,
      %mul3A_362 = arith.mulf %add3A_238, %mul3A_332 : vector<16xf32>
      %swap3A_363 = arith.index_cast %scan3A_137 : i32 to index
      %swap3A_364 = arith.constant 80 : index
      %swap3A_365 = tpu.vector_load %arg9[%swap3A_363, %swap3A_364] {strides = array<i32>} : memref<128x128xf32, #tpu.memory_space<vmem>>, vector<1x16xf32>,
      %swap3A_366 = vector.shape_cast %swap3A_365 : vector<1x16xf32> to vector<16xf32>
      %swap3A_367 = vector.shape_cast %mul3A_362 : vector<16xf32> to vector<1x16xf32>
      tpu.vector_store %arg9[%swap3A_363, %swap3A_364], %swap3A_367 {strides = array<i32>} : memref<128x128xf32, #tpu.memory_space<vmem>>, vector<1x16xf32>,
      %mul3A_368 = arith.mulf %add3A_255, %mul3A_332 : vector<16xf32>
      %swap3A_369 = arith.index_cast %scan3A_137 : i32 to index
      %swap3A_370 = arith.constant 96 : index
      %swap3A_371 = tpu.vector_load %arg9[%swap3A_369, %swap3A_370] {strides = array<i32>} : memref<128x128xf32, #tpu.memory_space<vmem>>, vector<1x16xf32>,
      %swap3A_372 = vector.shape_cast %swap3A_371 : vector<1x16xf32> to vector<16xf32>
      %swap3A_373 = vector.shape_cast %mul3A_368 : vector<16xf32> to vector<1x16xf32>
      tpu.vector_store %arg9[%swap3A_369, %swap3A_370], %swap3A_373 {strides = array<i32>} : memref<128x128xf32, #tpu.memory_space<vmem>>, vector<1x16xf32>,
      %mul3A_374 = arith.mulf %add3A_272, %mul3A_332 : vector<16xf32>
      %swap3A_375 = arith.index_cast %scan3A_137 : i32 to index
      %swap3A_376 = arith.constant 112 : index
      %swap3A_377 = tpu.vector_load %arg9[%swap3A_375, %swap3A_376] {strides = array<i32>} : memref<128x128xf32, #tpu.memory_space<vmem>>, vector<1x16xf32>,
      %swap3A_378 = vector.shape_cast %swap3A_377 : vector<1x16xf32> to vector<16xf32>
      %swap3A_379 = vector.shape_cast %mul3A_374 : vector<16xf32> to vector<1x16xf32>
      tpu.vector_store %arg9[%swap3A_375, %swap3A_376], %swap3A_379 {strides = array<i32>} : memref<128x128xf32, #tpu.memory_space<vmem>>, vector<1x16xf32>,
      %scan3A_380 = arith.constant 0 : i32
      scf.yield %scan3A_380 : i32
    }
    %scan3A_108 = arith.constant 128 : i32
    %add3A_109 = arith.constant 256 : i32
    %add3A_110 = arith.addi %mul3A_2, %add3A_109 : i32
    "tpu.region"() ({
      %run_scoped3A = tpu.sem_alloc : memref<!tpu.dma_semaphore, #tpu.memory_space<semaphore_mem>>
      %dma_start3A_137 = arith.constant 0 : i32
      %dma_start3A_138 = tpu.memref_slice %arg6[%add3A_110, %dma_start3A_137] : memref<16400x128xf32, #tpu.memory_space<hbm>> -> memref<128x128xf32, #tpu.memory_space<hbm>>
      %dma_start3A_139 = arith.constant 0 : i32
      %dma_start3A_140 = tpu.memref_slice %arg6[%add3A_110, %dma_start3A_139] : memref<16400x128xf32, #tpu.memory_space<hbm>> -> memref<128x128xf32, #tpu.memory_space<hbm>>
      tpu.enqueue_dma source(%arg9 : memref<128x128xf32, #tpu.memory_space<vmem>>) target(%dma_start3A_140 : memref<128x128xf32, #tpu.memory_space<hbm>>) target_semaphore(%run_scoped3A : memref<!tpu.dma_semaphore, #tpu.memory_space<semaphore_mem>>)
      %dma_wait3A_141 = arith.constant 0 : i32
      %dma_wait3A_142 = tpu.memref_slice %arg6[%add3A_110, %dma_wait3A_141] : memref<16400x128xf32, #tpu.memory_space<hbm>> -> memref<128x128xf32, #tpu.memory_space<hbm>>
      %dma_wait3A_143 = arith.constant 0 : i32
      %dma_wait3A_144 = tpu.memref_slice %arg6[%add3A_110, %dma_wait3A_143] : memref<16400x128xf32, #tpu.memory_space<hbm>> -> memref<128x128xf32, #tpu.memory_space<hbm>>
      tpu.wait_dma2 semaphore(%run_scoped3A : memref<!tpu.dma_semaphore, #tpu.memory_space<semaphore_mem>>) src(%arg9 : memref<128x128xf32, #tpu.memory_space<vmem>>) dst(%dma_wait3A_144 : memref<128x128xf32, #tpu.memory_space<hbm>>)
      tpu.yield
    }) : () -> ()
    %dma_wait3A_111 = arith.constant 384 : i32
    %dma_wait3A_112 = tpu.memref_slice %arg8[%dma_wait3A_111] : memref<512xi32, #tpu.memory_space<vmem>> -> memref<128xi32, #tpu.memory_space<vmem>>
    %dma_wait3A_113 = arith.constant 0 : i32
    %dma_wait3A_114 = arith.constant 0 : i32
    %dma_wait3A_115 = tpu.memref_slice %arg5[%dma_wait3A_113, %dma_wait3A_114] : memref<200000x128xf32, #tpu.memory_space<hbm>> -> memref<200000x128xf32, #tpu.memory_space<hbm>>
    tpu.wait_indirect_dma semaphore(%arg19 : memref<!tpu.dma_semaphore, #tpu.memory_space<semaphore_mem>>) src(%dma_wait3A_115 : memref<200000x128xf32, #tpu.memory_space<hbm>>) dst(%arg11 : memref<128x128xf32, #tpu.memory_space<vmem>>)
    %add3A_116 = arith.constant 384 : i32
    %add3A_117 = arith.addi %mul3A_2, %add3A_116 : i32
    %dma_wait3A_118 = arith.constant 0 : i32
    %dma_wait3A_119 = tpu.memref_slice %arg2[%add3A_117, %dma_wait3A_118] : memref<16384x128xf32, #tpu.memory_space<hbm>> -> memref<128x128xf32, #tpu.memory_space<hbm>>
    %dma_wait3A_120 = arith.constant 0 : i32
    %dma_wait3A_121 = tpu.memref_slice %arg2[%add3A_117, %dma_wait3A_120] : memref<16384x128xf32, #tpu.memory_space<hbm>> -> memref<128x128xf32, #tpu.memory_space<hbm>>
    tpu.wait_dma2 semaphore(%arg19 : memref<!tpu.dma_semaphore, #tpu.memory_space<semaphore_mem>>) src(%dma_wait3A_121 : memref<128x128xf32, #tpu.memory_space<hbm>>) dst(%arg12 : memref<128x128xf32, #tpu.memory_space<vmem>>)
    %scan3A_122 = arith.constant 0 : i32
    %scan3A_123 = arith.constant 0 : i32
    %scan3A_124 = arith.constant 128 : i32
    %scan3A_125 = arith.addi %scan3A_123, %scan3A_124 : i32
    %scan3A_126 = arith.constant 1 : i32
    %scan3A_127 = scf.for %scan3A_137 = %scan3A_123 to %scan3A_125 step %scan3A_126 iter_args(%scan3A_138 = %scan3A_122) -> (i32)  : i32 {
      %broadcast_in_dim3A = arith.constant 0.000000e+00 : f32
      %broadcast_in_dim3A_139 = vector.broadcast %broadcast_in_dim3A : f32 to vector<16xf32>
      %get3A = arith.index_cast %scan3A_137 : i32 to index
      %get3A_140 = arith.constant 0 : index
      %get3A_141 = tpu.vector_load %arg11[%get3A, %get3A_140] {strides = array<i32>} : memref<128x128xf32, #tpu.memory_space<vmem>>, vector<1x16xf32>,
      %get3A_142 = vector.shape_cast %get3A_141 : vector<1x16xf32> to vector<16xf32>
      %get3A_143 = arith.index_cast %scan3A_137 : i32 to index
      %get3A_144 = arith.constant 0 : index
      %get3A_145 = tpu.vector_load %arg12[%get3A_143, %get3A_144] {strides = array<i32>} : memref<128x128xf32, #tpu.memory_space<vmem>>, vector<1x16xf32>,
      %get3A_146 = vector.shape_cast %get3A_145 : vector<1x16xf32> to vector<16xf32>
      %mul3A_147 = arith.constant 1.000000e-01 : f32
      %mul3A_148 = vector.broadcast %mul3A_147 : f32 to vector<16xf32>
      %mul3A_149 = arith.mulf %get3A_142, %mul3A_148 : vector<16xf32>
      %mul3A_150 = arith.constant 0.899999976 : f32
      %mul3A_151 = vector.broadcast %mul3A_150 : f32 to vector<16xf32>
      %mul3A_152 = arith.mulf %get3A_146, %mul3A_151 : vector<16xf32>
      %add3A_153 = arith.addf %mul3A_149, %mul3A_152 : vector<16xf32>
      %mul3A_154 = arith.mulf %add3A_153, %add3A_153 : vector<16xf32>
      %add3A_155 = arith.addf %broadcast_in_dim3A_139, %mul3A_154 : vector<16xf32>
      %get3A_156 = arith.index_cast %scan3A_137 : i32 to index
      %get3A_157 = arith.constant 16 : index
      %get3A_158 = tpu.vector_load %arg11[%get3A_156, %get3A_157] {strides = array<i32>} : memref<128x128xf32, #tpu.memory_space<vmem>>, vector<1x16xf32>,
      %get3A_159 = vector.shape_cast %get3A_158 : vector<1x16xf32> to vector<16xf32>
      %get3A_160 = arith.index_cast %scan3A_137 : i32 to index
      %get3A_161 = arith.constant 16 : index
      %get3A_162 = tpu.vector_load %arg12[%get3A_160, %get3A_161] {strides = array<i32>} : memref<128x128xf32, #tpu.memory_space<vmem>>, vector<1x16xf32>,
      %get3A_163 = vector.shape_cast %get3A_162 : vector<1x16xf32> to vector<16xf32>
      %mul3A_164 = arith.constant 1.000000e-01 : f32
      %mul3A_165 = vector.broadcast %mul3A_164 : f32 to vector<16xf32>
      %mul3A_166 = arith.mulf %get3A_159, %mul3A_165 : vector<16xf32>
      %mul3A_167 = arith.constant 0.899999976 : f32
      %mul3A_168 = vector.broadcast %mul3A_167 : f32 to vector<16xf32>
      %mul3A_169 = arith.mulf %get3A_163, %mul3A_168 : vector<16xf32>
      %add3A_170 = arith.addf %mul3A_166, %mul3A_169 : vector<16xf32>
      %mul3A_171 = arith.mulf %add3A_170, %add3A_170 : vector<16xf32>
      %add3A_172 = arith.addf %add3A_155, %mul3A_171 : vector<16xf32>
      %get3A_173 = arith.index_cast %scan3A_137 : i32 to index
      %get3A_174 = arith.constant 32 : index
      %get3A_175 = tpu.vector_load %arg11[%get3A_173, %get3A_174] {strides = array<i32>} : memref<128x128xf32, #tpu.memory_space<vmem>>, vector<1x16xf32>,
      %get3A_176 = vector.shape_cast %get3A_175 : vector<1x16xf32> to vector<16xf32>
      %get3A_177 = arith.index_cast %scan3A_137 : i32 to index
      %get3A_178 = arith.constant 32 : index
      %get3A_179 = tpu.vector_load %arg12[%get3A_177, %get3A_178] {strides = array<i32>} : memref<128x128xf32, #tpu.memory_space<vmem>>, vector<1x16xf32>,
      %get3A_180 = vector.shape_cast %get3A_179 : vector<1x16xf32> to vector<16xf32>
      %mul3A_181 = arith.constant 1.000000e-01 : f32
      %mul3A_182 = vector.broadcast %mul3A_181 : f32 to vector<16xf32>
      %mul3A_183 = arith.mulf %get3A_176, %mul3A_182 : vector<16xf32>
      %mul3A_184 = arith.constant 0.899999976 : f32
      %mul3A_185 = vector.broadcast %mul3A_184 : f32 to vector<16xf32>
      %mul3A_186 = arith.mulf %get3A_180, %mul3A_185 : vector<16xf32>
      %add3A_187 = arith.addf %mul3A_183, %mul3A_186 : vector<16xf32>
      %mul3A_188 = arith.mulf %add3A_187, %add3A_187 : vector<16xf32>
      %add3A_189 = arith.addf %add3A_172, %mul3A_188 : vector<16xf32>
      %get3A_190 = arith.index_cast %scan3A_137 : i32 to index
      %get3A_191 = arith.constant 48 : index
      %get3A_192 = tpu.vector_load %arg11[%get3A_190, %get3A_191] {strides = array<i32>} : memref<128x128xf32, #tpu.memory_space<vmem>>, vector<1x16xf32>,
      %get3A_193 = vector.shape_cast %get3A_192 : vector<1x16xf32> to vector<16xf32>
      %get3A_194 = arith.index_cast %scan3A_137 : i32 to index
      %get3A_195 = arith.constant 48 : index
      %get3A_196 = tpu.vector_load %arg12[%get3A_194, %get3A_195] {strides = array<i32>} : memref<128x128xf32, #tpu.memory_space<vmem>>, vector<1x16xf32>,
      %get3A_197 = vector.shape_cast %get3A_196 : vector<1x16xf32> to vector<16xf32>
      %mul3A_198 = arith.constant 1.000000e-01 : f32
      %mul3A_199 = vector.broadcast %mul3A_198 : f32 to vector<16xf32>
      %mul3A_200 = arith.mulf %get3A_193, %mul3A_199 : vector<16xf32>
      %mul3A_201 = arith.constant 0.899999976 : f32
      %mul3A_202 = vector.broadcast %mul3A_201 : f32 to vector<16xf32>
      %mul3A_203 = arith.mulf %get3A_197, %mul3A_202 : vector<16xf32>
      %add3A_204 = arith.addf %mul3A_200, %mul3A_203 : vector<16xf32>
      %mul3A_205 = arith.mulf %add3A_204, %add3A_204 : vector<16xf32>
      %add3A_206 = arith.addf %add3A_189, %mul3A_205 : vector<16xf32>
      %get3A_207 = arith.index_cast %scan3A_137 : i32 to index
      %get3A_208 = arith.constant 64 : index
      %get3A_209 = tpu.vector_load %arg11[%get3A_207, %get3A_208] {strides = array<i32>} : memref<128x128xf32, #tpu.memory_space<vmem>>, vector<1x16xf32>,
      %get3A_210 = vector.shape_cast %get3A_209 : vector<1x16xf32> to vector<16xf32>
      %get3A_211 = arith.index_cast %scan3A_137 : i32 to index
      %get3A_212 = arith.constant 64 : index
      %get3A_213 = tpu.vector_load %arg12[%get3A_211, %get3A_212] {strides = array<i32>} : memref<128x128xf32, #tpu.memory_space<vmem>>, vector<1x16xf32>,
      %get3A_214 = vector.shape_cast %get3A_213 : vector<1x16xf32> to vector<16xf32>
      %mul3A_215 = arith.constant 1.000000e-01 : f32
      %mul3A_216 = vector.broadcast %mul3A_215 : f32 to vector<16xf32>
      %mul3A_217 = arith.mulf %get3A_210, %mul3A_216 : vector<16xf32>
      %mul3A_218 = arith.constant 0.899999976 : f32
      %mul3A_219 = vector.broadcast %mul3A_218 : f32 to vector<16xf32>
      %mul3A_220 = arith.mulf %get3A_214, %mul3A_219 : vector<16xf32>
      %add3A_221 = arith.addf %mul3A_217, %mul3A_220 : vector<16xf32>
      %mul3A_222 = arith.mulf %add3A_221, %add3A_221 : vector<16xf32>
      %add3A_223 = arith.addf %add3A_206, %mul3A_222 : vector<16xf32>
      %get3A_224 = arith.index_cast %scan3A_137 : i32 to index
      %get3A_225 = arith.constant 80 : index
      %get3A_226 = tpu.vector_load %arg11[%get3A_224, %get3A_225] {strides = array<i32>} : memref<128x128xf32, #tpu.memory_space<vmem>>, vector<1x16xf32>,
      %get3A_227 = vector.shape_cast %get3A_226 : vector<1x16xf32> to vector<16xf32>
      %get3A_228 = arith.index_cast %scan3A_137 : i32 to index
      %get3A_229 = arith.constant 80 : index
      %get3A_230 = tpu.vector_load %arg12[%get3A_228, %get3A_229] {strides = array<i32>} : memref<128x128xf32, #tpu.memory_space<vmem>>, vector<1x16xf32>,
      %get3A_231 = vector.shape_cast %get3A_230 : vector<1x16xf32> to vector<16xf32>
      %mul3A_232 = arith.constant 1.000000e-01 : f32
      %mul3A_233 = vector.broadcast %mul3A_232 : f32 to vector<16xf32>
      %mul3A_234 = arith.mulf %get3A_227, %mul3A_233 : vector<16xf32>
      %mul3A_235 = arith.constant 0.899999976 : f32
      %mul3A_236 = vector.broadcast %mul3A_235 : f32 to vector<16xf32>
      %mul3A_237 = arith.mulf %get3A_231, %mul3A_236 : vector<16xf32>
      %add3A_238 = arith.addf %mul3A_234, %mul3A_237 : vector<16xf32>
      %mul3A_239 = arith.mulf %add3A_238, %add3A_238 : vector<16xf32>
      %add3A_240 = arith.addf %add3A_223, %mul3A_239 : vector<16xf32>
      %get3A_241 = arith.index_cast %scan3A_137 : i32 to index
      %get3A_242 = arith.constant 96 : index
      %get3A_243 = tpu.vector_load %arg11[%get3A_241, %get3A_242] {strides = array<i32>} : memref<128x128xf32, #tpu.memory_space<vmem>>, vector<1x16xf32>,
      %get3A_244 = vector.shape_cast %get3A_243 : vector<1x16xf32> to vector<16xf32>
      %get3A_245 = arith.index_cast %scan3A_137 : i32 to index
      %get3A_246 = arith.constant 96 : index
      %get3A_247 = tpu.vector_load %arg12[%get3A_245, %get3A_246] {strides = array<i32>} : memref<128x128xf32, #tpu.memory_space<vmem>>, vector<1x16xf32>,
      %get3A_248 = vector.shape_cast %get3A_247 : vector<1x16xf32> to vector<16xf32>
      %mul3A_249 = arith.constant 1.000000e-01 : f32
      %mul3A_250 = vector.broadcast %mul3A_249 : f32 to vector<16xf32>
      %mul3A_251 = arith.mulf %get3A_244, %mul3A_250 : vector<16xf32>
      %mul3A_252 = arith.constant 0.899999976 : f32
      %mul3A_253 = vector.broadcast %mul3A_252 : f32 to vector<16xf32>
      %mul3A_254 = arith.mulf %get3A_248, %mul3A_253 : vector<16xf32>
      %add3A_255 = arith.addf %mul3A_251, %mul3A_254 : vector<16xf32>
      %mul3A_256 = arith.mulf %add3A_255, %add3A_255 : vector<16xf32>
      %add3A_257 = arith.addf %add3A_240, %mul3A_256 : vector<16xf32>
      %get3A_258 = arith.index_cast %scan3A_137 : i32 to index
      %get3A_259 = arith.constant 112 : index
      %get3A_260 = tpu.vector_load %arg11[%get3A_258, %get3A_259] {strides = array<i32>} : memref<128x128xf32, #tpu.memory_space<vmem>>, vector<1x16xf32>,
      %get3A_261 = vector.shape_cast %get3A_260 : vector<1x16xf32> to vector<16xf32>
      %get3A_262 = arith.index_cast %scan3A_137 : i32 to index
      %get3A_263 = arith.constant 112 : index
      %get3A_264 = tpu.vector_load %arg12[%get3A_262, %get3A_263] {strides = array<i32>} : memref<128x128xf32, #tpu.memory_space<vmem>>, vector<1x16xf32>,
      %get3A_265 = vector.shape_cast %get3A_264 : vector<1x16xf32> to vector<16xf32>
      %mul3A_266 = arith.constant 1.000000e-01 : f32
      %mul3A_267 = vector.broadcast %mul3A_266 : f32 to vector<16xf32>
      %mul3A_268 = arith.mulf %get3A_261, %mul3A_267 : vector<16xf32>
      %mul3A_269 = arith.constant 0.899999976 : f32
      %mul3A_270 = vector.broadcast %mul3A_269 : f32 to vector<16xf32>
      %mul3A_271 = arith.mulf %get3A_265, %mul3A_270 : vector<16xf32>
      %add3A_272 = arith.addf %mul3A_268, %mul3A_271 : vector<16xf32>
      %mul3A_273 = arith.mulf %add3A_272, %add3A_272 : vector<16xf32>
      %add3A_274 = arith.addf %add3A_257, %mul3A_273 : vector<16xf32>
      %iota3A = tpu.iota {dimensions = array<i32: 0>} : vector<16xi32>
      %xor3A = arith.constant 8 : i32
      %xor3A_275 = vector.broadcast %xor3A : i32 to vector<16xi32>
      %xor3A_276 = arith.xori %iota3A, %xor3A_275 : vector<16xi32>
      %broadcast_in_dim3A_277 = vector.shape_cast %xor3A_276 : vector<16xi32> to vector<16x1xi32>
      %gather3A = vector.shape_cast %broadcast_in_dim3A_277 : vector<16x1xi32> to vector<16xi32>
      %gather3A_278 = tpu.dynamic_gather %add3A_274[%gather3A] in [0] : vector<16xf32>, vector<16xi32> -> vector<16xf32>
      %add3A_279 = arith.addf %add3A_274, %gather3A_278 : vector<16xf32>
      %xor3A_280 = arith.constant 4 : i32
      %xor3A_281 = vector.broadcast %xor3A_280 : i32 to vector<16xi32>
      %xor3A_282 = arith.xori %iota3A, %xor3A_281 : vector<16xi32>
      %broadcast_in_dim3A_283 = vector.shape_cast %xor3A_282 : vector<16xi32> to vector<16x1xi32>
      %gather3A_284 = vector.shape_cast %broadcast_in_dim3A_283 : vector<16x1xi32> to vector<16xi32>
      %gather3A_285 = tpu.dynamic_gather %add3A_279[%gather3A_284] in [0] : vector<16xf32>, vector<16xi32> -> vector<16xf32>
      %add3A_286 = arith.addf %add3A_279, %gather3A_285 : vector<16xf32>
      %xor3A_287 = arith.constant 2 : i32
      %xor3A_288 = vector.broadcast %xor3A_287 : i32 to vector<16xi32>
      %xor3A_289 = arith.xori %iota3A, %xor3A_288 : vector<16xi32>
      %broadcast_in_dim3A_290 = vector.shape_cast %xor3A_289 : vector<16xi32> to vector<16x1xi32>
      %gather3A_291 = vector.shape_cast %broadcast_in_dim3A_290 : vector<16x1xi32> to vector<16xi32>
      %gather3A_292 = tpu.dynamic_gather %add3A_286[%gather3A_291] in [0] : vector<16xf32>, vector<16xi32> -> vector<16xf32>
      %add3A_293 = arith.addf %add3A_286, %gather3A_292 : vector<16xf32>
      %xor3A_294 = arith.constant 1 : i32
      %xor3A_295 = vector.broadcast %xor3A_294 : i32 to vector<16xi32>
      %xor3A_296 = arith.xori %iota3A, %xor3A_295 : vector<16xi32>
      %broadcast_in_dim3A_297 = vector.shape_cast %xor3A_296 : vector<16xi32> to vector<16x1xi32>
      %gather3A_298 = vector.shape_cast %broadcast_in_dim3A_297 : vector<16x1xi32> to vector<16xi32>
      %gather3A_299 = tpu.dynamic_gather %add3A_293[%gather3A_298] in [0] : vector<16xf32>, vector<16xi32> -> vector<16xf32>
      %add3A_300 = arith.addf %add3A_293, %gather3A_299 : vector<16xf32>
      %bitcast_convert_type3A = tpu.bitcast %add3A_300 : vector<16xf32> -> vector<16xi32>
      %shift_right_arithmetic3A = arith.constant 1 : i32
      %shift_right_arithmetic3A_301 = vector.broadcast %shift_right_arithmetic3A : i32 to vector<16xi32>
      %shift_right_arithmetic3A_302 = arith.shrsi %bitcast_convert_type3A, %shift_right_arithmetic3A_301 : vector<16xi32>
      %sub3A = arith.constant 1597463007 : i32
      %sub3A_303 = vector.broadcast %sub3A : i32 to vector<16xi32>
      %sub3A_304 = arith.subi %sub3A_303, %shift_right_arithmetic3A_302 : vector<16xi32>
      %bitcast_convert_type3A_305 = tpu.bitcast %sub3A_304 : vector<16xi32> -> vector<16xf32>
      %mul3A_306 = arith.constant 5.000000e-01 : f32
      %mul3A_307 = vector.broadcast %mul3A_306 : f32 to vector<16xf32>
      %mul3A_308 = arith.mulf %mul3A_307, %add3A_300 : vector<16xf32>
      %mul3A_309 = arith.mulf %mul3A_308, %bitcast_convert_type3A_305 : vector<16xf32>
      %mul3A_310 = arith.mulf %mul3A_309, %bitcast_convert_type3A_305 : vector<16xf32>
      %sub3A_311 = arith.constant 1.500000e+00 : f32
      %sub3A_312 = vector.broadcast %sub3A_311 : f32 to vector<16xf32>
      %sub3A_313 = arith.subf %sub3A_312, %mul3A_310 : vector<16xf32>
      %mul3A_314 = arith.mulf %bitcast_convert_type3A_305, %sub3A_313 : vector<16xf32>
      %mul3A_315 = arith.constant 5.000000e-01 : f32
      %mul3A_316 = vector.broadcast %mul3A_315 : f32 to vector<16xf32>
      %mul3A_317 = arith.mulf %mul3A_316, %add3A_300 : vector<16xf32>
      %mul3A_318 = arith.mulf %mul3A_317, %mul3A_314 : vector<16xf32>
      %mul3A_319 = arith.mulf %mul3A_318, %mul3A_314 : vector<16xf32>
      %sub3A_320 = arith.constant 1.500000e+00 : f32
      %sub3A_321 = vector.broadcast %sub3A_320 : f32 to vector<16xf32>
      %sub3A_322 = arith.subf %sub3A_321, %mul3A_319 : vector<16xf32>
      %mul3A_323 = arith.mulf %mul3A_314, %sub3A_322 : vector<16xf32>
      %mul3A_324 = arith.constant 5.000000e-01 : f32
      %mul3A_325 = vector.broadcast %mul3A_324 : f32 to vector<16xf32>
      %mul3A_326 = arith.mulf %mul3A_325, %add3A_300 : vector<16xf32>
      %mul3A_327 = arith.mulf %mul3A_326, %mul3A_323 : vector<16xf32>
      %mul3A_328 = arith.mulf %mul3A_327, %mul3A_323 : vector<16xf32>
      %sub3A_329 = arith.constant 1.500000e+00 : f32
      %sub3A_330 = vector.broadcast %sub3A_329 : f32 to vector<16xf32>
      %sub3A_331 = arith.subf %sub3A_330, %mul3A_328 : vector<16xf32>
      %mul3A_332 = arith.mulf %mul3A_323, %sub3A_331 : vector<16xf32>
      %mul3A_333 = arith.mulf %add3A_153, %mul3A_332 : vector<16xf32>
      %swap3A = arith.index_cast %scan3A_137 : i32 to index
      %swap3A_334 = arith.constant 0 : index
      %swap3A_335 = tpu.vector_load %arg11[%swap3A, %swap3A_334] {strides = array<i32>} : memref<128x128xf32, #tpu.memory_space<vmem>>, vector<1x16xf32>,
      %swap3A_336 = vector.shape_cast %swap3A_335 : vector<1x16xf32> to vector<16xf32>
      %swap3A_337 = vector.shape_cast %mul3A_333 : vector<16xf32> to vector<1x16xf32>
      tpu.vector_store %arg11[%swap3A, %swap3A_334], %swap3A_337 {strides = array<i32>} : memref<128x128xf32, #tpu.memory_space<vmem>>, vector<1x16xf32>,
      %mul3A_338 = arith.mulf %add3A_170, %mul3A_332 : vector<16xf32>
      %swap3A_339 = arith.index_cast %scan3A_137 : i32 to index
      %swap3A_340 = arith.constant 16 : index
      %swap3A_341 = tpu.vector_load %arg11[%swap3A_339, %swap3A_340] {strides = array<i32>} : memref<128x128xf32, #tpu.memory_space<vmem>>, vector<1x16xf32>,
      %swap3A_342 = vector.shape_cast %swap3A_341 : vector<1x16xf32> to vector<16xf32>
      %swap3A_343 = vector.shape_cast %mul3A_338 : vector<16xf32> to vector<1x16xf32>
      tpu.vector_store %arg11[%swap3A_339, %swap3A_340], %swap3A_343 {strides = array<i32>} : memref<128x128xf32, #tpu.memory_space<vmem>>, vector<1x16xf32>,
      %mul3A_344 = arith.mulf %add3A_187, %mul3A_332 : vector<16xf32>
      %swap3A_345 = arith.index_cast %scan3A_137 : i32 to index
      %swap3A_346 = arith.constant 32 : index
      %swap3A_347 = tpu.vector_load %arg11[%swap3A_345, %swap3A_346] {strides = array<i32>} : memref<128x128xf32, #tpu.memory_space<vmem>>, vector<1x16xf32>,
      %swap3A_348 = vector.shape_cast %swap3A_347 : vector<1x16xf32> to vector<16xf32>
      %swap3A_349 = vector.shape_cast %mul3A_344 : vector<16xf32> to vector<1x16xf32>
      tpu.vector_store %arg11[%swap3A_345, %swap3A_346], %swap3A_349 {strides = array<i32>} : memref<128x128xf32, #tpu.memory_space<vmem>>, vector<1x16xf32>,
      %mul3A_350 = arith.mulf %add3A_204, %mul3A_332 : vector<16xf32>
      %swap3A_351 = arith.index_cast %scan3A_137 : i32 to index
      %swap3A_352 = arith.constant 48 : index
      %swap3A_353 = tpu.vector_load %arg11[%swap3A_351, %swap3A_352] {strides = array<i32>} : memref<128x128xf32, #tpu.memory_space<vmem>>, vector<1x16xf32>,
      %swap3A_354 = vector.shape_cast %swap3A_353 : vector<1x16xf32> to vector<16xf32>
      %swap3A_355 = vector.shape_cast %mul3A_350 : vector<16xf32> to vector<1x16xf32>
      tpu.vector_store %arg11[%swap3A_351, %swap3A_352], %swap3A_355 {strides = array<i32>} : memref<128x128xf32, #tpu.memory_space<vmem>>, vector<1x16xf32>,
      %mul3A_356 = arith.mulf %add3A_221, %mul3A_332 : vector<16xf32>
      %swap3A_357 = arith.index_cast %scan3A_137 : i32 to index
      %swap3A_358 = arith.constant 64 : index
      %swap3A_359 = tpu.vector_load %arg11[%swap3A_357, %swap3A_358] {strides = array<i32>} : memref<128x128xf32, #tpu.memory_space<vmem>>, vector<1x16xf32>,
      %swap3A_360 = vector.shape_cast %swap3A_359 : vector<1x16xf32> to vector<16xf32>
      %swap3A_361 = vector.shape_cast %mul3A_356 : vector<16xf32> to vector<1x16xf32>
      tpu.vector_store %arg11[%swap3A_357, %swap3A_358], %swap3A_361 {strides = array<i32>} : memref<128x128xf32, #tpu.memory_space<vmem>>, vector<1x16xf32>,
      %mul3A_362 = arith.mulf %add3A_238, %mul3A_332 : vector<16xf32>
      %swap3A_363 = arith.index_cast %scan3A_137 : i32 to index
      %swap3A_364 = arith.constant 80 : index
      %swap3A_365 = tpu.vector_load %arg11[%swap3A_363, %swap3A_364] {strides = array<i32>} : memref<128x128xf32, #tpu.memory_space<vmem>>, vector<1x16xf32>,
      %swap3A_366 = vector.shape_cast %swap3A_365 : vector<1x16xf32> to vector<16xf32>
      %swap3A_367 = vector.shape_cast %mul3A_362 : vector<16xf32> to vector<1x16xf32>
      tpu.vector_store %arg11[%swap3A_363, %swap3A_364], %swap3A_367 {strides = array<i32>} : memref<128x128xf32, #tpu.memory_space<vmem>>, vector<1x16xf32>,
      %mul3A_368 = arith.mulf %add3A_255, %mul3A_332 : vector<16xf32>
      %swap3A_369 = arith.index_cast %scan3A_137 : i32 to index
      %swap3A_370 = arith.constant 96 : index
      %swap3A_371 = tpu.vector_load %arg11[%swap3A_369, %swap3A_370] {strides = array<i32>} : memref<128x128xf32, #tpu.memory_space<vmem>>, vector<1x16xf32>,
      %swap3A_372 = vector.shape_cast %swap3A_371 : vector<1x16xf32> to vector<16xf32>
      %swap3A_373 = vector.shape_cast %mul3A_368 : vector<16xf32> to vector<1x16xf32>
      tpu.vector_store %arg11[%swap3A_369, %swap3A_370], %swap3A_373 {strides = array<i32>} : memref<128x128xf32, #tpu.memory_space<vmem>>, vector<1x16xf32>,
      %mul3A_374 = arith.mulf %add3A_272, %mul3A_332 : vector<16xf32>
      %swap3A_375 = arith.index_cast %scan3A_137 : i32 to index
      %swap3A_376 = arith.constant 112 : index
      %swap3A_377 = tpu.vector_load %arg11[%swap3A_375, %swap3A_376] {strides = array<i32>} : memref<128x128xf32, #tpu.memory_space<vmem>>, vector<1x16xf32>,
      %swap3A_378 = vector.shape_cast %swap3A_377 : vector<1x16xf32> to vector<16xf32>
      %swap3A_379 = vector.shape_cast %mul3A_374 : vector<16xf32> to vector<1x16xf32>
      tpu.vector_store %arg11[%swap3A_375, %swap3A_376], %swap3A_379 {strides = array<i32>} : memref<128x128xf32, #tpu.memory_space<vmem>>, vector<1x16xf32>,
      %scan3A_380 = arith.constant 0 : i32
      scf.yield %scan3A_380 : i32
    }
    %scan3A_128 = arith.constant 128 : i32
    %add3A_129 = arith.constant 384 : i32
    %add3A_130 = arith.addi %mul3A_2, %add3A_129 : i32
    "tpu.region"() ({
      %run_scoped3A = tpu.sem_alloc : memref<!tpu.dma_semaphore, #tpu.memory_space<semaphore_mem>>
      %dma_start3A_137 = arith.constant 0 : i32
      %dma_start3A_138 = tpu.memref_slice %arg6[%add3A_130, %dma_start3A_137] : memref<16400x128xf32, #tpu.memory_space<hbm>> -> memref<128x128xf32, #tpu.memory_space<hbm>>
      %dma_start3A_139 = arith.constant 0 : i32
      %dma_start3A_140 = tpu.memref_slice %arg6[%add3A_130, %dma_start3A_139] : memref<16400x128xf32, #tpu.memory_space<hbm>> -> memref<128x128xf32, #tpu.memory_space<hbm>>
      tpu.enqueue_dma source(%arg11 : memref<128x128xf32, #tpu.memory_space<vmem>>) target(%dma_start3A_140 : memref<128x128xf32, #tpu.memory_space<hbm>>) target_semaphore(%run_scoped3A : memref<!tpu.dma_semaphore, #tpu.memory_space<semaphore_mem>>)
      %dma_wait3A_141 = arith.constant 0 : i32
      %dma_wait3A_142 = tpu.memref_slice %arg6[%add3A_130, %dma_wait3A_141] : memref<16400x128xf32, #tpu.memory_space<hbm>> -> memref<128x128xf32, #tpu.memory_space<hbm>>
      %dma_wait3A_143 = arith.constant 0 : i32
      %dma_wait3A_144 = tpu.memref_slice %arg6[%add3A_130, %dma_wait3A_143] : memref<16400x128xf32, #tpu.memory_space<hbm>> -> memref<128x128xf32, #tpu.memory_space<hbm>>
      tpu.wait_dma2 semaphore(%run_scoped3A : memref<!tpu.dma_semaphore, #tpu.memory_space<semaphore_mem>>) src(%arg11 : memref<128x128xf32, #tpu.memory_space<vmem>>) dst(%dma_wait3A_144 : memref<128x128xf32, #tpu.memory_space<hbm>>)
      tpu.yield
    }) : () -> ()
    %barrier3A = arith.constant 0 : index
    tpu.barrier barrier_id(%barrier3A)
    %mul3A_131 = arith.constant 512 : i32
    %mul3A_132 = arith.muli %add3A, %mul3A_131 : i32
    "tpu.region"() ({
      %run_scoped3A = tpu.sem_alloc : memref<!tpu.dma_semaphore, #tpu.memory_space<semaphore_mem>>
      %dma_start3A_137 = tpu.memref_slice %arg3[%mul3A_132] : memref<16384xi32, #tpu.memory_space<hbm>> -> memref<512xi32, #tpu.memory_space<hbm>>
      %dma_start3A_138 = tpu.memref_slice %arg3[%mul3A_132] : memref<16384xi32, #tpu.memory_space<hbm>> -> memref<512xi32, #tpu.memory_space<hbm>>
      tpu.enqueue_dma source(%dma_start3A_138 : memref<512xi32, #tpu.memory_space<hbm>>) target(%arg15 : memref<512xi32, #tpu.memory_space<vmem>>) target_semaphore(%run_scoped3A : memref<!tpu.dma_semaphore, #tpu.memory_space<semaphore_mem>>)
      %dma_wait3A_139 = tpu.memref_slice %arg3[%mul3A_132] : memref<16384xi32, #tpu.memory_space<hbm>> -> memref<512xi32, #tpu.memory_space<hbm>>
      %dma_wait3A_140 = tpu.memref_slice %arg3[%mul3A_132] : memref<16384xi32, #tpu.memory_space<hbm>> -> memref<512xi32, #tpu.memory_space<hbm>>
      tpu.wait_dma2 semaphore(%run_scoped3A : memref<!tpu.dma_semaphore, #tpu.memory_space<semaphore_mem>>) src(%dma_wait3A_140 : memref<512xi32, #tpu.memory_space<hbm>>) dst(%arg15 : memref<512xi32, #tpu.memory_space<vmem>>)
      tpu.yield
    }) : () -> ()
    %dma_start3A_133 = arith.constant 0 : i32
    %dma_start3A_134 = tpu.memref_slice %arg17[%dma_start3A_133] : memref<200000xi32, #tpu.memory_space<vmem_shared>> -> memref<200000xi32, #tpu.memory_space<vmem_shared>>
    tpu.enqueue_indirect_dma source(%dma_start3A_134 : memref<200000xi32, #tpu.memory_space<vmem_shared>>) target(%arg16 : memref<512xi32, #tpu.memory_space<vmem>>) offsets(%arg15 : memref<512xi32, #tpu.memory_space<vmem>>) semaphore(%arg18 : memref<!tpu.dma_semaphore, #tpu.memory_space<semaphore_mem>>)
    %dma_wait3A_135 = arith.constant 0 : i32
    %dma_wait3A_136 = tpu.memref_slice %arg17[%dma_wait3A_135] : memref<200000xi32, #tpu.memory_space<vmem_shared>> -> memref<200000xi32, #tpu.memory_space<vmem_shared>>
    tpu.wait_indirect_dma semaphore(%arg18 : memref<!tpu.dma_semaphore, #tpu.memory_space<semaphore_mem>>) src(%dma_wait3A_136 : memref<200000xi32, #tpu.memory_space<vmem_shared>>) dst(%arg16 : memref<512xi32, #tpu.memory_space<vmem>>)
    "tpu.region"() ({
      %run_scoped3A = tpu.sem_alloc : memref<!tpu.dma_semaphore, #tpu.memory_space<semaphore_mem>>
      %dma_start3A_137 = tpu.memref_slice %arg7[%mul3A_132] : memref<16384xi32, #tpu.memory_space<hbm>> -> memref<512xi32, #tpu.memory_space<hbm>>
      %dma_start3A_138 = tpu.memref_slice %arg7[%mul3A_132] : memref<16384xi32, #tpu.memory_space<hbm>> -> memref<512xi32, #tpu.memory_space<hbm>>
      tpu.enqueue_dma source(%arg16 : memref<512xi32, #tpu.memory_space<vmem>>) target(%dma_start3A_138 : memref<512xi32, #tpu.memory_space<hbm>>) target_semaphore(%run_scoped3A : memref<!tpu.dma_semaphore, #tpu.memory_space<semaphore_mem>>)
      %dma_wait3A_139 = tpu.memref_slice %arg7[%mul3A_132] : memref<16384xi32, #tpu.memory_space<hbm>> -> memref<512xi32, #tpu.memory_space<hbm>>
      %dma_wait3A_140 = tpu.memref_slice %arg7[%mul3A_132] : memref<16384xi32, #tpu.memory_space<hbm>> -> memref<512xi32, #tpu.memory_space<hbm>>
      tpu.wait_dma2 semaphore(%run_scoped3A : memref<!tpu.dma_semaphore, #tpu.memory_space<semaphore_mem>>) src(%arg16 : memref<512xi32, #tpu.memory_space<vmem>>) dst(%dma_wait3A_140 : memref<512xi32, #tpu.memory_space<hbm>>)
      tpu.yield
    }) : () -> ()
    return
  }
}

#map = affine_map<(d0, d1) -> (0, 0)>
#map1 = affine_map<(d0, d1) -> (0)>
module attributes {stable_mosaic.version = 14 : i64} {
  func.func @_k2_body(%arg0: i32, %arg1: i32, %arg2: memref<200000x128xf32, #tpu.memory_space<hbm>>, %arg3: memref<16400x128xf32, #tpu.memory_space<hbm>>, %arg4: memref<16384xi32, #tpu.memory_space<hbm>>, %arg5: memref<16384xi32, #tpu.memory_space<hbm>>, %arg6: memref<2x16xi32, #tpu.memory_space<hbm>>, %arg7: memref<200000x128xf32, #tpu.memory_space<hbm>>, %arg8: memref<1024xi32, #tpu.memory_space<vmem>>, %arg9: memref<1024xi32, #tpu.memory_space<vmem>>, %arg10: memref<8x128xi32, #tpu.memory_space<vmem>>, %arg11: memref<8x128xi32, #tpu.memory_space<vmem>>, %arg12: memref<16xi32, #tpu.memory_space<vmem>>, %arg13: memref<128x128xf32, #tpu.memory_space<vmem>>, %arg14: memref<128x128xf32, #tpu.memory_space<vmem>>, %arg15: memref<256x128xf32, #tpu.memory_space<vmem>>, %arg16: memref<256x128xf32, #tpu.memory_space<vmem>>, %arg17: memref<!tpu.dma_semaphore, #tpu.memory_space<semaphore_mem>>, %arg18: memref<!tpu.dma_semaphore, #tpu.memory_space<semaphore_mem>>, %arg19: memref<!tpu.dma_semaphore, #tpu.memory_space<semaphore_mem>>, %arg20: memref<!tpu.dma_semaphore, #tpu.memory_space<semaphore_mem>>) attributes {dimension_semantics = [#tpu.dimension_semantics<core_parallel>, #tpu.dimension_semantics<subcore_parallel>], iteration_bounds = array<i64: 2, 16>, scalar_prefetch = 0 : i64, scratch_operands = 13 : i64, tpu.core_type = #tpu.core_type<sc_vector_subcore>, window_params = [{transform_indices = #map}, {transform_indices = #map}, {transform_indices = #map1}, {transform_indices = #map1}, {transform_indices = #map}, {transform_indices = #map}]} {
    %mul3A = arith.constant 100000 : i32
    %mul3A_0 = arith.muli %arg0, %mul3A : i32
    %mul3A_1 = arith.constant 6248 : i32
    %mul3A_2 = arith.muli %arg1, %mul3A_1 : i32
    %add3A = arith.addi %mul3A_0, %mul3A_2 : i32
    %dma_start3A = arith.constant 0 : i32
    %dma_start3A_3 = tpu.memref_slice %arg2[%add3A, %dma_start3A] : memref<200000x128xf32, #tpu.memory_space<hbm>> -> memref<256x128xf32, #tpu.memory_space<hbm>>
    %dma_start3A_4 = arith.constant 0 : i32
    %dma_start3A_5 = tpu.memref_slice %arg2[%add3A, %dma_start3A_4] : memref<200000x128xf32, #tpu.memory_space<hbm>> -> memref<256x128xf32, #tpu.memory_space<hbm>>
    tpu.enqueue_dma source(%dma_start3A_5 : memref<256x128xf32, #tpu.memory_space<hbm>>) target(%arg15 : memref<256x128xf32, #tpu.memory_space<vmem>>) target_semaphore(%arg17 : memref<!tpu.dma_semaphore, #tpu.memory_space<semaphore_mem>>)
    %add3A_6 = arith.constant 0 : i32
    %add3A_7 = arith.addi %add3A, %add3A_6 : i32
    %dma_wait3A = arith.constant 0 : i32
    %dma_wait3A_8 = tpu.memref_slice %arg2[%add3A_7, %dma_wait3A] : memref<200000x128xf32, #tpu.memory_space<hbm>> -> memref<256x128xf32, #tpu.memory_space<hbm>>
    %dma_wait3A_9 = arith.constant 0 : i32
    %dma_wait3A_10 = tpu.memref_slice %arg2[%add3A_7, %dma_wait3A_9] : memref<200000x128xf32, #tpu.memory_space<hbm>> -> memref<256x128xf32, #tpu.memory_space<hbm>>
    tpu.wait_dma2 semaphore(%arg17 : memref<!tpu.dma_semaphore, #tpu.memory_space<semaphore_mem>>) src(%dma_wait3A_10 : memref<256x128xf32, #tpu.memory_space<hbm>>) dst(%arg15 : memref<256x128xf32, #tpu.memory_space<vmem>>)
    %add3A_11 = arith.constant 256 : i32
    %add3A_12 = arith.addi %add3A, %add3A_11 : i32
    %dma_start3A_13 = arith.constant 0 : i32
    %dma_start3A_14 = tpu.memref_slice %arg2[%add3A_12, %dma_start3A_13] : memref<200000x128xf32, #tpu.memory_space<hbm>> -> memref<256x128xf32, #tpu.memory_space<hbm>>
    %dma_start3A_15 = arith.constant 0 : i32
    %dma_start3A_16 = tpu.memref_slice %arg2[%add3A_12, %dma_start3A_15] : memref<200000x128xf32, #tpu.memory_space<hbm>> -> memref<256x128xf32, #tpu.memory_space<hbm>>
    tpu.enqueue_dma source(%dma_start3A_16 : memref<256x128xf32, #tpu.memory_space<hbm>>) target(%arg16 : memref<256x128xf32, #tpu.memory_space<vmem>>) target_semaphore(%arg18 : memref<!tpu.dma_semaphore, #tpu.memory_space<semaphore_mem>>)
    %add3A_17 = arith.constant 0 : i32
    %add3A_18 = arith.addi %add3A, %add3A_17 : i32
    %dma_start3A_19 = arith.constant 0 : i32
    %dma_start3A_20 = tpu.memref_slice %arg7[%add3A_18, %dma_start3A_19] : memref<200000x128xf32, #tpu.memory_space<hbm>> -> memref<256x128xf32, #tpu.memory_space<hbm>>
    %dma_start3A_21 = arith.constant 0 : i32
    %dma_start3A_22 = tpu.memref_slice %arg7[%add3A_18, %dma_start3A_21] : memref<200000x128xf32, #tpu.memory_space<hbm>> -> memref<256x128xf32, #tpu.memory_space<hbm>>
    tpu.enqueue_dma source(%arg15 : memref<256x128xf32, #tpu.memory_space<vmem>>) target(%dma_start3A_22 : memref<256x128xf32, #tpu.memory_space<hbm>>) target_semaphore(%arg19 : memref<!tpu.dma_semaphore, #tpu.memory_space<semaphore_mem>>)
    %add3A_23 = arith.constant 256 : i32
    %add3A_24 = arith.addi %add3A, %add3A_23 : i32
    %dma_wait3A_25 = arith.constant 0 : i32
    %dma_wait3A_26 = tpu.memref_slice %arg2[%add3A_24, %dma_wait3A_25] : memref<200000x128xf32, #tpu.memory_space<hbm>> -> memref<256x128xf32, #tpu.memory_space<hbm>>
    %dma_wait3A_27 = arith.constant 0 : i32
    %dma_wait3A_28 = tpu.memref_slice %arg2[%add3A_24, %dma_wait3A_27] : memref<200000x128xf32, #tpu.memory_space<hbm>> -> memref<256x128xf32, #tpu.memory_space<hbm>>
    tpu.wait_dma2 semaphore(%arg18 : memref<!tpu.dma_semaphore, #tpu.memory_space<semaphore_mem>>) src(%dma_wait3A_28 : memref<256x128xf32, #tpu.memory_space<hbm>>) dst(%arg16 : memref<256x128xf32, #tpu.memory_space<vmem>>)
    %add3A_29 = arith.constant 0 : i32
    %add3A_30 = arith.addi %add3A, %add3A_29 : i32
    %dma_wait3A_31 = arith.constant 0 : i32
    %dma_wait3A_32 = tpu.memref_slice %arg7[%add3A_30, %dma_wait3A_31] : memref<200000x128xf32, #tpu.memory_space<hbm>> -> memref<256x128xf32, #tpu.memory_space<hbm>>
    %dma_wait3A_33 = arith.constant 0 : i32
    %dma_wait3A_34 = tpu.memref_slice %arg7[%add3A_30, %dma_wait3A_33] : memref<200000x128xf32, #tpu.memory_space<hbm>> -> memref<256x128xf32, #tpu.memory_space<hbm>>
    tpu.wait_dma2 semaphore(%arg19 : memref<!tpu.dma_semaphore, #tpu.memory_space<semaphore_mem>>) src(%arg15 : memref<256x128xf32, #tpu.memory_space<vmem>>) dst(%dma_wait3A_34 : memref<256x128xf32, #tpu.memory_space<hbm>>)
    %add3A_35 = arith.constant 512 : i32
    %add3A_36 = arith.addi %add3A, %add3A_35 : i32
    %dma_start3A_37 = arith.constant 0 : i32
    %dma_start3A_38 = tpu.memref_slice %arg2[%add3A_36, %dma_start3A_37] : memref<200000x128xf32, #tpu.memory_space<hbm>> -> memref<256x128xf32, #tpu.memory_space<hbm>>
    %dma_start3A_39 = arith.constant 0 : i32
    %dma_start3A_40 = tpu.memref_slice %arg2[%add3A_36, %dma_start3A_39] : memref<200000x128xf32, #tpu.memory_space<hbm>> -> memref<256x128xf32, #tpu.memory_space<hbm>>
    tpu.enqueue_dma source(%dma_start3A_40 : memref<256x128xf32, #tpu.memory_space<hbm>>) target(%arg15 : memref<256x128xf32, #tpu.memory_space<vmem>>) target_semaphore(%arg17 : memref<!tpu.dma_semaphore, #tpu.memory_space<semaphore_mem>>)
    %add3A_41 = arith.constant 256 : i32
    %add3A_42 = arith.addi %add3A, %add3A_41 : i32
    %dma_start3A_43 = arith.constant 0 : i32
    %dma_start3A_44 = tpu.memref_slice %arg7[%add3A_42, %dma_start3A_43] : memref<200000x128xf32, #tpu.memory_space<hbm>> -> memref<256x128xf32, #tpu.memory_space<hbm>>
    %dma_start3A_45 = arith.constant 0 : i32
    %dma_start3A_46 = tpu.memref_slice %arg7[%add3A_42, %dma_start3A_45] : memref<200000x128xf32, #tpu.memory_space<hbm>> -> memref<256x128xf32, #tpu.memory_space<hbm>>
    tpu.enqueue_dma source(%arg16 : memref<256x128xf32, #tpu.memory_space<vmem>>) target(%dma_start3A_46 : memref<256x128xf32, #tpu.memory_space<hbm>>) target_semaphore(%arg20 : memref<!tpu.dma_semaphore, #tpu.memory_space<semaphore_mem>>)
    %add3A_47 = arith.constant 512 : i32
    %add3A_48 = arith.addi %add3A, %add3A_47 : i32
    %dma_wait3A_49 = arith.constant 0 : i32
    %dma_wait3A_50 = tpu.memref_slice %arg2[%add3A_48, %dma_wait3A_49] : memref<200000x128xf32, #tpu.memory_space<hbm>> -> memref<256x128xf32, #tpu.memory_space<hbm>>
    %dma_wait3A_51 = arith.constant 0 : i32
    %dma_wait3A_52 = tpu.memref_slice %arg2[%add3A_48, %dma_wait3A_51] : memref<200000x128xf32, #tpu.memory_space<hbm>> -> memref<256x128xf32, #tpu.memory_space<hbm>>
    tpu.wait_dma2 semaphore(%arg17 : memref<!tpu.dma_semaphore, #tpu.memory_space<semaphore_mem>>) src(%dma_wait3A_52 : memref<256x128xf32, #tpu.memory_space<hbm>>) dst(%arg15 : memref<256x128xf32, #tpu.memory_space<vmem>>)
    %add3A_53 = arith.constant 256 : i32
    %add3A_54 = arith.addi %add3A, %add3A_53 : i32
    %dma_wait3A_55 = arith.constant 0 : i32
    %dma_wait3A_56 = tpu.memref_slice %arg7[%add3A_54, %dma_wait3A_55] : memref<200000x128xf32, #tpu.memory_space<hbm>> -> memref<256x128xf32, #tpu.memory_space<hbm>>
    %dma_wait3A_57 = arith.constant 0 : i32
    %dma_wait3A_58 = tpu.memref_slice %arg7[%add3A_54, %dma_wait3A_57] : memref<200000x128xf32, #tpu.memory_space<hbm>> -> memref<256x128xf32, #tpu.memory_space<hbm>>
    tpu.wait_dma2 semaphore(%arg20 : memref<!tpu.dma_semaphore, #tpu.memory_space<semaphore_mem>>) src(%arg16 : memref<256x128xf32, #tpu.memory_space<vmem>>) dst(%dma_wait3A_58 : memref<256x128xf32, #tpu.memory_space<hbm>>)
    %add3A_59 = arith.constant 768 : i32
    %add3A_60 = arith.addi %add3A, %add3A_59 : i32
    %dma_start3A_61 = arith.constant 0 : i32
    %dma_start3A_62 = tpu.memref_slice %arg2[%add3A_60, %dma_start3A_61] : memref<200000x128xf32, #tpu.memory_space<hbm>> -> memref<256x128xf32, #tpu.memory_space<hbm>>
    %dma_start3A_63 = arith.constant 0 : i32
    %dma_start3A_64 = tpu.memref_slice %arg2[%add3A_60, %dma_start3A_63] : memref<200000x128xf32, #tpu.memory_space<hbm>> -> memref<256x128xf32, #tpu.memory_space<hbm>>
    tpu.enqueue_dma source(%dma_start3A_64 : memref<256x128xf32, #tpu.memory_space<hbm>>) target(%arg16 : memref<256x128xf32, #tpu.memory_space<vmem>>) target_semaphore(%arg18 : memref<!tpu.dma_semaphore, #tpu.memory_space<semaphore_mem>>)
    %add3A_65 = arith.constant 512 : i32
    %add3A_66 = arith.addi %add3A, %add3A_65 : i32
    %dma_start3A_67 = arith.constant 0 : i32
    %dma_start3A_68 = tpu.memref_slice %arg7[%add3A_66, %dma_start3A_67] : memref<200000x128xf32, #tpu.memory_space<hbm>> -> memref<256x128xf32, #tpu.memory_space<hbm>>
    %dma_start3A_69 = arith.constant 0 : i32
    %dma_start3A_70 = tpu.memref_slice %arg7[%add3A_66, %dma_start3A_69] : memref<200000x128xf32, #tpu.memory_space<hbm>> -> memref<256x128xf32, #tpu.memory_space<hbm>>
    tpu.enqueue_dma source(%arg15 : memref<256x128xf32, #tpu.memory_space<vmem>>) target(%dma_start3A_70 : memref<256x128xf32, #tpu.memory_space<hbm>>) target_semaphore(%arg19 : memref<!tpu.dma_semaphore, #tpu.memory_space<semaphore_mem>>)
    %add3A_71 = arith.constant 768 : i32
    %add3A_72 = arith.addi %add3A, %add3A_71 : i32
    %dma_wait3A_73 = arith.constant 0 : i32
    %dma_wait3A_74 = tpu.memref_slice %arg2[%add3A_72, %dma_wait3A_73] : memref<200000x128xf32, #tpu.memory_space<hbm>> -> memref<256x128xf32, #tpu.memory_space<hbm>>
    %dma_wait3A_75 = arith.constant 0 : i32
    %dma_wait3A_76 = tpu.memref_slice %arg2[%add3A_72, %dma_wait3A_75] : memref<200000x128xf32, #tpu.memory_space<hbm>> -> memref<256x128xf32, #tpu.memory_space<hbm>>
    tpu.wait_dma2 semaphore(%arg18 : memref<!tpu.dma_semaphore, #tpu.memory_space<semaphore_mem>>) src(%dma_wait3A_76 : memref<256x128xf32, #tpu.memory_space<hbm>>) dst(%arg16 : memref<256x128xf32, #tpu.memory_space<vmem>>)
    %add3A_77 = arith.constant 512 : i32
    %add3A_78 = arith.addi %add3A, %add3A_77 : i32
    %dma_wait3A_79 = arith.constant 0 : i32
    %dma_wait3A_80 = tpu.memref_slice %arg7[%add3A_78, %dma_wait3A_79] : memref<200000x128xf32, #tpu.memory_space<hbm>> -> memref<256x128xf32, #tpu.memory_space<hbm>>
    %dma_wait3A_81 = arith.constant 0 : i32
    %dma_wait3A_82 = tpu.memref_slice %arg7[%add3A_78, %dma_wait3A_81] : memref<200000x128xf32, #tpu.memory_space<hbm>> -> memref<256x128xf32, #tpu.memory_space<hbm>>
    tpu.wait_dma2 semaphore(%arg19 : memref<!tpu.dma_semaphore, #tpu.memory_space<semaphore_mem>>) src(%arg15 : memref<256x128xf32, #tpu.memory_space<vmem>>) dst(%dma_wait3A_82 : memref<256x128xf32, #tpu.memory_space<hbm>>)
    %add3A_83 = arith.constant 1024 : i32
    %add3A_84 = arith.addi %add3A, %add3A_83 : i32
    %dma_start3A_85 = arith.constant 0 : i32
    %dma_start3A_86 = tpu.memref_slice %arg2[%add3A_84, %dma_start3A_85] : memref<200000x128xf32, #tpu.memory_space<hbm>> -> memref<256x128xf32, #tpu.memory_space<hbm>>
    %dma_start3A_87 = arith.constant 0 : i32
    %dma_start3A_88 = tpu.memref_slice %arg2[%add3A_84, %dma_start3A_87] : memref<200000x128xf32, #tpu.memory_space<hbm>> -> memref<256x128xf32, #tpu.memory_space<hbm>>
    tpu.enqueue_dma source(%dma_start3A_88 : memref<256x128xf32, #tpu.memory_space<hbm>>) target(%arg15 : memref<256x128xf32, #tpu.memory_space<vmem>>) target_semaphore(%arg17 : memref<!tpu.dma_semaphore, #tpu.memory_space<semaphore_mem>>)
    %add3A_89 = arith.constant 768 : i32
    %add3A_90 = arith.addi %add3A, %add3A_89 : i32
    %dma_start3A_91 = arith.constant 0 : i32
    %dma_start3A_92 = tpu.memref_slice %arg7[%add3A_90, %dma_start3A_91] : memref<200000x128xf32, #tpu.memory_space<hbm>> -> memref<256x128xf32, #tpu.memory_space<hbm>>
    %dma_start3A_93 = arith.constant 0 : i32
    %dma_start3A_94 = tpu.memref_slice %arg7[%add3A_90, %dma_start3A_93] : memref<200000x128xf32, #tpu.memory_space<hbm>> -> memref<256x128xf32, #tpu.memory_space<hbm>>
    tpu.enqueue_dma source(%arg16 : memref<256x128xf32, #tpu.memory_space<vmem>>) target(%dma_start3A_94 : memref<256x128xf32, #tpu.memory_space<hbm>>) target_semaphore(%arg20 : memref<!tpu.dma_semaphore, #tpu.memory_space<semaphore_mem>>)
    %add3A_95 = arith.constant 1024 : i32
    %add3A_96 = arith.addi %add3A, %add3A_95 : i32
    %dma_wait3A_97 = arith.constant 0 : i32
    %dma_wait3A_98 = tpu.memref_slice %arg2[%add3A_96, %dma_wait3A_97] : memref<200000x128xf32, #tpu.memory_space<hbm>> -> memref<256x128xf32, #tpu.memory_space<hbm>>
    %dma_wait3A_99 = arith.constant 0 : i32
    %dma_wait3A_100 = tpu.memref_slice %arg2[%add3A_96, %dma_wait3A_99] : memref<200000x128xf32, #tpu.memory_space<hbm>> -> memref<256x128xf32, #tpu.memory_space<hbm>>
    tpu.wait_dma2 semaphore(%arg17 : memref<!tpu.dma_semaphore, #tpu.memory_space<semaphore_mem>>) src(%dma_wait3A_100 : memref<256x128xf32, #tpu.memory_space<hbm>>) dst(%arg15 : memref<256x128xf32, #tpu.memory_space<vmem>>)
    %add3A_101 = arith.constant 768 : i32
    %add3A_102 = arith.addi %add3A, %add3A_101 : i32
    %dma_wait3A_103 = arith.constant 0 : i32
    %dma_wait3A_104 = tpu.memref_slice %arg7[%add3A_102, %dma_wait3A_103] : memref<200000x128xf32, #tpu.memory_space<hbm>> -> memref<256x128xf32, #tpu.memory_space<hbm>>
    %dma_wait3A_105 = arith.constant 0 : i32
    %dma_wait3A_106 = tpu.memref_slice %arg7[%add3A_102, %dma_wait3A_105] : memref<200000x128xf32, #tpu.memory_space<hbm>> -> memref<256x128xf32, #tpu.memory_space<hbm>>
    tpu.wait_dma2 semaphore(%arg20 : memref<!tpu.dma_semaphore, #tpu.memory_space<semaphore_mem>>) src(%arg16 : memref<256x128xf32, #tpu.memory_space<vmem>>) dst(%dma_wait3A_106 : memref<256x128xf32, #tpu.memory_space<hbm>>)
    %add3A_107 = arith.constant 1280 : i32
    %add3A_108 = arith.addi %add3A, %add3A_107 : i32
    %dma_start3A_109 = arith.constant 0 : i32
    %dma_start3A_110 = tpu.memref_slice %arg2[%add3A_108, %dma_start3A_109] : memref<200000x128xf32, #tpu.memory_space<hbm>> -> memref<256x128xf32, #tpu.memory_space<hbm>>
    %dma_start3A_111 = arith.constant 0 : i32
    %dma_start3A_112 = tpu.memref_slice %arg2[%add3A_108, %dma_start3A_111] : memref<200000x128xf32, #tpu.memory_space<hbm>> -> memref<256x128xf32, #tpu.memory_space<hbm>>
    tpu.enqueue_dma source(%dma_start3A_112 : memref<256x128xf32, #tpu.memory_space<hbm>>) target(%arg16 : memref<256x128xf32, #tpu.memory_space<vmem>>) target_semaphore(%arg18 : memref<!tpu.dma_semaphore, #tpu.memory_space<semaphore_mem>>)
    %add3A_113 = arith.constant 1024 : i32
    %add3A_114 = arith.addi %add3A, %add3A_113 : i32
    %dma_start3A_115 = arith.constant 0 : i32
    %dma_start3A_116 = tpu.memref_slice %arg7[%add3A_114, %dma_start3A_115] : memref<200000x128xf32, #tpu.memory_space<hbm>> -> memref<256x128xf32, #tpu.memory_space<hbm>>
    %dma_start3A_117 = arith.constant 0 : i32
    %dma_start3A_118 = tpu.memref_slice %arg7[%add3A_114, %dma_start3A_117] : memref<200000x128xf32, #tpu.memory_space<hbm>> -> memref<256x128xf32, #tpu.memory_space<hbm>>
    tpu.enqueue_dma source(%arg15 : memref<256x128xf32, #tpu.memory_space<vmem>>) target(%dma_start3A_118 : memref<256x128xf32, #tpu.memory_space<hbm>>) target_semaphore(%arg19 : memref<!tpu.dma_semaphore, #tpu.memory_space<semaphore_mem>>)
    %add3A_119 = arith.constant 1280 : i32
    %add3A_120 = arith.addi %add3A, %add3A_119 : i32
    %dma_wait3A_121 = arith.constant 0 : i32
    %dma_wait3A_122 = tpu.memref_slice %arg2[%add3A_120, %dma_wait3A_121] : memref<200000x128xf32, #tpu.memory_space<hbm>> -> memref<256x128xf32, #tpu.memory_space<hbm>>
    %dma_wait3A_123 = arith.constant 0 : i32
    %dma_wait3A_124 = tpu.memref_slice %arg2[%add3A_120, %dma_wait3A_123] : memref<200000x128xf32, #tpu.memory_space<hbm>> -> memref<256x128xf32, #tpu.memory_space<hbm>>
    tpu.wait_dma2 semaphore(%arg18 : memref<!tpu.dma_semaphore, #tpu.memory_space<semaphore_mem>>) src(%dma_wait3A_124 : memref<256x128xf32, #tpu.memory_space<hbm>>) dst(%arg16 : memref<256x128xf32, #tpu.memory_space<vmem>>)
    %add3A_125 = arith.constant 1024 : i32
    %add3A_126 = arith.addi %add3A, %add3A_125 : i32
    %dma_wait3A_127 = arith.constant 0 : i32
    %dma_wait3A_128 = tpu.memref_slice %arg7[%add3A_126, %dma_wait3A_127] : memref<200000x128xf32, #tpu.memory_space<hbm>> -> memref<256x128xf32, #tpu.memory_space<hbm>>
    %dma_wait3A_129 = arith.constant 0 : i32
    %dma_wait3A_130 = tpu.memref_slice %arg7[%add3A_126, %dma_wait3A_129] : memref<200000x128xf32, #tpu.memory_space<hbm>> -> memref<256x128xf32, #tpu.memory_space<hbm>>
    tpu.wait_dma2 semaphore(%arg19 : memref<!tpu.dma_semaphore, #tpu.memory_space<semaphore_mem>>) src(%arg15 : memref<256x128xf32, #tpu.memory_space<vmem>>) dst(%dma_wait3A_130 : memref<256x128xf32, #tpu.memory_space<hbm>>)
    %add3A_131 = arith.constant 1536 : i32
    %add3A_132 = arith.addi %add3A, %add3A_131 : i32
    %dma_start3A_133 = arith.constant 0 : i32
    %dma_start3A_134 = tpu.memref_slice %arg2[%add3A_132, %dma_start3A_133] : memref<200000x128xf32, #tpu.memory_space<hbm>> -> memref<256x128xf32, #tpu.memory_space<hbm>>
    %dma_start3A_135 = arith.constant 0 : i32
    %dma_start3A_136 = tpu.memref_slice %arg2[%add3A_132, %dma_start3A_135] : memref<200000x128xf32, #tpu.memory_space<hbm>> -> memref<256x128xf32, #tpu.memory_space<hbm>>
    tpu.enqueue_dma source(%dma_start3A_136 : memref<256x128xf32, #tpu.memory_space<hbm>>) target(%arg15 : memref<256x128xf32, #tpu.memory_space<vmem>>) target_semaphore(%arg17 : memref<!tpu.dma_semaphore, #tpu.memory_space<semaphore_mem>>)
    %add3A_137 = arith.constant 1280 : i32
    %add3A_138 = arith.addi %add3A, %add3A_137 : i32
    %dma_start3A_139 = arith.constant 0 : i32
    %dma_start3A_140 = tpu.memref_slice %arg7[%add3A_138, %dma_start3A_139] : memref<200000x128xf32, #tpu.memory_space<hbm>> -> memref<256x128xf32, #tpu.memory_space<hbm>>
    %dma_start3A_141 = arith.constant 0 : i32
    %dma_start3A_142 = tpu.memref_slice %arg7[%add3A_138, %dma_start3A_141] : memref<200000x128xf32, #tpu.memory_space<hbm>> -> memref<256x128xf32, #tpu.memory_space<hbm>>
    tpu.enqueue_dma source(%arg16 : memref<256x128xf32, #tpu.memory_space<vmem>>) target(%dma_start3A_142 : memref<256x128xf32, #tpu.memory_space<hbm>>) target_semaphore(%arg20 : memref<!tpu.dma_semaphore, #tpu.memory_space<semaphore_mem>>)
    %add3A_143 = arith.constant 1536 : i32
    %add3A_144 = arith.addi %add3A, %add3A_143 : i32
    %dma_wait3A_145 = arith.constant 0 : i32
    %dma_wait3A_146 = tpu.memref_slice %arg2[%add3A_144, %dma_wait3A_145] : memref<200000x128xf32, #tpu.memory_space<hbm>> -> memref<256x128xf32, #tpu.memory_space<hbm>>
    %dma_wait3A_147 = arith.constant 0 : i32
    %dma_wait3A_148 = tpu.memref_slice %arg2[%add3A_144, %dma_wait3A_147] : memref<200000x128xf32, #tpu.memory_space<hbm>> -> memref<256x128xf32, #tpu.memory_space<hbm>>
    tpu.wait_dma2 semaphore(%arg17 : memref<!tpu.dma_semaphore, #tpu.memory_space<semaphore_mem>>) src(%dma_wait3A_148 : memref<256x128xf32, #tpu.memory_space<hbm>>) dst(%arg15 : memref<256x128xf32, #tpu.memory_space<vmem>>)
    %add3A_149 = arith.constant 1280 : i32
    %add3A_150 = arith.addi %add3A, %add3A_149 : i32
    %dma_wait3A_151 = arith.constant 0 : i32
    %dma_wait3A_152 = tpu.memref_slice %arg7[%add3A_150, %dma_wait3A_151] : memref<200000x128xf32, #tpu.memory_space<hbm>> -> memref<256x128xf32, #tpu.memory_space<hbm>>
    %dma_wait3A_153 = arith.constant 0 : i32
    %dma_wait3A_154 = tpu.memref_slice %arg7[%add3A_150, %dma_wait3A_153] : memref<200000x128xf32, #tpu.memory_space<hbm>> -> memref<256x128xf32, #tpu.memory_space<hbm>>
    tpu.wait_dma2 semaphore(%arg20 : memref<!tpu.dma_semaphore, #tpu.memory_space<semaphore_mem>>) src(%arg16 : memref<256x128xf32, #tpu.memory_space<vmem>>) dst(%dma_wait3A_154 : memref<256x128xf32, #tpu.memory_space<hbm>>)
    %add3A_155 = arith.constant 1792 : i32
    %add3A_156 = arith.addi %add3A, %add3A_155 : i32
    %dma_start3A_157 = arith.constant 0 : i32
    %dma_start3A_158 = tpu.memref_slice %arg2[%add3A_156, %dma_start3A_157] : memref<200000x128xf32, #tpu.memory_space<hbm>> -> memref<256x128xf32, #tpu.memory_space<hbm>>
    %dma_start3A_159 = arith.constant 0 : i32
    %dma_start3A_160 = tpu.memref_slice %arg2[%add3A_156, %dma_start3A_159] : memref<200000x128xf32, #tpu.memory_space<hbm>> -> memref<256x128xf32, #tpu.memory_space<hbm>>
    tpu.enqueue_dma source(%dma_start3A_160 : memref<256x128xf32, #tpu.memory_space<hbm>>) target(%arg16 : memref<256x128xf32, #tpu.memory_space<vmem>>) target_semaphore(%arg18 : memref<!tpu.dma_semaphore, #tpu.memory_space<semaphore_mem>>)
    %add3A_161 = arith.constant 1536 : i32
    %add3A_162 = arith.addi %add3A, %add3A_161 : i32
    %dma_start3A_163 = arith.constant 0 : i32
    %dma_start3A_164 = tpu.memref_slice %arg7[%add3A_162, %dma_start3A_163] : memref<200000x128xf32, #tpu.memory_space<hbm>> -> memref<256x128xf32, #tpu.memory_space<hbm>>
    %dma_start3A_165 = arith.constant 0 : i32
    %dma_start3A_166 = tpu.memref_slice %arg7[%add3A_162, %dma_start3A_165] : memref<200000x128xf32, #tpu.memory_space<hbm>> -> memref<256x128xf32, #tpu.memory_space<hbm>>
    tpu.enqueue_dma source(%arg15 : memref<256x128xf32, #tpu.memory_space<vmem>>) target(%dma_start3A_166 : memref<256x128xf32, #tpu.memory_space<hbm>>) target_semaphore(%arg19 : memref<!tpu.dma_semaphore, #tpu.memory_space<semaphore_mem>>)
    %add3A_167 = arith.constant 1792 : i32
    %add3A_168 = arith.addi %add3A, %add3A_167 : i32
    %dma_wait3A_169 = arith.constant 0 : i32
    %dma_wait3A_170 = tpu.memref_slice %arg2[%add3A_168, %dma_wait3A_169] : memref<200000x128xf32, #tpu.memory_space<hbm>> -> memref<256x128xf32, #tpu.memory_space<hbm>>
    %dma_wait3A_171 = arith.constant 0 : i32
    %dma_wait3A_172 = tpu.memref_slice %arg2[%add3A_168, %dma_wait3A_171] : memref<200000x128xf32, #tpu.memory_space<hbm>> -> memref<256x128xf32, #tpu.memory_space<hbm>>
    tpu.wait_dma2 semaphore(%arg18 : memref<!tpu.dma_semaphore, #tpu.memory_space<semaphore_mem>>) src(%dma_wait3A_172 : memref<256x128xf32, #tpu.memory_space<hbm>>) dst(%arg16 : memref<256x128xf32, #tpu.memory_space<vmem>>)
    %add3A_173 = arith.constant 1536 : i32
    %add3A_174 = arith.addi %add3A, %add3A_173 : i32
    %dma_wait3A_175 = arith.constant 0 : i32
    %dma_wait3A_176 = tpu.memref_slice %arg7[%add3A_174, %dma_wait3A_175] : memref<200000x128xf32, #tpu.memory_space<hbm>> -> memref<256x128xf32, #tpu.memory_space<hbm>>
    %dma_wait3A_177 = arith.constant 0 : i32
    %dma_wait3A_178 = tpu.memref_slice %arg7[%add3A_174, %dma_wait3A_177] : memref<200000x128xf32, #tpu.memory_space<hbm>> -> memref<256x128xf32, #tpu.memory_space<hbm>>
    tpu.wait_dma2 semaphore(%arg19 : memref<!tpu.dma_semaphore, #tpu.memory_space<semaphore_mem>>) src(%arg15 : memref<256x128xf32, #tpu.memory_space<vmem>>) dst(%dma_wait3A_178 : memref<256x128xf32, #tpu.memory_space<hbm>>)
    %add3A_179 = arith.constant 2048 : i32
    %add3A_180 = arith.addi %add3A, %add3A_179 : i32
    %dma_start3A_181 = arith.constant 0 : i32
    %dma_start3A_182 = tpu.memref_slice %arg2[%add3A_180, %dma_start3A_181] : memref<200000x128xf32, #tpu.memory_space<hbm>> -> memref<256x128xf32, #tpu.memory_space<hbm>>
    %dma_start3A_183 = arith.constant 0 : i32
    %dma_start3A_184 = tpu.memref_slice %arg2[%add3A_180, %dma_start3A_183] : memref<200000x128xf32, #tpu.memory_space<hbm>> -> memref<256x128xf32, #tpu.memory_space<hbm>>
    tpu.enqueue_dma source(%dma_start3A_184 : memref<256x128xf32, #tpu.memory_space<hbm>>) target(%arg15 : memref<256x128xf32, #tpu.memory_space<vmem>>) target_semaphore(%arg17 : memref<!tpu.dma_semaphore, #tpu.memory_space<semaphore_mem>>)
    %add3A_185 = arith.constant 1792 : i32
    %add3A_186 = arith.addi %add3A, %add3A_185 : i32
    %dma_start3A_187 = arith.constant 0 : i32
    %dma_start3A_188 = tpu.memref_slice %arg7[%add3A_186, %dma_start3A_187] : memref<200000x128xf32, #tpu.memory_space<hbm>> -> memref<256x128xf32, #tpu.memory_space<hbm>>
    %dma_start3A_189 = arith.constant 0 : i32
    %dma_start3A_190 = tpu.memref_slice %arg7[%add3A_186, %dma_start3A_189] : memref<200000x128xf32, #tpu.memory_space<hbm>> -> memref<256x128xf32, #tpu.memory_space<hbm>>
    tpu.enqueue_dma source(%arg16 : memref<256x128xf32, #tpu.memory_space<vmem>>) target(%dma_start3A_190 : memref<256x128xf32, #tpu.memory_space<hbm>>) target_semaphore(%arg20 : memref<!tpu.dma_semaphore, #tpu.memory_space<semaphore_mem>>)
    %add3A_191 = arith.constant 2048 : i32
    %add3A_192 = arith.addi %add3A, %add3A_191 : i32
    %dma_wait3A_193 = arith.constant 0 : i32
    %dma_wait3A_194 = tpu.memref_slice %arg2[%add3A_192, %dma_wait3A_193] : memref<200000x128xf32, #tpu.memory_space<hbm>> -> memref<256x128xf32, #tpu.memory_space<hbm>>
    %dma_wait3A_195 = arith.constant 0 : i32
    %dma_wait3A_196 = tpu.memref_slice %arg2[%add3A_192, %dma_wait3A_195] : memref<200000x128xf32, #tpu.memory_space<hbm>> -> memref<256x128xf32, #tpu.memory_space<hbm>>
    tpu.wait_dma2 semaphore(%arg17 : memref<!tpu.dma_semaphore, #tpu.memory_space<semaphore_mem>>) src(%dma_wait3A_196 : memref<256x128xf32, #tpu.memory_space<hbm>>) dst(%arg15 : memref<256x128xf32, #tpu.memory_space<vmem>>)
    %add3A_197 = arith.constant 1792 : i32
    %add3A_198 = arith.addi %add3A, %add3A_197 : i32
    %dma_wait3A_199 = arith.constant 0 : i32
    %dma_wait3A_200 = tpu.memref_slice %arg7[%add3A_198, %dma_wait3A_199] : memref<200000x128xf32, #tpu.memory_space<hbm>> -> memref<256x128xf32, #tpu.memory_space<hbm>>
    %dma_wait3A_201 = arith.constant 0 : i32
    %dma_wait3A_202 = tpu.memref_slice %arg7[%add3A_198, %dma_wait3A_201] : memref<200000x128xf32, #tpu.memory_space<hbm>> -> memref<256x128xf32, #tpu.memory_space<hbm>>
    tpu.wait_dma2 semaphore(%arg20 : memref<!tpu.dma_semaphore, #tpu.memory_space<semaphore_mem>>) src(%arg16 : memref<256x128xf32, #tpu.memory_space<vmem>>) dst(%dma_wait3A_202 : memref<256x128xf32, #tpu.memory_space<hbm>>)
    %add3A_203 = arith.constant 2304 : i32
    %add3A_204 = arith.addi %add3A, %add3A_203 : i32
    %dma_start3A_205 = arith.constant 0 : i32
    %dma_start3A_206 = tpu.memref_slice %arg2[%add3A_204, %dma_start3A_205] : memref<200000x128xf32, #tpu.memory_space<hbm>> -> memref<256x128xf32, #tpu.memory_space<hbm>>
    %dma_start3A_207 = arith.constant 0 : i32
    %dma_start3A_208 = tpu.memref_slice %arg2[%add3A_204, %dma_start3A_207] : memref<200000x128xf32, #tpu.memory_space<hbm>> -> memref<256x128xf32, #tpu.memory_space<hbm>>
    tpu.enqueue_dma source(%dma_start3A_208 : memref<256x128xf32, #tpu.memory_space<hbm>>) target(%arg16 : memref<256x128xf32, #tpu.memory_space<vmem>>) target_semaphore(%arg18 : memref<!tpu.dma_semaphore, #tpu.memory_space<semaphore_mem>>)
    %add3A_209 = arith.constant 2048 : i32
    %add3A_210 = arith.addi %add3A, %add3A_209 : i32
    %dma_start3A_211 = arith.constant 0 : i32
    %dma_start3A_212 = tpu.memref_slice %arg7[%add3A_210, %dma_start3A_211] : memref<200000x128xf32, #tpu.memory_space<hbm>> -> memref<256x128xf32, #tpu.memory_space<hbm>>
    %dma_start3A_213 = arith.constant 0 : i32
    %dma_start3A_214 = tpu.memref_slice %arg7[%add3A_210, %dma_start3A_213] : memref<200000x128xf32, #tpu.memory_space<hbm>> -> memref<256x128xf32, #tpu.memory_space<hbm>>
    tpu.enqueue_dma source(%arg15 : memref<256x128xf32, #tpu.memory_space<vmem>>) target(%dma_start3A_214 : memref<256x128xf32, #tpu.memory_space<hbm>>) target_semaphore(%arg19 : memref<!tpu.dma_semaphore, #tpu.memory_space<semaphore_mem>>)
    %add3A_215 = arith.constant 2304 : i32
    %add3A_216 = arith.addi %add3A, %add3A_215 : i32
    %dma_wait3A_217 = arith.constant 0 : i32
    %dma_wait3A_218 = tpu.memref_slice %arg2[%add3A_216, %dma_wait3A_217] : memref<200000x128xf32, #tpu.memory_space<hbm>> -> memref<256x128xf32, #tpu.memory_space<hbm>>
    %dma_wait3A_219 = arith.constant 0 : i32
    %dma_wait3A_220 = tpu.memref_slice %arg2[%add3A_216, %dma_wait3A_219] : memref<200000x128xf32, #tpu.memory_space<hbm>> -> memref<256x128xf32, #tpu.memory_space<hbm>>
    tpu.wait_dma2 semaphore(%arg18 : memref<!tpu.dma_semaphore, #tpu.memory_space<semaphore_mem>>) src(%dma_wait3A_220 : memref<256x128xf32, #tpu.memory_space<hbm>>) dst(%arg16 : memref<256x128xf32, #tpu.memory_space<vmem>>)
    %add3A_221 = arith.constant 2048 : i32
    %add3A_222 = arith.addi %add3A, %add3A_221 : i32
    %dma_wait3A_223 = arith.constant 0 : i32
    %dma_wait3A_224 = tpu.memref_slice %arg7[%add3A_222, %dma_wait3A_223] : memref<200000x128xf32, #tpu.memory_space<hbm>> -> memref<256x128xf32, #tpu.memory_space<hbm>>
    %dma_wait3A_225 = arith.constant 0 : i32
    %dma_wait3A_226 = tpu.memref_slice %arg7[%add3A_222, %dma_wait3A_225] : memref<200000x128xf32, #tpu.memory_space<hbm>> -> memref<256x128xf32, #tpu.memory_space<hbm>>
    tpu.wait_dma2 semaphore(%arg19 : memref<!tpu.dma_semaphore, #tpu.memory_space<semaphore_mem>>) src(%arg15 : memref<256x128xf32, #tpu.memory_space<vmem>>) dst(%dma_wait3A_226 : memref<256x128xf32, #tpu.memory_space<hbm>>)
    %add3A_227 = arith.constant 2560 : i32
    %add3A_228 = arith.addi %add3A, %add3A_227 : i32
    %dma_start3A_229 = arith.constant 0 : i32
    %dma_start3A_230 = tpu.memref_slice %arg2[%add3A_228, %dma_start3A_229] : memref<200000x128xf32, #tpu.memory_space<hbm>> -> memref<256x128xf32, #tpu.memory_space<hbm>>
    %dma_start3A_231 = arith.constant 0 : i32
    %dma_start3A_232 = tpu.memref_slice %arg2[%add3A_228, %dma_start3A_231] : memref<200000x128xf32, #tpu.memory_space<hbm>> -> memref<256x128xf32, #tpu.memory_space<hbm>>
    tpu.enqueue_dma source(%dma_start3A_232 : memref<256x128xf32, #tpu.memory_space<hbm>>) target(%arg15 : memref<256x128xf32, #tpu.memory_space<vmem>>) target_semaphore(%arg17 : memref<!tpu.dma_semaphore, #tpu.memory_space<semaphore_mem>>)
    %add3A_233 = arith.constant 2304 : i32
    %add3A_234 = arith.addi %add3A, %add3A_233 : i32
    %dma_start3A_235 = arith.constant 0 : i32
    %dma_start3A_236 = tpu.memref_slice %arg7[%add3A_234, %dma_start3A_235] : memref<200000x128xf32, #tpu.memory_space<hbm>> -> memref<256x128xf32, #tpu.memory_space<hbm>>
    %dma_start3A_237 = arith.constant 0 : i32
    %dma_start3A_238 = tpu.memref_slice %arg7[%add3A_234, %dma_start3A_237] : memref<200000x128xf32, #tpu.memory_space<hbm>> -> memref<256x128xf32, #tpu.memory_space<hbm>>
    tpu.enqueue_dma source(%arg16 : memref<256x128xf32, #tpu.memory_space<vmem>>) target(%dma_start3A_238 : memref<256x128xf32, #tpu.memory_space<hbm>>) target_semaphore(%arg20 : memref<!tpu.dma_semaphore, #tpu.memory_space<semaphore_mem>>)
    %add3A_239 = arith.constant 2560 : i32
    %add3A_240 = arith.addi %add3A, %add3A_239 : i32
    %dma_wait3A_241 = arith.constant 0 : i32
    %dma_wait3A_242 = tpu.memref_slice %arg2[%add3A_240, %dma_wait3A_241] : memref<200000x128xf32, #tpu.memory_space<hbm>> -> memref<256x128xf32, #tpu.memory_space<hbm>>
    %dma_wait3A_243 = arith.constant 0 : i32
    %dma_wait3A_244 = tpu.memref_slice %arg2[%add3A_240, %dma_wait3A_243] : memref<200000x128xf32, #tpu.memory_space<hbm>> -> memref<256x128xf32, #tpu.memory_space<hbm>>
    tpu.wait_dma2 semaphore(%arg17 : memref<!tpu.dma_semaphore, #tpu.memory_space<semaphore_mem>>) src(%dma_wait3A_244 : memref<256x128xf32, #tpu.memory_space<hbm>>) dst(%arg15 : memref<256x128xf32, #tpu.memory_space<vmem>>)
    %add3A_245 = arith.constant 2304 : i32
    %add3A_246 = arith.addi %add3A, %add3A_245 : i32
    %dma_wait3A_247 = arith.constant 0 : i32
    %dma_wait3A_248 = tpu.memref_slice %arg7[%add3A_246, %dma_wait3A_247] : memref<200000x128xf32, #tpu.memory_space<hbm>> -> memref<256x128xf32, #tpu.memory_space<hbm>>
    %dma_wait3A_249 = arith.constant 0 : i32
    %dma_wait3A_250 = tpu.memref_slice %arg7[%add3A_246, %dma_wait3A_249] : memref<200000x128xf32, #tpu.memory_space<hbm>> -> memref<256x128xf32, #tpu.memory_space<hbm>>
    tpu.wait_dma2 semaphore(%arg20 : memref<!tpu.dma_semaphore, #tpu.memory_space<semaphore_mem>>) src(%arg16 : memref<256x128xf32, #tpu.memory_space<vmem>>) dst(%dma_wait3A_250 : memref<256x128xf32, #tpu.memory_space<hbm>>)
    %add3A_251 = arith.constant 2816 : i32
    %add3A_252 = arith.addi %add3A, %add3A_251 : i32
    %dma_start3A_253 = arith.constant 0 : i32
    %dma_start3A_254 = tpu.memref_slice %arg2[%add3A_252, %dma_start3A_253] : memref<200000x128xf32, #tpu.memory_space<hbm>> -> memref<256x128xf32, #tpu.memory_space<hbm>>
    %dma_start3A_255 = arith.constant 0 : i32
    %dma_start3A_256 = tpu.memref_slice %arg2[%add3A_252, %dma_start3A_255] : memref<200000x128xf32, #tpu.memory_space<hbm>> -> memref<256x128xf32, #tpu.memory_space<hbm>>
    tpu.enqueue_dma source(%dma_start3A_256 : memref<256x128xf32, #tpu.memory_space<hbm>>) target(%arg16 : memref<256x128xf32, #tpu.memory_space<vmem>>) target_semaphore(%arg18 : memref<!tpu.dma_semaphore, #tpu.memory_space<semaphore_mem>>)
    %add3A_257 = arith.constant 2560 : i32
    %add3A_258 = arith.addi %add3A, %add3A_257 : i32
    %dma_start3A_259 = arith.constant 0 : i32
    %dma_start3A_260 = tpu.memref_slice %arg7[%add3A_258, %dma_start3A_259] : memref<200000x128xf32, #tpu.memory_space<hbm>> -> memref<256x128xf32, #tpu.memory_space<hbm>>
    %dma_start3A_261 = arith.constant 0 : i32
    %dma_start3A_262 = tpu.memref_slice %arg7[%add3A_258, %dma_start3A_261] : memref<200000x128xf32, #tpu.memory_space<hbm>> -> memref<256x128xf32, #tpu.memory_space<hbm>>
    tpu.enqueue_dma source(%arg15 : memref<256x128xf32, #tpu.memory_space<vmem>>) target(%dma_start3A_262 : memref<256x128xf32, #tpu.memory_space<hbm>>) target_semaphore(%arg19 : memref<!tpu.dma_semaphore, #tpu.memory_space<semaphore_mem>>)
    %add3A_263 = arith.constant 2816 : i32
    %add3A_264 = arith.addi %add3A, %add3A_263 : i32
    %dma_wait3A_265 = arith.constant 0 : i32
    %dma_wait3A_266 = tpu.memref_slice %arg2[%add3A_264, %dma_wait3A_265] : memref<200000x128xf32, #tpu.memory_space<hbm>> -> memref<256x128xf32, #tpu.memory_space<hbm>>
    %dma_wait3A_267 = arith.constant 0 : i32
    %dma_wait3A_268 = tpu.memref_slice %arg2[%add3A_264, %dma_wait3A_267] : memref<200000x128xf32, #tpu.memory_space<hbm>> -> memref<256x128xf32, #tpu.memory_space<hbm>>
    tpu.wait_dma2 semaphore(%arg18 : memref<!tpu.dma_semaphore, #tpu.memory_space<semaphore_mem>>) src(%dma_wait3A_268 : memref<256x128xf32, #tpu.memory_space<hbm>>) dst(%arg16 : memref<256x128xf32, #tpu.memory_space<vmem>>)
    %add3A_269 = arith.constant 2560 : i32
    %add3A_270 = arith.addi %add3A, %add3A_269 : i32
    %dma_wait3A_271 = arith.constant 0 : i32
    %dma_wait3A_272 = tpu.memref_slice %arg7[%add3A_270, %dma_wait3A_271] : memref<200000x128xf32, #tpu.memory_space<hbm>> -> memref<256x128xf32, #tpu.memory_space<hbm>>
    %dma_wait3A_273 = arith.constant 0 : i32
    %dma_wait3A_274 = tpu.memref_slice %arg7[%add3A_270, %dma_wait3A_273] : memref<200000x128xf32, #tpu.memory_space<hbm>> -> memref<256x128xf32, #tpu.memory_space<hbm>>
    tpu.wait_dma2 semaphore(%arg19 : memref<!tpu.dma_semaphore, #tpu.memory_space<semaphore_mem>>) src(%arg15 : memref<256x128xf32, #tpu.memory_space<vmem>>) dst(%dma_wait3A_274 : memref<256x128xf32, #tpu.memory_space<hbm>>)
    %add3A_275 = arith.constant 3072 : i32
    %add3A_276 = arith.addi %add3A, %add3A_275 : i32
    %dma_start3A_277 = arith.constant 0 : i32
    %dma_start3A_278 = tpu.memref_slice %arg2[%add3A_276, %dma_start3A_277] : memref<200000x128xf32, #tpu.memory_space<hbm>> -> memref<256x128xf32, #tpu.memory_space<hbm>>
    %dma_start3A_279 = arith.constant 0 : i32
    %dma_start3A_280 = tpu.memref_slice %arg2[%add3A_276, %dma_start3A_279] : memref<200000x128xf32, #tpu.memory_space<hbm>> -> memref<256x128xf32, #tpu.memory_space<hbm>>
    tpu.enqueue_dma source(%dma_start3A_280 : memref<256x128xf32, #tpu.memory_space<hbm>>) target(%arg15 : memref<256x128xf32, #tpu.memory_space<vmem>>) target_semaphore(%arg17 : memref<!tpu.dma_semaphore, #tpu.memory_space<semaphore_mem>>)
    %add3A_281 = arith.constant 2816 : i32
    %add3A_282 = arith.addi %add3A, %add3A_281 : i32
    %dma_start3A_283 = arith.constant 0 : i32
    %dma_start3A_284 = tpu.memref_slice %arg7[%add3A_282, %dma_start3A_283] : memref<200000x128xf32, #tpu.memory_space<hbm>> -> memref<256x128xf32, #tpu.memory_space<hbm>>
    %dma_start3A_285 = arith.constant 0 : i32
    %dma_start3A_286 = tpu.memref_slice %arg7[%add3A_282, %dma_start3A_285] : memref<200000x128xf32, #tpu.memory_space<hbm>> -> memref<256x128xf32, #tpu.memory_space<hbm>>
    tpu.enqueue_dma source(%arg16 : memref<256x128xf32, #tpu.memory_space<vmem>>) target(%dma_start3A_286 : memref<256x128xf32, #tpu.memory_space<hbm>>) target_semaphore(%arg20 : memref<!tpu.dma_semaphore, #tpu.memory_space<semaphore_mem>>)
    %add3A_287 = arith.constant 3072 : i32
    %add3A_288 = arith.addi %add3A, %add3A_287 : i32
    %dma_wait3A_289 = arith.constant 0 : i32
    %dma_wait3A_290 = tpu.memref_slice %arg2[%add3A_288, %dma_wait3A_289] : memref<200000x128xf32, #tpu.memory_space<hbm>> -> memref<256x128xf32, #tpu.memory_space<hbm>>
    %dma_wait3A_291 = arith.constant 0 : i32
    %dma_wait3A_292 = tpu.memref_slice %arg2[%add3A_288, %dma_wait3A_291] : memref<200000x128xf32, #tpu.memory_space<hbm>> -> memref<256x128xf32, #tpu.memory_space<hbm>>
    tpu.wait_dma2 semaphore(%arg17 : memref<!tpu.dma_semaphore, #tpu.memory_space<semaphore_mem>>) src(%dma_wait3A_292 : memref<256x128xf32, #tpu.memory_space<hbm>>) dst(%arg15 : memref<256x128xf32, #tpu.memory_space<vmem>>)
    %add3A_293 = arith.constant 2816 : i32
    %add3A_294 = arith.addi %add3A, %add3A_293 : i32
    %dma_wait3A_295 = arith.constant 0 : i32
    %dma_wait3A_296 = tpu.memref_slice %arg7[%add3A_294, %dma_wait3A_295] : memref<200000x128xf32, #tpu.memory_space<hbm>> -> memref<256x128xf32, #tpu.memory_space<hbm>>
    %dma_wait3A_297 = arith.constant 0 : i32
    %dma_wait3A_298 = tpu.memref_slice %arg7[%add3A_294, %dma_wait3A_297] : memref<200000x128xf32, #tpu.memory_space<hbm>> -> memref<256x128xf32, #tpu.memory_space<hbm>>
    tpu.wait_dma2 semaphore(%arg20 : memref<!tpu.dma_semaphore, #tpu.memory_space<semaphore_mem>>) src(%arg16 : memref<256x128xf32, #tpu.memory_space<vmem>>) dst(%dma_wait3A_298 : memref<256x128xf32, #tpu.memory_space<hbm>>)
    %add3A_299 = arith.constant 3328 : i32
    %add3A_300 = arith.addi %add3A, %add3A_299 : i32
    %dma_start3A_301 = arith.constant 0 : i32
    %dma_start3A_302 = tpu.memref_slice %arg2[%add3A_300, %dma_start3A_301] : memref<200000x128xf32, #tpu.memory_space<hbm>> -> memref<256x128xf32, #tpu.memory_space<hbm>>
    %dma_start3A_303 = arith.constant 0 : i32
    %dma_start3A_304 = tpu.memref_slice %arg2[%add3A_300, %dma_start3A_303] : memref<200000x128xf32, #tpu.memory_space<hbm>> -> memref<256x128xf32, #tpu.memory_space<hbm>>
    tpu.enqueue_dma source(%dma_start3A_304 : memref<256x128xf32, #tpu.memory_space<hbm>>) target(%arg16 : memref<256x128xf32, #tpu.memory_space<vmem>>) target_semaphore(%arg18 : memref<!tpu.dma_semaphore, #tpu.memory_space<semaphore_mem>>)
    %add3A_305 = arith.constant 3072 : i32
    %add3A_306 = arith.addi %add3A, %add3A_305 : i32
    %dma_start3A_307 = arith.constant 0 : i32
    %dma_start3A_308 = tpu.memref_slice %arg7[%add3A_306, %dma_start3A_307] : memref<200000x128xf32, #tpu.memory_space<hbm>> -> memref<256x128xf32, #tpu.memory_space<hbm>>
    %dma_start3A_309 = arith.constant 0 : i32
    %dma_start3A_310 = tpu.memref_slice %arg7[%add3A_306, %dma_start3A_309] : memref<200000x128xf32, #tpu.memory_space<hbm>> -> memref<256x128xf32, #tpu.memory_space<hbm>>
    tpu.enqueue_dma source(%arg15 : memref<256x128xf32, #tpu.memory_space<vmem>>) target(%dma_start3A_310 : memref<256x128xf32, #tpu.memory_space<hbm>>) target_semaphore(%arg19 : memref<!tpu.dma_semaphore, #tpu.memory_space<semaphore_mem>>)
    %add3A_311 = arith.constant 3328 : i32
    %add3A_312 = arith.addi %add3A, %add3A_311 : i32
    %dma_wait3A_313 = arith.constant 0 : i32
    %dma_wait3A_314 = tpu.memref_slice %arg2[%add3A_312, %dma_wait3A_313] : memref<200000x128xf32, #tpu.memory_space<hbm>> -> memref<256x128xf32, #tpu.memory_space<hbm>>
    %dma_wait3A_315 = arith.constant 0 : i32
    %dma_wait3A_316 = tpu.memref_slice %arg2[%add3A_312, %dma_wait3A_315] : memref<200000x128xf32, #tpu.memory_space<hbm>> -> memref<256x128xf32, #tpu.memory_space<hbm>>
    tpu.wait_dma2 semaphore(%arg18 : memref<!tpu.dma_semaphore, #tpu.memory_space<semaphore_mem>>) src(%dma_wait3A_316 : memref<256x128xf32, #tpu.memory_space<hbm>>) dst(%arg16 : memref<256x128xf32, #tpu.memory_space<vmem>>)
    %add3A_317 = arith.constant 3072 : i32
    %add3A_318 = arith.addi %add3A, %add3A_317 : i32
    %dma_wait3A_319 = arith.constant 0 : i32
    %dma_wait3A_320 = tpu.memref_slice %arg7[%add3A_318, %dma_wait3A_319] : memref<200000x128xf32, #tpu.memory_space<hbm>> -> memref<256x128xf32, #tpu.memory_space<hbm>>
    %dma_wait3A_321 = arith.constant 0 : i32
    %dma_wait3A_322 = tpu.memref_slice %arg7[%add3A_318, %dma_wait3A_321] : memref<200000x128xf32, #tpu.memory_space<hbm>> -> memref<256x128xf32, #tpu.memory_space<hbm>>
    tpu.wait_dma2 semaphore(%arg19 : memref<!tpu.dma_semaphore, #tpu.memory_space<semaphore_mem>>) src(%arg15 : memref<256x128xf32, #tpu.memory_space<vmem>>) dst(%dma_wait3A_322 : memref<256x128xf32, #tpu.memory_space<hbm>>)
    %add3A_323 = arith.constant 3584 : i32
    %add3A_324 = arith.addi %add3A, %add3A_323 : i32
    %dma_start3A_325 = arith.constant 0 : i32
    %dma_start3A_326 = tpu.memref_slice %arg2[%add3A_324, %dma_start3A_325] : memref<200000x128xf32, #tpu.memory_space<hbm>> -> memref<256x128xf32, #tpu.memory_space<hbm>>
    %dma_start3A_327 = arith.constant 0 : i32
    %dma_start3A_328 = tpu.memref_slice %arg2[%add3A_324, %dma_start3A_327] : memref<200000x128xf32, #tpu.memory_space<hbm>> -> memref<256x128xf32, #tpu.memory_space<hbm>>
    tpu.enqueue_dma source(%dma_start3A_328 : memref<256x128xf32, #tpu.memory_space<hbm>>) target(%arg15 : memref<256x128xf32, #tpu.memory_space<vmem>>) target_semaphore(%arg17 : memref<!tpu.dma_semaphore, #tpu.memory_space<semaphore_mem>>)
    %add3A_329 = arith.constant 3328 : i32
    %add3A_330 = arith.addi %add3A, %add3A_329 : i32
    %dma_start3A_331 = arith.constant 0 : i32
    %dma_start3A_332 = tpu.memref_slice %arg7[%add3A_330, %dma_start3A_331] : memref<200000x128xf32, #tpu.memory_space<hbm>> -> memref<256x128xf32, #tpu.memory_space<hbm>>
    %dma_start3A_333 = arith.constant 0 : i32
    %dma_start3A_334 = tpu.memref_slice %arg7[%add3A_330, %dma_start3A_333] : memref<200000x128xf32, #tpu.memory_space<hbm>> -> memref<256x128xf32, #tpu.memory_space<hbm>>
    tpu.enqueue_dma source(%arg16 : memref<256x128xf32, #tpu.memory_space<vmem>>) target(%dma_start3A_334 : memref<256x128xf32, #tpu.memory_space<hbm>>) target_semaphore(%arg20 : memref<!tpu.dma_semaphore, #tpu.memory_space<semaphore_mem>>)
    %add3A_335 = arith.constant 3584 : i32
    %add3A_336 = arith.addi %add3A, %add3A_335 : i32
    %dma_wait3A_337 = arith.constant 0 : i32
    %dma_wait3A_338 = tpu.memref_slice %arg2[%add3A_336, %dma_wait3A_337] : memref<200000x128xf32, #tpu.memory_space<hbm>> -> memref<256x128xf32, #tpu.memory_space<hbm>>
    %dma_wait3A_339 = arith.constant 0 : i32
    %dma_wait3A_340 = tpu.memref_slice %arg2[%add3A_336, %dma_wait3A_339] : memref<200000x128xf32, #tpu.memory_space<hbm>> -> memref<256x128xf32, #tpu.memory_space<hbm>>
    tpu.wait_dma2 semaphore(%arg17 : memref<!tpu.dma_semaphore, #tpu.memory_space<semaphore_mem>>) src(%dma_wait3A_340 : memref<256x128xf32, #tpu.memory_space<hbm>>) dst(%arg15 : memref<256x128xf32, #tpu.memory_space<vmem>>)
    %add3A_341 = arith.constant 3328 : i32
    %add3A_342 = arith.addi %add3A, %add3A_341 : i32
    %dma_wait3A_343 = arith.constant 0 : i32
    %dma_wait3A_344 = tpu.memref_slice %arg7[%add3A_342, %dma_wait3A_343] : memref<200000x128xf32, #tpu.memory_space<hbm>> -> memref<256x128xf32, #tpu.memory_space<hbm>>
    %dma_wait3A_345 = arith.constant 0 : i32
    %dma_wait3A_346 = tpu.memref_slice %arg7[%add3A_342, %dma_wait3A_345] : memref<200000x128xf32, #tpu.memory_space<hbm>> -> memref<256x128xf32, #tpu.memory_space<hbm>>
    tpu.wait_dma2 semaphore(%arg20 : memref<!tpu.dma_semaphore, #tpu.memory_space<semaphore_mem>>) src(%arg16 : memref<256x128xf32, #tpu.memory_space<vmem>>) dst(%dma_wait3A_346 : memref<256x128xf32, #tpu.memory_space<hbm>>)
    %add3A_347 = arith.constant 3840 : i32
    %add3A_348 = arith.addi %add3A, %add3A_347 : i32
    %dma_start3A_349 = arith.constant 0 : i32
    %dma_start3A_350 = tpu.memref_slice %arg2[%add3A_348, %dma_start3A_349] : memref<200000x128xf32, #tpu.memory_space<hbm>> -> memref<256x128xf32, #tpu.memory_space<hbm>>
    %dma_start3A_351 = arith.constant 0 : i32
    %dma_start3A_352 = tpu.memref_slice %arg2[%add3A_348, %dma_start3A_351] : memref<200000x128xf32, #tpu.memory_space<hbm>> -> memref<256x128xf32, #tpu.memory_space<hbm>>
    tpu.enqueue_dma source(%dma_start3A_352 : memref<256x128xf32, #tpu.memory_space<hbm>>) target(%arg16 : memref<256x128xf32, #tpu.memory_space<vmem>>) target_semaphore(%arg18 : memref<!tpu.dma_semaphore, #tpu.memory_space<semaphore_mem>>)
    %add3A_353 = arith.constant 3584 : i32
    %add3A_354 = arith.addi %add3A, %add3A_353 : i32
    %dma_start3A_355 = arith.constant 0 : i32
    %dma_start3A_356 = tpu.memref_slice %arg7[%add3A_354, %dma_start3A_355] : memref<200000x128xf32, #tpu.memory_space<hbm>> -> memref<256x128xf32, #tpu.memory_space<hbm>>
    %dma_start3A_357 = arith.constant 0 : i32
    %dma_start3A_358 = tpu.memref_slice %arg7[%add3A_354, %dma_start3A_357] : memref<200000x128xf32, #tpu.memory_space<hbm>> -> memref<256x128xf32, #tpu.memory_space<hbm>>
    tpu.enqueue_dma source(%arg15 : memref<256x128xf32, #tpu.memory_space<vmem>>) target(%dma_start3A_358 : memref<256x128xf32, #tpu.memory_space<hbm>>) target_semaphore(%arg19 : memref<!tpu.dma_semaphore, #tpu.memory_space<semaphore_mem>>)
    %add3A_359 = arith.constant 3840 : i32
    %add3A_360 = arith.addi %add3A, %add3A_359 : i32
    %dma_wait3A_361 = arith.constant 0 : i32
    %dma_wait3A_362 = tpu.memref_slice %arg2[%add3A_360, %dma_wait3A_361] : memref<200000x128xf32, #tpu.memory_space<hbm>> -> memref<256x128xf32, #tpu.memory_space<hbm>>
    %dma_wait3A_363 = arith.constant 0 : i32
    %dma_wait3A_364 = tpu.memref_slice %arg2[%add3A_360, %dma_wait3A_363] : memref<200000x128xf32, #tpu.memory_space<hbm>> -> memref<256x128xf32, #tpu.memory_space<hbm>>
    tpu.wait_dma2 semaphore(%arg18 : memref<!tpu.dma_semaphore, #tpu.memory_space<semaphore_mem>>) src(%dma_wait3A_364 : memref<256x128xf32, #tpu.memory_space<hbm>>) dst(%arg16 : memref<256x128xf32, #tpu.memory_space<vmem>>)
    %add3A_365 = arith.constant 3584 : i32
    %add3A_366 = arith.addi %add3A, %add3A_365 : i32
    %dma_wait3A_367 = arith.constant 0 : i32
    %dma_wait3A_368 = tpu.memref_slice %arg7[%add3A_366, %dma_wait3A_367] : memref<200000x128xf32, #tpu.memory_space<hbm>> -> memref<256x128xf32, #tpu.memory_space<hbm>>
    %dma_wait3A_369 = arith.constant 0 : i32
    %dma_wait3A_370 = tpu.memref_slice %arg7[%add3A_366, %dma_wait3A_369] : memref<200000x128xf32, #tpu.memory_space<hbm>> -> memref<256x128xf32, #tpu.memory_space<hbm>>
    tpu.wait_dma2 semaphore(%arg19 : memref<!tpu.dma_semaphore, #tpu.memory_space<semaphore_mem>>) src(%arg15 : memref<256x128xf32, #tpu.memory_space<vmem>>) dst(%dma_wait3A_370 : memref<256x128xf32, #tpu.memory_space<hbm>>)
    %add3A_371 = arith.constant 4096 : i32
    %add3A_372 = arith.addi %add3A, %add3A_371 : i32
    %dma_start3A_373 = arith.constant 0 : i32
    %dma_start3A_374 = tpu.memref_slice %arg2[%add3A_372, %dma_start3A_373] : memref<200000x128xf32, #tpu.memory_space<hbm>> -> memref<256x128xf32, #tpu.memory_space<hbm>>
    %dma_start3A_375 = arith.constant 0 : i32
    %dma_start3A_376 = tpu.memref_slice %arg2[%add3A_372, %dma_start3A_375] : memref<200000x128xf32, #tpu.memory_space<hbm>> -> memref<256x128xf32, #tpu.memory_space<hbm>>
    tpu.enqueue_dma source(%dma_start3A_376 : memref<256x128xf32, #tpu.memory_space<hbm>>) target(%arg15 : memref<256x128xf32, #tpu.memory_space<vmem>>) target_semaphore(%arg17 : memref<!tpu.dma_semaphore, #tpu.memory_space<semaphore_mem>>)
    %add3A_377 = arith.constant 3840 : i32
    %add3A_378 = arith.addi %add3A, %add3A_377 : i32
    %dma_start3A_379 = arith.constant 0 : i32
    %dma_start3A_380 = tpu.memref_slice %arg7[%add3A_378, %dma_start3A_379] : memref<200000x128xf32, #tpu.memory_space<hbm>> -> memref<256x128xf32, #tpu.memory_space<hbm>>
    %dma_start3A_381 = arith.constant 0 : i32
    %dma_start3A_382 = tpu.memref_slice %arg7[%add3A_378, %dma_start3A_381] : memref<200000x128xf32, #tpu.memory_space<hbm>> -> memref<256x128xf32, #tpu.memory_space<hbm>>
    tpu.enqueue_dma source(%arg16 : memref<256x128xf32, #tpu.memory_space<vmem>>) target(%dma_start3A_382 : memref<256x128xf32, #tpu.memory_space<hbm>>) target_semaphore(%arg20 : memref<!tpu.dma_semaphore, #tpu.memory_space<semaphore_mem>>)
    %add3A_383 = arith.constant 4096 : i32
    %add3A_384 = arith.addi %add3A, %add3A_383 : i32
    %dma_wait3A_385 = arith.constant 0 : i32
    %dma_wait3A_386 = tpu.memref_slice %arg2[%add3A_384, %dma_wait3A_385] : memref<200000x128xf32, #tpu.memory_space<hbm>> -> memref<256x128xf32, #tpu.memory_space<hbm>>
    %dma_wait3A_387 = arith.constant 0 : i32
    %dma_wait3A_388 = tpu.memref_slice %arg2[%add3A_384, %dma_wait3A_387] : memref<200000x128xf32, #tpu.memory_space<hbm>> -> memref<256x128xf32, #tpu.memory_space<hbm>>
    tpu.wait_dma2 semaphore(%arg17 : memref<!tpu.dma_semaphore, #tpu.memory_space<semaphore_mem>>) src(%dma_wait3A_388 : memref<256x128xf32, #tpu.memory_space<hbm>>) dst(%arg15 : memref<256x128xf32, #tpu.memory_space<vmem>>)
    %add3A_389 = arith.constant 3840 : i32
    %add3A_390 = arith.addi %add3A, %add3A_389 : i32
    %dma_wait3A_391 = arith.constant 0 : i32
    %dma_wait3A_392 = tpu.memref_slice %arg7[%add3A_390, %dma_wait3A_391] : memref<200000x128xf32, #tpu.memory_space<hbm>> -> memref<256x128xf32, #tpu.memory_space<hbm>>
    %dma_wait3A_393 = arith.constant 0 : i32
    %dma_wait3A_394 = tpu.memref_slice %arg7[%add3A_390, %dma_wait3A_393] : memref<200000x128xf32, #tpu.memory_space<hbm>> -> memref<256x128xf32, #tpu.memory_space<hbm>>
    tpu.wait_dma2 semaphore(%arg20 : memref<!tpu.dma_semaphore, #tpu.memory_space<semaphore_mem>>) src(%arg16 : memref<256x128xf32, #tpu.memory_space<vmem>>) dst(%dma_wait3A_394 : memref<256x128xf32, #tpu.memory_space<hbm>>)
    %add3A_395 = arith.constant 4352 : i32
    %add3A_396 = arith.addi %add3A, %add3A_395 : i32
    %dma_start3A_397 = arith.constant 0 : i32
    %dma_start3A_398 = tpu.memref_slice %arg2[%add3A_396, %dma_start3A_397] : memref<200000x128xf32, #tpu.memory_space<hbm>> -> memref<256x128xf32, #tpu.memory_space<hbm>>
    %dma_start3A_399 = arith.constant 0 : i32
    %dma_start3A_400 = tpu.memref_slice %arg2[%add3A_396, %dma_start3A_399] : memref<200000x128xf32, #tpu.memory_space<hbm>> -> memref<256x128xf32, #tpu.memory_space<hbm>>
    tpu.enqueue_dma source(%dma_start3A_400 : memref<256x128xf32, #tpu.memory_space<hbm>>) target(%arg16 : memref<256x128xf32, #tpu.memory_space<vmem>>) target_semaphore(%arg18 : memref<!tpu.dma_semaphore, #tpu.memory_space<semaphore_mem>>)
    %add3A_401 = arith.constant 4096 : i32
    %add3A_402 = arith.addi %add3A, %add3A_401 : i32
    %dma_start3A_403 = arith.constant 0 : i32
    %dma_start3A_404 = tpu.memref_slice %arg7[%add3A_402, %dma_start3A_403] : memref<200000x128xf32, #tpu.memory_space<hbm>> -> memref<256x128xf32, #tpu.memory_space<hbm>>
    %dma_start3A_405 = arith.constant 0 : i32
    %dma_start3A_406 = tpu.memref_slice %arg7[%add3A_402, %dma_start3A_405] : memref<200000x128xf32, #tpu.memory_space<hbm>> -> memref<256x128xf32, #tpu.memory_space<hbm>>
    tpu.enqueue_dma source(%arg15 : memref<256x128xf32, #tpu.memory_space<vmem>>) target(%dma_start3A_406 : memref<256x128xf32, #tpu.memory_space<hbm>>) target_semaphore(%arg19 : memref<!tpu.dma_semaphore, #tpu.memory_space<semaphore_mem>>)
    %add3A_407 = arith.constant 4352 : i32
    %add3A_408 = arith.addi %add3A, %add3A_407 : i32
    %dma_wait3A_409 = arith.constant 0 : i32
    %dma_wait3A_410 = tpu.memref_slice %arg2[%add3A_408, %dma_wait3A_409] : memref<200000x128xf32, #tpu.memory_space<hbm>> -> memref<256x128xf32, #tpu.memory_space<hbm>>
    %dma_wait3A_411 = arith.constant 0 : i32
    %dma_wait3A_412 = tpu.memref_slice %arg2[%add3A_408, %dma_wait3A_411] : memref<200000x128xf32, #tpu.memory_space<hbm>> -> memref<256x128xf32, #tpu.memory_space<hbm>>
    tpu.wait_dma2 semaphore(%arg18 : memref<!tpu.dma_semaphore, #tpu.memory_space<semaphore_mem>>) src(%dma_wait3A_412 : memref<256x128xf32, #tpu.memory_space<hbm>>) dst(%arg16 : memref<256x128xf32, #tpu.memory_space<vmem>>)
    %add3A_413 = arith.constant 4096 : i32
    %add3A_414 = arith.addi %add3A, %add3A_413 : i32
    %dma_wait3A_415 = arith.constant 0 : i32
    %dma_wait3A_416 = tpu.memref_slice %arg7[%add3A_414, %dma_wait3A_415] : memref<200000x128xf32, #tpu.memory_space<hbm>> -> memref<256x128xf32, #tpu.memory_space<hbm>>
    %dma_wait3A_417 = arith.constant 0 : i32
    %dma_wait3A_418 = tpu.memref_slice %arg7[%add3A_414, %dma_wait3A_417] : memref<200000x128xf32, #tpu.memory_space<hbm>> -> memref<256x128xf32, #tpu.memory_space<hbm>>
    tpu.wait_dma2 semaphore(%arg19 : memref<!tpu.dma_semaphore, #tpu.memory_space<semaphore_mem>>) src(%arg15 : memref<256x128xf32, #tpu.memory_space<vmem>>) dst(%dma_wait3A_418 : memref<256x128xf32, #tpu.memory_space<hbm>>)
    %add3A_419 = arith.constant 4608 : i32
    %add3A_420 = arith.addi %add3A, %add3A_419 : i32
    %dma_start3A_421 = arith.constant 0 : i32
    %dma_start3A_422 = tpu.memref_slice %arg2[%add3A_420, %dma_start3A_421] : memref<200000x128xf32, #tpu.memory_space<hbm>> -> memref<256x128xf32, #tpu.memory_space<hbm>>
    %dma_start3A_423 = arith.constant 0 : i32
    %dma_start3A_424 = tpu.memref_slice %arg2[%add3A_420, %dma_start3A_423] : memref<200000x128xf32, #tpu.memory_space<hbm>> -> memref<256x128xf32, #tpu.memory_space<hbm>>
    tpu.enqueue_dma source(%dma_start3A_424 : memref<256x128xf32, #tpu.memory_space<hbm>>) target(%arg15 : memref<256x128xf32, #tpu.memory_space<vmem>>) target_semaphore(%arg17 : memref<!tpu.dma_semaphore, #tpu.memory_space<semaphore_mem>>)
    %add3A_425 = arith.constant 4352 : i32
    %add3A_426 = arith.addi %add3A, %add3A_425 : i32
    %dma_start3A_427 = arith.constant 0 : i32
    %dma_start3A_428 = tpu.memref_slice %arg7[%add3A_426, %dma_start3A_427] : memref<200000x128xf32, #tpu.memory_space<hbm>> -> memref<256x128xf32, #tpu.memory_space<hbm>>
    %dma_start3A_429 = arith.constant 0 : i32
    %dma_start3A_430 = tpu.memref_slice %arg7[%add3A_426, %dma_start3A_429] : memref<200000x128xf32, #tpu.memory_space<hbm>> -> memref<256x128xf32, #tpu.memory_space<hbm>>
    tpu.enqueue_dma source(%arg16 : memref<256x128xf32, #tpu.memory_space<vmem>>) target(%dma_start3A_430 : memref<256x128xf32, #tpu.memory_space<hbm>>) target_semaphore(%arg20 : memref<!tpu.dma_semaphore, #tpu.memory_space<semaphore_mem>>)
    %add3A_431 = arith.constant 4608 : i32
    %add3A_432 = arith.addi %add3A, %add3A_431 : i32
    %dma_wait3A_433 = arith.constant 0 : i32
    %dma_wait3A_434 = tpu.memref_slice %arg2[%add3A_432, %dma_wait3A_433] : memref<200000x128xf32, #tpu.memory_space<hbm>> -> memref<256x128xf32, #tpu.memory_space<hbm>>
    %dma_wait3A_435 = arith.constant 0 : i32
    %dma_wait3A_436 = tpu.memref_slice %arg2[%add3A_432, %dma_wait3A_435] : memref<200000x128xf32, #tpu.memory_space<hbm>> -> memref<256x128xf32, #tpu.memory_space<hbm>>
    tpu.wait_dma2 semaphore(%arg17 : memref<!tpu.dma_semaphore, #tpu.memory_space<semaphore_mem>>) src(%dma_wait3A_436 : memref<256x128xf32, #tpu.memory_space<hbm>>) dst(%arg15 : memref<256x128xf32, #tpu.memory_space<vmem>>)
    %add3A_437 = arith.constant 4352 : i32
    %add3A_438 = arith.addi %add3A, %add3A_437 : i32
    %dma_wait3A_439 = arith.constant 0 : i32
    %dma_wait3A_440 = tpu.memref_slice %arg7[%add3A_438, %dma_wait3A_439] : memref<200000x128xf32, #tpu.memory_space<hbm>> -> memref<256x128xf32, #tpu.memory_space<hbm>>
    %dma_wait3A_441 = arith.constant 0 : i32
    %dma_wait3A_442 = tpu.memref_slice %arg7[%add3A_438, %dma_wait3A_441] : memref<200000x128xf32, #tpu.memory_space<hbm>> -> memref<256x128xf32, #tpu.memory_space<hbm>>
    tpu.wait_dma2 semaphore(%arg20 : memref<!tpu.dma_semaphore, #tpu.memory_space<semaphore_mem>>) src(%arg16 : memref<256x128xf32, #tpu.memory_space<vmem>>) dst(%dma_wait3A_442 : memref<256x128xf32, #tpu.memory_space<hbm>>)
    %add3A_443 = arith.constant 4864 : i32
    %add3A_444 = arith.addi %add3A, %add3A_443 : i32
    %dma_start3A_445 = arith.constant 0 : i32
    %dma_start3A_446 = tpu.memref_slice %arg2[%add3A_444, %dma_start3A_445] : memref<200000x128xf32, #tpu.memory_space<hbm>> -> memref<256x128xf32, #tpu.memory_space<hbm>>
    %dma_start3A_447 = arith.constant 0 : i32
    %dma_start3A_448 = tpu.memref_slice %arg2[%add3A_444, %dma_start3A_447] : memref<200000x128xf32, #tpu.memory_space<hbm>> -> memref<256x128xf32, #tpu.memory_space<hbm>>
    tpu.enqueue_dma source(%dma_start3A_448 : memref<256x128xf32, #tpu.memory_space<hbm>>) target(%arg16 : memref<256x128xf32, #tpu.memory_space<vmem>>) target_semaphore(%arg18 : memref<!tpu.dma_semaphore, #tpu.memory_space<semaphore_mem>>)
    %add3A_449 = arith.constant 4608 : i32
    %add3A_450 = arith.addi %add3A, %add3A_449 : i32
    %dma_start3A_451 = arith.constant 0 : i32
    %dma_start3A_452 = tpu.memref_slice %arg7[%add3A_450, %dma_start3A_451] : memref<200000x128xf32, #tpu.memory_space<hbm>> -> memref<256x128xf32, #tpu.memory_space<hbm>>
    %dma_start3A_453 = arith.constant 0 : i32
    %dma_start3A_454 = tpu.memref_slice %arg7[%add3A_450, %dma_start3A_453] : memref<200000x128xf32, #tpu.memory_space<hbm>> -> memref<256x128xf32, #tpu.memory_space<hbm>>
    tpu.enqueue_dma source(%arg15 : memref<256x128xf32, #tpu.memory_space<vmem>>) target(%dma_start3A_454 : memref<256x128xf32, #tpu.memory_space<hbm>>) target_semaphore(%arg19 : memref<!tpu.dma_semaphore, #tpu.memory_space<semaphore_mem>>)
    %add3A_455 = arith.constant 4864 : i32
    %add3A_456 = arith.addi %add3A, %add3A_455 : i32
    %dma_wait3A_457 = arith.constant 0 : i32
    %dma_wait3A_458 = tpu.memref_slice %arg2[%add3A_456, %dma_wait3A_457] : memref<200000x128xf32, #tpu.memory_space<hbm>> -> memref<256x128xf32, #tpu.memory_space<hbm>>
    %dma_wait3A_459 = arith.constant 0 : i32
    %dma_wait3A_460 = tpu.memref_slice %arg2[%add3A_456, %dma_wait3A_459] : memref<200000x128xf32, #tpu.memory_space<hbm>> -> memref<256x128xf32, #tpu.memory_space<hbm>>
    tpu.wait_dma2 semaphore(%arg18 : memref<!tpu.dma_semaphore, #tpu.memory_space<semaphore_mem>>) src(%dma_wait3A_460 : memref<256x128xf32, #tpu.memory_space<hbm>>) dst(%arg16 : memref<256x128xf32, #tpu.memory_space<vmem>>)
    %add3A_461 = arith.constant 4608 : i32
    %add3A_462 = arith.addi %add3A, %add3A_461 : i32
    %dma_wait3A_463 = arith.constant 0 : i32
    %dma_wait3A_464 = tpu.memref_slice %arg7[%add3A_462, %dma_wait3A_463] : memref<200000x128xf32, #tpu.memory_space<hbm>> -> memref<256x128xf32, #tpu.memory_space<hbm>>
    %dma_wait3A_465 = arith.constant 0 : i32
    %dma_wait3A_466 = tpu.memref_slice %arg7[%add3A_462, %dma_wait3A_465] : memref<200000x128xf32, #tpu.memory_space<hbm>> -> memref<256x128xf32, #tpu.memory_space<hbm>>
    tpu.wait_dma2 semaphore(%arg19 : memref<!tpu.dma_semaphore, #tpu.memory_space<semaphore_mem>>) src(%arg15 : memref<256x128xf32, #tpu.memory_space<vmem>>) dst(%dma_wait3A_466 : memref<256x128xf32, #tpu.memory_space<hbm>>)
    %add3A_467 = arith.constant 5120 : i32
    %add3A_468 = arith.addi %add3A, %add3A_467 : i32
    %dma_start3A_469 = arith.constant 0 : i32
    %dma_start3A_470 = tpu.memref_slice %arg2[%add3A_468, %dma_start3A_469] : memref<200000x128xf32, #tpu.memory_space<hbm>> -> memref<256x128xf32, #tpu.memory_space<hbm>>
    %dma_start3A_471 = arith.constant 0 : i32
    %dma_start3A_472 = tpu.memref_slice %arg2[%add3A_468, %dma_start3A_471] : memref<200000x128xf32, #tpu.memory_space<hbm>> -> memref<256x128xf32, #tpu.memory_space<hbm>>
    tpu.enqueue_dma source(%dma_start3A_472 : memref<256x128xf32, #tpu.memory_space<hbm>>) target(%arg15 : memref<256x128xf32, #tpu.memory_space<vmem>>) target_semaphore(%arg17 : memref<!tpu.dma_semaphore, #tpu.memory_space<semaphore_mem>>)
    %add3A_473 = arith.constant 4864 : i32
    %add3A_474 = arith.addi %add3A, %add3A_473 : i32
    %dma_start3A_475 = arith.constant 0 : i32
    %dma_start3A_476 = tpu.memref_slice %arg7[%add3A_474, %dma_start3A_475] : memref<200000x128xf32, #tpu.memory_space<hbm>> -> memref<256x128xf32, #tpu.memory_space<hbm>>
    %dma_start3A_477 = arith.constant 0 : i32
    %dma_start3A_478 = tpu.memref_slice %arg7[%add3A_474, %dma_start3A_477] : memref<200000x128xf32, #tpu.memory_space<hbm>> -> memref<256x128xf32, #tpu.memory_space<hbm>>
    tpu.enqueue_dma source(%arg16 : memref<256x128xf32, #tpu.memory_space<vmem>>) target(%dma_start3A_478 : memref<256x128xf32, #tpu.memory_space<hbm>>) target_semaphore(%arg20 : memref<!tpu.dma_semaphore, #tpu.memory_space<semaphore_mem>>)
    %add3A_479 = arith.constant 5120 : i32
    %add3A_480 = arith.addi %add3A, %add3A_479 : i32
    %dma_wait3A_481 = arith.constant 0 : i32
    %dma_wait3A_482 = tpu.memref_slice %arg2[%add3A_480, %dma_wait3A_481] : memref<200000x128xf32, #tpu.memory_space<hbm>> -> memref<256x128xf32, #tpu.memory_space<hbm>>
    %dma_wait3A_483 = arith.constant 0 : i32
    %dma_wait3A_484 = tpu.memref_slice %arg2[%add3A_480, %dma_wait3A_483] : memref<200000x128xf32, #tpu.memory_space<hbm>> -> memref<256x128xf32, #tpu.memory_space<hbm>>
    tpu.wait_dma2 semaphore(%arg17 : memref<!tpu.dma_semaphore, #tpu.memory_space<semaphore_mem>>) src(%dma_wait3A_484 : memref<256x128xf32, #tpu.memory_space<hbm>>) dst(%arg15 : memref<256x128xf32, #tpu.memory_space<vmem>>)
    %add3A_485 = arith.constant 4864 : i32
    %add3A_486 = arith.addi %add3A, %add3A_485 : i32
    %dma_wait3A_487 = arith.constant 0 : i32
    %dma_wait3A_488 = tpu.memref_slice %arg7[%add3A_486, %dma_wait3A_487] : memref<200000x128xf32, #tpu.memory_space<hbm>> -> memref<256x128xf32, #tpu.memory_space<hbm>>
    %dma_wait3A_489 = arith.constant 0 : i32
    %dma_wait3A_490 = tpu.memref_slice %arg7[%add3A_486, %dma_wait3A_489] : memref<200000x128xf32, #tpu.memory_space<hbm>> -> memref<256x128xf32, #tpu.memory_space<hbm>>
    tpu.wait_dma2 semaphore(%arg20 : memref<!tpu.dma_semaphore, #tpu.memory_space<semaphore_mem>>) src(%arg16 : memref<256x128xf32, #tpu.memory_space<vmem>>) dst(%dma_wait3A_490 : memref<256x128xf32, #tpu.memory_space<hbm>>)
    %add3A_491 = arith.constant 5376 : i32
    %add3A_492 = arith.addi %add3A, %add3A_491 : i32
    %dma_start3A_493 = arith.constant 0 : i32
    %dma_start3A_494 = tpu.memref_slice %arg2[%add3A_492, %dma_start3A_493] : memref<200000x128xf32, #tpu.memory_space<hbm>> -> memref<256x128xf32, #tpu.memory_space<hbm>>
    %dma_start3A_495 = arith.constant 0 : i32
    %dma_start3A_496 = tpu.memref_slice %arg2[%add3A_492, %dma_start3A_495] : memref<200000x128xf32, #tpu.memory_space<hbm>> -> memref<256x128xf32, #tpu.memory_space<hbm>>
    tpu.enqueue_dma source(%dma_start3A_496 : memref<256x128xf32, #tpu.memory_space<hbm>>) target(%arg16 : memref<256x128xf32, #tpu.memory_space<vmem>>) target_semaphore(%arg18 : memref<!tpu.dma_semaphore, #tpu.memory_space<semaphore_mem>>)
    %add3A_497 = arith.constant 5120 : i32
    %add3A_498 = arith.addi %add3A, %add3A_497 : i32
    %dma_start3A_499 = arith.constant 0 : i32
    %dma_start3A_500 = tpu.memref_slice %arg7[%add3A_498, %dma_start3A_499] : memref<200000x128xf32, #tpu.memory_space<hbm>> -> memref<256x128xf32, #tpu.memory_space<hbm>>
    %dma_start3A_501 = arith.constant 0 : i32
    %dma_start3A_502 = tpu.memref_slice %arg7[%add3A_498, %dma_start3A_501] : memref<200000x128xf32, #tpu.memory_space<hbm>> -> memref<256x128xf32, #tpu.memory_space<hbm>>
    tpu.enqueue_dma source(%arg15 : memref<256x128xf32, #tpu.memory_space<vmem>>) target(%dma_start3A_502 : memref<256x128xf32, #tpu.memory_space<hbm>>) target_semaphore(%arg19 : memref<!tpu.dma_semaphore, #tpu.memory_space<semaphore_mem>>)
    %add3A_503 = arith.constant 5376 : i32
    %add3A_504 = arith.addi %add3A, %add3A_503 : i32
    %dma_wait3A_505 = arith.constant 0 : i32
    %dma_wait3A_506 = tpu.memref_slice %arg2[%add3A_504, %dma_wait3A_505] : memref<200000x128xf32, #tpu.memory_space<hbm>> -> memref<256x128xf32, #tpu.memory_space<hbm>>
    %dma_wait3A_507 = arith.constant 0 : i32
    %dma_wait3A_508 = tpu.memref_slice %arg2[%add3A_504, %dma_wait3A_507] : memref<200000x128xf32, #tpu.memory_space<hbm>> -> memref<256x128xf32, #tpu.memory_space<hbm>>
    tpu.wait_dma2 semaphore(%arg18 : memref<!tpu.dma_semaphore, #tpu.memory_space<semaphore_mem>>) src(%dma_wait3A_508 : memref<256x128xf32, #tpu.memory_space<hbm>>) dst(%arg16 : memref<256x128xf32, #tpu.memory_space<vmem>>)
    %add3A_509 = arith.constant 5120 : i32
    %add3A_510 = arith.addi %add3A, %add3A_509 : i32
    %dma_wait3A_511 = arith.constant 0 : i32
    %dma_wait3A_512 = tpu.memref_slice %arg7[%add3A_510, %dma_wait3A_511] : memref<200000x128xf32, #tpu.memory_space<hbm>> -> memref<256x128xf32, #tpu.memory_space<hbm>>
    %dma_wait3A_513 = arith.constant 0 : i32
    %dma_wait3A_514 = tpu.memref_slice %arg7[%add3A_510, %dma_wait3A_513] : memref<200000x128xf32, #tpu.memory_space<hbm>> -> memref<256x128xf32, #tpu.memory_space<hbm>>
    tpu.wait_dma2 semaphore(%arg19 : memref<!tpu.dma_semaphore, #tpu.memory_space<semaphore_mem>>) src(%arg15 : memref<256x128xf32, #tpu.memory_space<vmem>>) dst(%dma_wait3A_514 : memref<256x128xf32, #tpu.memory_space<hbm>>)
    %add3A_515 = arith.constant 5632 : i32
    %add3A_516 = arith.addi %add3A, %add3A_515 : i32
    %dma_start3A_517 = arith.constant 0 : i32
    %dma_start3A_518 = tpu.memref_slice %arg2[%add3A_516, %dma_start3A_517] : memref<200000x128xf32, #tpu.memory_space<hbm>> -> memref<256x128xf32, #tpu.memory_space<hbm>>
    %dma_start3A_519 = arith.constant 0 : i32
    %dma_start3A_520 = tpu.memref_slice %arg2[%add3A_516, %dma_start3A_519] : memref<200000x128xf32, #tpu.memory_space<hbm>> -> memref<256x128xf32, #tpu.memory_space<hbm>>
    tpu.enqueue_dma source(%dma_start3A_520 : memref<256x128xf32, #tpu.memory_space<hbm>>) target(%arg15 : memref<256x128xf32, #tpu.memory_space<vmem>>) target_semaphore(%arg17 : memref<!tpu.dma_semaphore, #tpu.memory_space<semaphore_mem>>)
    %add3A_521 = arith.constant 5376 : i32
    %add3A_522 = arith.addi %add3A, %add3A_521 : i32
    %dma_start3A_523 = arith.constant 0 : i32
    %dma_start3A_524 = tpu.memref_slice %arg7[%add3A_522, %dma_start3A_523] : memref<200000x128xf32, #tpu.memory_space<hbm>> -> memref<256x128xf32, #tpu.memory_space<hbm>>
    %dma_start3A_525 = arith.constant 0 : i32
    %dma_start3A_526 = tpu.memref_slice %arg7[%add3A_522, %dma_start3A_525] : memref<200000x128xf32, #tpu.memory_space<hbm>> -> memref<256x128xf32, #tpu.memory_space<hbm>>
    tpu.enqueue_dma source(%arg16 : memref<256x128xf32, #tpu.memory_space<vmem>>) target(%dma_start3A_526 : memref<256x128xf32, #tpu.memory_space<hbm>>) target_semaphore(%arg20 : memref<!tpu.dma_semaphore, #tpu.memory_space<semaphore_mem>>)
    %add3A_527 = arith.constant 5632 : i32
    %add3A_528 = arith.addi %add3A, %add3A_527 : i32
    %dma_wait3A_529 = arith.constant 0 : i32
    %dma_wait3A_530 = tpu.memref_slice %arg2[%add3A_528, %dma_wait3A_529] : memref<200000x128xf32, #tpu.memory_space<hbm>> -> memref<256x128xf32, #tpu.memory_space<hbm>>
    %dma_wait3A_531 = arith.constant 0 : i32
    %dma_wait3A_532 = tpu.memref_slice %arg2[%add3A_528, %dma_wait3A_531] : memref<200000x128xf32, #tpu.memory_space<hbm>> -> memref<256x128xf32, #tpu.memory_space<hbm>>
    tpu.wait_dma2 semaphore(%arg17 : memref<!tpu.dma_semaphore, #tpu.memory_space<semaphore_mem>>) src(%dma_wait3A_532 : memref<256x128xf32, #tpu.memory_space<hbm>>) dst(%arg15 : memref<256x128xf32, #tpu.memory_space<vmem>>)
    %add3A_533 = arith.constant 5376 : i32
    %add3A_534 = arith.addi %add3A, %add3A_533 : i32
    %dma_wait3A_535 = arith.constant 0 : i32
    %dma_wait3A_536 = tpu.memref_slice %arg7[%add3A_534, %dma_wait3A_535] : memref<200000x128xf32, #tpu.memory_space<hbm>> -> memref<256x128xf32, #tpu.memory_space<hbm>>
    %dma_wait3A_537 = arith.constant 0 : i32
    %dma_wait3A_538 = tpu.memref_slice %arg7[%add3A_534, %dma_wait3A_537] : memref<200000x128xf32, #tpu.memory_space<hbm>> -> memref<256x128xf32, #tpu.memory_space<hbm>>
    tpu.wait_dma2 semaphore(%arg20 : memref<!tpu.dma_semaphore, #tpu.memory_space<semaphore_mem>>) src(%arg16 : memref<256x128xf32, #tpu.memory_space<vmem>>) dst(%dma_wait3A_538 : memref<256x128xf32, #tpu.memory_space<hbm>>)
    %add3A_539 = arith.constant 5888 : i32
    %add3A_540 = arith.addi %add3A, %add3A_539 : i32
    %dma_start3A_541 = arith.constant 0 : i32
    %dma_start3A_542 = tpu.memref_slice %arg2[%add3A_540, %dma_start3A_541] : memref<200000x128xf32, #tpu.memory_space<hbm>> -> memref<256x128xf32, #tpu.memory_space<hbm>>
    %dma_start3A_543 = arith.constant 0 : i32
    %dma_start3A_544 = tpu.memref_slice %arg2[%add3A_540, %dma_start3A_543] : memref<200000x128xf32, #tpu.memory_space<hbm>> -> memref<256x128xf32, #tpu.memory_space<hbm>>
    tpu.enqueue_dma source(%dma_start3A_544 : memref<256x128xf32, #tpu.memory_space<hbm>>) target(%arg16 : memref<256x128xf32, #tpu.memory_space<vmem>>) target_semaphore(%arg18 : memref<!tpu.dma_semaphore, #tpu.memory_space<semaphore_mem>>)
    %add3A_545 = arith.constant 5632 : i32
    %add3A_546 = arith.addi %add3A, %add3A_545 : i32
    %dma_start3A_547 = arith.constant 0 : i32
    %dma_start3A_548 = tpu.memref_slice %arg7[%add3A_546, %dma_start3A_547] : memref<200000x128xf32, #tpu.memory_space<hbm>> -> memref<256x128xf32, #tpu.memory_space<hbm>>
    %dma_start3A_549 = arith.constant 0 : i32
    %dma_start3A_550 = tpu.memref_slice %arg7[%add3A_546, %dma_start3A_549] : memref<200000x128xf32, #tpu.memory_space<hbm>> -> memref<256x128xf32, #tpu.memory_space<hbm>>
    tpu.enqueue_dma source(%arg15 : memref<256x128xf32, #tpu.memory_space<vmem>>) target(%dma_start3A_550 : memref<256x128xf32, #tpu.memory_space<hbm>>) target_semaphore(%arg19 : memref<!tpu.dma_semaphore, #tpu.memory_space<semaphore_mem>>)
    %add3A_551 = arith.constant 5888 : i32
    %add3A_552 = arith.addi %add3A, %add3A_551 : i32
    %dma_wait3A_553 = arith.constant 0 : i32
    %dma_wait3A_554 = tpu.memref_slice %arg2[%add3A_552, %dma_wait3A_553] : memref<200000x128xf32, #tpu.memory_space<hbm>> -> memref<256x128xf32, #tpu.memory_space<hbm>>
    %dma_wait3A_555 = arith.constant 0 : i32
    %dma_wait3A_556 = tpu.memref_slice %arg2[%add3A_552, %dma_wait3A_555] : memref<200000x128xf32, #tpu.memory_space<hbm>> -> memref<256x128xf32, #tpu.memory_space<hbm>>
    tpu.wait_dma2 semaphore(%arg18 : memref<!tpu.dma_semaphore, #tpu.memory_space<semaphore_mem>>) src(%dma_wait3A_556 : memref<256x128xf32, #tpu.memory_space<hbm>>) dst(%arg16 : memref<256x128xf32, #tpu.memory_space<vmem>>)
    %add3A_557 = arith.constant 5888 : i32
    %add3A_558 = arith.addi %add3A, %add3A_557 : i32
    %dma_start3A_559 = arith.constant 0 : i32
    %dma_start3A_560 = tpu.memref_slice %arg7[%add3A_558, %dma_start3A_559] : memref<200000x128xf32, #tpu.memory_space<hbm>> -> memref<256x128xf32, #tpu.memory_space<hbm>>
    %dma_start3A_561 = arith.constant 0 : i32
    %dma_start3A_562 = tpu.memref_slice %arg7[%add3A_558, %dma_start3A_561] : memref<200000x128xf32, #tpu.memory_space<hbm>> -> memref<256x128xf32, #tpu.memory_space<hbm>>
    tpu.enqueue_dma source(%arg16 : memref<256x128xf32, #tpu.memory_space<vmem>>) target(%dma_start3A_562 : memref<256x128xf32, #tpu.memory_space<hbm>>) target_semaphore(%arg20 : memref<!tpu.dma_semaphore, #tpu.memory_space<semaphore_mem>>)
    %add3A_563 = arith.constant 5632 : i32
    %add3A_564 = arith.addi %add3A, %add3A_563 : i32
    %dma_wait3A_565 = arith.constant 0 : i32
    %dma_wait3A_566 = tpu.memref_slice %arg7[%add3A_564, %dma_wait3A_565] : memref<200000x128xf32, #tpu.memory_space<hbm>> -> memref<256x128xf32, #tpu.memory_space<hbm>>
    %dma_wait3A_567 = arith.constant 0 : i32
    %dma_wait3A_568 = tpu.memref_slice %arg7[%add3A_564, %dma_wait3A_567] : memref<200000x128xf32, #tpu.memory_space<hbm>> -> memref<256x128xf32, #tpu.memory_space<hbm>>
    tpu.wait_dma2 semaphore(%arg19 : memref<!tpu.dma_semaphore, #tpu.memory_space<semaphore_mem>>) src(%arg15 : memref<256x128xf32, #tpu.memory_space<vmem>>) dst(%dma_wait3A_568 : memref<256x128xf32, #tpu.memory_space<hbm>>)
    %add3A_569 = arith.constant 5888 : i32
    %add3A_570 = arith.addi %add3A, %add3A_569 : i32
    %dma_wait3A_571 = arith.constant 0 : i32
    %dma_wait3A_572 = tpu.memref_slice %arg7[%add3A_570, %dma_wait3A_571] : memref<200000x128xf32, #tpu.memory_space<hbm>> -> memref<256x128xf32, #tpu.memory_space<hbm>>
    %dma_wait3A_573 = arith.constant 0 : i32
    %dma_wait3A_574 = tpu.memref_slice %arg7[%add3A_570, %dma_wait3A_573] : memref<200000x128xf32, #tpu.memory_space<hbm>> -> memref<256x128xf32, #tpu.memory_space<hbm>>
    tpu.wait_dma2 semaphore(%arg20 : memref<!tpu.dma_semaphore, #tpu.memory_space<semaphore_mem>>) src(%arg16 : memref<256x128xf32, #tpu.memory_space<vmem>>) dst(%dma_wait3A_574 : memref<256x128xf32, #tpu.memory_space<hbm>>)
    %add3A_575 = arith.constant 6144 : i32
    %add3A_576 = arith.addi %add3A, %add3A_575 : i32
    %dma_start3A_577 = arith.constant 0 : i32
    %dma_start3A_578 = arith.constant 0 : i32
    %dma_start3A_579 = tpu.memref_slice %arg15[%dma_start3A_577, %dma_start3A_578] : memref<256x128xf32, #tpu.memory_space<vmem>> -> memref<104x128xf32, #tpu.memory_space<vmem>>
    %dma_start3A_580 = arith.constant 0 : i32
    %dma_start3A_581 = tpu.memref_slice %arg2[%add3A_576, %dma_start3A_580] : memref<200000x128xf32, #tpu.memory_space<hbm>> -> memref<104x128xf32, #tpu.memory_space<hbm>>
    %dma_start3A_582 = arith.constant 0 : i32
    %dma_start3A_583 = arith.constant 0 : i32
    %dma_start3A_584 = tpu.memref_slice %arg15[%dma_start3A_582, %dma_start3A_583] : memref<256x128xf32, #tpu.memory_space<vmem>> -> memref<104x128xf32, #tpu.memory_space<vmem>>
    %dma_start3A_585 = arith.constant 0 : i32
    %dma_start3A_586 = tpu.memref_slice %arg2[%add3A_576, %dma_start3A_585] : memref<200000x128xf32, #tpu.memory_space<hbm>> -> memref<104x128xf32, #tpu.memory_space<hbm>>
    tpu.enqueue_dma source(%dma_start3A_586 : memref<104x128xf32, #tpu.memory_space<hbm>>) target(%dma_start3A_584 : memref<104x128xf32, #tpu.memory_space<vmem>>) target_semaphore(%arg17 : memref<!tpu.dma_semaphore, #tpu.memory_space<semaphore_mem>>)
    %dma_wait3A_587 = arith.constant 0 : i32
    %dma_wait3A_588 = arith.constant 0 : i32
    %dma_wait3A_589 = tpu.memref_slice %arg15[%dma_wait3A_587, %dma_wait3A_588] : memref<256x128xf32, #tpu.memory_space<vmem>> -> memref<104x128xf32, #tpu.memory_space<vmem>>
    %dma_wait3A_590 = arith.constant 0 : i32
    %dma_wait3A_591 = tpu.memref_slice %arg2[%add3A_576, %dma_wait3A_590] : memref<200000x128xf32, #tpu.memory_space<hbm>> -> memref<104x128xf32, #tpu.memory_space<hbm>>
    %dma_wait3A_592 = arith.constant 0 : i32
    %dma_wait3A_593 = arith.constant 0 : i32
    %dma_wait3A_594 = tpu.memref_slice %arg15[%dma_wait3A_592, %dma_wait3A_593] : memref<256x128xf32, #tpu.memory_space<vmem>> -> memref<104x128xf32, #tpu.memory_space<vmem>>
    %dma_wait3A_595 = arith.constant 0 : i32
    %dma_wait3A_596 = tpu.memref_slice %arg2[%add3A_576, %dma_wait3A_595] : memref<200000x128xf32, #tpu.memory_space<hbm>> -> memref<104x128xf32, #tpu.memory_space<hbm>>
    tpu.wait_dma2 semaphore(%arg17 : memref<!tpu.dma_semaphore, #tpu.memory_space<semaphore_mem>>) src(%dma_wait3A_596 : memref<104x128xf32, #tpu.memory_space<hbm>>) dst(%dma_wait3A_594 : memref<104x128xf32, #tpu.memory_space<vmem>>)
    "tpu.region"() ({
      %run_scoped3A_740 = tpu.sem_alloc : memref<!tpu.dma_semaphore, #tpu.memory_space<semaphore_mem>>
      %dma_start3A_741 = arith.constant 0 : i32
      %dma_start3A_742 = arith.constant 0 : i32
      %dma_start3A_743 = tpu.memref_slice %arg15[%dma_start3A_741, %dma_start3A_742] : memref<256x128xf32, #tpu.memory_space<vmem>> -> memref<104x128xf32, #tpu.memory_space<vmem>>
      %dma_start3A_744 = arith.constant 0 : i32
      %dma_start3A_745 = tpu.memref_slice %arg7[%add3A_576, %dma_start3A_744] : memref<200000x128xf32, #tpu.memory_space<hbm>> -> memref<104x128xf32, #tpu.memory_space<hbm>>
      %dma_start3A_746 = arith.constant 0 : i32
      %dma_start3A_747 = tpu.memref_slice %arg7[%add3A_576, %dma_start3A_746] : memref<200000x128xf32, #tpu.memory_space<hbm>> -> memref<104x128xf32, #tpu.memory_space<hbm>>
      %dma_start3A_748 = arith.constant 0 : i32
      %dma_start3A_749 = arith.constant 0 : i32
      %dma_start3A_750 = tpu.memref_slice %arg15[%dma_start3A_748, %dma_start3A_749] : memref<256x128xf32, #tpu.memory_space<vmem>> -> memref<104x128xf32, #tpu.memory_space<vmem>>
      tpu.enqueue_dma source(%dma_start3A_750 : memref<104x128xf32, #tpu.memory_space<vmem>>) target(%dma_start3A_747 : memref<104x128xf32, #tpu.memory_space<hbm>>) target_semaphore(%run_scoped3A_740 : memref<!tpu.dma_semaphore, #tpu.memory_space<semaphore_mem>>)
      %dma_wait3A_751 = arith.constant 0 : i32
      %dma_wait3A_752 = arith.constant 0 : i32
      %dma_wait3A_753 = tpu.memref_slice %arg15[%dma_wait3A_751, %dma_wait3A_752] : memref<256x128xf32, #tpu.memory_space<vmem>> -> memref<104x128xf32, #tpu.memory_space<vmem>>
      %dma_wait3A_754 = arith.constant 0 : i32
      %dma_wait3A_755 = tpu.memref_slice %arg7[%add3A_576, %dma_wait3A_754] : memref<200000x128xf32, #tpu.memory_space<hbm>> -> memref<104x128xf32, #tpu.memory_space<hbm>>
      %dma_wait3A_756 = arith.constant 0 : i32
      %dma_wait3A_757 = tpu.memref_slice %arg7[%add3A_576, %dma_wait3A_756] : memref<200000x128xf32, #tpu.memory_space<hbm>> -> memref<104x128xf32, #tpu.memory_space<hbm>>
      %dma_wait3A_758 = arith.constant 0 : i32
      %dma_wait3A_759 = arith.constant 0 : i32
      %dma_wait3A_760 = tpu.memref_slice %arg15[%dma_wait3A_758, %dma_wait3A_759] : memref<256x128xf32, #tpu.memory_space<vmem>> -> memref<104x128xf32, #tpu.memory_space<vmem>>
      tpu.wait_dma2 semaphore(%run_scoped3A_740 : memref<!tpu.dma_semaphore, #tpu.memory_space<semaphore_mem>>) src(%dma_wait3A_760 : memref<104x128xf32, #tpu.memory_space<vmem>>) dst(%dma_wait3A_757 : memref<104x128xf32, #tpu.memory_space<hbm>>)
      tpu.yield
    }) : () -> ()
    %eq3A = arith.constant 15 : i32
    %eq3A_597 = arith.cmpi eq, %arg1, %eq3A : i32
    %convert_element_type3A = arith.extui %eq3A_597 : i1 to i32
    %cond3A = arith.constant 0 : i32
    %cond3A_598 = arith.cmpi ne, %convert_element_type3A, %cond3A : i32
    scf.if %cond3A_598 {
      %add3A_740 = arith.constant 99968 : i32
      %add3A_741 = arith.addi %mul3A_0, %add3A_740 : i32
      %dma_start3A_742 = arith.constant 0 : i32
      %dma_start3A_743 = arith.constant 0 : i32
      %dma_start3A_744 = tpu.memref_slice %arg16[%dma_start3A_742, %dma_start3A_743] : memref<256x128xf32, #tpu.memory_space<vmem>> -> memref<32x128xf32, #tpu.memory_space<vmem>>
      %dma_start3A_745 = arith.constant 0 : i32
      %dma_start3A_746 = tpu.memref_slice %arg2[%add3A_741, %dma_start3A_745] : memref<200000x128xf32, #tpu.memory_space<hbm>> -> memref<32x128xf32, #tpu.memory_space<hbm>>
      %dma_start3A_747 = arith.constant 0 : i32
      %dma_start3A_748 = arith.constant 0 : i32
      %dma_start3A_749 = tpu.memref_slice %arg16[%dma_start3A_747, %dma_start3A_748] : memref<256x128xf32, #tpu.memory_space<vmem>> -> memref<32x128xf32, #tpu.memory_space<vmem>>
      %dma_start3A_750 = arith.constant 0 : i32
      %dma_start3A_751 = tpu.memref_slice %arg2[%add3A_741, %dma_start3A_750] : memref<200000x128xf32, #tpu.memory_space<hbm>> -> memref<32x128xf32, #tpu.memory_space<hbm>>
      tpu.enqueue_dma source(%dma_start3A_751 : memref<32x128xf32, #tpu.memory_space<hbm>>) target(%dma_start3A_749 : memref<32x128xf32, #tpu.memory_space<vmem>>) target_semaphore(%arg18 : memref<!tpu.dma_semaphore, #tpu.memory_space<semaphore_mem>>)
      %dma_wait3A_752 = arith.constant 0 : i32
      %dma_wait3A_753 = arith.constant 0 : i32
      %dma_wait3A_754 = tpu.memref_slice %arg16[%dma_wait3A_752, %dma_wait3A_753] : memref<256x128xf32, #tpu.memory_space<vmem>> -> memref<32x128xf32, #tpu.memory_space<vmem>>
      %dma_wait3A_755 = arith.constant 0 : i32
      %dma_wait3A_756 = tpu.memref_slice %arg2[%add3A_741, %dma_wait3A_755] : memref<200000x128xf32, #tpu.memory_space<hbm>> -> memref<32x128xf32, #tpu.memory_space<hbm>>
      %dma_wait3A_757 = arith.constant 0 : i32
      %dma_wait3A_758 = arith.constant 0 : i32
      %dma_wait3A_759 = tpu.memref_slice %arg16[%dma_wait3A_757, %dma_wait3A_758] : memref<256x128xf32, #tpu.memory_space<vmem>> -> memref<32x128xf32, #tpu.memory_space<vmem>>
      %dma_wait3A_760 = arith.constant 0 : i32
      %dma_wait3A_761 = tpu.memref_slice %arg2[%add3A_741, %dma_wait3A_760] : memref<200000x128xf32, #tpu.memory_space<hbm>> -> memref<32x128xf32, #tpu.memory_space<hbm>>
      tpu.wait_dma2 semaphore(%arg18 : memref<!tpu.dma_semaphore, #tpu.memory_space<semaphore_mem>>) src(%dma_wait3A_761 : memref<32x128xf32, #tpu.memory_space<hbm>>) dst(%dma_wait3A_759 : memref<32x128xf32, #tpu.memory_space<vmem>>)
      "tpu.region"() ({
        %run_scoped3A_762 = tpu.sem_alloc : memref<!tpu.dma_semaphore, #tpu.memory_space<semaphore_mem>>
        %dma_start3A_763 = arith.constant 0 : i32
        %dma_start3A_764 = arith.constant 0 : i32
        %dma_start3A_765 = tpu.memref_slice %arg16[%dma_start3A_763, %dma_start3A_764] : memref<256x128xf32, #tpu.memory_space<vmem>> -> memref<32x128xf32, #tpu.memory_space<vmem>>
        %dma_start3A_766 = arith.constant 0 : i32
        %dma_start3A_767 = tpu.memref_slice %arg7[%add3A_741, %dma_start3A_766] : memref<200000x128xf32, #tpu.memory_space<hbm>> -> memref<32x128xf32, #tpu.memory_space<hbm>>
        %dma_start3A_768 = arith.constant 0 : i32
        %dma_start3A_769 = tpu.memref_slice %arg7[%add3A_741, %dma_start3A_768] : memref<200000x128xf32, #tpu.memory_space<hbm>> -> memref<32x128xf32, #tpu.memory_space<hbm>>
        %dma_start3A_770 = arith.constant 0 : i32
        %dma_start3A_771 = arith.constant 0 : i32
        %dma_start3A_772 = tpu.memref_slice %arg16[%dma_start3A_770, %dma_start3A_771] : memref<256x128xf32, #tpu.memory_space<vmem>> -> memref<32x128xf32, #tpu.memory_space<vmem>>
        tpu.enqueue_dma source(%dma_start3A_772 : memref<32x128xf32, #tpu.memory_space<vmem>>) target(%dma_start3A_769 : memref<32x128xf32, #tpu.memory_space<hbm>>) target_semaphore(%run_scoped3A_762 : memref<!tpu.dma_semaphore, #tpu.memory_space<semaphore_mem>>)
        %dma_wait3A_773 = arith.constant 0 : i32
        %dma_wait3A_774 = arith.constant 0 : i32
        %dma_wait3A_775 = tpu.memref_slice %arg16[%dma_wait3A_773, %dma_wait3A_774] : memref<256x128xf32, #tpu.memory_space<vmem>> -> memref<32x128xf32, #tpu.memory_space<vmem>>
        %dma_wait3A_776 = arith.constant 0 : i32
        %dma_wait3A_777 = tpu.memref_slice %arg7[%add3A_741, %dma_wait3A_776] : memref<200000x128xf32, #tpu.memory_space<hbm>> -> memref<32x128xf32, #tpu.memory_space<hbm>>
        %dma_wait3A_778 = arith.constant 0 : i32
        %dma_wait3A_779 = tpu.memref_slice %arg7[%add3A_741, %dma_wait3A_778] : memref<200000x128xf32, #tpu.memory_space<hbm>> -> memref<32x128xf32, #tpu.memory_space<hbm>>
        %dma_wait3A_780 = arith.constant 0 : i32
        %dma_wait3A_781 = arith.constant 0 : i32
        %dma_wait3A_782 = tpu.memref_slice %arg16[%dma_wait3A_780, %dma_wait3A_781] : memref<256x128xf32, #tpu.memory_space<vmem>> -> memref<32x128xf32, #tpu.memory_space<vmem>>
        tpu.wait_dma2 semaphore(%run_scoped3A_762 : memref<!tpu.dma_semaphore, #tpu.memory_space<semaphore_mem>>) src(%dma_wait3A_782 : memref<32x128xf32, #tpu.memory_space<vmem>>) dst(%dma_wait3A_779 : memref<32x128xf32, #tpu.memory_space<hbm>>)
        tpu.yield
      }) : () -> ()
    } else {
    }
    %barrier3A = arith.constant 0 : index
    tpu.barrier barrier_id(%barrier3A)
    %mul3A_599 = arith.constant 1024 : i32
    %mul3A_600 = arith.muli %arg1, %mul3A_599 : i32
    "tpu.region"() ({
      %run_scoped3A_740 = tpu.sem_alloc : memref<!tpu.dma_semaphore, #tpu.memory_space<semaphore_mem>>
      %dma_start3A_741 = tpu.memref_slice %arg4[%mul3A_600] : memref<16384xi32, #tpu.memory_space<hbm>> -> memref<1024xi32, #tpu.memory_space<hbm>>
      %dma_start3A_742 = tpu.memref_slice %arg4[%mul3A_600] : memref<16384xi32, #tpu.memory_space<hbm>> -> memref<1024xi32, #tpu.memory_space<hbm>>
      tpu.enqueue_dma source(%dma_start3A_742 : memref<1024xi32, #tpu.memory_space<hbm>>) target(%arg8 : memref<1024xi32, #tpu.memory_space<vmem>>) target_semaphore(%run_scoped3A_740 : memref<!tpu.dma_semaphore, #tpu.memory_space<semaphore_mem>>)
      %dma_wait3A_743 = tpu.memref_slice %arg4[%mul3A_600] : memref<16384xi32, #tpu.memory_space<hbm>> -> memref<1024xi32, #tpu.memory_space<hbm>>
      %dma_wait3A_744 = tpu.memref_slice %arg4[%mul3A_600] : memref<16384xi32, #tpu.memory_space<hbm>> -> memref<1024xi32, #tpu.memory_space<hbm>>
      tpu.wait_dma2 semaphore(%run_scoped3A_740 : memref<!tpu.dma_semaphore, #tpu.memory_space<semaphore_mem>>) src(%dma_wait3A_744 : memref<1024xi32, #tpu.memory_space<hbm>>) dst(%arg8 : memref<1024xi32, #tpu.memory_space<vmem>>)
      tpu.yield
    }) : () -> ()
    "tpu.region"() ({
      %run_scoped3A_740 = tpu.sem_alloc : memref<!tpu.dma_semaphore, #tpu.memory_space<semaphore_mem>>
      %dma_start3A_741 = tpu.memref_slice %arg5[%mul3A_600] : memref<16384xi32, #tpu.memory_space<hbm>> -> memref<1024xi32, #tpu.memory_space<hbm>>
      %dma_start3A_742 = tpu.memref_slice %arg5[%mul3A_600] : memref<16384xi32, #tpu.memory_space<hbm>> -> memref<1024xi32, #tpu.memory_space<hbm>>
      tpu.enqueue_dma source(%dma_start3A_742 : memref<1024xi32, #tpu.memory_space<hbm>>) target(%arg9 : memref<1024xi32, #tpu.memory_space<vmem>>) target_semaphore(%run_scoped3A_740 : memref<!tpu.dma_semaphore, #tpu.memory_space<semaphore_mem>>)
      %dma_wait3A_743 = tpu.memref_slice %arg5[%mul3A_600] : memref<16384xi32, #tpu.memory_space<hbm>> -> memref<1024xi32, #tpu.memory_space<hbm>>
      %dma_wait3A_744 = tpu.memref_slice %arg5[%mul3A_600] : memref<16384xi32, #tpu.memory_space<hbm>> -> memref<1024xi32, #tpu.memory_space<hbm>>
      tpu.wait_dma2 semaphore(%run_scoped3A_740 : memref<!tpu.dma_semaphore, #tpu.memory_space<semaphore_mem>>) src(%dma_wait3A_744 : memref<1024xi32, #tpu.memory_space<hbm>>) dst(%arg9 : memref<1024xi32, #tpu.memory_space<vmem>>)
      tpu.yield
    }) : () -> ()
    "tpu.region"() ({
      %run_scoped3A_740 = tpu.sem_alloc : memref<!tpu.dma_semaphore, #tpu.memory_space<semaphore_mem>>
      %dma_start3A_741 = arith.constant 0 : i32
      %dma_start3A_742 = tpu.memref_slice %arg6[%arg0, %dma_start3A_741] : memref<2x16xi32, #tpu.memory_space<hbm>> -> memref<1x16xi32, #tpu.memory_space<hbm>>
      %dma_start3A_743 = tpu.memref_squeeze %dma_start3A_742 : memref<1x16xi32, #tpu.memory_space<hbm>> -> memref<16xi32, #tpu.memory_space<hbm>>
      %dma_start3A_744 = arith.constant 0 : i32
      %dma_start3A_745 = tpu.memref_slice %arg6[%arg0, %dma_start3A_744] : memref<2x16xi32, #tpu.memory_space<hbm>> -> memref<1x16xi32, #tpu.memory_space<hbm>>
      %dma_start3A_746 = tpu.memref_squeeze %dma_start3A_745 : memref<1x16xi32, #tpu.memory_space<hbm>> -> memref<16xi32, #tpu.memory_space<hbm>>
      tpu.enqueue_dma source(%dma_start3A_746 : memref<16xi32, #tpu.memory_space<hbm>>) target(%arg12 : memref<16xi32, #tpu.memory_space<vmem>>) target_semaphore(%run_scoped3A_740 : memref<!tpu.dma_semaphore, #tpu.memory_space<semaphore_mem>>)
      %dma_wait3A_747 = arith.constant 0 : i32
      %dma_wait3A_748 = tpu.memref_slice %arg6[%arg0, %dma_wait3A_747] : memref<2x16xi32, #tpu.memory_space<hbm>> -> memref<1x16xi32, #tpu.memory_space<hbm>>
      %dma_wait3A_749 = tpu.memref_squeeze %dma_wait3A_748 : memref<1x16xi32, #tpu.memory_space<hbm>> -> memref<16xi32, #tpu.memory_space<hbm>>
      %dma_wait3A_750 = arith.constant 0 : i32
      %dma_wait3A_751 = tpu.memref_slice %arg6[%arg0, %dma_wait3A_750] : memref<2x16xi32, #tpu.memory_space<hbm>> -> memref<1x16xi32, #tpu.memory_space<hbm>>
      %dma_wait3A_752 = tpu.memref_squeeze %dma_wait3A_751 : memref<1x16xi32, #tpu.memory_space<hbm>> -> memref<16xi32, #tpu.memory_space<hbm>>
      tpu.wait_dma2 semaphore(%run_scoped3A_740 : memref<!tpu.dma_semaphore, #tpu.memory_space<semaphore_mem>>) src(%dma_wait3A_752 : memref<16xi32, #tpu.memory_space<hbm>>) dst(%arg12 : memref<16xi32, #tpu.memory_space<vmem>>)
      tpu.yield
    }) : () -> ()
    %broadcast_in_dim3A = arith.constant 0 : i32
    %broadcast_in_dim3A_601 = vector.broadcast %broadcast_in_dim3A : i32 to vector<16xi32>
    %get3A = arith.constant 0 : index
    %get3A_602 = tpu.vector_load %arg12[%get3A] {strides = array<i32>} : memref<16xi32, #tpu.memory_space<vmem>>, vector<16xi32>,
    %get3A_603 = vector.shape_cast %get3A_602 : vector<16xi32> to vector<16xi32>
    %broadcast_in_dim3A_604 = vector.shape_cast %broadcast_in_dim3A_601 : vector<16xi32> to vector<16x1xi32>
    %gather3A = vector.shape_cast %broadcast_in_dim3A_604 : vector<16x1xi32> to vector<16xi32>
    %gather3A_605 = tpu.dynamic_gather %get3A_603[%gather3A] in [0] : vector<16xi32>, vector<16xi32> -> vector<16xi32>
    %get3A_606 = arith.constant 0 : index
    %get3A_607 = tpu.vector_load %arg12[%get3A_606] {strides = array<i32>} : memref<16xi32, #tpu.memory_space<vmem>>, vector<16xi32>,
    %get3A_608 = vector.shape_cast %get3A_607 : vector<16xi32> to vector<16xi32>
    %add3A_609 = arith.constant 1 : i32
    %add3A_610 = vector.broadcast %add3A_609 : i32 to vector<16xi32>
    %add3A_611 = arith.addi %broadcast_in_dim3A_601, %add3A_610 : vector<16xi32>
    %broadcast_in_dim3A_612 = vector.shape_cast %add3A_611 : vector<16xi32> to vector<16x1xi32>
    %gather3A_613 = vector.shape_cast %broadcast_in_dim3A_612 : vector<16x1xi32> to vector<16xi32>
    %gather3A_614 = tpu.dynamic_gather %get3A_608[%gather3A_613] in [0] : vector<16xi32>, vector<16xi32> -> vector<16xi32>
    %iota3A = tpu.iota {dimensions = array<i32: 0>} : vector<16xi32>
    %scan3A = arith.constant 0 : i32
    %scan3A_615 = arith.constant 0 : i32
    %scan3A_616 = arith.constant 64 : i32
    %scan3A_617 = arith.addi %scan3A_615, %scan3A_616 : i32
    %scan3A_618 = arith.constant 1 : i32
    %scan3A_619 = scf.for %scan3A_740 = %scan3A_615 to %scan3A_617 step %scan3A_618 iter_args(%scan3A_741 = %scan3A) -> (i32)  : i32 {
      %mul3A_742 = arith.constant 16 : i32
      %mul3A_743 = arith.muli %scan3A_740, %mul3A_742 : i32
      %get3A_744 = arith.index_cast %mul3A_743 : i32 to index
      %get3A_745 = tpu.vector_load %arg8[%get3A_744] {strides = array<i32>} : memref<1024xi32, #tpu.memory_space<vmem>>, vector<16xi32>,
      %get3A_746 = vector.shape_cast %get3A_745 : vector<16xi32> to vector<16xi32>
      %mul3A_747 = arith.constant 16 : i32
      %mul3A_748 = arith.muli %scan3A_740, %mul3A_747 : i32
      %get3A_749 = arith.index_cast %mul3A_748 : i32 to index
      %get3A_750 = tpu.vector_load %arg9[%get3A_749] {strides = array<i32>} : memref<1024xi32, #tpu.memory_space<vmem>>, vector<16xi32>,
      %get3A_751 = vector.shape_cast %get3A_750 : vector<16xi32> to vector<16xi32>
      %ge3A = vector.broadcast %mul3A_0 : i32 to vector<16xi32>
      %ge3A_752 = arith.cmpi sge, %get3A_746, %ge3A : vector<16xi32>
      %add3A_753 = arith.constant 100000 : i32
      %add3A_754 = arith.addi %mul3A_0, %add3A_753 : i32
      %lt3A = vector.broadcast %add3A_754 : i32 to vector<16xi32>
      %lt3A_755 = arith.cmpi slt, %get3A_746, %lt3A : vector<16xi32>
      %and3A = arith.andi %ge3A_752, %lt3A_755 : vector<16xi1>
      %jit3A = arith.constant 64 : i32
      %broadcast_in_dim3A_756 = vector.broadcast %jit3A : i32 to vector<16xi32>
      %select_n3A = arith.select %and3A, %iota3A, %broadcast_in_dim3A_756 : vector<16xi1>, vector<16xi32>
      %xor3A = arith.constant 8 : i32
      %xor3A_757 = vector.broadcast %xor3A : i32 to vector<16xi32>
      %xor3A_758 = arith.xori %iota3A, %xor3A_757 : vector<16xi32>
      %broadcast_in_dim3A_759 = vector.shape_cast %xor3A_758 : vector<16xi32> to vector<16x1xi32>
      %gather3A_760 = vector.shape_cast %broadcast_in_dim3A_759 : vector<16x1xi32> to vector<16xi32>
      %gather3A_761 = tpu.dynamic_gather %select_n3A[%gather3A_760] in [0] : vector<16xi32>, vector<16xi32> -> vector<16xi32>
      %min3A = arith.minsi %select_n3A, %gather3A_761 : vector<16xi32>
      %xor3A_762 = arith.constant 4 : i32
      %xor3A_763 = vector.broadcast %xor3A_762 : i32 to vector<16xi32>
      %xor3A_764 = arith.xori %iota3A, %xor3A_763 : vector<16xi32>
      %broadcast_in_dim3A_765 = vector.shape_cast %xor3A_764 : vector<16xi32> to vector<16x1xi32>
      %gather3A_766 = vector.shape_cast %broadcast_in_dim3A_765 : vector<16x1xi32> to vector<16xi32>
      %gather3A_767 = tpu.dynamic_gather %min3A[%gather3A_766] in [0] : vector<16xi32>, vector<16xi32> -> vector<16xi32>
      %min3A_768 = arith.minsi %min3A, %gather3A_767 : vector<16xi32>
      %xor3A_769 = arith.constant 2 : i32
      %xor3A_770 = vector.broadcast %xor3A_769 : i32 to vector<16xi32>
      %xor3A_771 = arith.xori %iota3A, %xor3A_770 : vector<16xi32>
      %broadcast_in_dim3A_772 = vector.shape_cast %xor3A_771 : vector<16xi32> to vector<16x1xi32>
      %gather3A_773 = vector.shape_cast %broadcast_in_dim3A_772 : vector<16x1xi32> to vector<16xi32>
      %gather3A_774 = tpu.dynamic_gather %min3A_768[%gather3A_773] in [0] : vector<16xi32>, vector<16xi32> -> vector<16xi32>
      %min3A_775 = arith.minsi %min3A_768, %gather3A_774 : vector<16xi32>
      %xor3A_776 = arith.constant 1 : i32
      %xor3A_777 = vector.broadcast %xor3A_776 : i32 to vector<16xi32>
      %xor3A_778 = arith.xori %iota3A, %xor3A_777 : vector<16xi32>
      %broadcast_in_dim3A_779 = vector.shape_cast %xor3A_778 : vector<16xi32> to vector<16x1xi32>
      %gather3A_780 = vector.shape_cast %broadcast_in_dim3A_779 : vector<16x1xi32> to vector<16xi32>
      %gather3A_781 = tpu.dynamic_gather %min3A_775[%gather3A_780] in [0] : vector<16xi32>, vector<16xi32> -> vector<16xi32>
      %min3A_782 = arith.minsi %min3A_775, %gather3A_781 : vector<16xi32>
      %lt3A_783 = arith.constant 16 : i32
      %lt3A_784 = vector.broadcast %lt3A_783 : i32 to vector<16xi32>
      %lt3A_785 = arith.cmpi slt, %min3A_782, %lt3A_784 : vector<16xi32>
      %jit3A_786 = arith.constant 0 : i32
      %broadcast_in_dim3A_787 = vector.broadcast %jit3A_786 : i32 to vector<16xi32>
      %select_n3A_788 = arith.select %lt3A_785, %min3A_782, %broadcast_in_dim3A_787 : vector<16xi1>, vector<16xi32>
      %broadcast_in_dim3A_789 = vector.shape_cast %select_n3A_788 : vector<16xi32> to vector<16x1xi32>
      %gather3A_790 = vector.shape_cast %broadcast_in_dim3A_789 : vector<16x1xi32> to vector<16xi32>
      %gather3A_791 = tpu.dynamic_gather %get3A_746[%gather3A_790] in [0] : vector<16xi32>, vector<16xi32> -> vector<16xi32>
      %select_n3A_792 = arith.select %lt3A_785, %gather3A_791, %gather3A_605 : vector<16xi1>, vector<16xi32>
      %broadcast_in_dim3A_793 = vector.shape_cast %select_n3A_788 : vector<16xi32> to vector<16x1xi32>
      %gather3A_794 = vector.shape_cast %broadcast_in_dim3A_793 : vector<16x1xi32> to vector<16xi32>
      %gather3A_795 = tpu.dynamic_gather %get3A_751[%gather3A_794] in [0] : vector<16xi32>, vector<16xi32> -> vector<16xi32>
      %select_n3A_796 = arith.select %lt3A_785, %gather3A_795, %gather3A_614 : vector<16xi1>, vector<16xi32>
      %select_n3A_797 = arith.select %and3A, %get3A_746, %select_n3A_792 : vector<16xi1>, vector<16xi32>
      %jit3A_798 = arith.constant 8 : i32
      %div3A = arith.divsi %scan3A_740, %jit3A_798 : i32
      %sign3A = arith.constant 0 : i32
      %sign3A_799 = arith.cmpi sgt, %scan3A_740, %sign3A : i32
      %sign3A_800 = arith.extui %sign3A_799 : i1 to i32
      %sign3A_801 = arith.constant 0 : i32
      %sign3A_802 = arith.cmpi slt, %scan3A_740, %sign3A_801 : i32
      %sign3A_803 = arith.extui %sign3A_802 : i1 to i32
      %sign3A_804 = arith.subi %sign3A_800, %sign3A_803 : i32
      %sign3A_805 = arith.constant 0 : i32
      %sign3A_806 = arith.cmpi sgt, %jit3A_798, %sign3A_805 : i32
      %sign3A_807 = arith.extui %sign3A_806 : i1 to i32
      %sign3A_808 = arith.constant 0 : i32
      %sign3A_809 = arith.cmpi slt, %jit3A_798, %sign3A_808 : i32
      %sign3A_810 = arith.extui %sign3A_809 : i1 to i32
      %sign3A_811 = arith.subi %sign3A_807, %sign3A_810 : i32
      %ne3A = arith.cmpi ne, %sign3A_804, %sign3A_811 : i32
      %rem3A = arith.remsi %scan3A_740, %jit3A_798 : i32
      %ne3A_812 = arith.constant 0 : i32
      %ne3A_813 = arith.cmpi ne, %rem3A, %ne3A_812 : i32
      %and3A_814 = arith.andi %ne3A, %ne3A_813 : i1
      %sub3A = arith.constant 1 : i32
      %sub3A_815 = arith.subi %div3A, %sub3A : i32
      %select_n3A_816 = arith.select %and3A_814, %sub3A_815, %div3A : i32
      %jit3A_817 = arith.constant 8 : i32
      %eq3A_818 = arith.constant 0 : i32
      %eq3A_819 = arith.cmpi eq, %jit3A_817, %eq3A_818 : i32
      %jit3A_820 = arith.constant 1 : i32
      %select_n3A_821 = arith.select %eq3A_819, %jit3A_820, %jit3A_817 : i32
      %rem3A_822 = arith.remsi %scan3A_740, %select_n3A_821 : i32
      %ne3A_823 = arith.constant 0 : i32
      %ne3A_824 = arith.cmpi ne, %rem3A_822, %ne3A_823 : i32
      %lt3A_825 = arith.constant 0 : i32
      %lt3A_826 = arith.cmpi slt, %rem3A_822, %lt3A_825 : i32
      %lt3A_827 = arith.constant 0 : i32
      %lt3A_828 = arith.cmpi slt, %select_n3A_821, %lt3A_827 : i32
      %ne3A_829 = arith.xori %lt3A_826, %lt3A_828 : i1
      %and3A_830 = arith.andi %ne3A_829, %ne3A_824 : i1
      %add3A_831 = arith.addi %rem3A_822, %select_n3A_821 : i32
      %select_n3A_832 = arith.select %and3A_830, %add3A_831, %rem3A_822 : i32
      %mul3A_833 = arith.constant 16 : i32
      %mul3A_834 = arith.muli %select_n3A_832, %mul3A_833 : i32
      %swap3A = arith.index_cast %select_n3A_816 : i32 to index
      %swap3A_835 = arith.index_cast %mul3A_834 : i32 to index
      %swap3A_836 = tpu.vector_load %arg10[%swap3A, %swap3A_835] {strides = array<i32>} : memref<8x128xi32, #tpu.memory_space<vmem>>, vector<1x16xi32>,
      %swap3A_837 = vector.shape_cast %swap3A_836 : vector<1x16xi32> to vector<16xi32>
      %swap3A_838 = vector.shape_cast %select_n3A_797 : vector<16xi32> to vector<1x16xi32>
      tpu.vector_store %arg10[%swap3A, %swap3A_835], %swap3A_838 {strides = array<i32>} : memref<8x128xi32, #tpu.memory_space<vmem>>, vector<1x16xi32>,
      %select_n3A_839 = arith.select %and3A, %get3A_751, %select_n3A_796 : vector<16xi1>, vector<16xi32>
      %jit3A_840 = arith.constant 8 : i32
      %div3A_841 = arith.divsi %scan3A_740, %jit3A_840 : i32
      %sign3A_842 = arith.constant 0 : i32
      %sign3A_843 = arith.cmpi sgt, %scan3A_740, %sign3A_842 : i32
      %sign3A_844 = arith.extui %sign3A_843 : i1 to i32
      %sign3A_845 = arith.constant 0 : i32
      %sign3A_846 = arith.cmpi slt, %scan3A_740, %sign3A_845 : i32
      %sign3A_847 = arith.extui %sign3A_846 : i1 to i32
      %sign3A_848 = arith.subi %sign3A_844, %sign3A_847 : i32
      %sign3A_849 = arith.constant 0 : i32
      %sign3A_850 = arith.cmpi sgt, %jit3A_840, %sign3A_849 : i32
      %sign3A_851 = arith.extui %sign3A_850 : i1 to i32
      %sign3A_852 = arith.constant 0 : i32
      %sign3A_853 = arith.cmpi slt, %jit3A_840, %sign3A_852 : i32
      %sign3A_854 = arith.extui %sign3A_853 : i1 to i32
      %sign3A_855 = arith.subi %sign3A_851, %sign3A_854 : i32
      %ne3A_856 = arith.cmpi ne, %sign3A_848, %sign3A_855 : i32
      %rem3A_857 = arith.remsi %scan3A_740, %jit3A_840 : i32
      %ne3A_858 = arith.constant 0 : i32
      %ne3A_859 = arith.cmpi ne, %rem3A_857, %ne3A_858 : i32
      %and3A_860 = arith.andi %ne3A_856, %ne3A_859 : i1
      %sub3A_861 = arith.constant 1 : i32
      %sub3A_862 = arith.subi %div3A_841, %sub3A_861 : i32
      %select_n3A_863 = arith.select %and3A_860, %sub3A_862, %div3A_841 : i32
      %jit3A_864 = arith.constant 8 : i32
      %eq3A_865 = arith.constant 0 : i32
      %eq3A_866 = arith.cmpi eq, %jit3A_864, %eq3A_865 : i32
      %jit3A_867 = arith.constant 1 : i32
      %select_n3A_868 = arith.select %eq3A_866, %jit3A_867, %jit3A_864 : i32
      %rem3A_869 = arith.remsi %scan3A_740, %select_n3A_868 : i32
      %ne3A_870 = arith.constant 0 : i32
      %ne3A_871 = arith.cmpi ne, %rem3A_869, %ne3A_870 : i32
      %lt3A_872 = arith.constant 0 : i32
      %lt3A_873 = arith.cmpi slt, %rem3A_869, %lt3A_872 : i32
      %lt3A_874 = arith.constant 0 : i32
      %lt3A_875 = arith.cmpi slt, %select_n3A_868, %lt3A_874 : i32
      %ne3A_876 = arith.xori %lt3A_873, %lt3A_875 : i1
      %and3A_877 = arith.andi %ne3A_876, %ne3A_871 : i1
      %add3A_878 = arith.addi %rem3A_869, %select_n3A_868 : i32
      %select_n3A_879 = arith.select %and3A_877, %add3A_878, %rem3A_869 : i32
      %mul3A_880 = arith.constant 16 : i32
      %mul3A_881 = arith.muli %select_n3A_879, %mul3A_880 : i32
      %swap3A_882 = arith.index_cast %select_n3A_863 : i32 to index
      %swap3A_883 = arith.index_cast %mul3A_881 : i32 to index
      %swap3A_884 = tpu.vector_load %arg11[%swap3A_882, %swap3A_883] {strides = array<i32>} : memref<8x128xi32, #tpu.memory_space<vmem>>, vector<1x16xi32>,
      %swap3A_885 = vector.shape_cast %swap3A_884 : vector<1x16xi32> to vector<16xi32>
      %swap3A_886 = vector.shape_cast %select_n3A_839 : vector<16xi32> to vector<1x16xi32>
      tpu.vector_store %arg11[%swap3A_882, %swap3A_883], %swap3A_886 {strides = array<i32>} : memref<8x128xi32, #tpu.memory_space<vmem>>, vector<1x16xi32>,
      %scan3A_887 = arith.constant 0 : i32
      scf.yield %scan3A_887 : i32
    }
    %scan3A_620 = arith.constant 64 : i32
    %dma_start3A_621 = arith.constant 0 : i32
    %dma_start3A_622 = arith.constant 0 : i32
    %dma_start3A_623 = tpu.memref_slice %arg11[%dma_start3A_621, %dma_start3A_622] : memref<8x128xi32, #tpu.memory_space<vmem>> -> memref<1x128xi32, #tpu.memory_space<vmem>>
    %dma_start3A_624 = tpu.memref_squeeze %dma_start3A_623 : memref<1x128xi32, #tpu.memory_space<vmem>> -> memref<128xi32, #tpu.memory_space<vmem>>
    %dma_start3A_625 = arith.constant 0 : i32
    %dma_start3A_626 = arith.constant 0 : i32
    %dma_start3A_627 = tpu.memref_slice %arg3[%dma_start3A_625, %dma_start3A_626] : memref<16400x128xf32, #tpu.memory_space<hbm>> -> memref<16400x128xf32, #tpu.memory_space<hbm>>
    tpu.enqueue_indirect_dma source(%dma_start3A_627 : memref<16400x128xf32, #tpu.memory_space<hbm>>) target(%arg13 : memref<128x128xf32, #tpu.memory_space<vmem>>) offsets(%dma_start3A_624 : memref<128xi32, #tpu.memory_space<vmem>>) semaphore(%arg17 : memref<!tpu.dma_semaphore, #tpu.memory_space<semaphore_mem>>)
    %dma_wait3A_628 = arith.constant 0 : i32
    %dma_wait3A_629 = arith.constant 0 : i32
    %dma_wait3A_630 = tpu.memref_slice %arg11[%dma_wait3A_628, %dma_wait3A_629] : memref<8x128xi32, #tpu.memory_space<vmem>> -> memref<1x128xi32, #tpu.memory_space<vmem>>
    %dma_wait3A_631 = tpu.memref_squeeze %dma_wait3A_630 : memref<1x128xi32, #tpu.memory_space<vmem>> -> memref<128xi32, #tpu.memory_space<vmem>>
    %dma_wait3A_632 = arith.constant 0 : i32
    %dma_wait3A_633 = arith.constant 0 : i32
    %dma_wait3A_634 = tpu.memref_slice %arg3[%dma_wait3A_632, %dma_wait3A_633] : memref<16400x128xf32, #tpu.memory_space<hbm>> -> memref<16400x128xf32, #tpu.memory_space<hbm>>
    tpu.wait_indirect_dma semaphore(%arg17 : memref<!tpu.dma_semaphore, #tpu.memory_space<semaphore_mem>>) src(%dma_wait3A_634 : memref<16400x128xf32, #tpu.memory_space<hbm>>) dst(%arg13 : memref<128x128xf32, #tpu.memory_space<vmem>>)
    %dma_start3A_635 = arith.constant 1 : i32
    %dma_start3A_636 = arith.constant 0 : i32
    %dma_start3A_637 = tpu.memref_slice %arg11[%dma_start3A_635, %dma_start3A_636] : memref<8x128xi32, #tpu.memory_space<vmem>> -> memref<1x128xi32, #tpu.memory_space<vmem>>
    %dma_start3A_638 = tpu.memref_squeeze %dma_start3A_637 : memref<1x128xi32, #tpu.memory_space<vmem>> -> memref<128xi32, #tpu.memory_space<vmem>>
    %dma_start3A_639 = arith.constant 0 : i32
    %dma_start3A_640 = arith.constant 0 : i32
    %dma_start3A_641 = tpu.memref_slice %arg3[%dma_start3A_639, %dma_start3A_640] : memref<16400x128xf32, #tpu.memory_space<hbm>> -> memref<16400x128xf32, #tpu.memory_space<hbm>>
    tpu.enqueue_indirect_dma source(%dma_start3A_641 : memref<16400x128xf32, #tpu.memory_space<hbm>>) target(%arg14 : memref<128x128xf32, #tpu.memory_space<vmem>>) offsets(%dma_start3A_638 : memref<128xi32, #tpu.memory_space<vmem>>) semaphore(%arg18 : memref<!tpu.dma_semaphore, #tpu.memory_space<semaphore_mem>>)
    %run_scoped3A = arith.constant 0 : i32
    "tpu.region"() ({
      %run_scoped3A_740 = tpu.sem_alloc : memref<!tpu.dma_semaphore, #tpu.memory_space<semaphore_mem>>
      %dma_start3A_741 = arith.constant 0 : i32
      %dma_start3A_742 = tpu.memref_slice %arg10[%run_scoped3A, %dma_start3A_741] : memref<8x128xi32, #tpu.memory_space<vmem>> -> memref<1x128xi32, #tpu.memory_space<vmem>>
      %dma_start3A_743 = tpu.memref_squeeze %dma_start3A_742 : memref<1x128xi32, #tpu.memory_space<vmem>> -> memref<128xi32, #tpu.memory_space<vmem>>
      %dma_start3A_744 = arith.constant 0 : i32
      %dma_start3A_745 = arith.constant 0 : i32
      %dma_start3A_746 = tpu.memref_slice %arg7[%dma_start3A_744, %dma_start3A_745] : memref<200000x128xf32, #tpu.memory_space<hbm>> -> memref<200000x128xf32, #tpu.memory_space<hbm>>
      tpu.enqueue_indirect_dma source(%arg13 : memref<128x128xf32, #tpu.memory_space<vmem>>) target(%dma_start3A_746 : memref<200000x128xf32, #tpu.memory_space<hbm>>) offsets(%dma_start3A_743 : memref<128xi32, #tpu.memory_space<vmem>>) semaphore(%run_scoped3A_740 : memref<!tpu.dma_semaphore, #tpu.memory_space<semaphore_mem>>)
      %dma_wait3A_747 = arith.constant 0 : i32
      %dma_wait3A_748 = tpu.memref_slice %arg10[%run_scoped3A, %dma_wait3A_747] : memref<8x128xi32, #tpu.memory_space<vmem>> -> memref<1x128xi32, #tpu.memory_space<vmem>>
      %dma_wait3A_749 = tpu.memref_squeeze %dma_wait3A_748 : memref<1x128xi32, #tpu.memory_space<vmem>> -> memref<128xi32, #tpu.memory_space<vmem>>
      %dma_wait3A_750 = arith.constant 0 : i32
      %dma_wait3A_751 = arith.constant 0 : i32
      %dma_wait3A_752 = tpu.memref_slice %arg7[%dma_wait3A_750, %dma_wait3A_751] : memref<200000x128xf32, #tpu.memory_space<hbm>> -> memref<200000x128xf32, #tpu.memory_space<hbm>>
      tpu.wait_indirect_dma semaphore(%run_scoped3A_740 : memref<!tpu.dma_semaphore, #tpu.memory_space<semaphore_mem>>) src(%arg13 : memref<128x128xf32, #tpu.memory_space<vmem>>) dst(%dma_wait3A_752 : memref<200000x128xf32, #tpu.memory_space<hbm>>)
      tpu.yield
    }) : () -> ()
    %dma_wait3A_642 = arith.constant 1 : i32
    %dma_wait3A_643 = arith.constant 0 : i32
    %dma_wait3A_644 = tpu.memref_slice %arg11[%dma_wait3A_642, %dma_wait3A_643] : memref<8x128xi32, #tpu.memory_space<vmem>> -> memref<1x128xi32, #tpu.memory_space<vmem>>
    %dma_wait3A_645 = tpu.memref_squeeze %dma_wait3A_644 : memref<1x128xi32, #tpu.memory_space<vmem>> -> memref<128xi32, #tpu.memory_space<vmem>>
    %dma_wait3A_646 = arith.constant 0 : i32
    %dma_wait3A_647 = arith.constant 0 : i32
    %dma_wait3A_648 = tpu.memref_slice %arg3[%dma_wait3A_646, %dma_wait3A_647] : memref<16400x128xf32, #tpu.memory_space<hbm>> -> memref<16400x128xf32, #tpu.memory_space<hbm>>
    tpu.wait_indirect_dma semaphore(%arg18 : memref<!tpu.dma_semaphore, #tpu.memory_space<semaphore_mem>>) src(%dma_wait3A_648 : memref<16400x128xf32, #tpu.memory_space<hbm>>) dst(%arg14 : memref<128x128xf32, #tpu.memory_space<vmem>>)
    %dma_start3A_649 = arith.constant 2 : i32
    %dma_start3A_650 = arith.constant 0 : i32
    %dma_start3A_651 = tpu.memref_slice %arg11[%dma_start3A_649, %dma_start3A_650] : memref<8x128xi32, #tpu.memory_space<vmem>> -> memref<1x128xi32, #tpu.memory_space<vmem>>
    %dma_start3A_652 = tpu.memref_squeeze %dma_start3A_651 : memref<1x128xi32, #tpu.memory_space<vmem>> -> memref<128xi32, #tpu.memory_space<vmem>>
    %dma_start3A_653 = arith.constant 0 : i32
    %dma_start3A_654 = arith.constant 0 : i32
    %dma_start3A_655 = tpu.memref_slice %arg3[%dma_start3A_653, %dma_start3A_654] : memref<16400x128xf32, #tpu.memory_space<hbm>> -> memref<16400x128xf32, #tpu.memory_space<hbm>>
    tpu.enqueue_indirect_dma source(%dma_start3A_655 : memref<16400x128xf32, #tpu.memory_space<hbm>>) target(%arg13 : memref<128x128xf32, #tpu.memory_space<vmem>>) offsets(%dma_start3A_652 : memref<128xi32, #tpu.memory_space<vmem>>) semaphore(%arg17 : memref<!tpu.dma_semaphore, #tpu.memory_space<semaphore_mem>>)
    %run_scoped3A_656 = arith.constant 1 : i32
    "tpu.region"() ({
      %run_scoped3A_740 = tpu.sem_alloc : memref<!tpu.dma_semaphore, #tpu.memory_space<semaphore_mem>>
      %dma_start3A_741 = arith.constant 0 : i32
      %dma_start3A_742 = tpu.memref_slice %arg10[%run_scoped3A_656, %dma_start3A_741] : memref<8x128xi32, #tpu.memory_space<vmem>> -> memref<1x128xi32, #tpu.memory_space<vmem>>
      %dma_start3A_743 = tpu.memref_squeeze %dma_start3A_742 : memref<1x128xi32, #tpu.memory_space<vmem>> -> memref<128xi32, #tpu.memory_space<vmem>>
      %dma_start3A_744 = arith.constant 0 : i32
      %dma_start3A_745 = arith.constant 0 : i32
      %dma_start3A_746 = tpu.memref_slice %arg7[%dma_start3A_744, %dma_start3A_745] : memref<200000x128xf32, #tpu.memory_space<hbm>> -> memref<200000x128xf32, #tpu.memory_space<hbm>>
      tpu.enqueue_indirect_dma source(%arg14 : memref<128x128xf32, #tpu.memory_space<vmem>>) target(%dma_start3A_746 : memref<200000x128xf32, #tpu.memory_space<hbm>>) offsets(%dma_start3A_743 : memref<128xi32, #tpu.memory_space<vmem>>) semaphore(%run_scoped3A_740 : memref<!tpu.dma_semaphore, #tpu.memory_space<semaphore_mem>>)
      %dma_wait3A_747 = arith.constant 0 : i32
      %dma_wait3A_748 = tpu.memref_slice %arg10[%run_scoped3A_656, %dma_wait3A_747] : memref<8x128xi32, #tpu.memory_space<vmem>> -> memref<1x128xi32, #tpu.memory_space<vmem>>
      %dma_wait3A_749 = tpu.memref_squeeze %dma_wait3A_748 : memref<1x128xi32, #tpu.memory_space<vmem>> -> memref<128xi32, #tpu.memory_space<vmem>>
      %dma_wait3A_750 = arith.constant 0 : i32
      %dma_wait3A_751 = arith.constant 0 : i32
      %dma_wait3A_752 = tpu.memref_slice %arg7[%dma_wait3A_750, %dma_wait3A_751] : memref<200000x128xf32, #tpu.memory_space<hbm>> -> memref<200000x128xf32, #tpu.memory_space<hbm>>
      tpu.wait_indirect_dma semaphore(%run_scoped3A_740 : memref<!tpu.dma_semaphore, #tpu.memory_space<semaphore_mem>>) src(%arg14 : memref<128x128xf32, #tpu.memory_space<vmem>>) dst(%dma_wait3A_752 : memref<200000x128xf32, #tpu.memory_space<hbm>>)
      tpu.yield
    }) : () -> ()
    %dma_wait3A_657 = arith.constant 2 : i32
    %dma_wait3A_658 = arith.constant 0 : i32
    %dma_wait3A_659 = tpu.memref_slice %arg11[%dma_wait3A_657, %dma_wait3A_658] : memref<8x128xi32, #tpu.memory_space<vmem>> -> memref<1x128xi32, #tpu.memory_space<vmem>>
    %dma_wait3A_660 = tpu.memref_squeeze %dma_wait3A_659 : memref<1x128xi32, #tpu.memory_space<vmem>> -> memref<128xi32, #tpu.memory_space<vmem>>
    %dma_wait3A_661 = arith.constant 0 : i32
    %dma_wait3A_662 = arith.constant 0 : i32
    %dma_wait3A_663 = tpu.memref_slice %arg3[%dma_wait3A_661, %dma_wait3A_662] : memref<16400x128xf32, #tpu.memory_space<hbm>> -> memref<16400x128xf32, #tpu.memory_space<hbm>>
    tpu.wait_indirect_dma semaphore(%arg17 : memref<!tpu.dma_semaphore, #tpu.memory_space<semaphore_mem>>) src(%dma_wait3A_663 : memref<16400x128xf32, #tpu.memory_space<hbm>>) dst(%arg13 : memref<128x128xf32, #tpu.memory_space<vmem>>)
    %dma_start3A_664 = arith.constant 3 : i32
    %dma_start3A_665 = arith.constant 0 : i32
    %dma_start3A_666 = tpu.memref_slice %arg11[%dma_start3A_664, %dma_start3A_665] : memref<8x128xi32, #tpu.memory_space<vmem>> -> memref<1x128xi32, #tpu.memory_space<vmem>>
    %dma_start3A_667 = tpu.memref_squeeze %dma_start3A_666 : memref<1x128xi32, #tpu.memory_space<vmem>> -> memref<128xi32, #tpu.memory_space<vmem>>
    %dma_start3A_668 = arith.constant 0 : i32
    %dma_start3A_669 = arith.constant 0 : i32
    %dma_start3A_670 = tpu.memref_slice %arg3[%dma_start3A_668, %dma_start3A_669] : memref<16400x128xf32, #tpu.memory_space<hbm>> -> memref<16400x128xf32, #tpu.memory_space<hbm>>
    tpu.enqueue_indirect_dma source(%dma_start3A_670 : memref<16400x128xf32, #tpu.memory_space<hbm>>) target(%arg14 : memref<128x128xf32, #tpu.memory_space<vmem>>) offsets(%dma_start3A_667 : memref<128xi32, #tpu.memory_space<vmem>>) semaphore(%arg18 : memref<!tpu.dma_semaphore, #tpu.memory_space<semaphore_mem>>)
    %run_scoped3A_671 = arith.constant 2 : i32
    "tpu.region"() ({
      %run_scoped3A_740 = tpu.sem_alloc : memref<!tpu.dma_semaphore, #tpu.memory_space<semaphore_mem>>
      %dma_start3A_741 = arith.constant 0 : i32
      %dma_start3A_742 = tpu.memref_slice %arg10[%run_scoped3A_671, %dma_start3A_741] : memref<8x128xi32, #tpu.memory_space<vmem>> -> memref<1x128xi32, #tpu.memory_space<vmem>>
      %dma_start3A_743 = tpu.memref_squeeze %dma_start3A_742 : memref<1x128xi32, #tpu.memory_space<vmem>> -> memref<128xi32, #tpu.memory_space<vmem>>
      %dma_start3A_744 = arith.constant 0 : i32
      %dma_start3A_745 = arith.constant 0 : i32
      %dma_start3A_746 = tpu.memref_slice %arg7[%dma_start3A_744, %dma_start3A_745] : memref<200000x128xf32, #tpu.memory_space<hbm>> -> memref<200000x128xf32, #tpu.memory_space<hbm>>
      tpu.enqueue_indirect_dma source(%arg13 : memref<128x128xf32, #tpu.memory_space<vmem>>) target(%dma_start3A_746 : memref<200000x128xf32, #tpu.memory_space<hbm>>) offsets(%dma_start3A_743 : memref<128xi32, #tpu.memory_space<vmem>>) semaphore(%run_scoped3A_740 : memref<!tpu.dma_semaphore, #tpu.memory_space<semaphore_mem>>)
      %dma_wait3A_747 = arith.constant 0 : i32
      %dma_wait3A_748 = tpu.memref_slice %arg10[%run_scoped3A_671, %dma_wait3A_747] : memref<8x128xi32, #tpu.memory_space<vmem>> -> memref<1x128xi32, #tpu.memory_space<vmem>>
      %dma_wait3A_749 = tpu.memref_squeeze %dma_wait3A_748 : memref<1x128xi32, #tpu.memory_space<vmem>> -> memref<128xi32, #tpu.memory_space<vmem>>
      %dma_wait3A_750 = arith.constant 0 : i32
      %dma_wait3A_751 = arith.constant 0 : i32
      %dma_wait3A_752 = tpu.memref_slice %arg7[%dma_wait3A_750, %dma_wait3A_751] : memref<200000x128xf32, #tpu.memory_space<hbm>> -> memref<200000x128xf32, #tpu.memory_space<hbm>>
      tpu.wait_indirect_dma semaphore(%run_scoped3A_740 : memref<!tpu.dma_semaphore, #tpu.memory_space<semaphore_mem>>) src(%arg13 : memref<128x128xf32, #tpu.memory_space<vmem>>) dst(%dma_wait3A_752 : memref<200000x128xf32, #tpu.memory_space<hbm>>)
      tpu.yield
    }) : () -> ()
    %dma_wait3A_672 = arith.constant 3 : i32
    %dma_wait3A_673 = arith.constant 0 : i32
    %dma_wait3A_674 = tpu.memref_slice %arg11[%dma_wait3A_672, %dma_wait3A_673] : memref<8x128xi32, #tpu.memory_space<vmem>> -> memref<1x128xi32, #tpu.memory_space<vmem>>
    %dma_wait3A_675 = tpu.memref_squeeze %dma_wait3A_674 : memref<1x128xi32, #tpu.memory_space<vmem>> -> memref<128xi32, #tpu.memory_space<vmem>>
    %dma_wait3A_676 = arith.constant 0 : i32
    %dma_wait3A_677 = arith.constant 0 : i32
    %dma_wait3A_678 = tpu.memref_slice %arg3[%dma_wait3A_676, %dma_wait3A_677] : memref<16400x128xf32, #tpu.memory_space<hbm>> -> memref<16400x128xf32, #tpu.memory_space<hbm>>
    tpu.wait_indirect_dma semaphore(%arg18 : memref<!tpu.dma_semaphore, #tpu.memory_space<semaphore_mem>>) src(%dma_wait3A_678 : memref<16400x128xf32, #tpu.memory_space<hbm>>) dst(%arg14 : memref<128x128xf32, #tpu.memory_space<vmem>>)
    %dma_start3A_679 = arith.constant 4 : i32
    %dma_start3A_680 = arith.constant 0 : i32
    %dma_start3A_681 = tpu.memref_slice %arg11[%dma_start3A_679, %dma_start3A_680] : memref<8x128xi32, #tpu.memory_space<vmem>> -> memref<1x128xi32, #tpu.memory_space<vmem>>
    %dma_start3A_682 = tpu.memref_squeeze %dma_start3A_681 : memref<1x128xi32, #tpu.memory_space<vmem>> -> memref<128xi32, #tpu.memory_space<vmem>>
    %dma_start3A_683 = arith.constant 0 : i32
    %dma_start3A_684 = arith.constant 0 : i32
    %dma_start3A_685 = tpu.memref_slice %arg3[%dma_start3A_683, %dma_start3A_684] : memref<16400x128xf32, #tpu.memory_space<hbm>> -> memref<16400x128xf32, #tpu.memory_space<hbm>>
    tpu.enqueue_indirect_dma source(%dma_start3A_685 : memref<16400x128xf32, #tpu.memory_space<hbm>>) target(%arg13 : memref<128x128xf32, #tpu.memory_space<vmem>>) offsets(%dma_start3A_682 : memref<128xi32, #tpu.memory_space<vmem>>) semaphore(%arg17 : memref<!tpu.dma_semaphore, #tpu.memory_space<semaphore_mem>>)
    %run_scoped3A_686 = arith.constant 3 : i32
    "tpu.region"() ({
      %run_scoped3A_740 = tpu.sem_alloc : memref<!tpu.dma_semaphore, #tpu.memory_space<semaphore_mem>>
      %dma_start3A_741 = arith.constant 0 : i32
      %dma_start3A_742 = tpu.memref_slice %arg10[%run_scoped3A_686, %dma_start3A_741] : memref<8x128xi32, #tpu.memory_space<vmem>> -> memref<1x128xi32, #tpu.memory_space<vmem>>
      %dma_start3A_743 = tpu.memref_squeeze %dma_start3A_742 : memref<1x128xi32, #tpu.memory_space<vmem>> -> memref<128xi32, #tpu.memory_space<vmem>>
      %dma_start3A_744 = arith.constant 0 : i32
      %dma_start3A_745 = arith.constant 0 : i32
      %dma_start3A_746 = tpu.memref_slice %arg7[%dma_start3A_744, %dma_start3A_745] : memref<200000x128xf32, #tpu.memory_space<hbm>> -> memref<200000x128xf32, #tpu.memory_space<hbm>>
      tpu.enqueue_indirect_dma source(%arg14 : memref<128x128xf32, #tpu.memory_space<vmem>>) target(%dma_start3A_746 : memref<200000x128xf32, #tpu.memory_space<hbm>>) offsets(%dma_start3A_743 : memref<128xi32, #tpu.memory_space<vmem>>) semaphore(%run_scoped3A_740 : memref<!tpu.dma_semaphore, #tpu.memory_space<semaphore_mem>>)
      %dma_wait3A_747 = arith.constant 0 : i32
      %dma_wait3A_748 = tpu.memref_slice %arg10[%run_scoped3A_686, %dma_wait3A_747] : memref<8x128xi32, #tpu.memory_space<vmem>> -> memref<1x128xi32, #tpu.memory_space<vmem>>
      %dma_wait3A_749 = tpu.memref_squeeze %dma_wait3A_748 : memref<1x128xi32, #tpu.memory_space<vmem>> -> memref<128xi32, #tpu.memory_space<vmem>>
      %dma_wait3A_750 = arith.constant 0 : i32
      %dma_wait3A_751 = arith.constant 0 : i32
      %dma_wait3A_752 = tpu.memref_slice %arg7[%dma_wait3A_750, %dma_wait3A_751] : memref<200000x128xf32, #tpu.memory_space<hbm>> -> memref<200000x128xf32, #tpu.memory_space<hbm>>
      tpu.wait_indirect_dma semaphore(%run_scoped3A_740 : memref<!tpu.dma_semaphore, #tpu.memory_space<semaphore_mem>>) src(%arg14 : memref<128x128xf32, #tpu.memory_space<vmem>>) dst(%dma_wait3A_752 : memref<200000x128xf32, #tpu.memory_space<hbm>>)
      tpu.yield
    }) : () -> ()
    %dma_wait3A_687 = arith.constant 4 : i32
    %dma_wait3A_688 = arith.constant 0 : i32
    %dma_wait3A_689 = tpu.memref_slice %arg11[%dma_wait3A_687, %dma_wait3A_688] : memref<8x128xi32, #tpu.memory_space<vmem>> -> memref<1x128xi32, #tpu.memory_space<vmem>>
    %dma_wait3A_690 = tpu.memref_squeeze %dma_wait3A_689 : memref<1x128xi32, #tpu.memory_space<vmem>> -> memref<128xi32, #tpu.memory_space<vmem>>
    %dma_wait3A_691 = arith.constant 0 : i32
    %dma_wait3A_692 = arith.constant 0 : i32
    %dma_wait3A_693 = tpu.memref_slice %arg3[%dma_wait3A_691, %dma_wait3A_692] : memref<16400x128xf32, #tpu.memory_space<hbm>> -> memref<16400x128xf32, #tpu.memory_space<hbm>>
    tpu.wait_indirect_dma semaphore(%arg17 : memref<!tpu.dma_semaphore, #tpu.memory_space<semaphore_mem>>) src(%dma_wait3A_693 : memref<16400x128xf32, #tpu.memory_space<hbm>>) dst(%arg13 : memref<128x128xf32, #tpu.memory_space<vmem>>)
    %dma_start3A_694 = arith.constant 5 : i32
    %dma_start3A_695 = arith.constant 0 : i32
    %dma_start3A_696 = tpu.memref_slice %arg11[%dma_start3A_694, %dma_start3A_695] : memref<8x128xi32, #tpu.memory_space<vmem>> -> memref<1x128xi32, #tpu.memory_space<vmem>>
    %dma_start3A_697 = tpu.memref_squeeze %dma_start3A_696 : memref<1x128xi32, #tpu.memory_space<vmem>> -> memref<128xi32, #tpu.memory_space<vmem>>
    %dma_start3A_698 = arith.constant 0 : i32
    %dma_start3A_699 = arith.constant 0 : i32
    %dma_start3A_700 = tpu.memref_slice %arg3[%dma_start3A_698, %dma_start3A_699] : memref<16400x128xf32, #tpu.memory_space<hbm>> -> memref<16400x128xf32, #tpu.memory_space<hbm>>
    tpu.enqueue_indirect_dma source(%dma_start3A_700 : memref<16400x128xf32, #tpu.memory_space<hbm>>) target(%arg14 : memref<128x128xf32, #tpu.memory_space<vmem>>) offsets(%dma_start3A_697 : memref<128xi32, #tpu.memory_space<vmem>>) semaphore(%arg18 : memref<!tpu.dma_semaphore, #tpu.memory_space<semaphore_mem>>)
    %run_scoped3A_701 = arith.constant 4 : i32
    "tpu.region"() ({
      %run_scoped3A_740 = tpu.sem_alloc : memref<!tpu.dma_semaphore, #tpu.memory_space<semaphore_mem>>
      %dma_start3A_741 = arith.constant 0 : i32
      %dma_start3A_742 = tpu.memref_slice %arg10[%run_scoped3A_701, %dma_start3A_741] : memref<8x128xi32, #tpu.memory_space<vmem>> -> memref<1x128xi32, #tpu.memory_space<vmem>>
      %dma_start3A_743 = tpu.memref_squeeze %dma_start3A_742 : memref<1x128xi32, #tpu.memory_space<vmem>> -> memref<128xi32, #tpu.memory_space<vmem>>
      %dma_start3A_744 = arith.constant 0 : i32
      %dma_start3A_745 = arith.constant 0 : i32
      %dma_start3A_746 = tpu.memref_slice %arg7[%dma_start3A_744, %dma_start3A_745] : memref<200000x128xf32, #tpu.memory_space<hbm>> -> memref<200000x128xf32, #tpu.memory_space<hbm>>
      tpu.enqueue_indirect_dma source(%arg13 : memref<128x128xf32, #tpu.memory_space<vmem>>) target(%dma_start3A_746 : memref<200000x128xf32, #tpu.memory_space<hbm>>) offsets(%dma_start3A_743 : memref<128xi32, #tpu.memory_space<vmem>>) semaphore(%run_scoped3A_740 : memref<!tpu.dma_semaphore, #tpu.memory_space<semaphore_mem>>)
      %dma_wait3A_747 = arith.constant 0 : i32
      %dma_wait3A_748 = tpu.memref_slice %arg10[%run_scoped3A_701, %dma_wait3A_747] : memref<8x128xi32, #tpu.memory_space<vmem>> -> memref<1x128xi32, #tpu.memory_space<vmem>>
      %dma_wait3A_749 = tpu.memref_squeeze %dma_wait3A_748 : memref<1x128xi32, #tpu.memory_space<vmem>> -> memref<128xi32, #tpu.memory_space<vmem>>
      %dma_wait3A_750 = arith.constant 0 : i32
      %dma_wait3A_751 = arith.constant 0 : i32
      %dma_wait3A_752 = tpu.memref_slice %arg7[%dma_wait3A_750, %dma_wait3A_751] : memref<200000x128xf32, #tpu.memory_space<hbm>> -> memref<200000x128xf32, #tpu.memory_space<hbm>>
      tpu.wait_indirect_dma semaphore(%run_scoped3A_740 : memref<!tpu.dma_semaphore, #tpu.memory_space<semaphore_mem>>) src(%arg13 : memref<128x128xf32, #tpu.memory_space<vmem>>) dst(%dma_wait3A_752 : memref<200000x128xf32, #tpu.memory_space<hbm>>)
      tpu.yield
    }) : () -> ()
    %dma_wait3A_702 = arith.constant 5 : i32
    %dma_wait3A_703 = arith.constant 0 : i32
    %dma_wait3A_704 = tpu.memref_slice %arg11[%dma_wait3A_702, %dma_wait3A_703] : memref<8x128xi32, #tpu.memory_space<vmem>> -> memref<1x128xi32, #tpu.memory_space<vmem>>
    %dma_wait3A_705 = tpu.memref_squeeze %dma_wait3A_704 : memref<1x128xi32, #tpu.memory_space<vmem>> -> memref<128xi32, #tpu.memory_space<vmem>>
    %dma_wait3A_706 = arith.constant 0 : i32
    %dma_wait3A_707 = arith.constant 0 : i32
    %dma_wait3A_708 = tpu.memref_slice %arg3[%dma_wait3A_706, %dma_wait3A_707] : memref<16400x128xf32, #tpu.memory_space<hbm>> -> memref<16400x128xf32, #tpu.memory_space<hbm>>
    tpu.wait_indirect_dma semaphore(%arg18 : memref<!tpu.dma_semaphore, #tpu.memory_space<semaphore_mem>>) src(%dma_wait3A_708 : memref<16400x128xf32, #tpu.memory_space<hbm>>) dst(%arg14 : memref<128x128xf32, #tpu.memory_space<vmem>>)
    %dma_start3A_709 = arith.constant 6 : i32
    %dma_start3A_710 = arith.constant 0 : i32
    %dma_start3A_711 = tpu.memref_slice %arg11[%dma_start3A_709, %dma_start3A_710] : memref<8x128xi32, #tpu.memory_space<vmem>> -> memref<1x128xi32, #tpu.memory_space<vmem>>
    %dma_start3A_712 = tpu.memref_squeeze %dma_start3A_711 : memref<1x128xi32, #tpu.memory_space<vmem>> -> memref<128xi32, #tpu.memory_space<vmem>>
    %dma_start3A_713 = arith.constant 0 : i32
    %dma_start3A_714 = arith.constant 0 : i32
    %dma_start3A_715 = tpu.memref_slice %arg3[%dma_start3A_713, %dma_start3A_714] : memref<16400x128xf32, #tpu.memory_space<hbm>> -> memref<16400x128xf32, #tpu.memory_space<hbm>>
    tpu.enqueue_indirect_dma source(%dma_start3A_715 : memref<16400x128xf32, #tpu.memory_space<hbm>>) target(%arg13 : memref<128x128xf32, #tpu.memory_space<vmem>>) offsets(%dma_start3A_712 : memref<128xi32, #tpu.memory_space<vmem>>) semaphore(%arg17 : memref<!tpu.dma_semaphore, #tpu.memory_space<semaphore_mem>>)
    %run_scoped3A_716 = arith.constant 5 : i32
    "tpu.region"() ({
      %run_scoped3A_740 = tpu.sem_alloc : memref<!tpu.dma_semaphore, #tpu.memory_space<semaphore_mem>>
      %dma_start3A_741 = arith.constant 0 : i32
      %dma_start3A_742 = tpu.memref_slice %arg10[%run_scoped3A_716, %dma_start3A_741] : memref<8x128xi32, #tpu.memory_space<vmem>> -> memref<1x128xi32, #tpu.memory_space<vmem>>
      %dma_start3A_743 = tpu.memref_squeeze %dma_start3A_742 : memref<1x128xi32, #tpu.memory_space<vmem>> -> memref<128xi32, #tpu.memory_space<vmem>>
      %dma_start3A_744 = arith.constant 0 : i32
      %dma_start3A_745 = arith.constant 0 : i32
      %dma_start3A_746 = tpu.memref_slice %arg7[%dma_start3A_744, %dma_start3A_745] : memref<200000x128xf32, #tpu.memory_space<hbm>> -> memref<200000x128xf32, #tpu.memory_space<hbm>>
      tpu.enqueue_indirect_dma source(%arg14 : memref<128x128xf32, #tpu.memory_space<vmem>>) target(%dma_start3A_746 : memref<200000x128xf32, #tpu.memory_space<hbm>>) offsets(%dma_start3A_743 : memref<128xi32, #tpu.memory_space<vmem>>) semaphore(%run_scoped3A_740 : memref<!tpu.dma_semaphore, #tpu.memory_space<semaphore_mem>>)
      %dma_wait3A_747 = arith.constant 0 : i32
      %dma_wait3A_748 = tpu.memref_slice %arg10[%run_scoped3A_716, %dma_wait3A_747] : memref<8x128xi32, #tpu.memory_space<vmem>> -> memref<1x128xi32, #tpu.memory_space<vmem>>
      %dma_wait3A_749 = tpu.memref_squeeze %dma_wait3A_748 : memref<1x128xi32, #tpu.memory_space<vmem>> -> memref<128xi32, #tpu.memory_space<vmem>>
      %dma_wait3A_750 = arith.constant 0 : i32
      %dma_wait3A_751 = arith.constant 0 : i32
      %dma_wait3A_752 = tpu.memref_slice %arg7[%dma_wait3A_750, %dma_wait3A_751] : memref<200000x128xf32, #tpu.memory_space<hbm>> -> memref<200000x128xf32, #tpu.memory_space<hbm>>
      tpu.wait_indirect_dma semaphore(%run_scoped3A_740 : memref<!tpu.dma_semaphore, #tpu.memory_space<semaphore_mem>>) src(%arg14 : memref<128x128xf32, #tpu.memory_space<vmem>>) dst(%dma_wait3A_752 : memref<200000x128xf32, #tpu.memory_space<hbm>>)
      tpu.yield
    }) : () -> ()
    %dma_wait3A_717 = arith.constant 6 : i32
    %dma_wait3A_718 = arith.constant 0 : i32
    %dma_wait3A_719 = tpu.memref_slice %arg11[%dma_wait3A_717, %dma_wait3A_718] : memref<8x128xi32, #tpu.memory_space<vmem>> -> memref<1x128xi32, #tpu.memory_space<vmem>>
    %dma_wait3A_720 = tpu.memref_squeeze %dma_wait3A_719 : memref<1x128xi32, #tpu.memory_space<vmem>> -> memref<128xi32, #tpu.memory_space<vmem>>
    %dma_wait3A_721 = arith.constant 0 : i32
    %dma_wait3A_722 = arith.constant 0 : i32
    %dma_wait3A_723 = tpu.memref_slice %arg3[%dma_wait3A_721, %dma_wait3A_722] : memref<16400x128xf32, #tpu.memory_space<hbm>> -> memref<16400x128xf32, #tpu.memory_space<hbm>>
    tpu.wait_indirect_dma semaphore(%arg17 : memref<!tpu.dma_semaphore, #tpu.memory_space<semaphore_mem>>) src(%dma_wait3A_723 : memref<16400x128xf32, #tpu.memory_space<hbm>>) dst(%arg13 : memref<128x128xf32, #tpu.memory_space<vmem>>)
    %dma_start3A_724 = arith.constant 7 : i32
    %dma_start3A_725 = arith.constant 0 : i32
    %dma_start3A_726 = tpu.memref_slice %arg11[%dma_start3A_724, %dma_start3A_725] : memref<8x128xi32, #tpu.memory_space<vmem>> -> memref<1x128xi32, #tpu.memory_space<vmem>>
    %dma_start3A_727 = tpu.memref_squeeze %dma_start3A_726 : memref<1x128xi32, #tpu.memory_space<vmem>> -> memref<128xi32, #tpu.memory_space<vmem>>
    %dma_start3A_728 = arith.constant 0 : i32
    %dma_start3A_729 = arith.constant 0 : i32
    %dma_start3A_730 = tpu.memref_slice %arg3[%dma_start3A_728, %dma_start3A_729] : memref<16400x128xf32, #tpu.memory_space<hbm>> -> memref<16400x128xf32, #tpu.memory_space<hbm>>
    tpu.enqueue_indirect_dma source(%dma_start3A_730 : memref<16400x128xf32, #tpu.memory_space<hbm>>) target(%arg14 : memref<128x128xf32, #tpu.memory_space<vmem>>) offsets(%dma_start3A_727 : memref<128xi32, #tpu.memory_space<vmem>>) semaphore(%arg18 : memref<!tpu.dma_semaphore, #tpu.memory_space<semaphore_mem>>)
    %run_scoped3A_731 = arith.constant 6 : i32
    "tpu.region"() ({
      %run_scoped3A_740 = tpu.sem_alloc : memref<!tpu.dma_semaphore, #tpu.memory_space<semaphore_mem>>
      %dma_start3A_741 = arith.constant 0 : i32
      %dma_start3A_742 = tpu.memref_slice %arg10[%run_scoped3A_731, %dma_start3A_741] : memref<8x128xi32, #tpu.memory_space<vmem>> -> memref<1x128xi32, #tpu.memory_space<vmem>>
      %dma_start3A_743 = tpu.memref_squeeze %dma_start3A_742 : memref<1x128xi32, #tpu.memory_space<vmem>> -> memref<128xi32, #tpu.memory_space<vmem>>
      %dma_start3A_744 = arith.constant 0 : i32
      %dma_start3A_745 = arith.constant 0 : i32
      %dma_start3A_746 = tpu.memref_slice %arg7[%dma_start3A_744, %dma_start3A_745] : memref<200000x128xf32, #tpu.memory_space<hbm>> -> memref<200000x128xf32, #tpu.memory_space<hbm>>
      tpu.enqueue_indirect_dma source(%arg13 : memref<128x128xf32, #tpu.memory_space<vmem>>) target(%dma_start3A_746 : memref<200000x128xf32, #tpu.memory_space<hbm>>) offsets(%dma_start3A_743 : memref<128xi32, #tpu.memory_space<vmem>>) semaphore(%run_scoped3A_740 : memref<!tpu.dma_semaphore, #tpu.memory_space<semaphore_mem>>)
      %dma_wait3A_747 = arith.constant 0 : i32
      %dma_wait3A_748 = tpu.memref_slice %arg10[%run_scoped3A_731, %dma_wait3A_747] : memref<8x128xi32, #tpu.memory_space<vmem>> -> memref<1x128xi32, #tpu.memory_space<vmem>>
      %dma_wait3A_749 = tpu.memref_squeeze %dma_wait3A_748 : memref<1x128xi32, #tpu.memory_space<vmem>> -> memref<128xi32, #tpu.memory_space<vmem>>
      %dma_wait3A_750 = arith.constant 0 : i32
      %dma_wait3A_751 = arith.constant 0 : i32
      %dma_wait3A_752 = tpu.memref_slice %arg7[%dma_wait3A_750, %dma_wait3A_751] : memref<200000x128xf32, #tpu.memory_space<hbm>> -> memref<200000x128xf32, #tpu.memory_space<hbm>>
      tpu.wait_indirect_dma semaphore(%run_scoped3A_740 : memref<!tpu.dma_semaphore, #tpu.memory_space<semaphore_mem>>) src(%arg13 : memref<128x128xf32, #tpu.memory_space<vmem>>) dst(%dma_wait3A_752 : memref<200000x128xf32, #tpu.memory_space<hbm>>)
      tpu.yield
    }) : () -> ()
    %dma_wait3A_732 = arith.constant 7 : i32
    %dma_wait3A_733 = arith.constant 0 : i32
    %dma_wait3A_734 = tpu.memref_slice %arg11[%dma_wait3A_732, %dma_wait3A_733] : memref<8x128xi32, #tpu.memory_space<vmem>> -> memref<1x128xi32, #tpu.memory_space<vmem>>
    %dma_wait3A_735 = tpu.memref_squeeze %dma_wait3A_734 : memref<1x128xi32, #tpu.memory_space<vmem>> -> memref<128xi32, #tpu.memory_space<vmem>>
    %dma_wait3A_736 = arith.constant 0 : i32
    %dma_wait3A_737 = arith.constant 0 : i32
    %dma_wait3A_738 = tpu.memref_slice %arg3[%dma_wait3A_736, %dma_wait3A_737] : memref<16400x128xf32, #tpu.memory_space<hbm>> -> memref<16400x128xf32, #tpu.memory_space<hbm>>
    tpu.wait_indirect_dma semaphore(%arg18 : memref<!tpu.dma_semaphore, #tpu.memory_space<semaphore_mem>>) src(%dma_wait3A_738 : memref<16400x128xf32, #tpu.memory_space<hbm>>) dst(%arg14 : memref<128x128xf32, #tpu.memory_space<vmem>>)
    %run_scoped3A_739 = arith.constant 7 : i32
    "tpu.region"() ({
      %run_scoped3A_740 = tpu.sem_alloc : memref<!tpu.dma_semaphore, #tpu.memory_space<semaphore_mem>>
      %dma_start3A_741 = arith.constant 0 : i32
      %dma_start3A_742 = tpu.memref_slice %arg10[%run_scoped3A_739, %dma_start3A_741] : memref<8x128xi32, #tpu.memory_space<vmem>> -> memref<1x128xi32, #tpu.memory_space<vmem>>
      %dma_start3A_743 = tpu.memref_squeeze %dma_start3A_742 : memref<1x128xi32, #tpu.memory_space<vmem>> -> memref<128xi32, #tpu.memory_space<vmem>>
      %dma_start3A_744 = arith.constant 0 : i32
      %dma_start3A_745 = arith.constant 0 : i32
      %dma_start3A_746 = tpu.memref_slice %arg7[%dma_start3A_744, %dma_start3A_745] : memref<200000x128xf32, #tpu.memory_space<hbm>> -> memref<200000x128xf32, #tpu.memory_space<hbm>>
      tpu.enqueue_indirect_dma source(%arg14 : memref<128x128xf32, #tpu.memory_space<vmem>>) target(%dma_start3A_746 : memref<200000x128xf32, #tpu.memory_space<hbm>>) offsets(%dma_start3A_743 : memref<128xi32, #tpu.memory_space<vmem>>) semaphore(%run_scoped3A_740 : memref<!tpu.dma_semaphore, #tpu.memory_space<semaphore_mem>>)
      %dma_wait3A_747 = arith.constant 0 : i32
      %dma_wait3A_748 = tpu.memref_slice %arg10[%run_scoped3A_739, %dma_wait3A_747] : memref<8x128xi32, #tpu.memory_space<vmem>> -> memref<1x128xi32, #tpu.memory_space<vmem>>
      %dma_wait3A_749 = tpu.memref_squeeze %dma_wait3A_748 : memref<1x128xi32, #tpu.memory_space<vmem>> -> memref<128xi32, #tpu.memory_space<vmem>>
      %dma_wait3A_750 = arith.constant 0 : i32
      %dma_wait3A_751 = arith.constant 0 : i32
      %dma_wait3A_752 = tpu.memref_slice %arg7[%dma_wait3A_750, %dma_wait3A_751] : memref<200000x128xf32, #tpu.memory_space<hbm>> -> memref<200000x128xf32, #tpu.memory_space<hbm>>
      tpu.wait_indirect_dma semaphore(%run_scoped3A_740 : memref<!tpu.dma_semaphore, #tpu.memory_space<semaphore_mem>>) src(%arg14 : memref<128x128xf32, #tpu.memory_space<vmem>>) dst(%dma_wait3A_752 : memref<200000x128xf32, #tpu.memory_space<hbm>>)
      tpu.yield
    }) : () -> ()
    return
  }
}

module attributes {stable_mosaic.version = 14 : i64} {
  func.func @_k3_body(%arg0: i32, %arg1: memref<1x1x2048xi32, #tpu.memory_space<vmem>>, %arg2: memref<2048x128xf32, #tpu.memory_space<vmem>>, %arg3: memref<100x128xf32, #tpu.memory_space<vmem>>, %arg4: memref<100x128xf32, #tpu.memory_space<vmem>>) attributes {dimension_semantics = [#tpu.dimension_semantics<arbitrary>], iteration_bounds = array<i64: 8>, scalar_prefetch = 0 : i64, scratch_operands = 0 : i64, tpu.core_type = #tpu.core_type<tc>, window_params = [{transform_indices = @transform_0, window_bounds = array<i64: 1, 1, 2048>}, {transform_indices = @transform_1, window_bounds = array<i64: 2048, 128>}, {pipeline_mode = #tpu.pipeline_mode<synchronous>, transform_indices = @transform_2, window_bounds = array<i64: 100, 128>}, {pipeline_mode = #tpu.pipeline_mode<synchronous>, transform_indices = @transform_3, window_bounds = array<i64: 100, 128>}]} {
    %get3A = arith.constant 0 : index
    %get3A_0 = arith.constant 0 : index
    %get3A_1 = arith.constant 0 : index
    %get3A_2 = vector.load %arg1[%get3A, %get3A_0, %get3A_1] : memref<1x1x2048xi32, #tpu.memory_space<vmem>>, vector<1x1x2048xi32>
    %get3A_3 = vector.shape_cast %get3A_2 : vector<1x1x2048xi32> to vector<2048xi32>
    %iota3A = tpu.iota {dimensions = array<i32: 0>} : vector<100x2048xi32>
    %broadcast_in_dim3A = vector.shape_cast %get3A_3 : vector<2048xi32> to vector<1x2048xi32>
    %eq3A = vector.broadcast %broadcast_in_dim3A : vector<1x2048xi32> to vector<100x2048xi32>
    %eq3A_4 = arith.cmpi eq, %iota3A, %eq3A : vector<100x2048xi32>
    %jit3A = arith.constant 1.000000e+00 : f32
    %jit3A_5 = arith.constant 0.000000e+00 : f32
    %broadcast_in_dim3A_6 = vector.broadcast %jit3A : f32 to vector<100x2048xf32>
    %broadcast_in_dim3A_7 = vector.broadcast %jit3A_5 : f32 to vector<100x2048xf32>
    %select_n3A = arith.select %eq3A_4, %broadcast_in_dim3A_6, %broadcast_in_dim3A_7 : vector<100x2048xi1>, vector<100x2048xf32>
    %get3A_8 = arith.constant 0 : index
    %get3A_9 = arith.constant 0 : index
    %get3A_10 = vector.load %arg2[%get3A_8, %get3A_9] : memref<2048x128xf32, #tpu.memory_space<vmem>>, vector<2048x128xf32>
    %dot_general3A = arith.constant dense<0.000000e+00> : vector<100x128xf32>
    %dot_general3A_11 = tpu.matmul %select_n3A, %get3A_10, %dot_general3A {dimension_numbers = #tpu.dot_dimension_numbers<[1], [0], [0], [1], [0, 0, 1, 1], [], []>, precision = #tpu.contract_precision<fp32>, transpose_lhs_hint = false} : vector<100x2048xf32>, vector<2048x128xf32>, vector<100x128xf32> -> vector<100x128xf32>
    %eq3A_12 = arith.constant 0 : i32
    %eq3A_13 = arith.cmpi eq, %arg0, %eq3A_12 : i32
    %convert_element_type3A = arith.extui %eq3A_13 : i1 to i32
    %cond3A = arith.constant 0 : i32
    %cond3A_14 = arith.cmpi ne, %convert_element_type3A, %cond3A : i32
    scf.if %cond3A_14 {
      %get3A_19 = arith.constant 0 : index
      %get3A_20 = arith.constant 0 : index
      %get3A_21 = vector.load %arg3[%get3A_19, %get3A_20] : memref<100x128xf32, #tpu.memory_space<vmem>>, vector<100x128xf32>
      %add3A = arith.addf %get3A_21, %dot_general3A_11 : vector<100x128xf32>
      %swap3A = arith.constant 0 : index
      %swap3A_22 = arith.constant 0 : index
      %swap3A_23 = vector.load %arg4[%swap3A, %swap3A_22] : memref<100x128xf32, #tpu.memory_space<vmem>>, vector<100x128xf32>
      tpu.vector_store %arg4[%swap3A, %swap3A_22], %add3A {strides = array<i32>} : memref<100x128xf32, #tpu.memory_space<vmem>>, vector<100x128xf32>,
    } else {
    }
    %gt3A = arith.constant 0 : i32
    %gt3A_15 = arith.cmpi sgt, %arg0, %gt3A : i32
    %convert_element_type3A_16 = arith.extui %gt3A_15 : i1 to i32
    %cond3A_17 = arith.constant 0 : i32
    %cond3A_18 = arith.cmpi ne, %convert_element_type3A_16, %cond3A_17 : i32
    scf.if %cond3A_18 {
      %get3A_19 = arith.constant 0 : index
      %get3A_20 = arith.constant 0 : index
      %get3A_21 = vector.load %arg4[%get3A_19, %get3A_20] : memref<100x128xf32, #tpu.memory_space<vmem>>, vector<100x128xf32>
      %add3A = arith.addf %get3A_21, %dot_general3A_11 : vector<100x128xf32>
      %swap3A = arith.constant 0 : index
      %swap3A_22 = arith.constant 0 : index
      %swap3A_23 = vector.load %arg4[%swap3A, %swap3A_22] : memref<100x128xf32, #tpu.memory_space<vmem>>, vector<100x128xf32>
      tpu.vector_store %arg4[%swap3A, %swap3A_22], %add3A {strides = array<i32>} : memref<100x128xf32, #tpu.memory_space<vmem>>, vector<100x128xf32>,
    } else {
    }
    return
  }
  func.func @transform_0(%arg0: i32) -> (i32, i32, i32) {
    %c0_i32 = arith.constant 0 : i32
    %c0_i32_0 = arith.constant 0 : i32
    %c0_i32_1 = arith.constant 0 : i32
    return %arg0, %c0_i32, %c0_i32_0 : i32, i32, i32
  }
  func.func @transform_1(%arg0: i32) -> (i32, i32) {
    %c0_i32 = arith.constant 0 : i32
    %c0_i32_0 = arith.constant 0 : i32
    return %arg0, %c0_i32 : i32, i32
  }
  func.func @transform_2(%arg0: i32) -> (i32, i32) {
    %c0_i32 = arith.constant 0 : i32
    %c0_i32_0 = arith.constant 0 : i32
    %c0_i32_1 = arith.constant 0 : i32
    return %c0_i32, %c0_i32_0 : i32, i32
  }
  func.func @transform_3(%arg0: i32) -> (i32, i32) {
    %c0_i32 = arith.constant 0 : i32
    %c0_i32_0 = arith.constant 0 : i32
    %c0_i32_1 = arith.constant 0 : i32
    return %c0_i32, %c0_i32_0 : i32, i32
  }
}

</mosaic_0001>

<sc_bundles>
// kernel: kernel.5.cloned.1.call-start
scs
__scs_entry_jumppad:
0x0: {  	(pc) =	sbr.rel $0x88, $3  }
0x1: {  	(tag) =	ssettag $0x0;
	lr =	simm.s32 $0x1  }
0x2: {  	[smem:$0x3F9C] =	sst lr;
	_ =	strace $0xD0000000  }
0x3: {  	_ = 	snop  }
0x4: {  	_ = 	snop  }
0x5: {  	_ = 	snop  }
0x6: {  	_ = 	snop  }
0x7: {  	_ = 	snop  }
__scs_overlays_trampoline_lowered:
0x8: {  	[smem:$0x3FAB] =	sst s0  }
0x9: {  	[smem:$0x3FAC] =	sst s1  }
0xa: {  	[smem:$0x3FAD] =	sst s2  }
0xb: {  	[smem:$0x3FAE] =	sst s3  }
0xc: {  	[smem:$0x3FAF] =	sst s4  }
0xd: {  	[smem:$0x3FB0] =	sst s5  }
0xe: {  	[smem:$0x3FB1] =	sst s6  }
0xf: {  	[smem:$0x3FB2] =	sst s7  }
0x10: {  	[smem:$0x3FB3] =	sst s8  }
0x11: {  	[smem:$0x3FB4] =	sst s9;
	s0 =	simm.s32 @!p0 $0x0  }
0x12: {  	s1 =	sld [smem:$0x3F9A];
	s0 =	simm.s32 @p0 $0x1  }
0x13: {  	[smem:$0x3FB5] =	sst s0;
	s0 =	simm.s32 @!p1 $0x0  }
0x14: {  	s2 =	sld [smem:$0x3F99];
	s0 =	simm.s32 @p1 $0x1  }
0x15: {  	[smem:$0x3FB6] =	sst s0;
	s0 =	simm.s32 @!p2 $0x0  }
0x16: {  	s3 =	sld [smem:$0x3FDB];
	s0 =	simm.s32 @p2 $0x1  }
0x17: {  	s4 =	simm.s32 $0x1BF5;
	[smem:$0x3FB8] =	sst s0  }
0x18: {  	s0 =	sld [smem:$0x3F9B];
	_ =	swait.ge [sflag:s4], $0x0  }
0x19: {  	s7 =	sld [smem:$0x3F9C]  }
0x1a: {  	s8 =	sadd.s32 $0xFFFFE003, lr  }
0x1b: {  	s9 =	sadd.s32 $0xFFFFFEF7, lr;
	s5 =	simm.s32 $0xFFFFFFFF;
	p2 =	slt.u32 s8, $0xFFFFF086  }
0x1c: {  	p1 =	slt.u32 s9, $0xF7A;
	s5 =	simm.s32 @!p2 $0x0  }
0x1d: {  	s5 =	simm.s32 @p1 $0x1;
	p0 =	seq.s32 s7, s2  }
0x1e: {  	s7 =	smul.u32 @!p0 $0xF7A, s2;
	p2 =	seq.s32 @!p0 s5, $0x0  }
0x1f: {  	s9 =	smul.u32 $0xF7A, s1;
	s8 =	simm.s32 @!p0 $0x1BF5;
	p2 =	por !p2, p0  }
0x20: {  	[sflag:s8] =	ssyncset.s32 @!p0 $0xFFFFF086;
	s6 =	sadd.s32 @!p0 s3, s7;
	s7 =	simm.s32 @!p0 $0x108  }
0x21: {  	s3 =	sadd.s32 s3, s9;
	s6 =	sadd.s32 @!p0 $0x88, s6;
	s7 =	simm.s32 @p2 $0x1082  }
0x22: {  	[simem:s7], [sflag:s8] =	dma.local @!p0 [hbm:s6], $0xF7A  }
0x23: {  	s9 =	sor.u32 $0xD0000000, s2;
	s6 =	simm.s32 $0x108;
	_ =	swait.ge @!p0 [sflag:s8], $0x0  }
0x24: {  	s3 =	sadd.s32 $0x88, s3;
	s6 =	simm.s32 @!p1 $0x1082;
	[sflag:s4] =	ssyncset.s32 $0xFFFFF086  }
0x25: {  	[simem:s6], [sflag:s4] =	dma.local [hbm:s3], $0xF7A  }
0x26: {  	[smem:$0x3F9C] =	sst s1;
	(tag) =	ssettag s2;
	_ =	strace s9  }
0x27: {  	s1 =	sld [smem:$0x3FAC]  }
0x28: {  	s2 =	sld [smem:$0x3FAD]  }
0x29: {  	s4 =	sld [smem:$0x3FAF]  }
0x2a: {  	p0 =	seq.s32 s5, $0x0;
	s5 =	sld [smem:$0x3FB0]  }
0x2b: {  	s6 =	sld [smem:$0x3FB1]  }
0x2c: {  	s7 =	sld [smem:$0x3FB2]  }
0x2d: {  	s3 =	simm.s32 $0x108;
	s8 =	sld [smem:$0x3FB3]  }
0x2e: {  	s3 =	simm.s32 @!p0 $0x1082;
	s9 =	sld [smem:$0x3FB4]  }
0x2f: {  	lr =	sadd.s32 s0, s3;
	s0 =	sld [smem:$0x3FAB]  }
0x30: {  	s3 =	sld [smem:$0x3FAE]  }
0x31: {  	[smem:$0x3FB7] =	sst s10  }
0x32: {  	s10 =	sld [smem:$0x3FB5];
	_ =	sdelay $0x3  }
0x33: {  	p0 =	seq.s32 s10, $0x1;
	s10 =	sld [smem:$0x3FB7];
	_ =	sdelay $0x3  }
0x34: {  	[smem:$0x3FB7] =	sst s10  }
0x35: {  	s10 =	sld [smem:$0x3FB6];
	_ =	sdelay $0x3  }
0x36: {  	p1 =	seq.s32 s10, $0x1;
	s10 =	sld [smem:$0x3FB7];
	_ =	sdelay $0x3  }
0x37: {  	[smem:$0x3FB7] =	sst s10  }
0x38: {  	s10 =	sld [smem:$0x3FB8]  }
0x39: {  	_ = 	snop;
	(pc) =	sbr.ind lr, $3  }
0x3a: {  	_ = 	snop  }
0x3b: {  	_ = 	snop  }
0x3c: {  	p2 =	seq.s32 s10, $0x1;
	s10 =	sld [smem:$0x3FB7]  }
0x3d: {  	_ =	shalt  }
0x3e: {  	_ =	shalt  }
0x3f: {  	_ =	shalt  }
0x40: {  	_ =	shalt  }
0x41: {  	_ =	shalt  }
0x42: {  	_ =	shalt  }
0x43: {  	_ =	shalt  }
0x44: {  	_ =	shalt  }
0x45: {  	_ =	shalt  }
0x46: {  	_ =	shalt  }
0x47: {  	_ =	shalt  }
0x48: {  	_ =	shalt  }
0x49: {  	_ =	shalt  }
0x4a: {  	_ =	shalt  }
0x4b: {  	_ =	shalt  }
0x4c: {  	_ =	shalt  }
0x4d: {  	_ =	shalt  }
0x4e: {  	_ =	shalt  }
0x4f: {  	_ =	shalt  }
0x50: {  	_ =	shalt  }
0x51: {  	_ =	shalt  }
0x52: {  	_ =	shalt  }
0x53: {  	_ =	shalt  }
0x54: {  	_ =	shalt  }
0x55: {  	_ =	shalt  }
0x56: {  	_ =	shalt  }
0x57: {  	_ =	shalt  }
0x58: {  	_ =	shalt  }
0x59: {  	_ =	shalt  }
0x5a: {  	_ =	shalt  }
0x5b: {  	_ =	shalt  }
0x5c: {  	_ =	shalt  }
0x5d: {  	_ =	shalt  }
0x5e: {  	_ =	shalt  }
0x5f: {  	_ =	shalt  }
0x60: {  	_ =	shalt  }
0x61: {  	_ =	shalt  }
0x62: {  	_ =	shalt  }
0x63: {  	_ =	shalt  }
0x64: {  	_ =	shalt  }
0x65: {  	_ =	shalt  }
0x66: {  	_ =	shalt  }
0x67: {  	_ =	shalt  }
0x68: {  	_ =	shalt  }
0x69: {  	_ =	shalt  }
0x6a: {  	_ =	shalt  }
0x6b: {  	_ =	shalt  }
0x6c: {  	_ =	shalt  }
0x6d: {  	_ =	shalt  }
0x6e: {  	_ =	shalt  }
0x6f: {  	_ =	shalt  }
0x70: {  	_ =	shalt  }
0x71: {  	_ =	shalt  }
0x72: {  	_ =	shalt  }
0x73: {  	_ =	shalt  }
0x74: {  	_ =	shalt  }
0x75: {  	_ =	shalt  }
0x76: {  	_ =	shalt  }
0x77: {  	_ =	shalt  }
0x78: {  	_ =	shalt  }
0x79: {  	_ =	shalt  }
0x7a: {  	_ =	shalt  }
0x7b: {  	_ =	shalt  }
0x7c: {  	_ =	shalt  }
0x7d: {  	_ =	shalt  }
0x7e: {  	_ =	shalt  }
0x7f: {  	_ =	shalt  }
0x80: {  	_ =	shalt  }
0x81: {  	_ =	shalt  }
0x82: {  	_ =	shalt  }
0x83: {  	_ =	shalt  }
0x84: {  	_ =	shalt  }
0x85: {  	_ =	shalt  }
0x86: {  	_ =	shalt  }
0x87: {  	_ =	shalt  }
.Lfunc_end0:
.L_simem_size_0:
called_computation_lowered:
.L_overlay_start_0:
0x88: {  	s2 =	sld [smem:$0x3FD9]  }
0x89: {  	s3 =	sld [smem:$0x3FFE];
	_ =	sdelay $0x1  }
0x8a: {  	s1 =	srdreg.scid  }
0x8b: {  	s0 =	sand.u32 $0x1, s1  }
0x8c: {  	s14 =	sshll.u32 s0, $0xA;
	s2 =	sadd.s32 s3, s2  }
0x8d: {  	s2 =	sadd.s32 s2, s14  }
0x8e: {  	[smem:$0x3FC3] =	sst s2  }
0x8f: {  	_ = 	snop  }
0x90: {  	s2 =	sld [smem:$0x3FD0]  }
0x91: {  	s15 =	sld [smem:$0x3FC9]  }
0x92: {  	s4 =	sld [smem:$0x3FC7]  }
0x93: {  	s6 =	simm.s32 $0xA;
	s7 =	simm.s32 $0x10;
	s5 =	sld [smem:$0x3FC6]  }
0x94: {  	[smem:s7], [sflag:s6] =	dma.local [hbm:s2], $0x1  }
0x95: {  	_ =	swait.eq [sflag:s6], $0x1  }
0x96: {  	[sflag:s6] =	ssyncset.done $0x0  }
0x97: {  	[sflag:s6] =	ssyncadd.s32 $0xFFFFFFFF  }
0x98: {  	s16 =	sld [smem:$0x10];
	(tm) =	ssettm $0x1  }
0x99: {  	s17 =	sld [smem:$0x3FFB];
	_ =	sdelay $0x3  }
0x9a: {  	_ =	strace s17  }
0x9b: {  	s6 =	sld [smem:$0x3FFC];
	_ =	sdelay $0x3  }
0x9c: {  	_ =	strace s6  }
0x9d: {  	s6 =	sld [smem:$0x3FFD];
	_ =	sdelay $0x3  }
0x9e: {  	_ =	strace s6  }
0x9f: {  	_ =	strace $0x8FFFFFFF  }
0xa0: {  	s18 =	sld [smem:$0x3FDB];
	_ =	sdelay $0x1  }
0xa1: {  	s19 =	simm.s32 $_scs_section_size  }
0xa2: {  	s8 =	simm.s32 $_size__tile_overlayer_lowered;
	s9 =	simm.s32 $_tile_overlayer_lowered  }
0xa3: {  	s22 =	simm.s32 $0x1BFF;
	s21 =	sshll.u32 s9, $0x1;
	s6 =	sadd.s32 s19, s18  }
0xa4: {  	s10 =	simm.s32 $0x0;
	s20 =	sshll.u32 s8, $0x1;
	s8 =	sadd.s32 s21, s6  }
0xa5: {  	[timem:s10], [sflag:s22] =	dma.local [hbm:s8], s20  }
0xa6: {  	_ =	swait.ge [sflag:s22], s20  }
0xa7: {  	s7 =	ssub.s32 $0x0, s20;
	[sflag:s22] =	ssyncset.done $0x0  }
0xa8: {  	[sflag:s22] =	ssyncadd.s32 s7;
	_ =	sdelay $0x1  }
0xa9: {  	s23 =	simm.s32 $0x1B8B  }
0xaa: {  	_ =	swait.ge [sflag:s23], $0x1  }
0xab: {  	[sflag:s23] =	ssyncset.done $0x0  }
0xac: {  	s25 =	simm.s32 $0x1B8E;
	s24 =	sld [smem:$0x3FFE];
	[sflag:s23] =	ssyncadd.s32 $0xFFFFFFFF  }
0xad: {  	s26 =	simm.s32 $execute0_lowered;
	[smem:$0x3FD2] =	sst s25  }
0xae: {  	s8 =	sshll.u32 s26, $0x1;
	_ =	strace $0x80000046;
	[dreg:$0x1] =	wrdreg $0xFFFFFFFF  }
0xaf: {  	s28 =	simm.s32 $_size_execute0_lowered;
	s6 =	sadd.s32 s6, s8;
	[dreg:$0x0] =	wrdreg $0x0  }
0xb0: {  	s8 =	sshll.u32 s28, $0x1;
	[dreg:$0x2] =	wrdreg s6  }
0xb1: {  	[dreg:$0x3] =	wrdreg s8  }
0xb2: {  	[dreg:$0x4] =	wrdreg $0xC0  }
0xb3: {  	_ =	task [dreg:s10], $0x5FFFF  }
0xb4: {  	[dreg:$0x1] =	wrdreg $0xFFFFFFFF  }
0xb5: {  	[dreg:$0x0] =	wrdreg $0x60  }
0xb6: {  	[dreg:$0x2] =	wrdreg s15  }
0xb7: {  	[dreg:$0x3] =	wrdreg s4  }
0xb8: {  	[dreg:$0x4] =	wrdreg s16  }
0xb9: {  	[dreg:$0x5] =	wrdreg s5  }
0xba: {  	[dreg:$0x6] =	wrdreg s24  }
0xbb: {  	[dreg:$0x7] =	wrdreg $0x186000  }
0xbc: {  	[dreg:$0x8] =	wrdreg $0x9  }
0xbd: {  	_ =	task.clear_ibuf [dreg:s10], $0x9FFFF;
	_ =	strace $0x90000046  }
0xbe: {  	s29 =	simm.s32 $0x9;
	_ =	strace $0x80000048  }
0xbf: {  	_ =	swait.ge [sflag:s29], $0x1  }
0xc0: {  	[sflag:s29] =	ssyncadd.s32 $0xFFFFFFFF  }
0xc1: {  	_ =	strace $0x90000048  }
0xc2: {  	_ =	sfence  }
0xc3: {  	s30 =	sld [smem:$0x0];
	_ =	sdelay $0x2  }
0xc4: {  	s31 =	sshll.u32 s1, $0xD;
	s1 =	sshrl.u32 s1, $0x2  }
0xc5: {  	s3 =	sand.u32 $0x4000, s31;
	s1 =	sadd.s32 s1, s30  }
0xc6: {  	s0 =	sor.u32 s3, s0;
	s1 =	sshll.u32 s1, $0x11  }
0xc7: {  	s0 =	sor.u32 s1, s0  }
0xc8: {  	s0 =	sadd.s32 $0x8F2B, s0  }
0xc9: {  	[sflag:s0] =	ssyncadd.remote.s32 $0x1  }
0xca: {  	_ =	sfence.sel $0xFFFF  }
0xcb: {  	[dreg:$0x0] =	wrdreg $0xFFFFFFFF;
	(pc) =	sbr.abs _section_cstart, $3  }
0xcc: {  	[dreg:$0x1] =	wrdreg $0xFFFFFFFF  }
0xcd: {  	_ =	task.clear_ibuf [dreg:s10], $0x2FFFF;
	_ =	strace $0x9FFFFFFF  }
0xce: {  	(tm) =	ssettm $0x7FFFFFFF  }
0xcf: {  	_ =	shalt  }
tec
execute0_lowered:
.L_overlay_start_1:
0x0: {  	(tag) =	ssettag $0x1  }
0x1: {  	s0 =	rddreg [dreg:$0x0]  }
0x2: {  	s11 =	rddreg [dreg:$0x1]  }
0x3: {  	s3 =	rddreg [dreg:$0x3]  }
0x4: {  	s1 =	rddreg [dreg:$0x4]  }
0x5: {  	s30 =	rddreg [dreg:$0x5];
	s2 =	srdreg.scid  }
0x6: {  	s5 =	stileid.u32;
	s6 =	simm.s32 $0x0;
	s20 =	simm.s32 $0x3  }
0x7: {  	s21 =	simm.s32 $0x80;
	s22 =	simm.s32 $0x200;
	s23 =	simm.s32 $0x4200  }
0x8: {  	s24 =	simm.s32 $0x1;
	s28 =	simm.s32 $0x2;
	s31 =	simm.s32 $0x18200  }
0x9: {  	s2 =	sand.u32 $0x1, s2;
	s7 =	sshll.u32 s5, $0x9;
	[smem:$0x7FF] =	sst s6  }
0xa: {  	p0 =	seq.s32 s5, $0x1;
	s4 =	sshll.u32 s2, $0xD;
	_ =	strace $0x80000047  }
0xb: {  	v0 =	vimm.s32 $0xFEDCBA98;
	s25 =	ssub.s32 $0x2, s2;
	s10 =	smul.u32 $0x186A00, s2;
	s2 =	sshll.u32 s2, $0x7  }
0xc: {  	v1 =	vimm.s32 $0x76543210;
	v2 =	vimm.s32 $0xBA98FEDC;
	v3 =	vimm.s32 $0x32107654;
	p1 =	sne.s32 @!p0 s5, $0x0;
	s4 =	sor.u32 s7, s4;
	s8 =	sshrl.u32 s25, $0x1  }
0xd: {  	v4 =	vimm.s32 $0xDCFE98BA;
	v5 =	vimm.s32 $0x54761032;
	v6 =	vimm.s32 $0xEFCDAB89;
	s2 =	sadd.s32 s2, s1;
	p1 =	por p1, p0;
	s9 =	sshrl.u32 s4, $0x3  }
0xe: {  	v7 =	vimm.s32 $0x67452301;
	v0 =	vunpack.c.l.s4.s8 v0;
	v1 =	vunpack.c.l.s4.s8 v1;
	s19 =	ssub.s32 s25, s8;
	s26 =	sadd.s32 s3, s10;
	s8 =	sadd.s32 $0x40000, s2  }
0xf: {  	v2 =	vunpack.c.l.s4.s8 v2;
	v3 =	vunpack.c.l.s4.s8 v3;
	v4 =	vunpack.c.l.s4.s8 v4;
	s29 =	sshll.u32 s4, $0x4;
	s25 =	simm.s32 $0x8200;
	s16 =	sadd.s32 s9, s1  }
0x10: {  	v5 =	vunpack.c.l.s4.s8 v5;
	v6 =	vunpack.c.l.s4.s8 v6;
	v7 =	vunpack.c.l.s4.s8 v7;
	[dreg:$0x7] =	wrdreg s26;
	s9 =	sadd.s32 s11, s9;
	s10 =	sadd.s32 s0, s29  }
0x11: {  	v0 =	vunpack.c.0.s8.s32 v0;
	v1 =	vunpack.c.0.s8.s32 v1;
	v2 =	vunpack.c.0.s8.s32 v2;
	s4 =	sor.u32 $0x800, s29;
	s17 =	sor.u32 $0x1000, s29;
	s18 =	sor.u32 $0x1800, s29  }
0x12: {  	v3 =	vunpack.c.0.s8.s32 v3;
	v4 =	vunpack.c.0.s8.s32 v4;
	v5 =	vunpack.c.0.s8.s32 v5;
	s12 =	sadd.s32 s1, s29;
	s19 =	smax.u32 s19, $0x1;
	s26 =	simm.s32 $0xC200  }
0x13: {  	v6 =	vunpack.c.0.s8.s32 v6;
	v7 =	vunpack.c.0.s8.s32 v7;
	v0 =	vand.u32 $0xF, v0;
	s11 =	sadd.s32 s0, s4;
	s13 =	sadd.s32 s0, s17;
	s14 =	sadd.s32 s1, s4  }
0x14: {  	s15 =	sadd.s32 s0, s18;
	s16 =	sadd.s32 $0x40200, s16;
	s17 =	sadd.s32 s1, s17;
	v0 =	vcombine.low v0, v1;
	v1 =	vcombine.low v3, v2  }
0x15: {  	s18 =	sadd.s32 s1, s18;
	v2 =	vcombine.low v5, v4;
	v3 =	vcombine.low v7, v6;
	s0 =	simm.s32 $0x18400;
	s4 =	simm.s32 $0x0  }
.LBB2_1:
0x16: {  	s1 =	simm.s32 @p0 $0x0  }
0x17: {  	s2 =	simm.s32 @p0 $0x200;
	s5 =	rddreg [dreg:$0x7];
	s29 =	simm.s32 @p0 $0x1  }
0x18: {  	[tilespmem:s2], [sflag:$0x1] =	stream.linear.gather @p0 [hbm4b:s5+s1], $0x400, $0x38;
	[tilespmem:$0x1B6D8] =	vst v63  }
0x19: {  	_ =	swait.ge @p0 [sflag:s29], $0x400  }
0x1a: {  	[sflag:s29] =	ssyncset.done @p0 $0x0  }
0x1b: {  	[sflag:s29] =	ssyncadd.s32 @p0 $0xFFFFFC00  }
0x1c: {  	[hbm4b:s8+s1] =	stream.linear.scatter @p0 [tilespmem:s2], [sflag:$0x3], $0x400, $0x38;
	[tilespmem:$0x1B6D8] =	vst v63  }
0x1d: {  	s1 =	simm.s32 @p0 $0x3  }
0x1e: {  	_ =	swait.ge @p0 [sflag:s1], $0x400  }
0x1f: {  	[sflag:s1] =	ssyncset.done @p0 $0x0  }
0x20: {  	[sflag:s1] =	ssyncadd.s32 @p0 $0xFFFFFC00  }
0x21: {  	s2 =	simm.s32 @!p1 $0x10200;
	s1 =	simm.s32 @!p1 $0x0;
	s29 =	rddreg [dreg:$0x1]  }
0x22: {  	[tilespmem:s2], [sflag:$0x3] =	stream.linear.gather @!p1 [hbm4b:s29+s1], $0x4000, $0x38;
	[tilespmem:$0x1B6D8] =	vst v63  }
0x23: {  	s29 =	simm.s32 @!p1 $0x3  }
0x24: {  	_ =	swait.ge @!p1 [sflag:s29], $0x4000  }
0x25: {  	[sflag:s29] =	ssyncset.done @!p1 $0x0  }
0x26: {  	[sflag:s29] =	ssyncadd.s32 @!p1 $0xFFFFC000  }
0x27: {  	s7 =	simm.s32 @!p1 $0x14200;
	s5 =	rddreg [dreg:$0x2]  }
0x28: {  	[tilespmem:s7], [sflag:$0x3] =	stream.linear.gather @!p1 [hbm4b:s5+s1], $0x4000, $0x38;
	[tilespmem:$0x1B6D8] =	vst v63  }
0x29: {  	_ =	swait.ge @!p1 [sflag:s29], $0x4000  }
0x2a: {  	[sflag:s29] =	ssyncset.done @!p1 $0x0  }
0x2b: {  	s1 =	simm.s32 @!p1 $0x4000;
	[sflag:s29] =	ssyncadd.s32 @!p1 $0xFFFFC000  }
0x2c: {  	[spmem:s30] =	stream.indirect.scatter @!p1 [tilespmem:s7], [sflag:$0x3], $0x1, s2, s1, $0xb8;
	[tilespmem:$0x1B6D8] =	vst v63  }
0x2d: {  	_ =	swait.ge @!p1 [sflag:s29], $0x4000  }
0x2e: {  	[sflag:s29] =	ssyncset.done @!p1 $0x0  }
0x2f: {  	[sflag:s29] =	ssyncadd.s32 @!p1 $0xFFFFC000  }
0x30: {  	[tilespmem:s6], [sflag:$0x3] =	stream.linear.gather [hbm4b:s9+s6], $0x200, $0x38;
	[tilespmem:$0x1B6D8] =	vst v63  }
0x31: {  	_ =	swait.ge [sflag:s20], $0x200  }
0x32: {  	[sflag:s20] =	ssyncset.done $0x0  }
0x33: {  	[sflag:s20] =	ssyncadd.s32 $0xFFFFFE00  }
0x34: {  	[tilespmem:s22], [sflag:$0x1] =	stream.indirect.gather [hbm4b:s3+s21], $0x80, s6, s21, $0xb8;
	[tilespmem:$0x1B6D8] =	vst v63  }
0x35: {  	_ = 	snop  }
0x36: {  	[tilespmem:s23], [sflag:$0x1] =	stream.linear.gather [hbm4b:s10+s6], $0x4000, $0x38;
	[tilespmem:$0x1B6D8] =	vst v63  }
0x37: {  	_ =	swait.ge [sflag:s24], $0x4000  }
0x38: {  	[sflag:s24] =	ssyncset.done $0x0  }
0x39: {  	[sflag:s24] =	ssyncadd.s32 $0xFFFFC000  }
0x3a: {  	_ =	swait.ge [sflag:s24], $0x4000  }
0x3b: {  	[sflag:s24] =	ssyncset.done $0x0  }
0x3c: {  	[sflag:s24] =	ssyncadd.s32 $0xFFFFC000  }
0x3d: {  	[tilespmem:s25], [sflag:$0x2] =	stream.indirect.gather [hbm4b:s3+s21], $0x80, s21, s21, $0xb8;
	[tilespmem:$0x1B6D8] =	vst v63  }
0x3e: {  	s2 =	simm.s32 $0x0  }
0x3f: {  	[tilespmem:s26], [sflag:$0x2] =	stream.linear.gather [hbm4b:s11+s6], $0x4000, $0x38;
	[tilespmem:$0x1B6D8] =	vst v63  }
0x40: {  	v4 =	vld [tilespmem:s2+$0x4230]  }
0x41: {  	v5 =	vld [tilespmem:s2+$0x4200]  }
0x42: {  	v6 =	vld [tilespmem:s2+$0x4210]  }
0x43: {  	v7 =	vld [tilespmem:s2+$0x210]  }
0x44: {  	v8 =	vld [tilespmem:s2+$0x200]  }
0x45: {  	v9 =	vld [tilespmem:s2+$0x4220]  }
0x46: {  	v10 =	vld [tilespmem:s2+$0x220]  }
0x47: {  	v11 =	vld [tilespmem:s2+$0x230]  }
0x48: {  	v12 =	vld [tilespmem:s2+$0x4240];
	v5 =	vmul.f32 $8.999999760e-01, v5;
	v6 =	vmul.f32 $8.999999760e-01, v6  }
0x49: {  	v13 =	vld [tilespmem:s2+$0x240];
	v8 =	vmul.f32 $1.000000010e-01, v8;
	v7 =	vmul.f32 $1.000000010e-01, v7  }
0x4a: {  	v14 =	vld [tilespmem:s2+$0x4250];
	v9 =	vmul.f32 $8.999999760e-01, v9  }
0x4b: {  	v5 =	vadd.f32 v5, v8;
	v6 =	vadd.f32 v6, v7;
	v7 =	vmul.f32 $1.000000010e-01, v10;
	v8 =	vld [tilespmem:s2+$0x250]  }
0x4c: {  	v4 =	vmul.f32 $8.999999760e-01, v4;
	v10 =	vmul.f32 $1.000000010e-01, v11;
	v11 =	vld [tilespmem:s2+$0x4260]  }
0x4d: {  	v15 =	vmul.f32 v5, v5;
	v16 =	vmul.f32 v6, v6;
	v7 =	vadd.f32 v9, v7;
	v9 =	vld [tilespmem:s2+$0x260]  }
0x4e: {  	v17 =	vld [tilespmem:s2+$0x4270];
	v13 =	vmul.f32 $1.000000010e-01, v13;
	v12 =	vmul.f32 $8.999999760e-01, v12  }
0x4f: {  	v10 =	vadd.f32 v4, v10;
	v4 =	vld [tilespmem:s2+$0x270];
	v15 =	vadd.f32 v16, v15;
	v60 =	vmul.f32 v7, v7  }
0x50: {  	v14 =	vmul.f32 $8.999999760e-01, v14;
	v12 =	vadd.f32 v12, v13  }
0x51: {  	v61 =	vmul.f32 v10, v10;
	v8 =	vmul.f32 $1.000000010e-01, v8;
	v15 =	vadd.f32 v60, v15  }
0x52: {  	v11 =	vmul.f32 $8.999999760e-01, v11;
	v9 =	vmul.f32 $1.000000010e-01, v9  }
0x53: {  	v8 =	vadd.f32 v14, v8;
	v13 =	vadd.f32 v61, v15;
	v15 =	vmul.f32 v12, v12  }
0x54: {  	v4 =	vmul.f32 $1.000000010e-01, v4;
	v14 =	vmul.f32 $8.999999760e-01, v17  }
0x55: {  	v62 =	vadd.f32 v11, v9;
	v13 =	vadd.f32 v15, v13;
	v15 =	vmul.f32 v8, v8;
	_ =	sdelay $0x1  }
0x56: {  	v11 =	vmul.f32 v62, v62;
	v9 =	vadd.f32 v15, v13;
	v13 =	vadd.f32 v14, v4;
	_ =	sdelay $0x1  }
0x57: {  	v4 =	vadd.f32 v11, v9;
	v9 =	vmul.f32 v13, v13;
	_ =	sdelay $0x1  }
0x58: {  	v4 =	vadd.f32 v9, v4;
	_ =	sdelay $0x1  }
0x59: {  	v9 =	vperm.xlane v4, v0;
	_ =	sdelay $0x1  }
0x5a: {  	v4 =	vadd.f32 v4, v9;
	_ =	sdelay $0x1  }
0x5b: {  	v9 =	vperm.xlane v4, v1;
	_ =	sdelay $0x1  }
0x5c: {  	v4 =	vadd.f32 v4, v9;
	_ =	sdelay $0x1  }
0x5d: {  	v9 =	vperm.xlane v4, v2;
	_ =	sdelay $0x1  }
0x5e: {  	v4 =	vadd.f32 v4, v9;
	_ =	sdelay $0x1  }
0x5f: {  	v9 =	vperm.xlane v4, v3;
	_ =	sdelay $0x1  }
0x60: {  	v4 =	vadd.f32 v4, v9;
	_ =	sdelay $0x1  }
0x61: {  	v9 =	vshra.s32 v4, $0x1;
	v4 =	vmul.f32 $5.000000000e-01, v4  }
0x62: {  	v9 =	vsub.s32 $0x5F3759DF, v9  }
0x63: {  	v11 =	vmul.f32 v9, v4;
	_ =	sdelay $0x1  }
0x64: {  	v11 =	vmul.f32 v9, v11;
	_ =	sdelay $0x1  }
0x65: {  	v11 =	vsub.f32 $1.500000000e+00, v11;
	_ =	sdelay $0x1  }
0x66: {  	v9 =	vmul.f32 v9, v11;
	_ =	sdelay $0x1  }
0x67: {  	v11 =	vmul.f32 v9, v4;
	_ =	sdelay $0x1  }
0x68: {  	v11 =	vmul.f32 v11, v9;
	_ =	sdelay $0x1  }
0x69: {  	v11 =	vsub.f32 $1.500000000e+00, v11;
	_ =	sdelay $0x1  }
0x6a: {  	v9 =	vmul.f32 v11, v9;
	_ =	sdelay $0x1  }
0x6b: {  	v4 =	vmul.f32 v9, v4;
	_ =	sdelay $0x1  }
0x6c: {  	v4 =	vmul.f32 v4, v9;
	_ =	sdelay $0x1  }
0x6d: {  	v4 =	vsub.f32 $1.500000000e+00, v4;
	_ =	sdelay $0x1  }
0x6e: {  	v14 =	vmul.f32 v4, v9;
	_ =	sdelay $0x1  }
0x6f: {  	s29 =	simm.s32 $0x80;
	v9 =	vmul.f32 v14, v5  }
0x70: {  	v4 =	vld [tilespmem:s29+$0x4230];
	v15 =	vmul.f32 v14, v6  }
0x71: {  	v5 =	vld [tilespmem:s29+$0x4200];
	v63 =	vmul.f32 v14, v7;
	v11 =	vmul.f32 v14, v10;
	[tilespmem:s2+$0x200] =	vst v9  }
0x72: {  	v12 =	vmul.f32 v14, v12;
	v10 =	vmul.f32 v14, v62;
	v6 =	vld [tilespmem:s29+$0x4210];
	[tilespmem:s2+$0x210] =	vst v15  }
0x73: {  	s1 =	simm.s32 $0x400;
	v9 =	vmul.f32 v14, v8;
	v8 =	vmul.f32 v14, v13;
	v7 =	vld [tilespmem:s29+$0x210];
	[tilespmem:s2+$0x220] =	vst v63  }
.LBB2_2:
0x74: {  	p2 =	sne.s32 s1, $0xFE00;
	v13 =	vld [tilespmem:s29+$0x200];
	[tilespmem:s2+$0x230] =	vst v11  }
0x75: {  	v11 =	vld [tilespmem:s29+$0x4220];
	[tilespmem:s2+$0x240] =	vst v12  }
0x76: {  	v12 =	vld [tilespmem:s29+$0x220];
	[tilespmem:s2+$0x250] =	vst v9  }
0x77: {  	v9 =	vld [tilespmem:s29+$0x230];
	[tilespmem:s2+$0x260] =	vst v10  }
0x78: {  	v5 =	vmul.f32 $8.999999760e-01, v5;
	v6 =	vmul.f32 $8.999999760e-01, v6;
	v10 =	vld [tilespmem:s29+$0x4240];
	[tilespmem:s2+$0x270] =	vst v8;
	s2 =	smov.u32 s29  }
0x79: {  	v7 =	vmul.f32 $1.000000010e-01, v7;
	v8 =	vmul.f32 $1.000000010e-01, v13;
	v13 =	vld [tilespmem:s2+$0x240]  }
0x7a: {  	v11 =	vmul.f32 $8.999999760e-01, v11;
	v14 =	vld [tilespmem:s2+$0x4250]  }
0x7b: {  	v6 =	vadd.f32 v6, v7;
	v5 =	vadd.f32 v5, v8;
	v7 =	vmul.f32 $1.000000010e-01, v12;
	v8 =	vld [tilespmem:s2+$0x250]  }
0x7c: {  	v4 =	vmul.f32 $8.999999760e-01, v4;
	v9 =	vmul.f32 $1.000000010e-01, v9;
	v12 =	vld [tilespmem:s2+$0x4260]  }
0x7d: {  	v16 =	vmul.f32 v6, v6;
	v15 =	vmul.f32 v5, v5;
	v7 =	vadd.f32 v11, v7;
	v11 =	vld [tilespmem:s2+$0x260]  }
0x7e: {  	v10 =	vmul.f32 $8.999999760e-01, v10;
	v13 =	vmul.f32 $1.000000010e-01, v13;
	v17 =	vld [tilespmem:s2+$0x4270]  }
0x7f: {  	v9 =	vadd.f32 v4, v9;
	v15 =	vadd.f32 v16, v15;
	v16 =	vmul.f32 v7, v7;
	v4 =	vld [tilespmem:s2+$0x270]  }
0x80: {  	v14 =	vmul.f32 $8.999999760e-01, v14;
	v8 =	vmul.f32 $1.000000010e-01, v8  }
0x81: {  	v10 =	vadd.f32 v10, v13;
	v15 =	vadd.f32 v16, v15;
	v16 =	vmul.f32 v9, v9  }
0x82: {  	v12 =	vmul.f32 $8.999999760e-01, v12;
	v11 =	vmul.f32 $1.000000010e-01, v11  }
0x83: {  	v8 =	vadd.f32 v14, v8;
	v13 =	vadd.f32 v16, v15;
	v15 =	vmul.f32 v10, v10  }
0x84: {  	v14 =	vmul.f32 $8.999999760e-01, v17;
	v4 =	vmul.f32 $1.000000010e-01, v4  }
0x85: {  	v16 =	vadd.f32 v12, v11;
	v13 =	vadd.f32 v15, v13;
	v15 =	vmul.f32 v8, v8;
	_ =	sdelay $0x1  }
0x86: {  	v12 =	vmul.f32 v16, v16;
	v11 =	vadd.f32 v15, v13;
	v13 =	vadd.f32 v14, v4;
	_ =	sdelay $0x1  }
0x87: {  	v4 =	vadd.f32 v12, v11;
	v11 =	vmul.f32 v13, v13;
	_ =	sdelay $0x1  }
0x88: {  	v4 =	vadd.f32 v11, v4;
	_ =	sdelay $0x1  }
0x89: {  	v11 =	vperm.xlane v4, v0;
	_ =	sdelay $0x1  }
0x8a: {  	v4 =	vadd.f32 v4, v11;
	_ =	sdelay $0x1  }
0x8b: {  	v11 =	vperm.xlane v4, v1;
	_ =	sdelay $0x1  }
0x8c: {  	v4 =	vadd.f32 v4, v11;
	_ =	sdelay $0x1  }
0x8d: {  	v11 =	vperm.xlane v4, v2;
	_ =	sdelay $0x1  }
0x8e: {  	v4 =	vadd.f32 v4, v11;
	_ =	sdelay $0x1  }
0x8f: {  	v11 =	vperm.xlane v4, v3;
	_ =	sdelay $0x1  }
0x90: {  	v4 =	vadd.f32 v4, v11;
	_ =	sdelay $0x1  }
0x91: {  	v11 =	vshra.s32 v4, $0x1;
	v4 =	vmul.f32 $5.000000000e-01, v4  }
0x92: {  	v11 =	vsub.s32 $0x5F3759DF, v11  }
0x93: {  	v12 =	vmul.f32 v11, v4;
	_ =	sdelay $0x1  }
0x94: {  	v12 =	vmul.f32 v11, v12;
	_ =	sdelay $0x1  }
0x95: {  	v12 =	vsub.f32 $1.500000000e+00, v12;
	_ =	sdelay $0x1  }
0x96: {  	v11 =	vmul.f32 v11, v12;
	_ =	sdelay $0x1  }
0x97: {  	v12 =	vmul.f32 v11, v4;
	_ =	sdelay $0x1  }
0x98: {  	v12 =	vmul.f32 v12, v11;
	_ =	sdelay $0x1  }
0x99: {  	v12 =	vsub.f32 $1.500000000e+00, v12;
	_ =	sdelay $0x1  }
0x9a: {  	v11 =	vmul.f32 v12, v11;
	_ =	sdelay $0x1  }
0x9b: {  	v4 =	vmul.f32 v11, v4;
	_ =	sdelay $0x1  }
0x9c: {  	v4 =	vmul.f32 v4, v11;
	_ =	sdelay $0x1  }
0x9d: {  	v4 =	vsub.f32 $1.500000000e+00, v4;
	_ =	sdelay $0x1  }
0x9e: {  	v14 =	vmul.f32 v4, v11;
	_ =	sdelay $0x1  }
.Ltmp0:
0x9f: {  	s29 =	sshra.s32 s1, $0x2;
	v12 =	vmul.f32 v14, v5;
	v15 =	vmul.f32 v14, v6;
	(pc) =	sbr.rel @p2 .LBB2_2-.Ltmp0, $4  }
0xa0: {  	v17 =	vmul.f32 v14, v7;
	v11 =	vmul.f32 v14, v9;
	v4 =	vld [tilespmem:s29+$0x4230]  }
0xa1: {  	v9 =	vmul.f32 v14, v8;
	v5 =	vld [tilespmem:s29+$0x4200];
	[tilespmem:s2+$0x200] =	vst v12;
	v12 =	vmul.f32 v14, v10  }
0xa2: {  	v8 =	vmul.f32 v14, v13;
	v10 =	vmul.f32 v14, v16;
	v6 =	vld [tilespmem:s29+$0x4210];
	[tilespmem:s2+$0x210] =	vst v15  }
0xa3: {  	s1 =	sadd.s32 $0x200, s1;
	v7 =	vld [tilespmem:s29+$0x210];
	[tilespmem:s2+$0x220] =	vst v17  }
0xa4: {  	v13 =	vld [tilespmem:s29+$0x200];
	[tilespmem:s2+$0x230] =	vst v11  }
0xa5: {  	v11 =	vld [tilespmem:s29+$0x4220];
	[tilespmem:s2+$0x240] =	vst v12  }
0xa6: {  	v12 =	vld [tilespmem:s29+$0x220];
	[tilespmem:s2+$0x250] =	vst v9  }
0xa7: {  	v9 =	vld [tilespmem:s29+$0x230];
	[tilespmem:s2+$0x260] =	vst v10  }
0xa8: {  	v5 =	vmul.f32 $8.999999760e-01, v5;
	v6 =	vmul.f32 $8.999999760e-01, v6;
	v10 =	vld [tilespmem:s29+$0x4240];
	[tilespmem:s2+$0x270] =	vst v8  }
0xa9: {  	v7 =	vmul.f32 $1.000000010e-01, v7;
	v8 =	vmul.f32 $1.000000010e-01, v13;
	v13 =	vld [tilespmem:s29+$0x240]  }
0xaa: {  	v14 =	vld [tilespmem:s29+$0x4250];
	v11 =	vmul.f32 $8.999999760e-01, v11  }
0xab: {  	v6 =	vadd.f32 v6, v7;
	v5 =	vadd.f32 v5, v8;
	v7 =	vmul.f32 $1.000000010e-01, v12;
	v8 =	vld [tilespmem:s29+$0x250]  }
0xac: {  	v4 =	vmul.f32 $8.999999760e-01, v4;
	v12 =	vld [tilespmem:s29+$0x4260];
	v9 =	vmul.f32 $1.000000010e-01, v9  }
0xad: {  	v16 =	vmul.f32 v6, v6;
	v15 =	vmul.f32 v5, v5;
	v7 =	vadd.f32 v11, v7;
	v11 =	vld [tilespmem:s29+$0x260]  }
0xae: {  	v17 =	vld [tilespmem:s29+$0x4270];
	v10 =	vmul.f32 $8.999999760e-01, v10;
	v13 =	vmul.f32 $1.000000010e-01, v13  }
0xaf: {  	v4 =	vadd.f32 v4, v9;
	v9 =	vld [tilespmem:s29+$0x270];
	v15 =	vadd.f32 v16, v15;
	v56 =	vmul.f32 v7, v7  }
0xb0: {  	v14 =	vmul.f32 $8.999999760e-01, v14;
	v8 =	vmul.f32 $1.000000010e-01, v8  }
0xb1: {  	v57 =	vmul.f32 v4, v4;
	v10 =	vadd.f32 v10, v13;
	v15 =	vadd.f32 v56, v15  }
0xb2: {  	v12 =	vmul.f32 $8.999999760e-01, v12;
	v11 =	vmul.f32 $1.000000010e-01, v11  }
0xb3: {  	v8 =	vadd.f32 v14, v8;
	v13 =	vadd.f32 v57, v15;
	v15 =	vmul.f32 v10, v10  }
0xb4: {  	v14 =	vmul.f32 $8.999999760e-01, v17;
	v9 =	vmul.f32 $1.000000010e-01, v9  }
0xb5: {  	v11 =	vadd.f32 v12, v11;
	v13 =	vadd.f32 v15, v13;
	v15 =	vmul.f32 v8, v8;
	_ =	sdelay $0x1  }
0xb6: {  	v9 =	vadd.f32 v14, v9;
	v12 =	vadd.f32 v15, v13;
	v13 =	vmul.f32 v11, v11;
	_ =	sdelay $0x1  }
0xb7: {  	v12 =	vadd.f32 v13, v12;
	v13 =	vmul.f32 v9, v9;
	_ =	sdelay $0x1  }
0xb8: {  	v12 =	vadd.f32 v13, v12;
	_ =	sdelay $0x1  }
0xb9: {  	v13 =	vperm.xlane v12, v0;
	_ =	sdelay $0x1  }
0xba: {  	v12 =	vadd.f32 v12, v13;
	_ =	sdelay $0x1  }
0xbb: {  	v13 =	vperm.xlane v12, v1;
	_ =	sdelay $0x1  }
0xbc: {  	v12 =	vadd.f32 v12, v13;
	_ =	sdelay $0x1  }
0xbd: {  	v13 =	vperm.xlane v12, v2;
	_ =	sdelay $0x1  }
0xbe: {  	v12 =	vadd.f32 v12, v13;
	_ =	sdelay $0x1  }
0xbf: {  	v13 =	vperm.xlane v12, v3;
	_ =	sdelay $0x1  }
0xc0: {  	v12 =	vadd.f32 v12, v13;
	_ =	sdelay $0x1  }
0xc1: {  	v13 =	vshra.s32 v12, $0x1;
	v12 =	vmul.f32 $5.000000000e-01, v12  }
0xc2: {  	v13 =	vsub.s32 $0x5F3759DF, v13  }
0xc3: {  	v14 =	vmul.f32 v13, v12;
	_ =	sdelay $0x1  }
0xc4: {  	v14 =	vmul.f32 v13, v14;
	_ =	sdelay $0x1  }
0xc5: {  	v14 =	vsub.f32 $1.500000000e+00, v14;
	_ =	sdelay $0x1  }
0xc6: {  	v13 =	vmul.f32 v13, v14;
	_ =	sdelay $0x1  }
0xc7: {  	v14 =	vmul.f32 v13, v12;
	_ =	sdelay $0x1  }
0xc8: {  	v14 =	vmul.f32 v14, v13;
	_ =	sdelay $0x1  }
0xc9: {  	v14 =	vsub.f32 $1.500000000e+00, v14;
	_ =	sdelay $0x1  }
0xca: {  	v13 =	vmul.f32 v14, v13;
	_ =	sdelay $0x1  }
0xcb: {  	v12 =	vmul.f32 v13, v12;
	_ =	sdelay $0x1  }
0xcc: {  	v12 =	vmul.f32 v12, v13;
	_ =	sdelay $0x1  }
0xcd: {  	v12 =	vsub.f32 $1.500000000e+00, v12;
	_ =	sdelay $0x1  }
0xce: {  	v12 =	vmul.f32 v12, v13;
	_ =	sdelay $0x1  }
0xcf: {  	v5 =	vmul.f32 v12, v5  }
0xd0: {  	v6 =	vmul.f32 v12, v6  }
0xd1: {  	v7 =	vmul.f32 v12, v7;
	[tilespmem:s29+$0x200] =	vst v5  }
0xd2: {  	v4 =	vmul.f32 v12, v4;
	[tilespmem:s29+$0x210] =	vst v6  }
0xd3: {  	v5 =	vmul.f32 v12, v10;
	[tilespmem:s29+$0x220] =	vst v7  }
0xd4: {  	v6 =	vmul.f32 v12, v8;
	[tilespmem:s29+$0x230] =	vst v4  }
0xd5: {  	v4 =	vmul.f32 v12, v11;
	[tilespmem:s29+$0x240] =	vst v5  }
0xd6: {  	v5 =	vmul.f32 v12, v9;
	[tilespmem:s29+$0x250] =	vst v6  }
0xd7: {  	[tilespmem:s29+$0x260] =	vst v4  }
0xd8: {  	s1 =	simm.s32 $0x0;
	[tilespmem:s29+$0x270] =	vst v5  }
0xd9: {  	[hbm4b:s12+s1] =	stream.linear.scatter [tilespmem:s22], [sflag:$0x3], $0x4000, $0x38;
	[tilespmem:$0x1B6D8] =	vst v63  }
0xda: {  	_ =	swait.ge [sflag:s20], $0x4000  }
0xdb: {  	[sflag:s20] =	ssyncset.done $0x0  }
0xdc: {  	[sflag:s20] =	ssyncadd.s32 $0xFFFFC000  }
0xdd: {  	_ =	swait.ge [sflag:s28], $0x4000  }
0xde: {  	[sflag:s28] =	ssyncset.done $0x0  }
0xdf: {  	[sflag:s28] =	ssyncadd.s32 $0xFFFFC000  }
0xe0: {  	_ =	swait.ge [sflag:s28], $0x4000  }
0xe1: {  	[sflag:s28] =	ssyncset.done $0x0  }
0xe2: {  	s7 =	simm.s32 $0x100;
	[sflag:s28] =	ssyncadd.s32 $0xFFFFC000  }
0xe3: {  	[tilespmem:s22], [sflag:$0x1] =	stream.indirect.gather [hbm4b:s3+s21], $0x80, s7, s21, $0xb8;
	[tilespmem:$0x1B6D8] =	vst v63  }
0xe4: {  	s2 =	simm.s32 $0x0  }
0xe5: {  	[tilespmem:s23], [sflag:$0x1] =	stream.linear.gather [hbm4b:s13+s1], $0x4000, $0x38;
	[tilespmem:$0x1B6D8] =	vst v63  }
0xe6: {  	v4 =	vld [tilespmem:s2+$0xC230]  }
0xe7: {  	v5 =	vld [tilespmem:s2+$0xC200]  }
0xe8: {  	v6 =	vld [tilespmem:s2+$0xC210]  }
0xe9: {  	v7 =	vld [tilespmem:s2+$0x8210]  }
0xea: {  	v8 =	vld [tilespmem:s2+$0x8200]  }
0xeb: {  	v9 =	vld [tilespmem:s2+$0xC220]  }
0xec: {  	v10 =	vld [tilespmem:s2+$0x8220]  }
0xed: {  	v11 =	vld [tilespmem:s2+$0x8230]  }
0xee: {  	v12 =	vld [tilespmem:s2+$0xC240];
	v5 =	vmul.f32 $8.999999760e-01, v5;
	v6 =	vmul.f32 $8.999999760e-01, v6  }
0xef: {  	v13 =	vld [tilespmem:s2+$0x8240];
	v8 =	vmul.f32 $1.000000010e-01, v8;
	v7 =	vmul.f32 $1.000000010e-01, v7  }
0xf0: {  	v14 =	vld [tilespmem:s2+$0xC250];
	v9 =	vmul.f32 $8.999999760e-01, v9  }
0xf1: {  	v5 =	vadd.f32 v5, v8;
	v6 =	vadd.f32 v6, v7;
	v7 =	vmul.f32 $1.000000010e-01, v10;
	v8 =	vld [tilespmem:s2+$0x8250]  }
0xf2: {  	v4 =	vmul.f32 $8.999999760e-01, v4;
	v10 =	vmul.f32 $1.000000010e-01, v11;
	v11 =	vld [tilespmem:s2+$0xC260]  }
0xf3: {  	v15 =	vmul.f32 v5, v5;
	v58 =	vmul.f32 v6, v6;
	v7 =	vadd.f32 v9, v7;
	v9 =	vld [tilespmem:s2+$0x8260]  }
0xf4: {  	v59 =	vld [tilespmem:s2+$0xC270];
	v13 =	vmul.f32 $1.000000010e-01, v13;
	v12 =	vmul.f32 $8.999999760e-01, v12  }
0xf5: {  	v10 =	vadd.f32 v4, v10;
	v4 =	vld [tilespmem:s2+$0x8270];
	v15 =	vadd.f32 v58, v15;
	v60 =	vmul.f32 v7, v7  }
0xf6: {  	v14 =	vmul.f32 $8.999999760e-01, v14;
	v12 =	vadd.f32 v12, v13  }
0xf7: {  	v61 =	vmul.f32 v10, v10;
	v8 =	vmul.f32 $1.000000010e-01, v8;
	v15 =	vadd.f32 v60, v15  }
0xf8: {  	v11 =	vmul.f32 $8.999999760e-01, v11;
	v9 =	vmul.f32 $1.000000010e-01, v9  }
0xf9: {  	v8 =	vadd.f32 v14, v8;
	v13 =	vadd.f32 v61, v15;
	v15 =	vmul.f32 v12, v12  }
0xfa: {  	v4 =	vmul.f32 $1.000000010e-01, v4;
	v14 =	vmul.f32 $8.999999760e-01, v59  }
0xfb: {  	v62 =	vadd.f32 v11, v9;
	v13 =	vadd.f32 v15, v13;
	v15 =	vmul.f32 v8, v8;
	_ =	sdelay $0x1  }
0xfc: {  	v11 =	vmul.f32 v62, v62;
	v9 =	vadd.f32 v15, v13;
	v13 =	vadd.f32 v14, v4;
	_ =	sdelay $0x1  }
0xfd: {  	v4 =	vadd.f32 v11, v9;
	v9 =	vmul.f32 v13, v13;
	_ =	sdelay $0x1  }
0xfe: {  	v4 =	vadd.f32 v9, v4;
	_ =	sdelay $0x1  }
0xff: {  	v9 =	vperm.xlane v4, v0;
	_ =	sdelay $0x1  }
0x100: {  	v4 =	vadd.f32 v4, v9;
	_ =	sdelay $0x1  }
0x101: {  	v9 =	vperm.xlane v4, v1;
	_ =	sdelay $0x1  }
0x102: {  	v4 =	vadd.f32 v4, v9;
	_ =	sdelay $0x1  }
0x103: {  	v9 =	vperm.xlane v4, v2;
	_ =	sdelay $0x1  }
0x104: {  	v4 =	vadd.f32 v4, v9;
	_ =	sdelay $0x1  }
0x105: {  	v9 =	vperm.xlane v4, v3;
	_ =	sdelay $0x1  }
0x106: {  	v4 =	vadd.f32 v4, v9;
	_ =	sdelay $0x1  }
0x107: {  	v9 =	vshra.s32 v4, $0x1;
	v4 =	vmul.f32 $5.000000000e-01, v4  }
0x108: {  	v9 =	vsub.s32 $0x5F3759DF, v9  }
0x109: {  	v11 =	vmul.f32 v9, v4;
	_ =	sdelay $0x1  }
0x10a: {  	v11 =	vmul.f32 v9, v11;
	_ =	sdelay $0x1  }
0x10b: {  	v11 =	vsub.f32 $1.500000000e+00, v11;
	_ =	sdelay $0x1  }
0x10c: {  	v9 =	vmul.f32 v9, v11;
	_ =	sdelay $0x1  }
0x10d: {  	v11 =	vmul.f32 v9, v4;
	_ =	sdelay $0x1  }
0x10e: {  	v11 =	vmul.f32 v11, v9;
	_ =	sdelay $0x1  }
0x10f: {  	v11 =	vsub.f32 $1.500000000e+00, v11;
	_ =	sdelay $0x1  }
0x110: {  	v9 =	vmul.f32 v11, v9;
	_ =	sdelay $0x1  }
0x111: {  	v4 =	vmul.f32 v9, v4;
	_ =	sdelay $0x1  }
0x112: {  	v4 =	vmul.f32 v4, v9;
	_ =	sdelay $0x1  }
0x113: {  	v4 =	vsub.f32 $1.500000000e+00, v4;
	_ =	sdelay $0x1  }
0x114: {  	v14 =	vmul.f32 v4, v9;
	_ =	sdelay $0x1  }
0x115: {  	s29 =	simm.s32 $0x80;
	v9 =	vmul.f32 v14, v5  }
0x116: {  	v4 =	vld [tilespmem:s29+$0xC230];
	v15 =	vmul.f32 v14, v6  }
0x117: {  	v5 =	vld [tilespmem:s29+$0xC200];
	v63 =	vmul.f32 v14, v7;
	v11 =	vmul.f32 v14, v10;
	[tilespmem:s2+$0x8200] =	vst v9  }
0x118: {  	v12 =	vmul.f32 v14, v12;
	v10 =	vmul.f32 v14, v62;
	v6 =	vld [tilespmem:s29+$0xC210];
	[tilespmem:s2+$0x8210] =	vst v15  }
0x119: {  	s1 =	simm.s32 $0x400;
	v9 =	vmul.f32 v14, v8;
	v8 =	vmul.f32 v14, v13;
	v7 =	vld [tilespmem:s29+$0x8210];
	[tilespmem:s2+$0x8220] =	vst v63  }
.LBB2_4:
0x11a: {  	p2 =	sne.s32 s1, $0xFE00;
	v13 =	vld [tilespmem:s29+$0x8200];
	[tilespmem:s2+$0x8230] =	vst v11  }
0x11b: {  	v11 =	vld [tilespmem:s29+$0xC220];
	[tilespmem:s2+$0x8240] =	vst v12  }
0x11c: {  	v12 =	vld [tilespmem:s29+$0x8220];
	[tilespmem:s2+$0x8250] =	vst v9  }
0x11d: {  	v9 =	vld [tilespmem:s29+$0x8230];
	[tilespmem:s2+$0x8260] =	vst v10  }
0x11e: {  	v5 =	vmul.f32 $8.999999760e-01, v5;
	v6 =	vmul.f32 $8.999999760e-01, v6;
	v10 =	vld [tilespmem:s29+$0xC240];
	[tilespmem:s2+$0x8270] =	vst v8;
	s2 =	smov.u32 s29  }
0x11f: {  	v7 =	vmul.f32 $1.000000010e-01, v7;
	v8 =	vmul.f32 $1.000000010e-01, v13;
	v13 =	vld [tilespmem:s2+$0x8240]  }
0x120: {  	v11 =	vmul.f32 $8.999999760e-01, v11;
	v14 =	vld [tilespmem:s2+$0xC250]  }
0x121: {  	v6 =	vadd.f32 v6, v7;
	v5 =	vadd.f32 v5, v8;
	v7 =	vmul.f32 $1.000000010e-01, v12;
	v8 =	vld [tilespmem:s2+$0x8250]  }
0x122: {  	v4 =	vmul.f32 $8.999999760e-01, v4;
	v9 =	vmul.f32 $1.000000010e-01, v9;
	v12 =	vld [tilespmem:s2+$0xC260]  }
0x123: {  	v16 =	vmul.f32 v6, v6;
	v15 =	vmul.f32 v5, v5;
	v7 =	vadd.f32 v11, v7;
	v11 =	vld [tilespmem:s2+$0x8260]  }
0x124: {  	v10 =	vmul.f32 $8.999999760e-01, v10;
	v13 =	vmul.f32 $1.000000010e-01, v13;
	v17 =	vld [tilespmem:s2+$0xC270]  }
0x125: {  	v9 =	vadd.f32 v4, v9;
	v15 =	vadd.f32 v16, v15;
	v16 =	vmul.f32 v7, v7;
	v4 =	vld [tilespmem:s2+$0x8270]  }
0x126: {  	v14 =	vmul.f32 $8.999999760e-01, v14;
	v8 =	vmul.f32 $1.000000010e-01, v8  }
0x127: {  	v10 =	vadd.f32 v10, v13;
	v15 =	vadd.f32 v16, v15;
	v16 =	vmul.f32 v9, v9  }
0x128: {  	v12 =	vmul.f32 $8.999999760e-01, v12;
	v11 =	vmul.f32 $1.000000010e-01, v11  }
0x129: {  	v8 =	vadd.f32 v14, v8;
	v13 =	vadd.f32 v16, v15;
	v15 =	vmul.f32 v10, v10  }
0x12a: {  	v14 =	vmul.f32 $8.999999760e-01, v17;
	v4 =	vmul.f32 $1.000000010e-01, v4  }
0x12b: {  	v16 =	vadd.f32 v12, v11;
	v13 =	vadd.f32 v15, v13;
	v15 =	vmul.f32 v8, v8;
	_ =	sdelay $0x1  }
0x12c: {  	v12 =	vmul.f32 v16, v16;
	v11 =	vadd.f32 v15, v13;
	v13 =	vadd.f32 v14, v4;
	_ =	sdelay $0x1  }
0x12d: {  	v4 =	vadd.f32 v12, v11;
	v11 =	vmul.f32 v13, v13;
	_ =	sdelay $0x1  }
0x12e: {  	v4 =	vadd.f32 v11, v4;
	_ =	sdelay $0x1  }
0x12f: {  	v11 =	vperm.xlane v4, v0;
	_ =	sdelay $0x1  }
0x130: {  	v4 =	vadd.f32 v4, v11;
	_ =	sdelay $0x1  }
0x131: {  	v11 =	vperm.xlane v4, v1;
	_ =	sdelay $0x1  }
0x132: {  	v4 =	vadd.f32 v4, v11;
	_ =	sdelay $0x1  }
0x133: {  	v11 =	vperm.xlane v4, v2;
	_ =	sdelay $0x1  }
0x134: {  	v4 =	vadd.f32 v4, v11;
	_ =	sdelay $0x1  }
0x135: {  	v11 =	vperm.xlane v4, v3;
	_ =	sdelay $0x1  }
0x136: {  	v4 =	vadd.f32 v4, v11;
	_ =	sdelay $0x1  }
0x137: {  	v11 =	vshra.s32 v4, $0x1;
	v4 =	vmul.f32 $5.000000000e-01, v4  }
0x138: {  	v11 =	vsub.s32 $0x5F3759DF, v11  }
0x139: {  	v12 =	vmul.f32 v11, v4;
	_ =	sdelay $0x1  }
0x13a: {  	v12 =	vmul.f32 v11, v12;
	_ =	sdelay $0x1  }
0x13b: {  	v12 =	vsub.f32 $1.500000000e+00, v12;
	_ =	sdelay $0x1  }
0x13c: {  	v11 =	vmul.f32 v11, v12;
	_ =	sdelay $0x1  }
0x13d: {  	v12 =	vmul.f32 v11, v4;
	_ =	sdelay $0x1  }
0x13e: {  	v12 =	vmul.f32 v12, v11;
	_ =	sdelay $0x1  }
0x13f: {  	v12 =	vsub.f32 $1.500000000e+00, v12;
	_ =	sdelay $0x1  }
0x140: {  	v11 =	vmul.f32 v12, v11;
	_ =	sdelay $0x1  }
0x141: {  	v4 =	vmul.f32 v11, v4;
	_ =	sdelay $0x1  }
0x142: {  	v4 =	vmul.f32 v4, v11;
	_ =	sdelay $0x1  }
0x143: {  	v4 =	vsub.f32 $1.500000000e+00, v4;
	_ =	sdelay $0x1  }
0x144: {  	v14 =	vmul.f32 v4, v11;
	_ =	sdelay $0x1  }
.Ltmp1:
0x145: {  	s29 =	sshra.s32 s1, $0x2;
	v12 =	vmul.f32 v14, v5;
	v15 =	vmul.f32 v14, v6;
	(pc) =	sbr.rel @p2 .LBB2_4-.Ltmp1, $4  }
0x146: {  	v17 =	vmul.f32 v14, v7;
	v11 =	vmul.f32 v14, v9;
	v4 =	vld [tilespmem:s29+$0xC230]  }
0x147: {  	v9 =	vmul.f32 v14, v8;
	v5 =	vld [tilespmem:s29+$0xC200];
	[tilespmem:s2+$0x8200] =	vst v12;
	v12 =	vmul.f32 v14, v10  }
0x148: {  	v8 =	vmul.f32 v14, v13;
	v10 =	vmul.f32 v14, v16;
	v6 =	vld [tilespmem:s29+$0xC210];
	[tilespmem:s2+$0x8210] =	vst v15  }
0x149: {  	s1 =	sadd.s32 $0x200, s1;
	v7 =	vld [tilespmem:s29+$0x8210];
	[tilespmem:s2+$0x8220] =	vst v17  }
0x14a: {  	v13 =	vld [tilespmem:s29+$0x8200];
	[tilespmem:s2+$0x8230] =	vst v11  }
0x14b: {  	v11 =	vld [tilespmem:s29+$0xC220];
	[tilespmem:s2+$0x8240] =	vst v12  }
0x14c: {  	v12 =	vld [tilespmem:s29+$0x8220];
	[tilespmem:s2+$0x8250] =	vst v9  }
0x14d: {  	v9 =	vld [tilespmem:s29+$0x8230];
	[tilespmem:s2+$0x8260] =	vst v10  }
0x14e: {  	v5 =	vmul.f32 $8.999999760e-01, v5;
	v6 =	vmul.f32 $8.999999760e-01, v6;
	v10 =	vld [tilespmem:s29+$0xC240];
	[tilespmem:s2+$0x8270] =	vst v8  }
0x14f: {  	v7 =	vmul.f32 $1.000000010e-01, v7;
	v8 =	vmul.f32 $1.000000010e-01, v13;
	v13 =	vld [tilespmem:s29+$0x8240]  }
0x150: {  	v14 =	vld [tilespmem:s29+$0xC250];
	v11 =	vmul.f32 $8.999999760e-01, v11  }
0x151: {  	v6 =	vadd.f32 v6, v7;
	v5 =	vadd.f32 v5, v8;
	v7 =	vmul.f32 $1.000000010e-01, v12;
	v8 =	vld [tilespmem:s29+$0x8250]  }
0x152: {  	v4 =	vmul.f32 $8.999999760e-01, v4;
	v12 =	vld [tilespmem:s29+$0xC260];
	v9 =	vmul.f32 $1.000000010e-01, v9  }
0x153: {  	v16 =	vmul.f32 v6, v6;
	v15 =	vmul.f32 v5, v5;
	v7 =	vadd.f32 v11, v7;
	v11 =	vld [tilespmem:s29+$0x8260]  }
0x154: {  	v17 =	vld [tilespmem:s29+$0xC270];
	v10 =	vmul.f32 $8.999999760e-01, v10;
	v13 =	vmul.f32 $1.000000010e-01, v13  }
0x155: {  	v4 =	vadd.f32 v4, v9;
	v9 =	vld [tilespmem:s29+$0x8270];
	v15 =	vadd.f32 v16, v15;
	v56 =	vmul.f32 v7, v7  }
0x156: {  	v14 =	vmul.f32 $8.999999760e-01, v14;
	v8 =	vmul.f32 $1.000000010e-01, v8  }
0x157: {  	v57 =	vmul.f32 v4, v4;
	v10 =	vadd.f32 v10, v13;
	v15 =	vadd.f32 v56, v15  }
0x158: {  	v12 =	vmul.f32 $8.999999760e-01, v12;
	v11 =	vmul.f32 $1.000000010e-01, v11  }
0x159: {  	v8 =	vadd.f32 v14, v8;
	v13 =	vadd.f32 v57, v15;
	v15 =	vmul.f32 v10, v10  }
0x15a: {  	v14 =	vmul.f32 $8.999999760e-01, v17;
	v9 =	vmul.f32 $1.000000010e-01, v9  }
0x15b: {  	v11 =	vadd.f32 v12, v11;
	v13 =	vadd.f32 v15, v13;
	v15 =	vmul.f32 v8, v8;
	_ =	sdelay $0x1  }
0x15c: {  	v9 =	vadd.f32 v14, v9;
	v12 =	vadd.f32 v15, v13;
	v13 =	vmul.f32 v11, v11;
	_ =	sdelay $0x1  }
0x15d: {  	v12 =	vadd.f32 v13, v12;
	v13 =	vmul.f32 v9, v9;
	_ =	sdelay $0x1  }
0x15e: {  	v12 =	vadd.f32 v13, v12;
	_ =	sdelay $0x1  }
0x15f: {  	v13 =	vperm.xlane v12, v0;
	_ =	sdelay $0x1  }
0x160: {  	v12 =	vadd.f32 v12, v13;
	_ =	sdelay $0x1  }
0x161: {  	v13 =	vperm.xlane v12, v1;
	_ =	sdelay $0x1  }
0x162: {  	v12 =	vadd.f32 v12, v13;
	_ =	sdelay $0x1  }
0x163: {  	v13 =	vperm.xlane v12, v2;
	_ =	sdelay $0x1  }
0x164: {  	v12 =	vadd.f32 v12, v13;
	_ =	sdelay $0x1  }
0x165: {  	v13 =	vperm.xlane v12, v3;
	_ =	sdelay $0x1  }
0x166: {  	v12 =	vadd.f32 v12, v13;
	_ =	sdelay $0x1  }
0x167: {  	v13 =	vshra.s32 v12, $0x1;
	v12 =	vmul.f32 $5.000000000e-01, v12  }
0x168: {  	v13 =	vsub.s32 $0x5F3759DF, v13  }
0x169: {  	v14 =	vmul.f32 v13, v12;
	_ =	sdelay $0x1  }
0x16a: {  	v14 =	vmul.f32 v13, v14;
	_ =	sdelay $0x1  }
0x16b: {  	v14 =	vsub.f32 $1.500000000e+00, v14;
	_ =	sdelay $0x1  }
0x16c: {  	v13 =	vmul.f32 v13, v14;
	_ =	sdelay $0x1  }
0x16d: {  	v14 =	vmul.f32 v13, v12;
	_ =	sdelay $0x1  }
0x16e: {  	v14 =	vmul.f32 v14, v13;
	_ =	sdelay $0x1  }
0x16f: {  	v14 =	vsub.f32 $1.500000000e+00, v14;
	_ =	sdelay $0x1  }
0x170: {  	v13 =	vmul.f32 v14, v13;
	_ =	sdelay $0x1  }
0x171: {  	v12 =	vmul.f32 v13, v12;
	_ =	sdelay $0x1  }
0x172: {  	v12 =	vmul.f32 v12, v13;
	_ =	sdelay $0x1  }
0x173: {  	v12 =	vsub.f32 $1.500000000e+00, v12;
	_ =	sdelay $0x1  }
0x174: {  	v12 =	vmul.f32 v12, v13;
	_ =	sdelay $0x1  }
0x175: {  	v5 =	vmul.f32 v12, v5  }
0x176: {  	v6 =	vmul.f32 v12, v6  }
0x177: {  	v7 =	vmul.f32 v12, v7;
	[tilespmem:s29+$0x8200] =	vst v5  }
0x178: {  	v4 =	vmul.f32 v12, v4;
	[tilespmem:s29+$0x8210] =	vst v6  }
0x179: {  	v5 =	vmul.f32 v12, v10;
	[tilespmem:s29+$0x8220] =	vst v7  }
0x17a: {  	v6 =	vmul.f32 v12, v8;
	[tilespmem:s29+$0x8230] =	vst v4  }
0x17b: {  	v4 =	vmul.f32 v12, v11;
	[tilespmem:s29+$0x8240] =	vst v5  }
0x17c: {  	v5 =	vmul.f32 v12, v9;
	[tilespmem:s29+$0x8250] =	vst v6  }
0x17d: {  	[tilespmem:s29+$0x8260] =	vst v4  }
0x17e: {  	s1 =	simm.s32 $0x0;
	[tilespmem:s29+$0x8270] =	vst v5  }
0x17f: {  	[hbm4b:s14+s1] =	stream.linear.scatter [tilespmem:s25], [sflag:$0x3], $0x4000, $0x38;
	[tilespmem:$0x1B6D8] =	vst v63  }
0x180: {  	_ =	swait.ge [sflag:s20], $0x4000  }
0x181: {  	[sflag:s20] =	ssyncset.done $0x0  }
0x182: {  	[sflag:s20] =	ssyncadd.s32 $0xFFFFC000  }
0x183: {  	_ =	swait.ge [sflag:s24], $0x4000  }
0x184: {  	[sflag:s24] =	ssyncset.done $0x0  }
0x185: {  	[sflag:s24] =	ssyncadd.s32 $0xFFFFC000  }
0x186: {  	_ =	swait.ge [sflag:s24], $0x4000  }
0x187: {  	[sflag:s24] =	ssyncset.done $0x0  }
0x188: {  	s7 =	simm.s32 $0x180;
	[sflag:s24] =	ssyncadd.s32 $0xFFFFC000  }
0x189: {  	[tilespmem:s25], [sflag:$0x2] =	stream.indirect.gather [hbm4b:s3+s21], $0x80, s7, s21, $0xb8;
	[tilespmem:$0x1B6D8] =	vst v63  }
0x18a: {  	s2 =	simm.s32 $0x0  }
0x18b: {  	[tilespmem:s26], [sflag:$0x2] =	stream.linear.gather [hbm4b:s15+s1], $0x4000, $0x38;
	[tilespmem:$0x1B6D8] =	vst v63  }
0x18c: {  	v4 =	vld [tilespmem:s2+$0x4230]  }
0x18d: {  	v5 =	vld [tilespmem:s2+$0x4200]  }
0x18e: {  	v6 =	vld [tilespmem:s2+$0x4210]  }
0x18f: {  	v7 =	vld [tilespmem:s2+$0x210]  }
0x190: {  	v8 =	vld [tilespmem:s2+$0x200]  }
0x191: {  	v9 =	vld [tilespmem:s2+$0x4220]  }
0x192: {  	v10 =	vld [tilespmem:s2+$0x220]  }
0x193: {  	v11 =	vld [tilespmem:s2+$0x230]  }
0x194: {  	v12 =	vld [tilespmem:s2+$0x4240];
	v5 =	vmul.f32 $8.999999760e-01, v5;
	v6 =	vmul.f32 $8.999999760e-01, v6  }
0x195: {  	v13 =	vld [tilespmem:s2+$0x240];
	v8 =	vmul.f32 $1.000000010e-01, v8;
	v7 =	vmul.f32 $1.000000010e-01, v7  }
0x196: {  	v14 =	vld [tilespmem:s2+$0x4250];
	v9 =	vmul.f32 $8.999999760e-01, v9  }
0x197: {  	v5 =	vadd.f32 v5, v8;
	v6 =	vadd.f32 v6, v7;
	v7 =	vmul.f32 $1.000000010e-01, v10;
	v8 =	vld [tilespmem:s2+$0x250]  }
0x198: {  	v4 =	vmul.f32 $8.999999760e-01, v4;
	v10 =	vmul.f32 $1.000000010e-01, v11;
	v11 =	vld [tilespmem:s2+$0x4260]  }
0x199: {  	v15 =	vmul.f32 v5, v5;
	v58 =	vmul.f32 v6, v6;
	v7 =	vadd.f32 v9, v7;
	v9 =	vld [tilespmem:s2+$0x260]  }
0x19a: {  	v59 =	vld [tilespmem:s2+$0x4270];
	v13 =	vmul.f32 $1.000000010e-01, v13;
	v12 =	vmul.f32 $8.999999760e-01, v12  }
0x19b: {  	v10 =	vadd.f32 v4, v10;
	v4 =	vld [tilespmem:s2+$0x270];
	v15 =	vadd.f32 v58, v15;
	v60 =	vmul.f32 v7, v7  }
0x19c: {  	v14 =	vmul.f32 $8.999999760e-01, v14;
	v12 =	vadd.f32 v12, v13  }
0x19d: {  	v61 =	vmul.f32 v10, v10;
	v8 =	vmul.f32 $1.000000010e-01, v8;
	v15 =	vadd.f32 v60, v15  }
0x19e: {  	v11 =	vmul.f32 $8.999999760e-01, v11;
	v9 =	vmul.f32 $1.000000010e-01, v9  }
0x19f: {  	v8 =	vadd.f32 v14, v8;
	v13 =	vadd.f32 v61, v15;
	v15 =	vmul.f32 v12, v12  }
0x1a0: {  	v4 =	vmul.f32 $1.000000010e-01, v4;
	v14 =	vmul.f32 $8.999999760e-01, v59  }
0x1a1: {  	v62 =	vadd.f32 v11, v9;
	v13 =	vadd.f32 v15, v13;
	v15 =	vmul.f32 v8, v8;
	_ =	sdelay $0x1  }
0x1a2: {  	v11 =	vmul.f32 v62, v62;
	v9 =	vadd.f32 v15, v13;
	v13 =	vadd.f32 v14, v4;
	_ =	sdelay $0x1  }
0x1a3: {  	v4 =	vadd.f32 v11, v9;
	v9 =	vmul.f32 v13, v13;
	_ =	sdelay $0x1  }
0x1a4: {  	v4 =	vadd.f32 v9, v4;
	_ =	sdelay $0x1  }
0x1a5: {  	v9 =	vperm.xlane v4, v0;
	_ =	sdelay $0x1  }
0x1a6: {  	v4 =	vadd.f32 v4, v9;
	_ =	sdelay $0x1  }
0x1a7: {  	v9 =	vperm.xlane v4, v1;
	_ =	sdelay $0x1  }
0x1a8: {  	v4 =	vadd.f32 v4, v9;
	_ =	sdelay $0x1  }
0x1a9: {  	v9 =	vperm.xlane v4, v2;
	_ =	sdelay $0x1  }
0x1aa: {  	v4 =	vadd.f32 v4, v9;
	_ =	sdelay $0x1  }
0x1ab: {  	v9 =	vperm.xlane v4, v3;
	_ =	sdelay $0x1  }
0x1ac: {  	v4 =	vadd.f32 v4, v9;
	_ =	sdelay $0x1  }
0x1ad: {  	v9 =	vshra.s32 v4, $0x1;
	v4 =	vmul.f32 $5.000000000e-01, v4  }
0x1ae: {  	v9 =	vsub.s32 $0x5F3759DF, v9  }
0x1af: {  	v11 =	vmul.f32 v9, v4;
	_ =	sdelay $0x1  }
0x1b0: {  	v11 =	vmul.f32 v9, v11;
	_ =	sdelay $0x1  }
0x1b1: {  	v11 =	vsub.f32 $1.500000000e+00, v11;
	_ =	sdelay $0x1  }
0x1b2: {  	v9 =	vmul.f32 v9, v11;
	_ =	sdelay $0x1  }
0x1b3: {  	v11 =	vmul.f32 v9, v4;
	_ =	sdelay $0x1  }
0x1b4: {  	v11 =	vmul.f32 v11, v9;
	_ =	sdelay $0x1  }
0x1b5: {  	v11 =	vsub.f32 $1.500000000e+00, v11;
	_ =	sdelay $0x1  }
0x1b6: {  	v9 =	vmul.f32 v11, v9;
	_ =	sdelay $0x1  }
0x1b7: {  	v4 =	vmul.f32 v9, v4;
	_ =	sdelay $0x1  }
0x1b8: {  	v4 =	vmul.f32 v4, v9;
	_ =	sdelay $0x1  }
0x1b9: {  	v4 =	vsub.f32 $1.500000000e+00, v4;
	_ =	sdelay $0x1  }
0x1ba: {  	v14 =	vmul.f32 v4, v9;
	_ =	sdelay $0x1  }
0x1bb: {  	s29 =	simm.s32 $0x80;
	v9 =	vmul.f32 v14, v5  }
0x1bc: {  	v4 =	vld [tilespmem:s29+$0x4230];
	v15 =	vmul.f32 v14, v6  }
0x1bd: {  	v5 =	vld [tilespmem:s29+$0x4200];
	v63 =	vmul.f32 v14, v7;
	v11 =	vmul.f32 v14, v10;
	[tilespmem:s2+$0x200] =	vst v9  }
0x1be: {  	v12 =	vmul.f32 v14, v12;
	v10 =	vmul.f32 v14, v62;
	v6 =	vld [tilespmem:s29+$0x4210];
	[tilespmem:s2+$0x210] =	vst v15  }
0x1bf: {  	s1 =	simm.s32 $0x400;
	v9 =	vmul.f32 v14, v8;
	v8 =	vmul.f32 v14, v13;
	v7 =	vld [tilespmem:s29+$0x210];
	[tilespmem:s2+$0x220] =	vst v63  }
.LBB2_6:
0x1c0: {  	p2 =	sne.s32 s1, $0xFE00;
	v13 =	vld [tilespmem:s29+$0x200];
	[tilespmem:s2+$0x230] =	vst v11  }
0x1c1: {  	v11 =	vld [tilespmem:s29+$0x4220];
	[tilespmem:s2+$0x240] =	vst v12  }
0x1c2: {  	v12 =	vld [tilespmem:s29+$0x220];
	[tilespmem:s2+$0x250] =	vst v9  }
0x1c3: {  	v9 =	vld [tilespmem:s29+$0x230];
	[tilespmem:s2+$0x260] =	vst v10  }
0x1c4: {  	v5 =	vmul.f32 $8.999999760e-01, v5;
	v6 =	vmul.f32 $8.999999760e-01, v6;
	v10 =	vld [tilespmem:s29+$0x4240];
	[tilespmem:s2+$0x270] =	vst v8;
	s2 =	smov.u32 s29  }
0x1c5: {  	v7 =	vmul.f32 $1.000000010e-01, v7;
	v8 =	vmul.f32 $1.000000010e-01, v13;
	v13 =	vld [tilespmem:s2+$0x240]  }
0x1c6: {  	v11 =	vmul.f32 $8.999999760e-01, v11;
	v14 =	vld [tilespmem:s2+$0x4250]  }
0x1c7: {  	v6 =	vadd.f32 v6, v7;
	v5 =	vadd.f32 v5, v8;
	v7 =	vmul.f32 $1.000000010e-01, v12;
	v8 =	vld [tilespmem:s2+$0x250]  }
0x1c8: {  	v4 =	vmul.f32 $8.999999760e-01, v4;
	v9 =	vmul.f32 $1.000000010e-01, v9;
	v12 =	vld [tilespmem:s2+$0x4260]  }
0x1c9: {  	v16 =	vmul.f32 v6, v6;
	v15 =	vmul.f32 v5, v5;
	v7 =	vadd.f32 v11, v7;
	v11 =	vld [tilespmem:s2+$0x260]  }
0x1ca: {  	v10 =	vmul.f32 $8.999999760e-01, v10;
	v13 =	vmul.f32 $1.000000010e-01, v13;
	v17 =	vld [tilespmem:s2+$0x4270]  }
0x1cb: {  	v9 =	vadd.f32 v4, v9;
	v15 =	vadd.f32 v16, v15;
	v16 =	vmul.f32 v7, v7;
	v4 =	vld [tilespmem:s2+$0x270]  }
0x1cc: {  	v14 =	vmul.f32 $8.999999760e-01, v14;
	v8 =	vmul.f32 $1.000000010e-01, v8  }
0x1cd: {  	v10 =	vadd.f32 v10, v13;
	v15 =	vadd.f32 v16, v15;
	v16 =	vmul.f32 v9, v9  }
0x1ce: {  	v12 =	vmul.f32 $8.999999760e-01, v12;
	v11 =	vmul.f32 $1.000000010e-01, v11  }
0x1cf: {  	v8 =	vadd.f32 v14, v8;
	v13 =	vadd.f32 v16, v15;
	v15 =	vmul.f32 v10, v10  }
0x1d0: {  	v14 =	vmul.f32 $8.999999760e-01, v17;
	v4 =	vmul.f32 $1.000000010e-01, v4  }
0x1d1: {  	v16 =	vadd.f32 v12, v11;
	v13 =	vadd.f32 v15, v13;
	v15 =	vmul.f32 v8, v8;
	_ =	sdelay $0x1  }
0x1d2: {  	v12 =	vmul.f32 v16, v16;
	v11 =	vadd.f32 v15, v13;
	v13 =	vadd.f32 v14, v4;
	_ =	sdelay $0x1  }
0x1d3: {  	v4 =	vadd.f32 v12, v11;
	v11 =	vmul.f32 v13, v13;
	_ =	sdelay $0x1  }
0x1d4: {  	v4 =	vadd.f32 v11, v4;
	_ =	sdelay $0x1  }
0x1d5: {  	v11 =	vperm.xlane v4, v0;
	_ =	sdelay $0x1  }
0x1d6: {  	v4 =	vadd.f32 v4, v11;
	_ =	sdelay $0x1  }
0x1d7: {  	v11 =	vperm.xlane v4, v1;
	_ =	sdelay $0x1  }
0x1d8: {  	v4 =	vadd.f32 v4, v11;
	_ =	sdelay $0x1  }
0x1d9: {  	v11 =	vperm.xlane v4, v2;
	_ =	sdelay $0x1  }
0x1da: {  	v4 =	vadd.f32 v4, v11;
	_ =	sdelay $0x1  }
0x1db: {  	v11 =	vperm.xlane v4, v3;
	_ =	sdelay $0x1  }
0x1dc: {  	v4 =	vadd.f32 v4, v11;
	_ =	sdelay $0x1  }
0x1dd: {  	v11 =	vshra.s32 v4, $0x1;
	v4 =	vmul.f32 $5.000000000e-01, v4  }
0x1de: {  	v11 =	vsub.s32 $0x5F3759DF, v11  }
0x1df: {  	v12 =	vmul.f32 v11, v4;
	_ =	sdelay $0x1  }
0x1e0: {  	v12 =	vmul.f32 v11, v12;
	_ =	sdelay $0x1  }
0x1e1: {  	v12 =	vsub.f32 $1.500000000e+00, v12;
	_ =	sdelay $0x1  }
0x1e2: {  	v11 =	vmul.f32 v11, v12;
	_ =	sdelay $0x1  }
0x1e3: {  	v12 =	vmul.f32 v11, v4;
	_ =	sdelay $0x1  }
0x1e4: {  	v12 =	vmul.f32 v12, v11;
	_ =	sdelay $0x1  }
0x1e5: {  	v12 =	vsub.f32 $1.500000000e+00, v12;
	_ =	sdelay $0x1  }
0x1e6: {  	v11 =	vmul.f32 v12, v11;
	_ =	sdelay $0x1  }
0x1e7: {  	v4 =	vmul.f32 v11, v4;
	_ =	sdelay $0x1  }
0x1e8: {  	v4 =	vmul.f32 v4, v11;
	_ =	sdelay $0x1  }
0x1e9: {  	v4 =	vsub.f32 $1.500000000e+00, v4;
	_ =	sdelay $0x1  }
0x1ea: {  	v14 =	vmul.f32 v4, v11;
	_ =	sdelay $0x1  }
.Ltmp2:
0x1eb: {  	s29 =	sshra.s32 s1, $0x2;
	v12 =	vmul.f32 v14, v5;
	v15 =	vmul.f32 v14, v6;
	(pc) =	sbr.rel @p2 .LBB2_6-.Ltmp2, $4  }
0x1ec: {  	v17 =	vmul.f32 v14, v7;
	v11 =	vmul.f32 v14, v9;
	v4 =	vld [tilespmem:s29+$0x4230]  }
0x1ed: {  	v9 =	vmul.f32 v14, v8;
	v5 =	vld [tilespmem:s29+$0x4200];
	[tilespmem:s2+$0x200] =	vst v12;
	v12 =	vmul.f32 v14, v10  }
0x1ee: {  	v8 =	vmul.f32 v14, v13;
	v10 =	vmul.f32 v14, v16;
	v6 =	vld [tilespmem:s29+$0x4210];
	[tilespmem:s2+$0x210] =	vst v15  }
0x1ef: {  	s1 =	sadd.s32 $0x200, s1;
	v7 =	vld [tilespmem:s29+$0x210];
	[tilespmem:s2+$0x220] =	vst v17  }
0x1f0: {  	v13 =	vld [tilespmem:s29+$0x200];
	[tilespmem:s2+$0x230] =	vst v11  }
0x1f1: {  	v11 =	vld [tilespmem:s29+$0x4220];
	[tilespmem:s2+$0x240] =	vst v12  }
0x1f2: {  	v12 =	vld [tilespmem:s29+$0x220];
	[tilespmem:s2+$0x250] =	vst v9  }
0x1f3: {  	v9 =	vld [tilespmem:s29+$0x230];
	[tilespmem:s2+$0x260] =	vst v10  }
0x1f4: {  	v5 =	vmul.f32 $8.999999760e-01, v5;
	v6 =	vmul.f32 $8.999999760e-01, v6;
	v10 =	vld [tilespmem:s29+$0x4240];
	[tilespmem:s2+$0x270] =	vst v8  }
0x1f5: {  	v7 =	vmul.f32 $1.000000010e-01, v7;
	v8 =	vmul.f32 $1.000000010e-01, v13;
	v13 =	vld [tilespmem:s29+$0x240]  }
0x1f6: {  	v14 =	vld [tilespmem:s29+$0x4250];
	v11 =	vmul.f32 $8.999999760e-01, v11  }
0x1f7: {  	v6 =	vadd.f32 v6, v7;
	v5 =	vadd.f32 v5, v8;
	v7 =	vmul.f32 $1.000000010e-01, v12;
	v8 =	vld [tilespmem:s29+$0x250]  }
0x1f8: {  	v4 =	vmul.f32 $8.999999760e-01, v4;
	v12 =	vld [tilespmem:s29+$0x4260];
	v9 =	vmul.f32 $1.000000010e-01, v9  }
0x1f9: {  	v16 =	vmul.f32 v6, v6;
	v15 =	vmul.f32 v5, v5;
	v7 =	vadd.f32 v11, v7;
	v11 =	vld [tilespmem:s29+$0x260]  }
0x1fa: {  	v17 =	vld [tilespmem:s29+$0x4270];
	v10 =	vmul.f32 $8.999999760e-01, v10;
	v13 =	vmul.f32 $1.000000010e-01, v13  }
0x1fb: {  	v4 =	vadd.f32 v4, v9;
	v9 =	vld [tilespmem:s29+$0x270];
	v15 =	vadd.f32 v16, v15;
	v56 =	vmul.f32 v7, v7  }
0x1fc: {  	v14 =	vmul.f32 $8.999999760e-01, v14;
	v8 =	vmul.f32 $1.000000010e-01, v8  }
0x1fd: {  	v57 =	vmul.f32 v4, v4;
	v10 =	vadd.f32 v10, v13;
	v15 =	vadd.f32 v56, v15  }
0x1fe: {  	v12 =	vmul.f32 $8.999999760e-01, v12;
	v11 =	vmul.f32 $1.000000010e-01, v11  }
0x1ff: {  	v8 =	vadd.f32 v14, v8;
	v13 =	vadd.f32 v57, v15;
	v15 =	vmul.f32 v10, v10  }
0x200: {  	v14 =	vmul.f32 $8.999999760e-01, v17;
	v9 =	vmul.f32 $1.000000010e-01, v9  }
0x201: {  	v11 =	vadd.f32 v12, v11;
	v13 =	vadd.f32 v15, v13;
	v15 =	vmul.f32 v8, v8;
	_ =	sdelay $0x1  }
0x202: {  	v9 =	vadd.f32 v14, v9;
	v12 =	vadd.f32 v15, v13;
	v13 =	vmul.f32 v11, v11;
	_ =	sdelay $0x1  }
0x203: {  	v12 =	vadd.f32 v13, v12;
	v13 =	vmul.f32 v9, v9;
	_ =	sdelay $0x1  }
0x204: {  	v12 =	vadd.f32 v13, v12;
	_ =	sdelay $0x1  }
0x205: {  	v13 =	vperm.xlane v12, v0;
	_ =	sdelay $0x1  }
0x206: {  	v12 =	vadd.f32 v12, v13;
	_ =	sdelay $0x1  }
0x207: {  	v13 =	vperm.xlane v12, v1;
	_ =	sdelay $0x1  }
0x208: {  	v12 =	vadd.f32 v12, v13;
	_ =	sdelay $0x1  }
0x209: {  	v13 =	vperm.xlane v12, v2;
	_ =	sdelay $0x1  }
0x20a: {  	v12 =	vadd.f32 v12, v13;
	_ =	sdelay $0x1  }
0x20b: {  	v13 =	vperm.xlane v12, v3;
	_ =	sdelay $0x1  }
0x20c: {  	v12 =	vadd.f32 v12, v13;
	_ =	sdelay $0x1  }
0x20d: {  	v13 =	vshra.s32 v12, $0x1;
	v12 =	vmul.f32 $5.000000000e-01, v12  }
0x20e: {  	v13 =	vsub.s32 $0x5F3759DF, v13  }
0x20f: {  	v14 =	vmul.f32 v13, v12;
	_ =	sdelay $0x1  }
0x210: {  	v14 =	vmul.f32 v13, v14;
	_ =	sdelay $0x1  }
0x211: {  	v14 =	vsub.f32 $1.500000000e+00, v14;
	_ =	sdelay $0x1  }
0x212: {  	v13 =	vmul.f32 v13, v14;
	_ =	sdelay $0x1  }
0x213: {  	v14 =	vmul.f32 v13, v12;
	_ =	sdelay $0x1  }
0x214: {  	v14 =	vmul.f32 v14, v13;
	_ =	sdelay $0x1  }
0x215: {  	v14 =	vsub.f32 $1.500000000e+00, v14;
	_ =	sdelay $0x1  }
0x216: {  	v13 =	vmul.f32 v14, v13;
	_ =	sdelay $0x1  }
0x217: {  	v12 =	vmul.f32 v13, v12;
	_ =	sdelay $0x1  }
0x218: {  	v12 =	vmul.f32 v12, v13;
	_ =	sdelay $0x1  }
0x219: {  	v12 =	vsub.f32 $1.500000000e+00, v12;
	_ =	sdelay $0x1  }
0x21a: {  	v12 =	vmul.f32 v12, v13;
	_ =	sdelay $0x1  }
0x21b: {  	v5 =	vmul.f32 v12, v5  }
0x21c: {  	v6 =	vmul.f32 v12, v6  }
0x21d: {  	v7 =	vmul.f32 v12, v7;
	[tilespmem:s29+$0x200] =	vst v5  }
0x21e: {  	v4 =	vmul.f32 v12, v4;
	[tilespmem:s29+$0x210] =	vst v6  }
0x21f: {  	v5 =	vmul.f32 v12, v10;
	[tilespmem:s29+$0x220] =	vst v7  }
0x220: {  	v6 =	vmul.f32 v12, v8;
	[tilespmem:s29+$0x230] =	vst v4  }
0x221: {  	v4 =	vmul.f32 v12, v11;
	[tilespmem:s29+$0x240] =	vst v5  }
0x222: {  	v5 =	vmul.f32 v12, v9;
	[tilespmem:s29+$0x250] =	vst v6  }
0x223: {  	[tilespmem:s29+$0x260] =	vst v4  }
0x224: {  	s1 =	simm.s32 $0x0;
	[tilespmem:s29+$0x270] =	vst v5  }
0x225: {  	[hbm4b:s17+s1] =	stream.linear.scatter [tilespmem:s22], [sflag:$0x3], $0x4000, $0x38;
	[tilespmem:$0x1B6D8] =	vst v63  }
0x226: {  	_ =	swait.ge [sflag:s20], $0x4000  }
0x227: {  	[sflag:s20] =	ssyncset.done $0x0  }
0x228: {  	[sflag:s20] =	ssyncadd.s32 $0xFFFFC000  }
0x229: {  	_ =	swait.ge [sflag:s28], $0x4000  }
0x22a: {  	[sflag:s28] =	ssyncset.done $0x0  }
0x22b: {  	[sflag:s28] =	ssyncadd.s32 $0xFFFFC000  }
0x22c: {  	_ =	swait.ge [sflag:s28], $0x4000  }
0x22d: {  	[sflag:s28] =	ssyncset.done $0x0  }
0x22e: {  	s2 =	simm.s32 $0x0;
	[sflag:s28] =	ssyncadd.s32 $0xFFFFC000  }
0x22f: {  	v4 =	vld [tilespmem:s2+$0xC230]  }
0x230: {  	v5 =	vld [tilespmem:s2+$0xC200]  }
0x231: {  	v6 =	vld [tilespmem:s2+$0xC210]  }
0x232: {  	v7 =	vld [tilespmem:s2+$0x8210]  }
0x233: {  	v8 =	vld [tilespmem:s2+$0x8200]  }
0x234: {  	v9 =	vld [tilespmem:s2+$0xC220]  }
0x235: {  	v10 =	vld [tilespmem:s2+$0x8220]  }
0x236: {  	v11 =	vld [tilespmem:s2+$0x8230]  }
0x237: {  	v12 =	vld [tilespmem:s2+$0xC240];
	v5 =	vmul.f32 $8.999999760e-01, v5;
	v6 =	vmul.f32 $8.999999760e-01, v6  }
0x238: {  	v13 =	vld [tilespmem:s2+$0x8240];
	v8 =	vmul.f32 $1.000000010e-01, v8;
	v7 =	vmul.f32 $1.000000010e-01, v7  }
0x239: {  	v14 =	vld [tilespmem:s2+$0xC250];
	v9 =	vmul.f32 $8.999999760e-01, v9  }
0x23a: {  	v5 =	vadd.f32 v5, v8;
	v6 =	vadd.f32 v6, v7;
	v7 =	vmul.f32 $1.000000010e-01, v10;
	v8 =	vld [tilespmem:s2+$0x8250]  }
0x23b: {  	v4 =	vmul.f32 $8.999999760e-01, v4;
	v10 =	vmul.f32 $1.000000010e-01, v11;
	v11 =	vld [tilespmem:s2+$0xC260]  }
0x23c: {  	v15 =	vmul.f32 v5, v5;
	v58 =	vmul.f32 v6, v6;
	v7 =	vadd.f32 v9, v7;
	v9 =	vld [tilespmem:s2+$0x8260]  }
0x23d: {  	v59 =	vld [tilespmem:s2+$0xC270];
	v13 =	vmul.f32 $1.000000010e-01, v13;
	v12 =	vmul.f32 $8.999999760e-01, v12  }
0x23e: {  	v10 =	vadd.f32 v4, v10;
	v4 =	vld [tilespmem:s2+$0x8270];
	v15 =	vadd.f32 v58, v15;
	v60 =	vmul.f32 v7, v7  }
0x23f: {  	v14 =	vmul.f32 $8.999999760e-01, v14;
	v12 =	vadd.f32 v12, v13  }
0x240: {  	v61 =	vmul.f32 v10, v10;
	v8 =	vmul.f32 $1.000000010e-01, v8;
	v15 =	vadd.f32 v60, v15  }
0x241: {  	v11 =	vmul.f32 $8.999999760e-01, v11;
	v9 =	vmul.f32 $1.000000010e-01, v9  }
0x242: {  	v8 =	vadd.f32 v14, v8;
	v13 =	vadd.f32 v61, v15;
	v15 =	vmul.f32 v12, v12  }
0x243: {  	v4 =	vmul.f32 $1.000000010e-01, v4;
	v14 =	vmul.f32 $8.999999760e-01, v59  }
0x244: {  	v62 =	vadd.f32 v11, v9;
	v13 =	vadd.f32 v15, v13;
	v15 =	vmul.f32 v8, v8;
	_ =	sdelay $0x1  }
0x245: {  	v11 =	vmul.f32 v62, v62;
	v9 =	vadd.f32 v15, v13;
	v13 =	vadd.f32 v14, v4;
	_ =	sdelay $0x1  }
0x246: {  	v4 =	vadd.f32 v11, v9;
	v9 =	vmul.f32 v13, v13;
	_ =	sdelay $0x1  }
0x247: {  	v4 =	vadd.f32 v9, v4;
	_ =	sdelay $0x1  }
0x248: {  	v9 =	vperm.xlane v4, v0;
	_ =	sdelay $0x1  }
0x249: {  	v4 =	vadd.f32 v4, v9;
	_ =	sdelay $0x1  }
0x24a: {  	v9 =	vperm.xlane v4, v1;
	_ =	sdelay $0x1  }
0x24b: {  	v4 =	vadd.f32 v4, v9;
	_ =	sdelay $0x1  }
0x24c: {  	v9 =	vperm.xlane v4, v2;
	_ =	sdelay $0x1  }
0x24d: {  	v4 =	vadd.f32 v4, v9;
	_ =	sdelay $0x1  }
0x24e: {  	v9 =	vperm.xlane v4, v3;
	_ =	sdelay $0x1  }
0x24f: {  	v4 =	vadd.f32 v4, v9;
	_ =	sdelay $0x1  }
0x250: {  	v9 =	vshra.s32 v4, $0x1;
	v4 =	vmul.f32 $5.000000000e-01, v4  }
0x251: {  	v9 =	vsub.s32 $0x5F3759DF, v9  }
0x252: {  	v11 =	vmul.f32 v9, v4;
	_ =	sdelay $0x1  }
0x253: {  	v11 =	vmul.f32 v9, v11;
	_ =	sdelay $0x1  }
0x254: {  	v11 =	vsub.f32 $1.500000000e+00, v11;
	_ =	sdelay $0x1  }
0x255: {  	v9 =	vmul.f32 v9, v11;
	_ =	sdelay $0x1  }
0x256: {  	v11 =	vmul.f32 v9, v4;
	_ =	sdelay $0x1  }
0x257: {  	v11 =	vmul.f32 v11, v9;
	_ =	sdelay $0x1  }
0x258: {  	v11 =	vsub.f32 $1.500000000e+00, v11;
	_ =	sdelay $0x1  }
0x259: {  	v9 =	vmul.f32 v11, v9;
	_ =	sdelay $0x1  }
0x25a: {  	v4 =	vmul.f32 v9, v4;
	_ =	sdelay $0x1  }
0x25b: {  	v4 =	vmul.f32 v4, v9;
	_ =	sdelay $0x1  }
0x25c: {  	v4 =	vsub.f32 $1.500000000e+00, v4;
	_ =	sdelay $0x1  }
0x25d: {  	v14 =	vmul.f32 v4, v9;
	_ =	sdelay $0x1  }
0x25e: {  	s29 =	simm.s32 $0x80;
	v9 =	vmul.f32 v14, v5  }
0x25f: {  	v4 =	vld [tilespmem:s29+$0xC230];
	v15 =	vmul.f32 v14, v6  }
0x260: {  	v5 =	vld [tilespmem:s29+$0xC200];
	v63 =	vmul.f32 v14, v7;
	v11 =	vmul.f32 v14, v10;
	[tilespmem:s2+$0x8200] =	vst v9  }
0x261: {  	v12 =	vmul.f32 v14, v12;
	v10 =	vmul.f32 v14, v62;
	v6 =	vld [tilespmem:s29+$0xC210];
	[tilespmem:s2+$0x8210] =	vst v15  }
0x262: {  	s1 =	simm.s32 $0x400;
	v9 =	vmul.f32 v14, v8;
	v8 =	vmul.f32 v14, v13;
	v7 =	vld [tilespmem:s29+$0x8210];
	[tilespmem:s2+$0x8220] =	vst v63  }
.LBB2_8:
0x263: {  	p2 =	sne.s32 s1, $0xFE00;
	v13 =	vld [tilespmem:s29+$0x8200];
	[tilespmem:s2+$0x8230] =	vst v11  }
0x264: {  	v11 =	vld [tilespmem:s29+$0xC220];
	[tilespmem:s2+$0x8240] =	vst v12  }
0x265: {  	v12 =	vld [tilespmem:s29+$0x8220];
	[tilespmem:s2+$0x8250] =	vst v9  }
0x266: {  	v9 =	vld [tilespmem:s29+$0x8230];
	[tilespmem:s2+$0x8260] =	vst v10  }
0x267: {  	v5 =	vmul.f32 $8.999999760e-01, v5;
	v6 =	vmul.f32 $8.999999760e-01, v6;
	v10 =	vld [tilespmem:s29+$0xC240];
	[tilespmem:s2+$0x8270] =	vst v8;
	s2 =	smov.u32 s29  }
0x268: {  	v7 =	vmul.f32 $1.000000010e-01, v7;
	v8 =	vmul.f32 $1.000000010e-01, v13;
	v13 =	vld [tilespmem:s2+$0x8240]  }
0x269: {  	v11 =	vmul.f32 $8.999999760e-01, v11;
	v14 =	vld [tilespmem:s2+$0xC250]  }
0x26a: {  	v6 =	vadd.f32 v6, v7;
	v5 =	vadd.f32 v5, v8;
	v7 =	vmul.f32 $1.000000010e-01, v12;
	v8 =	vld [tilespmem:s2+$0x8250]  }
0x26b: {  	v4 =	vmul.f32 $8.999999760e-01, v4;
	v9 =	vmul.f32 $1.000000010e-01, v9;
	v12 =	vld [tilespmem:s2+$0xC260]  }
0x26c: {  	v16 =	vmul.f32 v6, v6;
	v15 =	vmul.f32 v5, v5;
	v7 =	vadd.f32 v11, v7;
	v11 =	vld [tilespmem:s2+$0x8260]  }
0x26d: {  	v10 =	vmul.f32 $8.999999760e-01, v10;
	v13 =	vmul.f32 $1.000000010e-01, v13;
	v17 =	vld [tilespmem:s2+$0xC270]  }
0x26e: {  	v9 =	vadd.f32 v4, v9;
	v15 =	vadd.f32 v16, v15;
	v16 =	vmul.f32 v7, v7;
	v4 =	vld [tilespmem:s2+$0x8270]  }
0x26f: {  	v14 =	vmul.f32 $8.999999760e-01, v14;
	v8 =	vmul.f32 $1.000000010e-01, v8  }
0x270: {  	v10 =	vadd.f32 v10, v13;
	v15 =	vadd.f32 v16, v15;
	v16 =	vmul.f32 v9, v9  }
0x271: {  	v12 =	vmul.f32 $8.999999760e-01, v12;
	v11 =	vmul.f32 $1.000000010e-01, v11  }
0x272: {  	v8 =	vadd.f32 v14, v8;
	v13 =	vadd.f32 v16, v15;
	v15 =	vmul.f32 v10, v10  }
0x273: {  	v14 =	vmul.f32 $8.999999760e-01, v17;
	v4 =	vmul.f32 $1.000000010e-01, v4  }
0x274: {  	v16 =	vadd.f32 v12, v11;
	v13 =	vadd.f32 v15, v13;
	v15 =	vmul.f32 v8, v8;
	_ =	sdelay $0x1  }
0x275: {  	v12 =	vmul.f32 v16, v16;
	v11 =	vadd.f32 v15, v13;
	v13 =	vadd.f32 v14, v4;
	_ =	sdelay $0x1  }
0x276: {  	v4 =	vadd.f32 v12, v11;
	v11 =	vmul.f32 v13, v13;
	_ =	sdelay $0x1  }
0x277: {  	v4 =	vadd.f32 v11, v4;
	_ =	sdelay $0x1  }
0x278: {  	v11 =	vperm.xlane v4, v0;
	_ =	sdelay $0x1  }
0x279: {  	v4 =	vadd.f32 v4, v11;
	_ =	sdelay $0x1  }
0x27a: {  	v11 =	vperm.xlane v4, v1;
	_ =	sdelay $0x1  }
0x27b: {  	v4 =	vadd.f32 v4, v11;
	_ =	sdelay $0x1  }
0x27c: {  	v11 =	vperm.xlane v4, v2;
	_ =	sdelay $0x1  }
0x27d: {  	v4 =	vadd.f32 v4, v11;
	_ =	sdelay $0x1  }
0x27e: {  	v11 =	vperm.xlane v4, v3;
	_ =	sdelay $0x1  }
0x27f: {  	v4 =	vadd.f32 v4, v11;
	_ =	sdelay $0x1  }
0x280: {  	v11 =	vshra.s32 v4, $0x1;
	v4 =	vmul.f32 $5.000000000e-01, v4  }
0x281: {  	v11 =	vsub.s32 $0x5F3759DF, v11  }
0x282: {  	v12 =	vmul.f32 v11, v4;
	_ =	sdelay $0x1  }
0x283: {  	v12 =	vmul.f32 v11, v12;
	_ =	sdelay $0x1  }
0x284: {  	v12 =	vsub.f32 $1.500000000e+00, v12;
	_ =	sdelay $0x1  }
0x285: {  	v11 =	vmul.f32 v11, v12;
	_ =	sdelay $0x1  }
0x286: {  	v12 =	vmul.f32 v11, v4;
	_ =	sdelay $0x1  }
0x287: {  	v12 =	vmul.f32 v12, v11;
	_ =	sdelay $0x1  }
0x288: {  	v12 =	vsub.f32 $1.500000000e+00, v12;
	_ =	sdelay $0x1  }
0x289: {  	v11 =	vmul.f32 v12, v11;
	_ =	sdelay $0x1  }
0x28a: {  	v4 =	vmul.f32 v11, v4;
	_ =	sdelay $0x1  }
0x28b: {  	v4 =	vmul.f32 v4, v11;
	_ =	sdelay $0x1  }
0x28c: {  	v4 =	vsub.f32 $1.500000000e+00, v4;
	_ =	sdelay $0x1  }
0x28d: {  	v14 =	vmul.f32 v4, v11;
	_ =	sdelay $0x1  }
.Ltmp3:
0x28e: {  	s29 =	sshra.s32 s1, $0x2;
	v12 =	vmul.f32 v14, v5;
	v15 =	vmul.f32 v14, v6;
	(pc) =	sbr.rel @p2 .LBB2_8-.Ltmp3, $4  }
0x28f: {  	v17 =	vmul.f32 v14, v7;
	v11 =	vmul.f32 v14, v9;
	v4 =	vld [tilespmem:s29+$0xC230]  }
0x290: {  	v9 =	vmul.f32 v14, v8;
	v5 =	vld [tilespmem:s29+$0xC200];
	[tilespmem:s2+$0x8200] =	vst v12;
	v12 =	vmul.f32 v14, v10  }
0x291: {  	v8 =	vmul.f32 v14, v13;
	v10 =	vmul.f32 v14, v16;
	v6 =	vld [tilespmem:s29+$0xC210];
	[tilespmem:s2+$0x8210] =	vst v15  }
0x292: {  	s1 =	sadd.s32 $0x200, s1;
	v7 =	vld [tilespmem:s29+$0x8210];
	[tilespmem:s2+$0x8220] =	vst v17  }
0x293: {  	v13 =	vld [tilespmem:s29+$0x8200];
	[tilespmem:s2+$0x8230] =	vst v11  }
0x294: {  	v11 =	vld [tilespmem:s29+$0xC220];
	[tilespmem:s2+$0x8240] =	vst v12  }
0x295: {  	v12 =	vld [tilespmem:s29+$0x8220];
	[tilespmem:s2+$0x8250] =	vst v9  }
0x296: {  	v9 =	vld [tilespmem:s29+$0x8230];
	[tilespmem:s2+$0x8260] =	vst v10  }
0x297: {  	v5 =	vmul.f32 $8.999999760e-01, v5;
	v6 =	vmul.f32 $8.999999760e-01, v6;
	v10 =	vld [tilespmem:s29+$0xC240];
	[tilespmem:s2+$0x8270] =	vst v8  }
0x298: {  	v7 =	vmul.f32 $1.000000010e-01, v7;
	v46 =	vmul.f32 $1.000000010e-01, v13;
	v47 =	vld [tilespmem:s29+$0x8240]  }
0x299: {  	v14 =	vld [tilespmem:s29+$0xC250];
	v11 =	vmul.f32 $8.999999760e-01, v11  }
0x29a: {  	v49 =	vld [tilespmem:s29+$0x8250];
	v6 =	vadd.f32 v6, v7;
	v5 =	vadd.f32 v5, v46;
	v48 =	vmul.f32 $1.000000010e-01, v12  }
0x29b: {  	v4 =	vmul.f32 $8.999999760e-01, v4;
	v50 =	vld [tilespmem:s29+$0xC260];
	v9 =	vmul.f32 $1.000000010e-01, v9  }
0x29c: {  	v51 =	vld [tilespmem:s29+$0x8260];
	v16 =	vmul.f32 v6, v6;
	v15 =	vmul.f32 v5, v5;
	v7 =	vadd.f32 v11, v48  }
0x29d: {  	v17 =	vld [tilespmem:s29+$0xC270];
	v10 =	vmul.f32 $8.999999760e-01, v10;
	v13 =	vmul.f32 $1.000000010e-01, v47  }
0x29e: {  	v53 =	vld [tilespmem:s29+$0x8270];
	v4 =	vadd.f32 v4, v9;
	v15 =	vadd.f32 v16, v15;
	v52 =	vmul.f32 v7, v7  }
0x29f: {  	v8 =	vmul.f32 $1.000000010e-01, v49;
	v14 =	vmul.f32 $8.999999760e-01, v14  }
0x2a0: {  	v54 =	vmul.f32 v4, v4;
	v10 =	vadd.f32 v10, v13;
	v15 =	vadd.f32 v52, v15  }
0x2a1: {  	v11 =	vmul.f32 $1.000000010e-01, v51;
	v12 =	vmul.f32 $8.999999760e-01, v50  }
0x2a2: {  	v8 =	vadd.f32 v14, v8;
	v56 =	vmul.f32 v10, v10;
	v55 =	vadd.f32 v54, v15  }
0x2a3: {  	v9 =	vmul.f32 $1.000000010e-01, v53;
	v57 =	vmul.f32 $8.999999760e-01, v17  }
0x2a4: {  	v11 =	vadd.f32 v12, v11;
	v58 =	vmul.f32 v8, v8;
	v13 =	vadd.f32 v56, v55;
	_ =	sdelay $0x1  }
0x2a5: {  	v9 =	vadd.f32 v57, v9;
	v60 =	vmul.f32 v11, v11;
	v59 =	vadd.f32 v58, v13;
	_ =	sdelay $0x1  }
0x2a6: {  	v61 =	vmul.f32 v9, v9;
	v12 =	vadd.f32 v60, v59;
	_ =	sdelay $0x1  }
0x2a7: {  	v12 =	vadd.f32 v61, v12;
	_ =	sdelay $0x1  }
0x2a8: {  	v13 =	vperm.xlane v12, v0;
	_ =	sdelay $0x1  }
0x2a9: {  	v12 =	vadd.f32 v12, v13;
	_ =	sdelay $0x1  }
0x2aa: {  	v13 =	vperm.xlane v12, v1;
	_ =	sdelay $0x1  }
0x2ab: {  	v12 =	vadd.f32 v12, v13;
	_ =	sdelay $0x1  }
0x2ac: {  	v13 =	vperm.xlane v12, v2;
	_ =	sdelay $0x1  }
0x2ad: {  	v12 =	vadd.f32 v12, v13;
	_ =	sdelay $0x1  }
0x2ae: {  	v13 =	vperm.xlane v12, v3;
	_ =	sdelay $0x1  }
0x2af: {  	v12 =	vadd.f32 v12, v13;
	_ =	sdelay $0x1  }
0x2b0: {  	v13 =	vshra.s32 v12, $0x1;
	v12 =	vmul.f32 $5.000000000e-01, v12  }
0x2b1: {  	v13 =	vsub.s32 $0x5F3759DF, v13  }
0x2b2: {  	v62 =	vmul.f32 v13, v12;
	_ =	sdelay $0x1  }
0x2b3: {  	v14 =	vmul.f32 v13, v62;
	_ =	sdelay $0x1  }
0x2b4: {  	v14 =	vsub.f32 $1.500000000e+00, v14;
	_ =	sdelay $0x1  }
0x2b5: {  	v13 =	vmul.f32 v13, v14;
	_ =	sdelay $0x1  }
0x2b6: {  	v14 =	vmul.f32 v13, v12;
	_ =	sdelay $0x1  }
0x2b7: {  	v14 =	vmul.f32 v14, v13;
	_ =	sdelay $0x1  }
0x2b8: {  	v14 =	vsub.f32 $1.500000000e+00, v14;
	_ =	sdelay $0x1  }
0x2b9: {  	v13 =	vmul.f32 v14, v13;
	_ =	sdelay $0x1  }
0x2ba: {  	v12 =	vmul.f32 v13, v12;
	_ =	sdelay $0x1  }
0x2bb: {  	v12 =	vmul.f32 v12, v13;
	_ =	sdelay $0x1  }
0x2bc: {  	v12 =	vsub.f32 $1.500000000e+00, v12;
	_ =	sdelay $0x1  }
0x2bd: {  	v12 =	vmul.f32 v12, v13;
	_ =	sdelay $0x1  }
0x2be: {  	v5 =	vmul.f32 v12, v5  }
0x2bf: {  	v6 =	vmul.f32 v12, v6  }
0x2c0: {  	v7 =	vmul.f32 v12, v7;
	[tilespmem:s29+$0x8200] =	vst v5  }
0x2c1: {  	v4 =	vmul.f32 v12, v4;
	[tilespmem:s29+$0x8210] =	vst v6  }
0x2c2: {  	v63 =	vmul.f32 v12, v8;
	[tilespmem:s29+$0x8220] =	vst v7  }
0x2c3: {  	v5 =	vmul.f32 v12, v10;
	[tilespmem:s29+$0x8230] =	vst v4  }
0x2c4: {  	v4 =	vmul.f32 v12, v11;
	[tilespmem:s29+$0x8250] =	vst v63  }
0x2c5: {  	[tilespmem:s29+$0x8240] =	vst v5;
	v5 =	vmul.f32 v12, v9  }
0x2c6: {  	[tilespmem:s29+$0x8260] =	vst v4  }
0x2c7: {  	[tilespmem:s29+$0x8270] =	vst v5  }
0x2c8: {  	[hbm4b:s18+s6] =	stream.linear.scatter [tilespmem:s25], [sflag:$0x3], $0x4000, $0x38;
	[tilespmem:$0x1B6D8] =	vst v63  }
0x2c9: {  	_ =	swait.ge [sflag:s20], $0x4000  }
0x2ca: {  	[sflag:s20] =	ssyncset.done $0x0  }
0x2cb: {  	[sflag:s20] =	ssyncadd.s32 $0xFFFFC000  }
0x2cc: {  	[bflag:$0x0] =	sbarrier.arrive $0xFFFF  }
0x2cd: {  	[tilespmem:s31], [sflag:$0x3] =	stream.linear.gather [hbm4b:s9+s6], $0x200, $0x38;
	[tilespmem:$0x1B6D8] =	vst v63  }
0x2ce: {  	_ =	swait.ge [sflag:s20], $0x200  }
0x2cf: {  	[sflag:s20] =	ssyncset.done $0x0  }
0x2d0: {  	[sflag:s20] =	ssyncadd.s32 $0xFFFFFE00  }
0x2d1: {  	[tilespmem:s0], [sflag:$0x1] =	stream.indirect.gather [spmem:s30], $0x1, s31, s22, $0xb8;
	[tilespmem:$0x1B6D8] =	vst v63  }
0x2d2: {  	s4 =	sadd.s32 $0x1, s4;
	_ =	swait.ge [sflag:s24], $0x200  }
0x2d3: {  	p2 =	sne.s32 s4, s19;
	[sflag:s24] =	ssyncset.done $0x0  }
.Ltmp4:
0x2d4: {  	[sflag:s24] =	ssyncadd.s32 $0xFFFFFE00;
	(pc) =	sbr.rel @p2 .LBB2_1-.Ltmp4, $4  }
0x2d5: {  	[hbm4b:s16+s6] =	stream.linear.scatter [tilespmem:s0], [sflag:$0x3], $0x200, $0x38;
	[tilespmem:$0x1B6D8] =	vst v63  }
0x2d6: {  	_ =	swait.ge [sflag:s20], $0x200  }
0x2d7: {  	[sflag:s20] =	ssyncset.done $0x0  }
0x2d8: {  	[sflag:s20] =	ssyncadd.s32 $0xFFFFFE00  }
0x2d9: {  	_ =	sfence.sel $0x180000  }
0x2da: {  	[bflag:$0x0] =	sbarrier.arrive $0xFFFF  }
0x2db: {  	_ =	strace $0x90000047  }
0x2dc: {  	s0 =	stileid.u32;
	[bflag:$0x2] =	sbarrier.arrive $0xFFFF  }
0x2dd: {  	p0 =	sne.s32 s0, $0x0;
	s0 =	rddreg [dreg:$0x6]  }
0x2de: {  	s0 =	sadd.s32 @!p0 $0x100000, s0  }
0x2df: {  	[sflag:s0] =	ssyncadd.tile.s32 @!p0 $0x1;
	_ =	shalt  }
.Lfunc_end2:
_tile_overlayer_lowered:
.L_overlay_start_2:
0x2e0: {  	(tag) =	ssettag $0x2  }
0x2e1: {  	s0 =	rddreg [dreg:$0x0];
	s2 =	stileid.u32  }
0x2e2: {  	s1 =	rddreg [dreg:$0x1];
	p0 =	sne.s32 s2, $0x0  }
0x2e3: {  	s3 =	rddreg [dreg:$0x2];
	[bflag:$0x3] =	sbarrier.arrive $0xFFFF;
	s2 =	simm.s32 @!p0 $0x1C03  }
0x2e4: {  	[timem:s3], [sflag:s2] =	dma.local @!p0 [hbm:s0], s1  }
0x2e5: {  	s0 =	simm.s32 @!p0 $0x3  }
0x2e6: {  	_ =	swait.ge @!p0 [sflag:s0], s1  }
0x2e7: {  	s1 =	ssub.s32 @!p0 $0x0, s1;
	[sflag:s0] =	ssyncset.done @!p0 $0x0  }
0x2e8: {  	[sflag:s0] =	ssyncadd.s32 @!p0 s1  }
0x2e9: {  	[bflag:$0x3] =	sbarrier.arrive $0xFFFF  }
0x2ea: {  	_ =	shalt  }

// kernel: kernel.8.cloned.1.call-start
scs
__scs_entry_jumppad:
0x0: {  	(pc) =	sbr.rel $0x88, $3  }
0x1: {  	(tag) =	ssettag $0x0;
	lr =	simm.s32 $0x1  }
0x2: {  	[smem:$0x3F9C] =	sst lr;
	_ =	strace $0xD0000000  }
0x3: {  	_ = 	snop  }
0x4: {  	_ = 	snop  }
0x5: {  	_ = 	snop  }
0x6: {  	_ = 	snop  }
0x7: {  	_ = 	snop  }
__scs_overlays_trampoline_lowered:
0x8: {  	[smem:$0x3FAB] =	sst s0  }
0x9: {  	[smem:$0x3FAC] =	sst s1  }
0xa: {  	[smem:$0x3FAD] =	sst s2  }
0xb: {  	[smem:$0x3FAE] =	sst s3  }
0xc: {  	[smem:$0x3FAF] =	sst s4  }
0xd: {  	[smem:$0x3FB0] =	sst s5  }
0xe: {  	[smem:$0x3FB1] =	sst s6  }
0xf: {  	[smem:$0x3FB2] =	sst s7  }
0x10: {  	[smem:$0x3FB3] =	sst s8  }
0x11: {  	[smem:$0x3FB4] =	sst s9;
	s0 =	simm.s32 @!p0 $0x0  }
0x12: {  	s1 =	sld [smem:$0x3F9A];
	s0 =	simm.s32 @p0 $0x1  }
0x13: {  	[smem:$0x3FB5] =	sst s0;
	s0 =	simm.s32 @!p1 $0x0  }
0x14: {  	s2 =	sld [smem:$0x3F99];
	s0 =	simm.s32 @p1 $0x1  }
0x15: {  	[smem:$0x3FB6] =	sst s0;
	s0 =	simm.s32 @!p2 $0x0  }
0x16: {  	s3 =	sld [smem:$0x3FDB];
	s0 =	simm.s32 @p2 $0x1  }
0x17: {  	s4 =	simm.s32 $0x1BF5;
	[smem:$0x3FB8] =	sst s0  }
0x18: {  	s0 =	sld [smem:$0x3F9B];
	_ =	swait.ge [sflag:s4], $0x0  }
0x19: {  	s7 =	sld [smem:$0x3F9C]  }
0x1a: {  	s8 =	sadd.s32 $0xFFFFE003, lr  }
0x1b: {  	s9 =	sadd.s32 $0xFFFFFEF7, lr;
	s5 =	simm.s32 $0xFFFFFFFF;
	p2 =	slt.u32 s8, $0xFFFFF086  }
0x1c: {  	p1 =	slt.u32 s9, $0xF7A;
	s5 =	simm.s32 @!p2 $0x0  }
0x1d: {  	s5 =	simm.s32 @p1 $0x1;
	p0 =	seq.s32 s7, s2  }
0x1e: {  	s7 =	smul.u32 @!p0 $0xF7A, s2;
	p2 =	seq.s32 @!p0 s5, $0x0  }
0x1f: {  	s9 =	smul.u32 $0xF7A, s1;
	s8 =	simm.s32 @!p0 $0x1BF5;
	p2 =	por !p2, p0  }
0x20: {  	[sflag:s8] =	ssyncset.s32 @!p0 $0xFFFFF086;
	s6 =	sadd.s32 @!p0 s3, s7;
	s7 =	simm.s32 @!p0 $0x108  }
0x21: {  	s3 =	sadd.s32 s3, s9;
	s6 =	sadd.s32 @!p0 $0x88, s6;
	s7 =	simm.s32 @p2 $0x1082  }
0x22: {  	[simem:s7], [sflag:s8] =	dma.local @!p0 [hbm:s6], $0xF7A  }
0x23: {  	s9 =	sor.u32 $0xD0000000, s2;
	s6 =	simm.s32 $0x108;
	_ =	swait.ge @!p0 [sflag:s8], $0x0  }
0x24: {  	s3 =	sadd.s32 $0x88, s3;
	s6 =	simm.s32 @!p1 $0x1082;
	[sflag:s4] =	ssyncset.s32 $0xFFFFF086  }
0x25: {  	[simem:s6], [sflag:s4] =	dma.local [hbm:s3], $0xF7A  }
0x26: {  	[smem:$0x3F9C] =	sst s1;
	(tag) =	ssettag s2;
	_ =	strace s9  }
0x27: {  	s1 =	sld [smem:$0x3FAC]  }
0x28: {  	s2 =	sld [smem:$0x3FAD]  }
0x29: {  	s4 =	sld [smem:$0x3FAF]  }
0x2a: {  	p0 =	seq.s32 s5, $0x0;
	s5 =	sld [smem:$0x3FB0]  }
0x2b: {  	s6 =	sld [smem:$0x3FB1]  }
0x2c: {  	s7 =	sld [smem:$0x3FB2]  }
0x2d: {  	s3 =	simm.s32 $0x108;
	s8 =	sld [smem:$0x3FB3]  }
0x2e: {  	s3 =	simm.s32 @!p0 $0x1082;
	s9 =	sld [smem:$0x3FB4]  }
0x2f: {  	lr =	sadd.s32 s0, s3;
	s0 =	sld [smem:$0x3FAB]  }
0x30: {  	s3 =	sld [smem:$0x3FAE]  }
0x31: {  	[smem:$0x3FB7] =	sst s10  }
0x32: {  	s10 =	sld [smem:$0x3FB5];
	_ =	sdelay $0x3  }
0x33: {  	p0 =	seq.s32 s10, $0x1;
	s10 =	sld [smem:$0x3FB7];
	_ =	sdelay $0x3  }
0x34: {  	[smem:$0x3FB7] =	sst s10  }
0x35: {  	s10 =	sld [smem:$0x3FB6];
	_ =	sdelay $0x3  }
0x36: {  	p1 =	seq.s32 s10, $0x1;
	s10 =	sld [smem:$0x3FB7];
	_ =	sdelay $0x3  }
0x37: {  	[smem:$0x3FB7] =	sst s10  }
0x38: {  	s10 =	sld [smem:$0x3FB8]  }
0x39: {  	_ = 	snop;
	(pc) =	sbr.ind lr, $3  }
0x3a: {  	_ = 	snop  }
0x3b: {  	_ = 	snop  }
0x3c: {  	p2 =	seq.s32 s10, $0x1;
	s10 =	sld [smem:$0x3FB7]  }
0x3d: {  	_ =	shalt  }
0x3e: {  	_ =	shalt  }
0x3f: {  	_ =	shalt  }
0x40: {  	_ =	shalt  }
0x41: {  	_ =	shalt  }
0x42: {  	_ =	shalt  }
0x43: {  	_ =	shalt  }
0x44: {  	_ =	shalt  }
0x45: {  	_ =	shalt  }
0x46: {  	_ =	shalt  }
0x47: {  	_ =	shalt  }
0x48: {  	_ =	shalt  }
0x49: {  	_ =	shalt  }
0x4a: {  	_ =	shalt  }
0x4b: {  	_ =	shalt  }
0x4c: {  	_ =	shalt  }
0x4d: {  	_ =	shalt  }
0x4e: {  	_ =	shalt  }
0x4f: {  	_ =	shalt  }
0x50: {  	_ =	shalt  }
0x51: {  	_ =	shalt  }
0x52: {  	_ =	shalt  }
0x53: {  	_ =	shalt  }
0x54: {  	_ =	shalt  }
0x55: {  	_ =	shalt  }
0x56: {  	_ =	shalt  }
0x57: {  	_ =	shalt  }
0x58: {  	_ =	shalt  }
0x59: {  	_ =	shalt  }
0x5a: {  	_ =	shalt  }
0x5b: {  	_ =	shalt  }
0x5c: {  	_ =	shalt  }
0x5d: {  	_ =	shalt  }
0x5e: {  	_ =	shalt  }
0x5f: {  	_ =	shalt  }
0x60: {  	_ =	shalt  }
0x61: {  	_ =	shalt  }
0x62: {  	_ =	shalt  }
0x63: {  	_ =	shalt  }
0x64: {  	_ =	shalt  }
0x65: {  	_ =	shalt  }
0x66: {  	_ =	shalt  }
0x67: {  	_ =	shalt  }
0x68: {  	_ =	shalt  }
0x69: {  	_ =	shalt  }
0x6a: {  	_ =	shalt  }
0x6b: {  	_ =	shalt  }
0x6c: {  	_ =	shalt  }
0x6d: {  	_ =	shalt  }
0x6e: {  	_ =	shalt  }
0x6f: {  	_ =	shalt  }
0x70: {  	_ =	shalt  }
0x71: {  	_ =	shalt  }
0x72: {  	_ =	shalt  }
0x73: {  	_ =	shalt  }
0x74: {  	_ =	shalt  }
0x75: {  	_ =	shalt  }
0x76: {  	_ =	shalt  }
0x77: {  	_ =	shalt  }
0x78: {  	_ =	shalt  }
0x79: {  	_ =	shalt  }
0x7a: {  	_ =	shalt  }
0x7b: {  	_ =	shalt  }
0x7c: {  	_ =	shalt  }
0x7d: {  	_ =	shalt  }
0x7e: {  	_ =	shalt  }
0x7f: {  	_ =	shalt  }
0x80: {  	_ =	shalt  }
0x81: {  	_ =	shalt  }
0x82: {  	_ =	shalt  }
0x83: {  	_ =	shalt  }
0x84: {  	_ =	shalt  }
0x85: {  	_ =	shalt  }
0x86: {  	_ =	shalt  }
0x87: {  	_ =	shalt  }
.Lfunc_end0:
.L_simem_size_0:
called_computation.1_lowered:
.L_overlay_start_0:
0x88: {  	s2 =	sld [smem:$0x3FD9]  }
0x89: {  	s3 =	sld [smem:$0x3FFE];
	_ =	sdelay $0x1  }
0x8a: {  	s1 =	srdreg.scid  }
0x8b: {  	s0 =	sand.u32 $0x1, s1  }
0x8c: {  	s14 =	sshll.u32 s0, $0xA;
	s2 =	sadd.s32 s3, s2  }
0x8d: {  	s2 =	sadd.s32 s2, s14  }
0x8e: {  	[smem:$0x3FC3] =	sst s2  }
0x8f: {  	_ = 	snop  }
0x90: {  	s2 =	sld [smem:$0x3FD0];
	_ =	sdelay $0x1  }
0x91: {  	s15 =	sld [smem:$0x3FC7]  }
0x92: {  	s5 =	simm.s32 $0xA;
	s6 =	simm.s32 $0x10;
	s4 =	sld [smem:$0x3FC6]  }
0x93: {  	[smem:s6], [sflag:s5] =	dma.local [hbm:s2], $0x1  }
0x94: {  	_ =	swait.eq [sflag:s5], $0x1  }
0x95: {  	[sflag:s5] =	ssyncset.done $0x0  }
0x96: {  	[sflag:s5] =	ssyncadd.s32 $0xFFFFFFFF  }
0x97: {  	s16 =	sld [smem:$0x10];
	(tm) =	ssettm $0x1  }
0x98: {  	s17 =	sld [smem:$0x3FFB];
	_ =	sdelay $0x3  }
0x99: {  	_ =	strace s17  }
0x9a: {  	s5 =	sld [smem:$0x3FFC];
	_ =	sdelay $0x3  }
0x9b: {  	_ =	strace s5  }
0x9c: {  	s5 =	sld [smem:$0x3FFD];
	_ =	sdelay $0x3  }
0x9d: {  	_ =	strace s5  }
0x9e: {  	_ =	strace $0x8FFFFFFF  }
0x9f: {  	s18 =	sld [smem:$0x3FDB];
	_ =	sdelay $0x1  }
0xa0: {  	s19 =	simm.s32 $_scs_section_size  }
0xa1: {  	s7 =	simm.s32 $_size__tile_overlayer_lowered;
	s8 =	simm.s32 $_tile_overlayer_lowered  }
0xa2: {  	s22 =	simm.s32 $0x1BFF;
	s21 =	sshll.u32 s8, $0x1;
	s5 =	sadd.s32 s19, s18  }
0xa3: {  	s9 =	simm.s32 $0x0;
	s20 =	sshll.u32 s7, $0x1;
	s7 =	sadd.s32 s21, s5  }
0xa4: {  	[timem:s9], [sflag:s22] =	dma.local [hbm:s7], s20  }
0xa5: {  	_ =	swait.ge [sflag:s22], s20  }
0xa6: {  	s6 =	ssub.s32 $0x0, s20;
	[sflag:s22] =	ssyncset.done $0x0  }
0xa7: {  	[sflag:s22] =	ssyncadd.s32 s6;
	_ =	sdelay $0x1  }
0xa8: {  	s23 =	simm.s32 $0x1B8B  }
0xa9: {  	_ =	swait.ge [sflag:s23], $0x1  }
0xaa: {  	[sflag:s23] =	ssyncset.done $0x0  }
0xab: {  	s25 =	simm.s32 $0x1B8E;
	s24 =	sld [smem:$0x3FFE];
	[sflag:s23] =	ssyncadd.s32 $0xFFFFFFFF  }
0xac: {  	s26 =	simm.s32 $execute0_lowered;
	[smem:$0x3FD2] =	sst s25  }
0xad: {  	s7 =	sshll.u32 s26, $0x1;
	_ =	strace $0x80000049;
	[dreg:$0x1] =	wrdreg $0xFFFFFFFF  }
0xae: {  	s28 =	simm.s32 $_size_execute0_lowered;
	s5 =	sadd.s32 s5, s7;
	[dreg:$0x0] =	wrdreg $0x0  }
0xaf: {  	s7 =	sshll.u32 s28, $0x1;
	[dreg:$0x2] =	wrdreg s5  }
0xb0: {  	[dreg:$0x3] =	wrdreg s7  }
0xb1: {  	[dreg:$0x4] =	wrdreg $0xC0  }
0xb2: {  	_ =	task [dreg:s9], $0x5FFFF  }
0xb3: {  	[dreg:$0x1] =	wrdreg $0xFFFFFFFF  }
0xb4: {  	[dreg:$0x0] =	wrdreg $0x60  }
0xb5: {  	[dreg:$0x2] =	wrdreg s4  }
0xb6: {  	[dreg:$0x3] =	wrdreg s24  }
0xb7: {  	[dreg:$0x4] =	wrdreg s15  }
0xb8: {  	[dreg:$0x5] =	wrdreg s16  }
0xb9: {  	[dreg:$0x6] =	wrdreg $0x9  }
0xba: {  	_ =	task.clear_ibuf [dreg:s9], $0x7FFFF;
	_ =	strace $0x90000049  }
0xbb: {  	s29 =	simm.s32 $0x9;
	_ =	strace $0x8000004B  }
0xbc: {  	_ =	swait.ge [sflag:s29], $0x1  }
0xbd: {  	[sflag:s29] =	ssyncadd.s32 $0xFFFFFFFF  }
0xbe: {  	_ =	strace $0x9000004B  }
0xbf: {  	_ =	sfence  }
0xc0: {  	s30 =	sld [smem:$0x0];
	_ =	sdelay $0x2  }
0xc1: {  	s31 =	sshll.u32 s1, $0xD;
	s1 =	sshrl.u32 s1, $0x2  }
0xc2: {  	s3 =	sand.u32 $0x4000, s31;
	s1 =	sadd.s32 s1, s30  }
0xc3: {  	s0 =	sor.u32 s3, s0;
	s1 =	sshll.u32 s1, $0x11  }
0xc4: {  	s0 =	sor.u32 s1, s0  }
0xc5: {  	s0 =	sadd.s32 $0x8F2B, s0  }
0xc6: {  	[sflag:s0] =	ssyncadd.remote.s32 $0x1  }
0xc7: {  	_ =	sfence.sel $0xFFFF  }
0xc8: {  	[dreg:$0x0] =	wrdreg $0xFFFFFFFF;
	(pc) =	sbr.abs _section_cstart, $3  }
0xc9: {  	[dreg:$0x1] =	wrdreg $0xFFFFFFFF  }
0xca: {  	_ =	task.clear_ibuf [dreg:s9], $0x2FFFF;
	_ =	strace $0x9FFFFFFF  }
0xcb: {  	(tm) =	ssettm $0x7FFFFFFF  }
tec
execute0_lowered:
.L_overlay_start_1:
0x0: {  	(tag) =	ssettag $0x1  }
0x1: {  	s1 =	rddreg [dreg:$0x0]  }
0x2: {  	s0 =	rddreg [dreg:$0x1]  }
0x3: {  	s2 =	srdreg.scid;
	s14 =	stileid.u32  }
0x4: {  	s10 =	rddreg [dreg:$0x2];
	s8 =	sand.u32 $0x1, s2;
	s6 =	smul.u32 $0x1868, s14  }
0x5: {  	s3 =	rddreg [dreg:$0x3];
	s4 =	simm.s32 $0x0;
	s5 =	smul.u32 $0x186A0, s8  }
0x6: {  	[smem:$0x7FF] =	sst s4  }
0x7: {  	s11 =	sshll.u32 s14, $0x7;
	_ =	strace $0x8000004A;
	s6 =	sadd.s32 s6, s5  }
0x8: {  	s7 =	sshll.u32 s8, $0x4;
	s12 =	ssub.s32 $0x2, s8;
	s9 =	sshll.u32 s6, $0x4  }
0x9: {  	s10 =	sadd.s32 s10, s11;
	s21 =	sshrl.u32 s12, $0x1;
	s13 =	sadd.s32 $0x1000, s9  }
0xa: {  	[dreg:$0x10] =	wrdreg s10;
	s23 =	sadd.s32 $0x2000, s9;
	s22 =	sadd.s32 s1, s13  }
0xb: {  	s6 =	sadd.s32 s7, s0;
	s15 =	sadd.s32 s1, s23;
	[dreg:$0x5] =	wrdreg s22  }
0xc: {  	s24 =	sadd.s32 $0x3000, s9;
	s13 =	sadd.s32 s3, s13;
	[dreg:$0x6] =	wrdreg s15  }
0xd: {  	s7 =	ssub.s32 s12, s21;
	s25 =	sadd.s32 s1, s24;
	[dreg:$0x7] =	wrdreg s13  }
0xe: {  	s26 =	sadd.s32 $0x4000, s9;
	s12 =	sadd.s32 s3, s23;
	[dreg:$0x8] =	wrdreg s25  }
0xf: {  	s17 =	sadd.s32 $0x5000, s9;
	s16 =	sadd.s32 s1, s26;
	[dreg:$0x9] =	wrdreg s12  }
0x10: {  	s19 =	sadd.s32 $0x6000, s9;
	s18 =	sadd.s32 s1, s17;
	[dreg:$0xa] =	wrdreg s16  }
0x11: {  	s21 =	sadd.s32 $0x7000, s9;
	s20 =	sadd.s32 s1, s19;
	[dreg:$0xc] =	wrdreg s18  }
0x12: {  	p0 =	sne.s32 s14, $0xF;
	s10 =	sadd.s32 s3, s21;
	[dreg:$0xe] =	wrdreg s20  }
0x13: {  	s14 =	simm.s32 $0x5080;
	s13 =	sadd.s32 s3, s24;
	[dreg:$0x13] =	wrdreg s10  }
0x14: {  	s2 =	sadd.s32 s11, s0;
	s12 =	sadd.s32 s3, s26;
	[dreg:$0xb] =	wrdreg s13  }
0x15: {  	s8 =	smul.u32 $0xC35000, s8;
	s22 =	sadd.s32 s3, s19;
	[dreg:$0xd] =	wrdreg s12  }
0x16: {  	s23 =	sadd.s32 $0x8000, s9;
	s24 =	sadd.s32 s1, s21;
	[dreg:$0x11] =	wrdreg s22  }
0x17: {  	s31 =	sadd.s32 $0x40200, s2;
	s25 =	sadd.s32 s1, s23;
	[dreg:$0x12] =	wrdreg s24  }
0x18: {  	s11 =	sadd.s32 $0x9000, s9;
	s26 =	sadd.s32 s3, s23;
	[dreg:$0x14] =	wrdreg s25  }
0x19: {  	s8 =	sshrl.u32 s8, $0x3;
	s15 =	sadd.s32 s1, s11;
	[dreg:$0x15] =	wrdreg s26  }
0x1a: {  	s8 =	sadd.s32 $0x186800, s8;
	s10 =	sadd.s32 s3, s11;
	[dreg:$0x16] =	wrdreg s15  }
0x1b: {  	s18 =	sadd.s32 $0xB000, s9;
	s13 =	sadd.s32 s3, s17;
	[dreg:$0x17] =	wrdreg s10  }
0x1c: {  	s29 =	sadd.s32 s1, s8;
	s20 =	sadd.s32 s1, s18;
	[dreg:$0xf] =	wrdreg s13  }
0x1d: {  	s19 =	sadd.s32 $0xC000, s9;
	s10 =	sadd.s32 s3, s18;
	[dreg:$0x1a] =	wrdreg s20  }
0x1e: {  	s30 =	sadd.s32 s3, s8;
	s21 =	sadd.s32 s1, s19;
	[dreg:$0x1b] =	wrdreg s10  }
0x1f: {  	s23 =	sadd.s32 $0xD000, s9;
	s22 =	sadd.s32 s3, s19;
	[dreg:$0x1c] =	wrdreg s21  }
0x20: {  	s2 =	smax.u32 s7, $0x1;
	s25 =	sadd.s32 s1, s23;
	[dreg:$0x1d] =	wrdreg s22  }
0x21: {  	s24 =	sadd.s32 $0xE000, s9;
	[dreg:$0x1e] =	wrdreg s25;
	s10 =	sadd.s32 s3, s23  }
0x22: {  	s7 =	simm.s32 $0x11080;
	s26 =	sadd.s32 s1, s24;
	[dreg:$0x1f] =	wrdreg s10  }
0x23: {  	s15 =	sadd.s32 $0x10000, s9;
	s12 =	sadd.s32 s3, s24;
	[smem:$0x7ED] =	sst s26  }
0x24: {  	s19 =	sadd.s32 $0x11000, s9;
	s18 =	sadd.s32 s3, s15;
	[smem:$0x7EE] =	sst s12  }
0x25: {  	s13 =	sadd.s32 $0xA000, s9;
	s21 =	sadd.s32 s1, s19;
	[smem:$0x7F2] =	sst s18  }
0x26: {  	s8 =	simm.s32 $0x2;
	s16 =	sadd.s32 s1, s13;
	[smem:$0x7F3] =	sst s21  }
0x27: {  	s20 =	sadd.s32 $0x12000, s9;
	s17 =	sadd.s32 s3, s13;
	[dreg:$0x18] =	wrdreg s16  }
0x28: {  	s11 =	simm.s32 $0x5;
	s22 =	sadd.s32 s1, s20;
	[dreg:$0x19] =	wrdreg s17  }
0x29: {  	s24 =	sadd.s32 $0x13000, s9;
	s23 =	sadd.s32 s3, s20;
	[smem:$0x7F5] =	sst s22  }
0x2a: {  	v0 =	vimm.s32 $0xFEDCBA98;
	s25 =	sadd.s32 $0x14000, s9;
	s26 =	sadd.s32 s1, s24;
	[smem:$0x7F6] =	sst s23  }
0x2b: {  	v0 =	vunpack.c.l.s4.s8 v0;
	s13 =	sadd.s32 $0xF000, s9;
	s12 =	sadd.s32 s1, s25;
	[smem:$0x7F7] =	sst s26  }
0x2c: {  	s20 =	sadd.s32 $0x186A0, s5;
	s16 =	sadd.s32 s1, s13;
	[smem:$0x7F9] =	sst s12  }
0x2d: {  	v2 =	vunpack.c.0.s8.s32 v0;
	v0 =	vmov s5;
	s5 =	simm.s32 $0x9080;
	s10 =	sadd.s32 s3, s13;
	[smem:$0x7EF] =	sst s16  }
0x2e: {  	v1 =	vimm.s32 $0x76543210;
	s17 =	sadd.s32 s1, s15;
	s13 =	sadd.s32 s3, s25;
	[smem:$0x7F0] =	sst s10  }
0x2f: {  	v4 =	vimm.s32 $0xBA98FEDC;
	v5 =	vimm.s32 $0xDCFE98BA;
	v1 =	vunpack.c.l.s4.s8 v1;
	s15 =	sadd.s32 $0x15000, s9;
	s25 =	sadd.s32 s3, s9;
	[smem:$0x7F1] =	sst s17  }
0x30: {  	v6 =	vimm.s32 $0x54761032;
	v7 =	vimm.s32 $0xEFCDAB89;
	s12 =	simm.s32 $0x80;
	s10 =	sadd.s32 s3, s19;
	[smem:$0x7FA] =	sst s13  }
0x31: {  	v8 =	vimm.s32 $0x67452301;
	v5 =	vunpack.c.l.s4.s8 v5;
	v3 =	vunpack.c.0.s8.s32 v1;
	s16 =	sadd.s32 $0x16000, s9;
	s17 =	sadd.s32 s1, s15;
	s19 =	sadd.s32 $0x17000, s9  }
0x32: {  	v6 =	vunpack.c.l.s4.s8 v6;
	v7 =	vunpack.c.l.s4.s8 v7;
	v2 =	vand.u32 $0xF, v2;
	s13 =	simm.s32 $0x1080;
	[smem:$0x7F4] =	sst s10;
	s10 =	sadd.s32 s3, s24  }
0x33: {  	v8 =	vunpack.c.l.s4.s8 v8;
	v2 =	vcombine.low v2, v3;
	v3 =	vimm.s32 $0x32107654;
	[smem:$0x7FB] =	sst s17;
	s18 =	sadd.s32 s1, s16;
	s21 =	sadd.s32 s3, s16  }
0x34: {  	v4 =	vunpack.c.l.s4.s8 v4;
	v10 =	vunpack.c.0.s8.s32 v5;
	v3 =	vunpack.c.l.s4.s8 v3;
	s22 =	sadd.s32 s1, s19;
	s23 =	sadd.s32 s3, s19;
	s24 =	sadd.s32 s1, s9  }
0x35: {  	v6 =	vunpack.c.0.s8.s32 v6;
	v11 =	vunpack.c.0.s8.s32 v7;
	v8 =	vunpack.c.0.s8.s32 v8;
	s9 =	sadd.s32 $0x18000, s9;
	[smem:$0x7F8] =	sst s10;
	s10 =	sadd.s32 s3, s15  }
0x36: {  	v4 =	vunpack.c.0.s8.s32 v4;
	v5 =	vimm.s32 $0x1;
	v9 =	vunpack.c.0.s8.s32 v3;
	[smem:$0x7FD] =	sst s18;
	s26 =	sadd.s32 s1, s9;
	s28 =	sadd.s32 s3, s9  }
0x37: {  	v7 =	vlaneseq.u32;
	v6 =	vcombine.low v6, v10;
	v8 =	vcombine.low v8, v11;
	s1 =	sadd.s32 $0x40A00, s6;
	s6 =	simm.s32 $0x1;
	s9 =	simm.s32 $0x3  }
0x38: {  	v3 =	vimm.s32 $0x0;
	v4 =	vcombine.low v9, v4;
	v1 =	vmov s20;
	s15 =	simm.s32 $0x0;
	[smem:$0x7FC] =	sst s10;
	s10 =	simm.s32 $0x4  }
.LBB2_1:
0x39: {  	[tilespmem:s5], [sflag:$0x1] =	stream.linear.gather [hbm4b:s24+s4], $0x8000, $0x38;
	[tilespmem:$0x19080] =	vst v63  }
0x3a: {  	_ =	swait.ge [sflag:s6], $0x8000  }
0x3b: {  	[sflag:s6] =	ssyncset.done $0x0  }
0x3c: {  	s16 =	rddreg [dreg:$0x5];
	[sflag:s6] =	ssyncadd.s32 $0xFFFF8000  }
0x3d: {  	[tilespmem:s7], [sflag:$0x2] =	stream.linear.gather [hbm4b:s16+s4], $0x8000, $0x38;
	[tilespmem:$0x19080] =	vst v63  }
0x3e: {  	_ = 	snop  }
0x3f: {  	[hbm4b:s25+s4] =	stream.linear.scatter [tilespmem:s5], [sflag:$0x3], $0x8000, $0x38;
	[tilespmem:$0x19080] =	vst v63  }
0x40: {  	_ =	swait.ge [sflag:s8], $0x8000  }
0x41: {  	[sflag:s8] =	ssyncset.done $0x0  }
0x42: {  	[sflag:s8] =	ssyncadd.s32 $0xFFFF8000  }
0x43: {  	_ =	swait.ge [sflag:s9], $0x8000  }
0x44: {  	[sflag:s9] =	ssyncset.done $0x0  }
0x45: {  	s20 =	rddreg [dreg:$0x6];
	[sflag:s9] =	ssyncadd.s32 $0xFFFF8000  }
0x46: {  	[tilespmem:s5], [sflag:$0x1] =	stream.linear.gather [hbm4b:s20+s4], $0x8000, $0x38;
	[tilespmem:$0x19080] =	vst v63  }
0x47: {  	s17 =	rddreg [dreg:$0x7]  }
0x48: {  	[hbm4b:s17+s4] =	stream.linear.scatter [tilespmem:s7], [sflag:$0x4], $0x8000, $0x38;
	[tilespmem:$0x19080] =	vst v63  }
0x49: {  	_ =	swait.ge [sflag:s6], $0x8000  }
0x4a: {  	[sflag:s6] =	ssyncset.done $0x0  }
0x4b: {  	[sflag:s6] =	ssyncadd.s32 $0xFFFF8000  }
0x4c: {  	_ =	swait.ge [sflag:s10], $0x8000  }
0x4d: {  	[sflag:s10] =	ssyncset.done $0x0  }
0x4e: {  	s18 =	rddreg [dreg:$0x8];
	[sflag:s10] =	ssyncadd.s32 $0xFFFF8000  }
0x4f: {  	[tilespmem:s7], [sflag:$0x2] =	stream.linear.gather [hbm4b:s18+s4], $0x8000, $0x38;
	[tilespmem:$0x19080] =	vst v63  }
0x50: {  	s19 =	rddreg [dreg:$0x9]  }
0x51: {  	[hbm4b:s19+s4] =	stream.linear.scatter [tilespmem:s5], [sflag:$0x3], $0x8000, $0x38;
	[tilespmem:$0x19080] =	vst v63  }
0x52: {  	_ =	swait.ge [sflag:s8], $0x8000  }
0x53: {  	[sflag:s8] =	ssyncset.done $0x0  }
0x54: {  	[sflag:s8] =	ssyncadd.s32 $0xFFFF8000  }
0x55: {  	_ =	swait.ge [sflag:s9], $0x8000  }
0x56: {  	[sflag:s9] =	ssyncset.done $0x0  }
0x57: {  	s20 =	rddreg [dreg:$0xa];
	[sflag:s9] =	ssyncadd.s32 $0xFFFF8000  }
0x58: {  	[tilespmem:s5], [sflag:$0x1] =	stream.linear.gather [hbm4b:s20+s4], $0x8000, $0x38;
	[tilespmem:$0x19080] =	vst v63  }
0x59: {  	s17 =	rddreg [dreg:$0xb]  }
0x5a: {  	[hbm4b:s17+s4] =	stream.linear.scatter [tilespmem:s7], [sflag:$0x4], $0x8000, $0x38;
	[tilespmem:$0x19080] =	vst v63  }
0x5b: {  	_ =	swait.ge [sflag:s6], $0x8000  }
0x5c: {  	[sflag:s6] =	ssyncset.done $0x0  }
0x5d: {  	[sflag:s6] =	ssyncadd.s32 $0xFFFF8000  }
0x5e: {  	_ =	swait.ge [sflag:s10], $0x8000  }
0x5f: {  	[sflag:s10] =	ssyncset.done $0x0  }
0x60: {  	s18 =	rddreg [dreg:$0xc];
	[sflag:s10] =	ssyncadd.s32 $0xFFFF8000  }
0x61: {  	[tilespmem:s7], [sflag:$0x2] =	stream.linear.gather [hbm4b:s18+s4], $0x8000, $0x38;
	[tilespmem:$0x19080] =	vst v63  }
0x62: {  	s19 =	rddreg [dreg:$0xd]  }
0x63: {  	[hbm4b:s19+s4] =	stream.linear.scatter [tilespmem:s5], [sflag:$0x3], $0x8000, $0x38;
	[tilespmem:$0x19080] =	vst v63  }
0x64: {  	_ =	swait.ge [sflag:s8], $0x8000  }
0x65: {  	[sflag:s8] =	ssyncset.done $0x0  }
0x66: {  	[sflag:s8] =	ssyncadd.s32 $0xFFFF8000  }
0x67: {  	_ =	swait.ge [sflag:s9], $0x8000  }
0x68: {  	[sflag:s9] =	ssyncset.done $0x0  }
0x69: {  	s20 =	rddreg [dreg:$0xe];
	[sflag:s9] =	ssyncadd.s32 $0xFFFF8000  }
0x6a: {  	[tilespmem:s5], [sflag:$0x1] =	stream.linear.gather [hbm4b:s20+s4], $0x8000, $0x38;
	[tilespmem:$0x19080] =	vst v63  }
0x6b: {  	s17 =	rddreg [dreg:$0xf]  }
0x6c: {  	[hbm4b:s17+s4] =	stream.linear.scatter [tilespmem:s7], [sflag:$0x4], $0x8000, $0x38;
	[tilespmem:$0x19080] =	vst v63  }
0x6d: {  	_ =	swait.ge [sflag:s6], $0x8000  }
0x6e: {  	[sflag:s6] =	ssyncset.done $0x0  }
0x6f: {  	[sflag:s6] =	ssyncadd.s32 $0xFFFF8000  }
0x70: {  	_ =	swait.ge [sflag:s10], $0x8000  }
0x71: {  	[sflag:s10] =	ssyncset.done $0x0  }
0x72: {  	s18 =	rddreg [dreg:$0x12];
	[sflag:s10] =	ssyncadd.s32 $0xFFFF8000  }
0x73: {  	[tilespmem:s7], [sflag:$0x2] =	stream.linear.gather [hbm4b:s18+s4], $0x8000, $0x38;
	[tilespmem:$0x19080] =	vst v63  }
0x74: {  	s19 =	rddreg [dreg:$0x11]  }
0x75: {  	[hbm4b:s19+s4] =	stream.linear.scatter [tilespmem:s5], [sflag:$0x3], $0x8000, $0x38;
	[tilespmem:$0x19080] =	vst v63  }
0x76: {  	_ =	swait.ge [sflag:s8], $0x8000  }
0x77: {  	[sflag:s8] =	ssyncset.done $0x0  }
0x78: {  	[sflag:s8] =	ssyncadd.s32 $0xFFFF8000  }
0x79: {  	_ =	swait.ge [sflag:s9], $0x8000  }
0x7a: {  	[sflag:s9] =	ssyncset.done $0x0  }
0x7b: {  	s20 =	rddreg [dreg:$0x14];
	[sflag:s9] =	ssyncadd.s32 $0xFFFF8000  }
0x7c: {  	[tilespmem:s5], [sflag:$0x1] =	stream.linear.gather [hbm4b:s20+s4], $0x8000, $0x38;
	[tilespmem:$0x19080] =	vst v63  }
0x7d: {  	s17 =	rddreg [dreg:$0x13]  }
0x7e: {  	[hbm4b:s17+s4] =	stream.linear.scatter [tilespmem:s7], [sflag:$0x4], $0x8000, $0x38;
	[tilespmem:$0x19080] =	vst v63  }
0x7f: {  	_ =	swait.ge [sflag:s6], $0x8000  }
0x80: {  	[sflag:s6] =	ssyncset.done $0x0  }
0x81: {  	[sflag:s6] =	ssyncadd.s32 $0xFFFF8000  }
0x82: {  	_ =	swait.ge [sflag:s10], $0x8000  }
0x83: {  	[sflag:s10] =	ssyncset.done $0x0  }
0x84: {  	s18 =	rddreg [dreg:$0x16];
	[sflag:s10] =	ssyncadd.s32 $0xFFFF8000  }
0x85: {  	[tilespmem:s7], [sflag:$0x2] =	stream.linear.gather [hbm4b:s18+s4], $0x8000, $0x38;
	[tilespmem:$0x19080] =	vst v63  }
0x86: {  	s19 =	rddreg [dreg:$0x15]  }
0x87: {  	[hbm4b:s19+s4] =	stream.linear.scatter [tilespmem:s5], [sflag:$0x3], $0x8000, $0x38;
	[tilespmem:$0x19080] =	vst v63  }
0x88: {  	_ =	swait.ge [sflag:s8], $0x8000  }
0x89: {  	[sflag:s8] =	ssyncset.done $0x0  }
0x8a: {  	[sflag:s8] =	ssyncadd.s32 $0xFFFF8000  }
0x8b: {  	_ =	swait.ge [sflag:s9], $0x8000  }
0x8c: {  	[sflag:s9] =	ssyncset.done $0x0  }
0x8d: {  	s20 =	rddreg [dreg:$0x18];
	[sflag:s9] =	ssyncadd.s32 $0xFFFF8000  }
0x8e: {  	[tilespmem:s5], [sflag:$0x1] =	stream.linear.gather [hbm4b:s20+s4], $0x8000, $0x38;
	[tilespmem:$0x19080] =	vst v63  }
0x8f: {  	s17 =	rddreg [dreg:$0x17]  }
0x90: {  	[hbm4b:s17+s4] =	stream.linear.scatter [tilespmem:s7], [sflag:$0x4], $0x8000, $0x38;
	[tilespmem:$0x19080] =	vst v63  }
0x91: {  	_ =	swait.ge [sflag:s6], $0x8000  }
0x92: {  	[sflag:s6] =	ssyncset.done $0x0  }
0x93: {  	[sflag:s6] =	ssyncadd.s32 $0xFFFF8000  }
0x94: {  	_ =	swait.ge [sflag:s10], $0x8000  }
0x95: {  	[sflag:s10] =	ssyncset.done $0x0  }
0x96: {  	s18 =	rddreg [dreg:$0x1a];
	[sflag:s10] =	ssyncadd.s32 $0xFFFF8000  }
0x97: {  	[tilespmem:s7], [sflag:$0x2] =	stream.linear.gather [hbm4b:s18+s4], $0x8000, $0x38;
	[tilespmem:$0x19080] =	vst v63  }
0x98: {  	s19 =	rddreg [dreg:$0x19]  }
0x99: {  	[hbm4b:s19+s4] =	stream.linear.scatter [tilespmem:s5], [sflag:$0x3], $0x8000, $0x38;
	[tilespmem:$0x19080] =	vst v63  }
0x9a: {  	_ =	swait.ge [sflag:s8], $0x8000  }
0x9b: {  	[sflag:s8] =	ssyncset.done $0x0  }
0x9c: {  	[sflag:s8] =	ssyncadd.s32 $0xFFFF8000  }
0x9d: {  	_ =	swait.ge [sflag:s9], $0x8000  }
0x9e: {  	[sflag:s9] =	ssyncset.done $0x0  }
0x9f: {  	s20 =	rddreg [dreg:$0x1c];
	[sflag:s9] =	ssyncadd.s32 $0xFFFF8000  }
0xa0: {  	[tilespmem:s5], [sflag:$0x1] =	stream.linear.gather [hbm4b:s20+s4], $0x8000, $0x38;
	[tilespmem:$0x19080] =	vst v63  }
0xa1: {  	s17 =	rddreg [dreg:$0x1b]  }
0xa2: {  	[hbm4b:s17+s4] =	stream.linear.scatter [tilespmem:s7], [sflag:$0x4], $0x8000, $0x38;
	[tilespmem:$0x19080] =	vst v63  }
0xa3: {  	_ =	swait.ge [sflag:s6], $0x8000  }
0xa4: {  	[sflag:s6] =	ssyncset.done $0x0  }
0xa5: {  	[sflag:s6] =	ssyncadd.s32 $0xFFFF8000  }
0xa6: {  	_ =	swait.ge [sflag:s10], $0x8000  }
0xa7: {  	[sflag:s10] =	ssyncset.done $0x0  }
0xa8: {  	s18 =	rddreg [dreg:$0x1e];
	[sflag:s10] =	ssyncadd.s32 $0xFFFF8000  }
0xa9: {  	[tilespmem:s7], [sflag:$0x2] =	stream.linear.gather [hbm4b:s18+s4], $0x8000, $0x38;
	[tilespmem:$0x19080] =	vst v63  }
0xaa: {  	s19 =	rddreg [dreg:$0x1d]  }
0xab: {  	[hbm4b:s19+s4] =	stream.linear.scatter [tilespmem:s5], [sflag:$0x3], $0x8000, $0x38;
	[tilespmem:$0x19080] =	vst v63  }
0xac: {  	_ =	swait.ge [sflag:s8], $0x8000  }
0xad: {  	[sflag:s8] =	ssyncset.done $0x0  }
0xae: {  	[sflag:s8] =	ssyncadd.s32 $0xFFFF8000  }
0xaf: {  	_ =	swait.ge [sflag:s9], $0x8000  }
0xb0: {  	s20 =	sld [smem:$0x7ED]  }
0xb1: {  	[sflag:s9] =	ssyncset.done $0x0  }
0xb2: {  	[sflag:s9] =	ssyncadd.s32 $0xFFFF8000  }
0xb3: {  	[tilespmem:s5], [sflag:$0x1] =	stream.linear.gather [hbm4b:s20+s4], $0x8000, $0x38;
	[tilespmem:$0x19080] =	vst v63  }
0xb4: {  	s17 =	rddreg [dreg:$0x1f]  }
0xb5: {  	[hbm4b:s17+s4] =	stream.linear.scatter [tilespmem:s7], [sflag:$0x4], $0x8000, $0x38;
	[tilespmem:$0x19080] =	vst v63  }
0xb6: {  	_ =	swait.ge [sflag:s6], $0x8000  }
0xb7: {  	[sflag:s6] =	ssyncset.done $0x0  }
0xb8: {  	[sflag:s6] =	ssyncadd.s32 $0xFFFF8000  }
0xb9: {  	_ =	swait.ge [sflag:s10], $0x8000  }
0xba: {  	s18 =	sld [smem:$0x7EF]  }
0xbb: {  	[sflag:s10] =	ssyncset.done $0x0  }
0xbc: {  	s19 =	sld [smem:$0x7EE];
	[sflag:s10] =	ssyncadd.s32 $0xFFFF8000  }
0xbd: {  	[tilespmem:s7], [sflag:$0x2] =	stream.linear.gather [hbm4b:s18+s4], $0x8000, $0x38;
	[tilespmem:$0x19080] =	vst v63  }
0xbe: {  	_ = 	snop  }
0xbf: {  	[hbm4b:s19+s4] =	stream.linear.scatter [tilespmem:s5], [sflag:$0x3], $0x8000, $0x38;
	[tilespmem:$0x19080] =	vst v63  }
0xc0: {  	_ =	swait.ge [sflag:s8], $0x8000  }
0xc1: {  	[sflag:s8] =	ssyncset.done $0x0  }
0xc2: {  	[sflag:s8] =	ssyncadd.s32 $0xFFFF8000  }
0xc3: {  	_ =	swait.ge [sflag:s9], $0x8000  }
0xc4: {  	s20 =	sld [smem:$0x7F1]  }
0xc5: {  	[sflag:s9] =	ssyncset.done $0x0  }
0xc6: {  	s17 =	sld [smem:$0x7F0];
	[sflag:s9] =	ssyncadd.s32 $0xFFFF8000  }
0xc7: {  	[tilespmem:s5], [sflag:$0x1] =	stream.linear.gather [hbm4b:s20+s4], $0x8000, $0x38;
	[tilespmem:$0x19080] =	vst v63  }
0xc8: {  	_ = 	snop  }
0xc9: {  	[hbm4b:s17+s4] =	stream.linear.scatter [tilespmem:s7], [sflag:$0x4], $0x8000, $0x38;
	[tilespmem:$0x19080] =	vst v63  }
0xca: {  	_ =	swait.ge [sflag:s6], $0x8000  }
0xcb: {  	[sflag:s6] =	ssyncset.done $0x0  }
0xcc: {  	[sflag:s6] =	ssyncadd.s32 $0xFFFF8000  }
0xcd: {  	_ =	swait.ge [sflag:s10], $0x8000  }
0xce: {  	s18 =	sld [smem:$0x7F3]  }
0xcf: {  	[sflag:s10] =	ssyncset.done $0x0  }
0xd0: {  	s19 =	sld [smem:$0x7F2];
	[sflag:s10] =	ssyncadd.s32 $0xFFFF8000  }
0xd1: {  	[tilespmem:s7], [sflag:$0x2] =	stream.linear.gather [hbm4b:s18+s4], $0x8000, $0x38;
	[tilespmem:$0x19080] =	vst v63  }
0xd2: {  	_ = 	snop  }
0xd3: {  	[hbm4b:s19+s4] =	stream.linear.scatter [tilespmem:s5], [sflag:$0x3], $0x8000, $0x38;
	[tilespmem:$0x19080] =	vst v63  }
0xd4: {  	_ =	swait.ge [sflag:s8], $0x8000  }
0xd5: {  	[sflag:s8] =	ssyncset.done $0x0  }
0xd6: {  	[sflag:s8] =	ssyncadd.s32 $0xFFFF8000  }
0xd7: {  	_ =	swait.ge [sflag:s9], $0x8000  }
0xd8: {  	s20 =	sld [smem:$0x7F5]  }
0xd9: {  	[sflag:s9] =	ssyncset.done $0x0  }
0xda: {  	s17 =	sld [smem:$0x7F4];
	[sflag:s9] =	ssyncadd.s32 $0xFFFF8000  }
0xdb: {  	[tilespmem:s5], [sflag:$0x1] =	stream.linear.gather [hbm4b:s20+s4], $0x8000, $0x38;
	[tilespmem:$0x19080] =	vst v63  }
0xdc: {  	_ = 	snop  }
0xdd: {  	[hbm4b:s17+s4] =	stream.linear.scatter [tilespmem:s7], [sflag:$0x4], $0x8000, $0x38;
	[tilespmem:$0x19080] =	vst v63  }
0xde: {  	_ =	swait.ge [sflag:s6], $0x8000  }
0xdf: {  	[sflag:s6] =	ssyncset.done $0x0  }
0xe0: {  	[sflag:s6] =	ssyncadd.s32 $0xFFFF8000  }
0xe1: {  	_ =	swait.ge [sflag:s10], $0x8000  }
0xe2: {  	s18 =	sld [smem:$0x7F7]  }
0xe3: {  	[sflag:s10] =	ssyncset.done $0x0  }
0xe4: {  	s19 =	sld [smem:$0x7F6];
	[sflag:s10] =	ssyncadd.s32 $0xFFFF8000  }
0xe5: {  	[tilespmem:s7], [sflag:$0x2] =	stream.linear.gather [hbm4b:s18+s4], $0x8000, $0x38;
	[tilespmem:$0x19080] =	vst v63  }
0xe6: {  	_ = 	snop  }
0xe7: {  	[hbm4b:s19+s4] =	stream.linear.scatter [tilespmem:s5], [sflag:$0x3], $0x8000, $0x38;
	[tilespmem:$0x19080] =	vst v63  }
0xe8: {  	_ =	swait.ge [sflag:s8], $0x8000  }
0xe9: {  	[sflag:s8] =	ssyncset.done $0x0  }
0xea: {  	[sflag:s8] =	ssyncadd.s32 $0xFFFF8000  }
0xeb: {  	_ =	swait.ge [sflag:s9], $0x8000  }
0xec: {  	s20 =	sld [smem:$0x7F9]  }
0xed: {  	[sflag:s9] =	ssyncset.done $0x0  }
0xee: {  	s17 =	sld [smem:$0x7F8];
	[sflag:s9] =	ssyncadd.s32 $0xFFFF8000  }
0xef: {  	[tilespmem:s5], [sflag:$0x1] =	stream.linear.gather [hbm4b:s20+s4], $0x8000, $0x38;
	[tilespmem:$0x19080] =	vst v63  }
0xf0: {  	_ = 	snop  }
0xf1: {  	[hbm4b:s17+s4] =	stream.linear.scatter [tilespmem:s7], [sflag:$0x4], $0x8000, $0x38;
	[tilespmem:$0x19080] =	vst v63  }
0xf2: {  	_ =	swait.ge [sflag:s6], $0x8000  }
0xf3: {  	[sflag:s6] =	ssyncset.done $0x0  }
0xf4: {  	[sflag:s6] =	ssyncadd.s32 $0xFFFF8000  }
0xf5: {  	_ =	swait.ge [sflag:s10], $0x8000  }
0xf6: {  	s18 =	sld [smem:$0x7FB]  }
0xf7: {  	[sflag:s10] =	ssyncset.done $0x0  }
0xf8: {  	s19 =	sld [smem:$0x7FA];
	[sflag:s10] =	ssyncadd.s32 $0xFFFF8000  }
0xf9: {  	[tilespmem:s7], [sflag:$0x2] =	stream.linear.gather [hbm4b:s18+s4], $0x8000, $0x38;
	[tilespmem:$0x19080] =	vst v63  }
0xfa: {  	_ = 	snop  }
0xfb: {  	[hbm4b:s19+s4] =	stream.linear.scatter [tilespmem:s5], [sflag:$0x3], $0x8000, $0x38;
	[tilespmem:$0x19080] =	vst v63  }
0xfc: {  	_ =	swait.ge [sflag:s8], $0x8000  }
0xfd: {  	[sflag:s8] =	ssyncset.done $0x0  }
0xfe: {  	[sflag:s8] =	ssyncadd.s32 $0xFFFF8000  }
0xff: {  	_ =	swait.ge [sflag:s9], $0x8000  }
0x100: {  	s20 =	sld [smem:$0x7FD]  }
0x101: {  	[sflag:s9] =	ssyncset.done $0x0  }
0x102: {  	s17 =	sld [smem:$0x7FC];
	[sflag:s9] =	ssyncadd.s32 $0xFFFF8000  }
0x103: {  	[tilespmem:s5], [sflag:$0x1] =	stream.linear.gather [hbm4b:s20+s4], $0x8000, $0x38;
	[tilespmem:$0x19080] =	vst v63  }
0x104: {  	_ = 	snop  }
0x105: {  	[hbm4b:s17+s4] =	stream.linear.scatter [tilespmem:s7], [sflag:$0x4], $0x8000, $0x38;
	[tilespmem:$0x19080] =	vst v63  }
0x106: {  	_ =	swait.ge [sflag:s6], $0x8000  }
0x107: {  	[sflag:s6] =	ssyncset.done $0x0  }
0x108: {  	[sflag:s6] =	ssyncadd.s32 $0xFFFF8000  }
0x109: {  	_ =	swait.ge [sflag:s10], $0x8000  }
0x10a: {  	[sflag:s10] =	ssyncset.done $0x0  }
0x10b: {  	[sflag:s10] =	ssyncadd.s32 $0xFFFF8000  }
0x10c: {  	[tilespmem:s7], [sflag:$0x2] =	stream.linear.gather [hbm4b:s22+s4], $0x8000, $0x38;
	[tilespmem:$0x19080] =	vst v63  }
0x10d: {  	_ = 	snop  }
0x10e: {  	[hbm4b:s21+s4] =	stream.linear.scatter [tilespmem:s5], [sflag:$0x3], $0x8000, $0x38;
	[tilespmem:$0x19080] =	vst v63  }
0x10f: {  	_ =	swait.ge [sflag:s8], $0x8000  }
0x110: {  	[sflag:s8] =	ssyncset.done $0x0  }
0x111: {  	[sflag:s8] =	ssyncadd.s32 $0xFFFF8000  }
0x112: {  	[hbm4b:s23+s4] =	stream.linear.scatter [tilespmem:s7], [sflag:$0x4], $0x8000, $0x38;
	[tilespmem:$0x19080] =	vst v63  }
0x113: {  	_ =	swait.ge [sflag:s9], $0x8000  }
0x114: {  	[sflag:s9] =	ssyncset.done $0x0  }
0x115: {  	[sflag:s9] =	ssyncadd.s32 $0xFFFF8000  }
0x116: {  	_ =	swait.ge [sflag:s10], $0x8000  }
0x117: {  	[sflag:s10] =	ssyncset.done $0x0  }
0x118: {  	[sflag:s10] =	ssyncadd.s32 $0xFFFF8000  }
0x119: {  	[tilespmem:s5], [sflag:$0x1] =	stream.linear.gather [hbm4b:s26+s4], $0x3400, $0x38;
	[tilespmem:$0x19080] =	vst v63  }
0x11a: {  	_ =	swait.ge [sflag:s6], $0x3400  }
0x11b: {  	[sflag:s6] =	ssyncset.done $0x0  }
0x11c: {  	[sflag:s6] =	ssyncadd.s32 $0xFFFFCC00  }
0x11d: {  	[hbm4b:s28+s4] =	stream.linear.scatter [tilespmem:s5], [sflag:$0x5], $0x3400, $0x38;
	[tilespmem:$0x19080] =	vst v63  }
0x11e: {  	_ =	swait.ge [sflag:s11], $0x3400  }
0x11f: {  	s16 =	simm.s32 @!p0 $0x0;
	[sflag:s11] =	ssyncset.done $0x0  }
0x120: {  	s18 =	simm.s32 @!p0 $0x2;
	s17 =	simm.s32 @!p0 $0x11080;
	[sflag:s11] =	ssyncadd.s32 $0xFFFFCC00  }
0x121: {  	[tilespmem:s17], [sflag:$0x2] =	stream.linear.gather @!p0 [hbm4b:s29+s16], $0x1000, $0x38;
	[tilespmem:$0x19080] =	vst v63  }
0x122: {  	_ =	swait.ge @!p0 [sflag:s18], $0x1000  }
0x123: {  	[sflag:s18] =	ssyncset.done @!p0 $0x0  }
0x124: {  	[sflag:s18] =	ssyncadd.s32 @!p0 $0xFFFFF000  }
0x125: {  	[hbm4b:s30+s16] =	stream.linear.scatter @!p0 [tilespmem:s17], [sflag:$0x5], $0x1000, $0x38;
	[tilespmem:$0x19080] =	vst v63  }
0x126: {  	s16 =	simm.s32 @!p0 $0x5  }
0x127: {  	_ =	swait.ge @!p0 [sflag:s16], $0x1000  }
0x128: {  	[sflag:s16] =	ssyncset.done @!p0 $0x0  }
0x129: {  	[sflag:s16] =	ssyncadd.s32 @!p0 $0xFFFFF000  }
0x12a: {  	[bflag:$0x0] =	sbarrier.arrive $0xFFFF  }
0x12b: {  	s18 =	rddreg [dreg:$0x10]  }
0x12c: {  	[tilespmem:s4], [sflag:$0x5] =	stream.linear.gather [hbm4b:s18+s4], $0x400, $0x38;
	[tilespmem:$0x19080] =	vst v63  }
0x12d: {  	_ =	swait.ge [sflag:s11], $0x400  }
0x12e: {  	[sflag:s11] =	ssyncset.done $0x0  }
0x12f: {  	s19 =	simm.s32 $0x400;
	[sflag:s11] =	ssyncadd.s32 $0xFFFFFC00  }
0x130: {  	[tilespmem:s19], [sflag:$0x5] =	stream.linear.gather [hbm4b:s31+s4], $0x400, $0x38;
	[tilespmem:$0x19080] =	vst v63  }
0x131: {  	_ =	swait.ge [sflag:s11], $0x400  }
0x132: {  	[sflag:s11] =	ssyncset.done $0x0  }
0x133: {  	s20 =	simm.s32 $0x1000;
	[sflag:s11] =	ssyncadd.s32 $0xFFFFFC00  }
0x134: {  	[tilespmem:s20], [sflag:$0x5] =	stream.linear.gather [hbm4b:s1+s4], $0x80, $0x38;
	[tilespmem:$0x19080] =	vst v63  }
0x135: {  	_ =	swait.ge [sflag:s11], $0x80  }
0x136: {  	[sflag:s11] =	ssyncset.done $0x0  }
0x137: {  	s18 =	simm.s32 $0x0;
	[sflag:s11] =	ssyncadd.s32 $0xFFFFFF80  }
0x138: {  	v14 =	vld [tilespmem:s18+$0x0];
	_ =	sdelay $0x4  }
0x139: {  	vm0 =	vge.s32 v14, v0;
	vm1 =	vlt.s32 v14, v1  }
0x13a: {  	vm0 =	vmand vm0, vm1  }
0x13b: {  	s17 =	simm.s32 $0x10;
	v9 =	vnsel vm0, $0x40, v7  }
0x13c: {  	v12 =	vld [tilespmem:s17+$0x0];
	v10 =	vperm.xlane v9, v2;
	_ =	sdelay $0x1  }
0x13d: {  	vm1 =	vlt.s32 v9, v10  }
0x13e: {  	v9 =	vsel vm1, v9, v10  }
0x13f: {  	v10 =	vperm.xlane v9, v4  }
0x140: {  	vm2 =	vlt.s32 v12, v1;
	vm1 =	vge.s32 v12, v0  }
0x141: {  	vm1 =	vmand vm1, vm2;
	vm3 =	vlt.s32 v9, v10  }
0x142: {  	v15 =	vnsel vm1, $0x40, v7;
	v13 =	vsel vm3, v9, v10  }
0x143: {  	s16 =	simm.s32 $0x20;
	v11 =	vld [tilespmem:$0x1000];
	v17 =	vperm.xlane v15, v2;
	v16 =	vperm.xlane v13, v6  }
0x144: {  	v10 =	vld [tilespmem:s16+$0x0]  }
0x145: {  	vm3 =	vlt.s32 v15, v17;
	vm2 =	vlt.s32 v13, v16  }
0x146: {  	v15 =	vsel vm3, v15, v17;
	v13 =	vsel vm2, v13, v16  }
0x147: {  	vm0 =	vmmov vm0;
	v17 =	vperm.xlane v15, v4;
	v16 =	vperm.xlane v13, v8  }
0x148: {  	v9 =	vperm.xlane v11, v3;
	vm3 =	vmmov vm0;
	vm0 =	vmmov vm1  }
0x149: {  	vm1 =	vge.s32 v10, v0;
	vm5 =	vlt.s32 v15, v17;
	vm2 =	vlt.s32 v13, v16  }
0x14a: {  	vm4 =	vlt.s32 v10, v1;
	v13 =	vsel vm2, v13, v16;
	v16 =	vsel vm5, v15, v17;
	v15 =	vld [tilespmem:s18+$0x400]  }
0x14b: {  	v11 =	vperm.xlane v11, v5;
	vm1 =	vmand vm1, vm4;
	vm2 =	vlt.s32 v13, $0x10  }
0x14c: {  	s19 =	simm.s32 $0x30;
	v17 =	vnsel vm1, $0x40, v7;
	v18 =	vperm.xlane v16, v6;
	v20 =	vnsel vm2, $0x10, v13  }
0x14d: {  	s20 =	simm.s32 $0x100;
	vm4 =	vmmov vm3;
	v19 =	vperm.xlane v17, v2;
	v13 =	vld [tilespmem:s19+$0x0];
	v20 =	vand.u32 $0xF, v20  }
.LBB2_2:
0x14e: {  	vm5 =	vlt.s32 v16, v18;
	v21 =	vperm.xlane v14, v20  }
0x14f: {  	p1 =	sne.s32 s20, $0xFC0;
	v20 =	vperm.xlane v15, v20;
	vm3 =	vmmov vm0;
	vm0 =	vmmov vm1  }
0x150: {  	vm1 =	vlt.s32 v17, v19;
	v16 =	vsel vm5, v16, v18  }
0x151: {  	v17 =	vsel vm1, v17, v19;
	v18 =	vperm.xlane v16, v8;
	v19 =	vsel vm2, v20, v11  }
0x152: {  	v21 =	vsel vm2, v21, v9;
	v20 =	vperm.xlane v17, v4;
	v19 =	vsel vm4, v15, v19  }
.Ltmp0:
0x153: {  	v21 =	vsel vm4, v14, v21;
	vm1 =	vge.s32 v13, v0;
	v15 =	vld [tilespmem:s17+$0x400];
	vm2 =	vlt.s32 v16, v18;
	[tilespmem:s18+$0xC00] =	vst v19;
	(pc) =	sbr.rel @p1 .LBB2_2-.Ltmp0, $4  }
0x154: {  	vm4 =	vlt.s32 v13, v1;
	vm5 =	vlt.s32 v17, v20;
	v19 =	vsel vm2, v16, v18;
	[tilespmem:s18+$0x800] =	vst v21;
	s18 =	smov.u32 s17;
	s17 =	smov.u32 s16;
	s16 =	smov.u32 s19  }
0x155: {  	v14 =	vmovc v12;
	v12 =	vmovc v10;
	vm1 =	vmand vm1, vm4;
	v16 =	vsel vm5, v17, v20;
	vm2 =	vlt.s32 v19, $0x10  }
0x156: {  	v10 =	vmovc v13;
	s19 =	sshra.s32 s20, $0x2;
	v17 =	vnsel vm1, $0x40, v7;
	v18 =	vperm.xlane v16, v6;
	v20 =	vnsel vm2, $0x10, v19  }
0x157: {  	s20 =	sadd.s32 $0x40, s20;
	vm4 =	vmmov vm3;
	v19 =	vperm.xlane v17, v2;
	v13 =	vld [tilespmem:s19+$0x0];
	v20 =	vand.u32 $0xF, v20  }
0x158: {  	_ =	sdelay $0x3  }
0x159: {  	vm3 =	vge.s32 v13, v0;
	vm5 =	vlt.s32 v13, v1  }
0x15a: {  	vm13 =	vlt.s32 v16, v18;
	vm3 =	vmand vm3, vm5  }
0x15b: {  	v21 =	vperm.xlane v14, v20;
	v43 =	vperm.xlane v15, v20;
	v22 =	vnsel vm3, $0x40, v7  }
0x15c: {  	v16 =	vsel vm13, v16, v18;
	vm14 =	vlt.s32 v17, v19;
	v44 =	vperm.xlane v22, v2  }
0x15d: {  	vm0 =	vmmov vm0;
	v17 =	vsel vm14, v17, v19;
	v45 =	vperm.xlane v16, v8  }
0x15e: {  	vm0 =	vmmov vm0;
	v47 =	vperm.xlane v17, v4;
	vm15 =	vlt.s32 v22, v44  }
0x15f: {  	v48 =	vld [tilespmem:s17+$0x400];
	v20 =	vsel vm2, v43, v11;
	vm6 =	vlt.s32 v16, v45;
	v18 =	vsel vm15, v22, v44  }
0x160: {  	v16 =	vsel vm6, v16, v45;
	vm7 =	vlt.s32 v17, v47;
	v49 =	vperm.xlane v18, v4  }
0x161: {  	v46 =	vsel vm4, v15, v20;
	v17 =	vsel vm7, v17, v47;
	vm8 =	vlt.s32 v16, $0x10  }
0x162: {  	v20 =	vperm.xlane v17, v6;
	v16 =	vnsel vm8, $0x10, v16;
	vm9 =	vlt.s32 v18, v49  }
0x163: {  	v21 =	vsel vm2, v21, v9;
	v16 =	vand.u32 $0xF, v16;
	v18 =	vsel vm9, v18, v49  }
0x164: {  	vm10 =	vlt.s32 v17, v20;
	v51 =	vperm.xlane v48, v16;
	v52 =	vperm.xlane v18, v6  }
0x165: {  	v50 =	vsel vm4, v14, v21;
	v53 =	vperm.xlane v12, v16;
	v54 =	vsel vm10, v17, v20  }
0x166: {  	[tilespmem:s18+$0xC00] =	vst v46;
	v55 =	vperm.xlane v54, v8;
	v56 =	vsel vm8, v51, v11;
	vm11 =	vlt.s32 v18, v52  }
0x167: {  	[tilespmem:s18+$0x800] =	vst v50;
	v15 =	vsel vm8, v53, v9;
	v17 =	vsel vm0, v48, v56;
	v18 =	vsel vm11, v18, v52  }
0x168: {  	v57 =	vld [tilespmem:s16+$0x400];
	v58 =	vsel vm0, v12, v15;
	vm12 =	vlt.s32 v54, v55;
	[tilespmem:s17+$0xC00] =	vst v17;
	v59 =	vperm.xlane v18, v8  }
0x169: {  	[tilespmem:s17+$0x800] =	vst v58;
	v60 =	vsel vm12, v54, v55  }
0x16a: {  	v61 =	vld [tilespmem:s19+$0x400];
	vm13 =	vlt.s32 v60, $0x10;
	vm14 =	vlt.s32 v18, v59  }
0x16b: {  	vm1 =	vmmov vm1;
	v12 =	vnsel vm13, $0x10, v60;
	v15 =	vsel vm14, v18, v59  }
0x16c: {  	vm1 =	vmmov vm1;
	v12 =	vand.u32 $0xF, v12;
	vm2 =	vlt.s32 v15, $0x10  }
0x16d: {  	vm1 =	vmmov vm1;
	v62 =	vperm.xlane v57, v12;
	v15 =	vnsel vm2, $0x10, v15  }
0x16e: {  	vm3 =	vmmov vm3;
	v12 =	vperm.xlane v10, v12;
	v15 =	vand.u32 $0xF, v15  }
0x16f: {  	vm3 =	vmmov vm3;
	v16 =	vsel vm13, v62, v11;
	v63 =	vperm.xlane v61, v15  }
0x170: {  	v12 =	vsel vm13, v12, v9;
	v16 =	vsel vm1, v57, v16;
	v15 =	vperm.xlane v13, v15  }
0x171: {  	vm15 =	vmmov vm3;
	v10 =	vsel vm1, v10, v12;
	[tilespmem:s16+$0xC00] =	vst v16;
	v11 =	vsel vm2, v63, v11  }
0x172: {  	[tilespmem:s16+$0x800] =	vst v10;
	v9 =	vsel vm2, v15, v9;
	v10 =	vsel vm15, v61, v11  }
0x173: {  	v9 =	vsel vm15, v13, v9;
	[tilespmem:s19+$0xC00] =	vst v10  }
0x174: {  	s17 =	simm.s32 $0xC00;
	[tilespmem:s19+$0x800] =	vst v9  }
0x175: {  	[tilespmem:s13], [sflag:$0x1] =	stream.indirect.gather [hbm4b:s0+s12], $0x80, s17, s12, $0xb8;
	[tilespmem:$0x19080] =	vst v63  }
0x176: {  	_ =	swait.ge [sflag:s6], $0x4000  }
0x177: {  	[sflag:s6] =	ssyncset.done $0x0  }
0x178: {  	s18 =	simm.s32 $0xC80;
	[sflag:s6] =	ssyncadd.s32 $0xFFFFC000  }
0x179: {  	[tilespmem:s14], [sflag:$0x2] =	stream.indirect.gather [hbm4b:s0+s12], $0x80, s18, s12, $0xb8;
	[tilespmem:$0x19080] =	vst v63  }
0x17a: {  	s19 =	simm.s32 $0x800  }
0x17b: {  	[hbm4b:s3+s12] =	stream.indirect.scatter [tilespmem:s13], [sflag:$0x5], $0x80, s19, s12, $0xb8;
	[tilespmem:$0x19080] =	vst v63  }
0x17c: {  	_ =	swait.ge [sflag:s11], $0x4000  }
0x17d: {  	[sflag:s11] =	ssyncset.done $0x0  }
0x17e: {  	[sflag:s11] =	ssyncadd.s32 $0xFFFFC000  }
0x17f: {  	_ =	swait.ge [sflag:s8], $0x4000  }
0x180: {  	[sflag:s8] =	ssyncset.done $0x0  }
0x181: {  	s20 =	simm.s32 $0xD00;
	[sflag:s8] =	ssyncadd.s32 $0xFFFFC000  }
0x182: {  	[tilespmem:s13], [sflag:$0x1] =	stream.indirect.gather [hbm4b:s0+s12], $0x80, s20, s12, $0xb8;
	[tilespmem:$0x19080] =	vst v63  }
0x183: {  	s17 =	simm.s32 $0x880  }
0x184: {  	[hbm4b:s3+s12] =	stream.indirect.scatter [tilespmem:s14], [sflag:$0x5], $0x80, s17, s12, $0xb8;
	[tilespmem:$0x19080] =	vst v63  }
0x185: {  	_ =	swait.ge [sflag:s11], $0x4000  }
0x186: {  	[sflag:s11] =	ssyncset.done $0x0  }
0x187: {  	[sflag:s11] =	ssyncadd.s32 $0xFFFFC000  }
0x188: {  	_ =	swait.ge [sflag:s6], $0x4000  }
0x189: {  	[sflag:s6] =	ssyncset.done $0x0  }
0x18a: {  	s18 =	simm.s32 $0xD80;
	[sflag:s6] =	ssyncadd.s32 $0xFFFFC000  }
0x18b: {  	[tilespmem:s14], [sflag:$0x2] =	stream.indirect.gather [hbm4b:s0+s12], $0x80, s18, s12, $0xb8;
	[tilespmem:$0x19080] =	vst v63  }
0x18c: {  	s19 =	simm.s32 $0x900  }
0x18d: {  	[hbm4b:s3+s12] =	stream.indirect.scatter [tilespmem:s13], [sflag:$0x5], $0x80, s19, s12, $0xb8;
	[tilespmem:$0x19080] =	vst v63  }
0x18e: {  	_ =	swait.ge [sflag:s11], $0x4000  }
0x18f: {  	[sflag:s11] =	ssyncset.done $0x0  }
0x190: {  	[sflag:s11] =	ssyncadd.s32 $0xFFFFC000  }
0x191: {  	_ =	swait.ge [sflag:s8], $0x4000  }
0x192: {  	[sflag:s8] =	ssyncset.done $0x0  }
0x193: {  	s20 =	simm.s32 $0xE00;
	[sflag:s8] =	ssyncadd.s32 $0xFFFFC000  }
0x194: {  	[tilespmem:s13], [sflag:$0x1] =	stream.indirect.gather [hbm4b:s0+s12], $0x80, s20, s12, $0xb8;
	[tilespmem:$0x19080] =	vst v63  }
0x195: {  	s17 =	simm.s32 $0x980  }
0x196: {  	[hbm4b:s3+s12] =	stream.indirect.scatter [tilespmem:s14], [sflag:$0x5], $0x80, s17, s12, $0xb8;
	[tilespmem:$0x19080] =	vst v63  }
0x197: {  	_ =	swait.ge [sflag:s11], $0x4000  }
0x198: {  	[sflag:s11] =	ssyncset.done $0x0  }
0x199: {  	[sflag:s11] =	ssyncadd.s32 $0xFFFFC000  }
0x19a: {  	_ =	swait.ge [sflag:s6], $0x4000  }
0x19b: {  	[sflag:s6] =	ssyncset.done $0x0  }
0x19c: {  	s18 =	simm.s32 $0xE80;
	[sflag:s6] =	ssyncadd.s32 $0xFFFFC000  }
0x19d: {  	[tilespmem:s14], [sflag:$0x2] =	stream.indirect.gather [hbm4b:s0+s12], $0x80, s18, s12, $0xb8;
	[tilespmem:$0x19080] =	vst v63  }
0x19e: {  	s19 =	simm.s32 $0xA00  }
0x19f: {  	[hbm4b:s3+s12] =	stream.indirect.scatter [tilespmem:s13], [sflag:$0x5], $0x80, s19, s12, $0xb8;
	[tilespmem:$0x19080] =	vst v63  }
0x1a0: {  	_ =	swait.ge [sflag:s11], $0x4000  }
0x1a1: {  	[sflag:s11] =	ssyncset.done $0x0  }
0x1a2: {  	[sflag:s11] =	ssyncadd.s32 $0xFFFFC000  }
0x1a3: {  	_ =	swait.ge [sflag:s8], $0x4000  }
0x1a4: {  	[sflag:s8] =	ssyncset.done $0x0  }
0x1a5: {  	s20 =	simm.s32 $0xF00;
	[sflag:s8] =	ssyncadd.s32 $0xFFFFC000  }
0x1a6: {  	[tilespmem:s13], [sflag:$0x1] =	stream.indirect.gather [hbm4b:s0+s12], $0x80, s20, s12, $0xb8;
	[tilespmem:$0x19080] =	vst v63  }
0x1a7: {  	s17 =	simm.s32 $0xA80  }
0x1a8: {  	[hbm4b:s3+s12] =	stream.indirect.scatter [tilespmem:s14], [sflag:$0x5], $0x80, s17, s12, $0xb8;
	[tilespmem:$0x19080] =	vst v63  }
0x1a9: {  	_ =	swait.ge [sflag:s11], $0x4000  }
0x1aa: {  	[sflag:s11] =	ssyncset.done $0x0  }
0x1ab: {  	[sflag:s11] =	ssyncadd.s32 $0xFFFFC000  }
0x1ac: {  	_ =	swait.ge [sflag:s6], $0x4000  }
0x1ad: {  	[sflag:s6] =	ssyncset.done $0x0  }
0x1ae: {  	s18 =	simm.s32 $0xF80;
	[sflag:s6] =	ssyncadd.s32 $0xFFFFC000  }
0x1af: {  	[tilespmem:s14], [sflag:$0x2] =	stream.indirect.gather [hbm4b:s0+s12], $0x80, s18, s12, $0xb8;
	[tilespmem:$0x19080] =	vst v63  }
0x1b0: {  	s19 =	simm.s32 $0xB00  }
0x1b1: {  	[hbm4b:s3+s12] =	stream.indirect.scatter [tilespmem:s13], [sflag:$0x5], $0x80, s19, s12, $0xb8;
	[tilespmem:$0x19080] =	vst v63  }
0x1b2: {  	_ =	swait.ge [sflag:s11], $0x4000  }
0x1b3: {  	[sflag:s11] =	ssyncset.done $0x0  }
0x1b4: {  	[sflag:s11] =	ssyncadd.s32 $0xFFFFC000  }
0x1b5: {  	s15 =	sadd.s32 $0x1, s15;
	_ =	swait.ge [sflag:s8], $0x4000  }
0x1b6: {  	p1 =	sne.s32 s15, s2;
	[sflag:s8] =	ssyncset.done $0x0  }
.Ltmp1:
0x1b7: {  	s20 =	simm.s32 $0xB80;
	[sflag:s8] =	ssyncadd.s32 $0xFFFFC000;
	(pc) =	sbr.rel @p1 .LBB2_1-.Ltmp1, $4  }
0x1b8: {  	[hbm4b:s3+s12] =	stream.indirect.scatter [tilespmem:s14], [sflag:$0x5], $0x80, s20, s12, $0xb8;
	[tilespmem:$0x19080] =	vst v63  }
0x1b9: {  	_ =	swait.ge [sflag:s11], $0x4000  }
0x1ba: {  	[sflag:s11] =	ssyncset.done $0x0  }
0x1bb: {  	[sflag:s11] =	ssyncadd.s32 $0xFFFFC000  }
0x1bc: {  	_ =	sfence.sel $0x180000  }
0x1bd: {  	[bflag:$0x0] =	sbarrier.arrive $0xFFFF  }
0x1be: {  	_ =	strace $0x9000004A  }
0x1bf: {  	s0 =	stileid.u32;
	[bflag:$0x2] =	sbarrier.arrive $0xFFFF  }
0x1c0: {  	p0 =	sne.s32 s0, $0x0;
	s0 =	rddreg [dreg:$0x4]  }
0x1c1: {  	s0 =	sadd.s32 @!p0 $0x100000, s0  }
0x1c2: {  	[sflag:s0] =	ssyncadd.tile.s32 @!p0 $0x1;
	_ =	shalt  }
.Lfunc_end2:
_tile_overlayer_lowered:
.L_overlay_start_2:
0x1c3: {  	(tag) =	ssettag $0x2  }
0x1c4: {  	s0 =	rddreg [dreg:$0x0];
	s2 =	stileid.u32  }
0x1c5: {  	s1 =	rddreg [dreg:$0x1];
	p0 =	sne.s32 s2, $0x0  }
0x1c6: {  	s3 =	rddreg [dreg:$0x2];
	[bflag:$0x3] =	sbarrier.arrive $0xFFFF;
	s2 =	simm.s32 @!p0 $0x1C05  }
0x1c7: {  	[timem:s3], [sflag:s2] =	dma.local @!p0 [hbm:s0], s1  }
0x1c8: {  	s0 =	simm.s32 @!p0 $0x5  }
0x1c9: {  	_ =	swait.ge @!p0 [sflag:s0], s1  }
0x1ca: {  	s1 =	ssub.s32 @!p0 $0x0, s1;
	[sflag:s0] =	ssyncset.done @!p0 $0x0  }
0x1cb: {  	[sflag:s0] =	ssyncadd.s32 @!p0 s1  }
0x1cc: {  	[bflag:$0x3] =	sbarrier.arrive $0xFFFF  }
0x1cd: {  	_ =	shalt  }

</sc_bundles>
